<compile_context>
chip_gen: v7x
topology: tpu7x:2x2x1
jax: 0.10.2.dev20260603
libtpu: 0.0.44.dev20260713+nightly
codegen_flags: <defaults>
</compile_context>

<pallas_src>
import functools

import jax
import jax.numpy as jnp
import numpy as np
from jax import lax
from jax.experimental import pallas as pl
from jax.experimental.pallas import tpu as pltpu
from jax.experimental.pallas import tpu_sc as plsc

N_NODES = 10000
N_EDGES = 320000
D = 128

NC = 2
NS = 16
NW = NC * NS
EPW = N_EDGES // NW
CH = 80
NCHUNK = EPW // CH
NPAD = 10240
RPT = NPAD // NS
DEGW = 16


def _fill2d(ref, nrows, ncols, val):
    def row(i, c):
        def col(k, c2):
            ref[i, pl.ds(k * 16, 16)] = jnp.full((16,), val, jnp.float32)
            return c2
        return lax.fori_loop(0, ncols // 16, col, c)
    lax.fori_loop(0, nrows, row, 0)


NBUF = 4


def _sc_deg(dstr):
    mesh = plsc.VectorSubcoreMesh(core_axis_name="c", subcore_axis_name="s")

    @functools.partial(
        pl.kernel,
        out_type=jax.ShapeDtypeStruct((NW, NPAD), jnp.float32),
        mesh=mesh,
        scratch_types=[
            pltpu.VMEM((EPW,), jnp.int32),
            pltpu.VMEM((NPAD,), jnp.float32),
        ],
        compiler_params=pltpu.CompilerParams(needs_layout_passes=False),
    )
    def k(dst_hbm, deg_hbm, didx, dega):
        c = lax.axis_index("c")
        s = lax.axis_index("s")
        wid = s * NC + c

        def z(j, carry):
            dega[pl.ds(j * 16, 16)] = jnp.zeros((16,), jnp.float32)
            return carry
        lax.fori_loop(0, NPAD // 16, z, 0)

        pltpu.sync_copy(dst_hbm.at[wid], didx)

        ones = jnp.ones((16,), jnp.float32)

        def sub(k2, c2):
            idx = didx[pl.ds(k2 * 16, 16)]
            plsc.addupdate_scatter(dega, [idx], ones)
            return c2
        lax.fori_loop(0, EPW // 16, sub, 0)

        pltpu.sync_copy(dega, deg_hbm.at[wid])

    return k(dstr)


def _sc_agg(h, src, dst):
    mesh = plsc.VectorSubcoreMesh(core_axis_name="c", subcore_axis_name="s")
    CH2 = CH // 2

    @functools.partial(
        pl.kernel,
        out_type=jax.ShapeDtypeStruct((NC, NPAD, D), jnp.float32),
        mesh=mesh,
        scratch_types=[
            pltpu.VMEM((NBUF, CH), jnp.int32),
            pltpu.VMEM((NBUF, CH), jnp.int32),
            pltpu.VMEM((NBUF, CH, D), jnp.float32),
            pltpu.VMEM((8, D), jnp.float32),
            pltpu.VMEM_SHARED((NPAD, D), jnp.float32),
            pltpu.SemaphoreType.DMA,
            pltpu.SemaphoreType.DMA,
            pltpu.SemaphoreType.DMA,
            pltpu.SemaphoreType.DMA,
        ],
    )
    def body(h_hbm, src_hbm, dst_hbm, out_hbm,
             sidx, didx, rows, zmain, acc, s_isem, d_isem, gsem, ssem):
        c = lax.axis_index("c")
        s = lax.axis_index("s")
        wid = s * NC + c

        _fill2d(zmain, 8, D, 0.0)

        def z1(j, carry):
            pltpu.sync_copy(zmain, acc.at[pl.ds(s * RPT + j * 8, 8)])
            return carry
        lax.fori_loop(0, RPT // 8, z1, 0)

        plsc.subcore_barrier()

        ebase = wid * EPW

        def is_start(jj, b):
            pltpu.async_copy(src_hbm.at[pl.ds(ebase + jj * CH, CH)],
                             sidx.at[b], s_isem)

        def is_drain(b):
            pltpu.make_async_copy(src_hbm.at[pl.ds(0, CH)],
                                  sidx.at[b], s_isem).wait()

        def id_start(jj, b):
            pltpu.async_copy(dst_hbm.at[pl.ds(ebase + jj * CH, CH)],
                             didx.at[b], d_isem)

        def id_drain(b):
            pltpu.make_async_copy(dst_hbm.at[pl.ds(0, CH)],
                                  didx.at[b], d_isem).wait()

        def g_start(b):
            for q in range(2):
                pltpu.async_copy(
                    h_hbm.at[sidx.at[b].at[pl.ds(q * CH2, CH2)]],
                    rows.at[b].at[pl.ds(q * CH2, CH2)], gsem)

        def g_wait(b):
            for q in range(2):
                pltpu.make_async_copy(
                    h_hbm.at[sidx.at[b].at[pl.ds(0, CH2)]],
                    rows.at[b].at[pl.ds(q * CH2, CH2)], gsem).wait()

        def s_start(b):
            pltpu.async_copy(rows.at[b], acc.at[didx.at[b]], ssem, add=True)

        def s_drain(b):
            pltpu.make_async_copy(rows.at[b], acc.at[didx.at[b]],
                                  ssem).wait()

        for j in range(NBUF):
            is_start(jnp.int32(j), j)
            id_start(jnp.int32(j), j)
        for j in range(NBUF - 1):
            is_drain(j)
            g_start(j)
        g_wait(0)
        id_drain(0)
        s_start(0)
        is_drain(3)
        g_start(3)
        is_start(jnp.int32(NBUF), 0)

        def quad(t, carry):
            for b4 in range(NBUF):
                jj = 1 + t * NBUF + b4
                b = (1 + b4) % NBUF
                bp = (b - 1) % NBUF
                g_wait(b)
                id_drain(b)
                s_start(b)
                s_drain(bp)

                @pl.when(jj + 3 < NCHUNK)
                def _():
                    id_start(jj + 3, bp)
                    is_drain(bp)
                    g_start(bp)

                @pl.when(jj + 4 < NCHUNK)
                def _():
                    is_start(jj + 4, b)
            return carry
        lax.fori_loop(0, (NCHUNK - 1) // NBUF, quad, 0)

        s_drain(0)

        plsc.subcore_barrier()

        pltpu.sync_copy(acc.at[pl.ds(s * RPT, RPT)],
                        out_hbm.at[c].at[pl.ds(s * RPT, RPT)])

    return body(h, src, dst)


def _tc_dense(h, p, degs, w_self, w_neigh_perm, b, relu, emit_bf16):
    R = 1024

    def body(h_ref, p0_ref, p1_ref, d_ref, ws_ref, wn_ref, b_ref, *outs):
        deg = jnp.sum(d_ref[...], axis=0)
        recip = 1.0 / jnp.maximum(deg, 1.0)
        neigh = (p0_ref[0] + p1_ref[0]) * recip[:, None]
        acc = jnp.dot(h_ref[...], ws_ref[...],
                      preferred_element_type=jnp.float32)
        acc = acc + jnp.dot(neigh, wn_ref[...],
                            preferred_element_type=jnp.float32)
        acc = acc + b_ref[...]
        if relu:
            acc = jnp.maximum(acc, 0.0)
        outs[0][...] = acc
        if emit_bf16:
            outs[1][...] = acc.astype(jnp.bfloat16)

    out_shape = [jax.ShapeDtypeStruct((NPAD, D), jnp.float32)]
    out_specs = [pl.BlockSpec((R, D), lambda i: (i, 0))]
    if emit_bf16:
        out_shape.append(jax.ShapeDtypeStruct((NPAD, D), jnp.bfloat16))
        out_specs.append(pl.BlockSpec((R, D), lambda i: (i, 0)))

    res = pl.pallas_call(
        body,
        grid=(NPAD // R,),
        in_specs=[
            pl.BlockSpec((R, D), lambda i: (i, 0)),
            pl.BlockSpec((1, R, D), lambda i: (0, i, 0)),
            pl.BlockSpec((1, R, D), lambda i: (1, i, 0)),
            pl.BlockSpec((NW, R), lambda i: (0, i)),
            pl.BlockSpec((D, D), lambda i: (0, 0)),
            pl.BlockSpec((D, D), lambda i: (0, 0)),
            pl.BlockSpec((1, D), lambda i: (0, 0)),
        ],
        out_specs=out_specs,
        out_shape=out_shape,
    )(h, p, p, degs, w_self, w_neigh_perm, b.reshape(1, D))
    return res if emit_bf16 else res[0]


def _pack_bf16(a_bf16):
    return jax.lax.bitcast_convert_type(
        a_bf16.reshape(NPAD, D // 2, 2), jnp.int32)


_PERM = np.array(
    [32 * (j // 16) + 2 * (j % 16) for j in range(D // 2)]
    + [32 * (j // 16) + 2 * (j % 16) + 1 for j in range(D // 2)],
    dtype=np.int32)


def kernel(x, edge_index, W1_self, W1_neigh, b1, W2_self, W2_neigh, b2):
    src = edge_index[0]
    dst = edge_index[1]

    dstr = dst.reshape(NW, EPW)
    x_pad = jnp.concatenate(
        [x, jnp.zeros((NPAD - N_NODES, D), jnp.float32)], axis=0)
    degp = _sc_deg(dstr)
    p1 = _sc_agg(x_pad, src, dst)
    h1 = _tc_dense(x_pad, p1, degp, W1_self, W1_neigh, b1,
                   relu=True, emit_bf16=False)
    p2 = _sc_agg(h1, src, dst)
    h2 = _tc_dense(h1, p2, degp, W2_self, W2_neigh, b2,
                   relu=False, emit_bf16=False)
    return h2[:N_NODES]

# --- scband reference (transcript-rebuilt; emitter-appended) ---
"""Pipeline reference for scband-graph-sage-39376260169984 (READ-ONLY COPY).

The authoritative reference and input builder live on the scoring server;
editing this copy changes nothing except your own understanding.
"""

import jax, jax.numpy as jnp
import numpy as np

N_NODES = 10000
N_EDGES = 320000
D_IN = 128
D_HID = 128


def setup_inputs(seed: int = 0) -> dict:
    key = jax.random.key(seed)
    k = jax.random.split(key, 9)
    x = jax.random.normal(k[0], (N_NODES, D_IN), dtype=jnp.float32)
    edge_index = jax.random.randint(k[1], (2, N_EDGES), 0, N_NODES, dtype=jnp.int64 if jax.config.read('jax_enable_x64') else jnp.int32).astype(jnp.int32)
    s1 = 1.0 / np.sqrt(D_IN)
    s2 = 1.0 / np.sqrt(D_HID)
    W1_self = jax.random.uniform(k[2], (D_IN, D_HID), jnp.float32, -s1, s1)
    W1_neigh = jax.random.uniform(k[3], (D_IN, D_HID), jnp.float32, -s1, s1)
    b1 = jnp.zeros((D_HID,), jnp.float32)
    W2_self = jax.random.uniform(k[4], (D_HID, D_HID), jnp.float32, -s2, s2)
    W2_neigh = jax.random.uniform(k[5], (D_HID, D_HID), jnp.float32, -s2, s2)
    b2 = jnp.zeros((D_HID,), jnp.float32)
    return {"x": x, "edge_index": edge_index, "W1_self": W1_self, "W1_neigh": W1_neigh, "b1": b1, "W2_self": W2_self, "W2_neigh": W2_neigh, "b2": b2}


def _sage_conv(h, src, dst, n_nodes, W_self, W_neigh, b):
    # SAGEConv with mean aggregator: fc_self(h) + fc_neigh(mean_{u in N(v)} h_u)
    msg = jnp.take(h, src, axis=0)                       # gather over edges
    agg = jax.ops.segment_sum(msg, dst, num_segments=n_nodes)   # scatter-add by dst
    deg = jax.ops.segment_sum(jnp.ones((src.shape[0],), h.dtype), dst, num_segments=n_nodes)
    neigh = agg / jnp.maximum(deg, 1.0)[:, None]
    return h @ W_self + neigh @ W_neigh + b


def reference(x, edge_index, W1_self, W1_neigh, b1, W2_self, W2_neigh, b2):
    n_nodes = x.shape[0]
    src = edge_index[0]
    dst = edge_index[1]
    h = _sage_conv(x, src, dst, n_nodes, W1_self, W1_neigh, b1)
    h = jax.nn.relu(h)
    h = _sage_conv(h, src, dst, n_nodes, W2_self, W2_neigh, b2)
    return h

if __name__ == "__main__":
    import jax
    _d = setup_inputs()
    print(jax.jit(kernel)(*tuple(_d.values())))

</pallas_src>

<mosaic_0001>
#map = affine_map<(d0, d1) -> (0, 0)>
#map1 = affine_map<(d0, d1) -> (0)>
#map2 = affine_map<(d0, d1) -> (0, 0, 0)>
module attributes {stable_mosaic.version = 14 : i64} {
  func.func @body(%arg0: i32, %arg1: i32, %arg2: memref<10240x128xf32, #tpu.memory_space<hbm>>, %arg3: memref<320000xi32, #tpu.memory_space<hbm>>, %arg4: memref<320000xi32, #tpu.memory_space<hbm>>, %arg5: memref<2x10240x128xf32, #tpu.memory_space<hbm>>, %arg6: memref<4x80xi32, #tpu.memory_space<vmem>>, %arg7: memref<4x80xi32, #tpu.memory_space<vmem>>, %arg8: memref<4x80x128xf32, #tpu.memory_space<vmem>>, %arg9: memref<8x128xf32, #tpu.memory_space<vmem>>, %arg10: memref<10240x128xf32, #tpu.memory_space<vmem_shared>>, %arg11: memref<!tpu.dma_semaphore, #tpu.memory_space<semaphore_mem>>, %arg12: memref<!tpu.dma_semaphore, #tpu.memory_space<semaphore_mem>>, %arg13: memref<!tpu.dma_semaphore, #tpu.memory_space<semaphore_mem>>, %arg14: memref<!tpu.dma_semaphore, #tpu.memory_space<semaphore_mem>>) attributes {dimension_semantics = [#tpu.dimension_semantics<core_parallel>, #tpu.dimension_semantics<subcore_parallel>], iteration_bounds = array<i64: 2, 16>, scalar_prefetch = 0 : i64, scratch_operands = 9 : i64, tpu.core_type = #tpu.core_type<sc_vector_subcore>, window_params = [{transform_indices = #map}, {transform_indices = #map1}, {transform_indices = #map1}, {transform_indices = #map2}]} {
    %mul3A = arith.constant 2 : i32
    %mul3A_0 = arith.muli %arg1, %mul3A : i32
    %add3A = arith.addi %mul3A_0, %arg0 : i32
    %scan3A = arith.constant 0 : i32
    %scan3A_1 = arith.constant 0 : i32
    %scan3A_2 = arith.constant 8 : i32
    %scan3A_3 = arith.addi %scan3A_1, %scan3A_2 : i32
    %scan3A_4 = arith.constant 1 : i32
    scf.for %scan3A_389 = %scan3A_1 to %scan3A_3 step %scan3A_4  : i32 {
      %scan3A_390 = arith.constant 0 : i32
      %scan3A_391 = arith.constant 8 : i32
      %scan3A_392 = arith.addi %scan3A_390, %scan3A_391 : i32
      %scan3A_393 = arith.constant 1 : i32
      scf.for %scan3A_395 = %scan3A_390 to %scan3A_392 step %scan3A_393  : i32 {
        %broadcast_in_dim3A = arith.constant 0.000000e+00 : f32
        %broadcast_in_dim3A_396 = vector.broadcast %broadcast_in_dim3A : f32 to vector<16xf32>
        %mul3A_397 = arith.constant 16 : i32
        %mul3A_398 = arith.muli %scan3A_395, %mul3A_397 : i32
        %swap3A = arith.index_cast %scan3A_389 : i32 to index
        %swap3A_399 = arith.index_cast %mul3A_398 : i32 to index
        %swap3A_400 = tpu.vector_load %arg9[%swap3A, %swap3A_399] {strides = array<i32>} : memref<8x128xf32, #tpu.memory_space<vmem>>, vector<1x16xf32>,
        %swap3A_401 = vector.shape_cast %swap3A_400 : vector<1x16xf32> to vector<16xf32>
        %swap3A_402 = vector.shape_cast %broadcast_in_dim3A_396 : vector<16xf32> to vector<1x16xf32>
        tpu.vector_store %arg9[%swap3A, %swap3A_399], %swap3A_402 {strides = array<i32>} : memref<8x128xf32, #tpu.memory_space<vmem>>, vector<1x16xf32>,
      }
      %scan3A_394 = arith.constant 8 : i32
    }
    %scan3A_5 = arith.constant 8 : i32
    %scan3A_6 = arith.constant 0 : i32
    %scan3A_7 = arith.constant 0 : i32
    %scan3A_8 = arith.constant 80 : i32
    %scan3A_9 = arith.addi %scan3A_7, %scan3A_8 : i32
    %scan3A_10 = arith.constant 1 : i32
    scf.for %scan3A_389 = %scan3A_7 to %scan3A_9 step %scan3A_10  : i32 {
      %mul3A_390 = arith.constant 640 : i32
      %mul3A_391 = arith.muli %arg1, %mul3A_390 : i32
      %mul3A_392 = arith.constant 8 : i32
      %mul3A_393 = arith.muli %scan3A_389, %mul3A_392 : i32
      %add3A_394 = arith.addi %mul3A_391, %mul3A_393 : i32
      "tpu.region"() ({
        %run_scoped3A = tpu.sem_alloc : memref<!tpu.dma_semaphore, #tpu.memory_space<semaphore_mem>>
        %dma_start3A_395 = arith.constant 0 : i32
        %dma_start3A_396 = tpu.memref_slice %arg10[%add3A_394, %dma_start3A_395] : memref<10240x128xf32, #tpu.memory_space<vmem_shared>> -> memref<8x128xf32, #tpu.memory_space<vmem_shared>>
        %dma_start3A_397 = arith.constant 0 : i32
        %dma_start3A_398 = tpu.memref_slice %arg10[%add3A_394, %dma_start3A_397] : memref<10240x128xf32, #tpu.memory_space<vmem_shared>> -> memref<8x128xf32, #tpu.memory_space<vmem_shared>>
        tpu.enqueue_dma source(%arg9 : memref<8x128xf32, #tpu.memory_space<vmem>>) target(%dma_start3A_398 : memref<8x128xf32, #tpu.memory_space<vmem_shared>>) target_semaphore(%run_scoped3A : memref<!tpu.dma_semaphore, #tpu.memory_space<semaphore_mem>>)
        %dma_wait3A_399 = arith.constant 0 : i32
        %dma_wait3A_400 = tpu.memref_slice %arg10[%add3A_394, %dma_wait3A_399] : memref<10240x128xf32, #tpu.memory_space<vmem_shared>> -> memref<8x128xf32, #tpu.memory_space<vmem_shared>>
        %dma_wait3A_401 = arith.constant 0 : i32
        %dma_wait3A_402 = tpu.memref_slice %arg10[%add3A_394, %dma_wait3A_401] : memref<10240x128xf32, #tpu.memory_space<vmem_shared>> -> memref<8x128xf32, #tpu.memory_space<vmem_shared>>
        tpu.wait_dma2 semaphore(%run_scoped3A : memref<!tpu.dma_semaphore, #tpu.memory_space<semaphore_mem>>) src(%arg9 : memref<8x128xf32, #tpu.memory_space<vmem>>) dst(%dma_wait3A_402 : memref<8x128xf32, #tpu.memory_space<vmem_shared>>)
        tpu.yield
      }) : () -> ()
    }
    %scan3A_11 = arith.constant 80 : i32
    %barrier3A = arith.constant 0 : index
    tpu.barrier barrier_id(%barrier3A)
    %mul3A_12 = arith.constant 10000 : i32
    %mul3A_13 = arith.muli %add3A, %mul3A_12 : i32
    %mul3A_14 = arith.constant 0 : i32
    %mul3A_15 = arith.constant 80 : i32
    %mul3A_16 = arith.muli %mul3A_14, %mul3A_15 : i32
    %add3A_17 = arith.addi %mul3A_13, %mul3A_16 : i32
    %dma_start3A = arith.constant 0 : i32
    %dma_start3A_18 = arith.constant 0 : i32
    %dma_start3A_19 = tpu.memref_slice %arg6[%dma_start3A, %dma_start3A_18] : memref<4x80xi32, #tpu.memory_space<vmem>> -> memref<1x80xi32, #tpu.memory_space<vmem>>
    %dma_start3A_20 = tpu.memref_squeeze %dma_start3A_19 : memref<1x80xi32, #tpu.memory_space<vmem>> -> memref<80xi32, #tpu.memory_space<vmem>>
    %dma_start3A_21 = tpu.memref_slice %arg3[%add3A_17] : memref<320000xi32, #tpu.memory_space<hbm>> -> memref<80xi32, #tpu.memory_space<hbm>>
    %dma_start3A_22 = arith.constant 0 : i32
    %dma_start3A_23 = tpu.memref_slice %arg6[%dma_start3A, %dma_start3A_22] : memref<4x80xi32, #tpu.memory_space<vmem>> -> memref<1x80xi32, #tpu.memory_space<vmem>>
    %dma_start3A_24 = tpu.memref_squeeze %dma_start3A_23 : memref<1x80xi32, #tpu.memory_space<vmem>> -> memref<80xi32, #tpu.memory_space<vmem>>
    %dma_start3A_25 = tpu.memref_slice %arg3[%add3A_17] : memref<320000xi32, #tpu.memory_space<hbm>> -> memref<80xi32, #tpu.memory_space<hbm>>
    tpu.enqueue_dma source(%dma_start3A_25 : memref<80xi32, #tpu.memory_space<hbm>>) target(%dma_start3A_24 : memref<80xi32, #tpu.memory_space<vmem>>) target_semaphore(%arg11 : memref<!tpu.dma_semaphore, #tpu.memory_space<semaphore_mem>>)
    %mul3A_26 = arith.constant 0 : i32
    %mul3A_27 = arith.constant 80 : i32
    %mul3A_28 = arith.muli %mul3A_26, %mul3A_27 : i32
    %add3A_29 = arith.addi %mul3A_13, %mul3A_28 : i32
    %dma_start3A_30 = arith.constant 0 : i32
    %dma_start3A_31 = arith.constant 0 : i32
    %dma_start3A_32 = tpu.memref_slice %arg7[%dma_start3A_30, %dma_start3A_31] : memref<4x80xi32, #tpu.memory_space<vmem>> -> memref<1x80xi32, #tpu.memory_space<vmem>>
    %dma_start3A_33 = tpu.memref_squeeze %dma_start3A_32 : memref<1x80xi32, #tpu.memory_space<vmem>> -> memref<80xi32, #tpu.memory_space<vmem>>
    %dma_start3A_34 = tpu.memref_slice %arg4[%add3A_29] : memref<320000xi32, #tpu.memory_space<hbm>> -> memref<80xi32, #tpu.memory_space<hbm>>
    %dma_start3A_35 = arith.constant 0 : i32
    %dma_start3A_36 = tpu.memref_slice %arg7[%dma_start3A_30, %dma_start3A_35] : memref<4x80xi32, #tpu.memory_space<vmem>> -> memref<1x80xi32, #tpu.memory_space<vmem>>
    %dma_start3A_37 = tpu.memref_squeeze %dma_start3A_36 : memref<1x80xi32, #tpu.memory_space<vmem>> -> memref<80xi32, #tpu.memory_space<vmem>>
    %dma_start3A_38 = tpu.memref_slice %arg4[%add3A_29] : memref<320000xi32, #tpu.memory_space<hbm>> -> memref<80xi32, #tpu.memory_space<hbm>>
    tpu.enqueue_dma source(%dma_start3A_38 : memref<80xi32, #tpu.memory_space<hbm>>) target(%dma_start3A_37 : memref<80xi32, #tpu.memory_space<vmem>>) target_semaphore(%arg12 : memref<!tpu.dma_semaphore, #tpu.memory_space<semaphore_mem>>)
    %mul3A_39 = arith.constant 1 : i32
    %mul3A_40 = arith.constant 80 : i32
    %mul3A_41 = arith.muli %mul3A_39, %mul3A_40 : i32
    %add3A_42 = arith.addi %mul3A_13, %mul3A_41 : i32
    %dma_start3A_43 = arith.constant 1 : i32
    %dma_start3A_44 = arith.constant 0 : i32
    %dma_start3A_45 = tpu.memref_slice %arg6[%dma_start3A_43, %dma_start3A_44] : memref<4x80xi32, #tpu.memory_space<vmem>> -> memref<1x80xi32, #tpu.memory_space<vmem>>
    %dma_start3A_46 = tpu.memref_squeeze %dma_start3A_45 : memref<1x80xi32, #tpu.memory_space<vmem>> -> memref<80xi32, #tpu.memory_space<vmem>>
    %dma_start3A_47 = tpu.memref_slice %arg3[%add3A_42] : memref<320000xi32, #tpu.memory_space<hbm>> -> memref<80xi32, #tpu.memory_space<hbm>>
    %dma_start3A_48 = arith.constant 0 : i32
    %dma_start3A_49 = tpu.memref_slice %arg6[%dma_start3A_43, %dma_start3A_48] : memref<4x80xi32, #tpu.memory_space<vmem>> -> memref<1x80xi32, #tpu.memory_space<vmem>>
    %dma_start3A_50 = tpu.memref_squeeze %dma_start3A_49 : memref<1x80xi32, #tpu.memory_space<vmem>> -> memref<80xi32, #tpu.memory_space<vmem>>
    %dma_start3A_51 = tpu.memref_slice %arg3[%add3A_42] : memref<320000xi32, #tpu.memory_space<hbm>> -> memref<80xi32, #tpu.memory_space<hbm>>
    tpu.enqueue_dma source(%dma_start3A_51 : memref<80xi32, #tpu.memory_space<hbm>>) target(%dma_start3A_50 : memref<80xi32, #tpu.memory_space<vmem>>) target_semaphore(%arg11 : memref<!tpu.dma_semaphore, #tpu.memory_space<semaphore_mem>>)
    %mul3A_52 = arith.constant 1 : i32
    %mul3A_53 = arith.constant 80 : i32
    %mul3A_54 = arith.muli %mul3A_52, %mul3A_53 : i32
    %add3A_55 = arith.addi %mul3A_13, %mul3A_54 : i32
    %dma_start3A_56 = arith.constant 1 : i32
    %dma_start3A_57 = arith.constant 0 : i32
    %dma_start3A_58 = tpu.memref_slice %arg7[%dma_start3A_56, %dma_start3A_57] : memref<4x80xi32, #tpu.memory_space<vmem>> -> memref<1x80xi32, #tpu.memory_space<vmem>>
    %dma_start3A_59 = tpu.memref_squeeze %dma_start3A_58 : memref<1x80xi32, #tpu.memory_space<vmem>> -> memref<80xi32, #tpu.memory_space<vmem>>
    %dma_start3A_60 = tpu.memref_slice %arg4[%add3A_55] : memref<320000xi32, #tpu.memory_space<hbm>> -> memref<80xi32, #tpu.memory_space<hbm>>
    %dma_start3A_61 = arith.constant 0 : i32
    %dma_start3A_62 = tpu.memref_slice %arg7[%dma_start3A_56, %dma_start3A_61] : memref<4x80xi32, #tpu.memory_space<vmem>> -> memref<1x80xi32, #tpu.memory_space<vmem>>
    %dma_start3A_63 = tpu.memref_squeeze %dma_start3A_62 : memref<1x80xi32, #tpu.memory_space<vmem>> -> memref<80xi32, #tpu.memory_space<vmem>>
    %dma_start3A_64 = tpu.memref_slice %arg4[%add3A_55] : memref<320000xi32, #tpu.memory_space<hbm>> -> memref<80xi32, #tpu.memory_space<hbm>>
    tpu.enqueue_dma source(%dma_start3A_64 : memref<80xi32, #tpu.memory_space<hbm>>) target(%dma_start3A_63 : memref<80xi32, #tpu.memory_space<vmem>>) target_semaphore(%arg12 : memref<!tpu.dma_semaphore, #tpu.memory_space<semaphore_mem>>)
    %mul3A_65 = arith.constant 2 : i32
    %mul3A_66 = arith.constant 80 : i32
    %mul3A_67 = arith.muli %mul3A_65, %mul3A_66 : i32
    %add3A_68 = arith.addi %mul3A_13, %mul3A_67 : i32
    %dma_start3A_69 = arith.constant 2 : i32
    %dma_start3A_70 = arith.constant 0 : i32
    %dma_start3A_71 = tpu.memref_slice %arg6[%dma_start3A_69, %dma_start3A_70] : memref<4x80xi32, #tpu.memory_space<vmem>> -> memref<1x80xi32, #tpu.memory_space<vmem>>
    %dma_start3A_72 = tpu.memref_squeeze %dma_start3A_71 : memref<1x80xi32, #tpu.memory_space<vmem>> -> memref<80xi32, #tpu.memory_space<vmem>>
    %dma_start3A_73 = tpu.memref_slice %arg3[%add3A_68] : memref<320000xi32, #tpu.memory_space<hbm>> -> memref<80xi32, #tpu.memory_space<hbm>>
    %dma_start3A_74 = arith.constant 0 : i32
    %dma_start3A_75 = tpu.memref_slice %arg6[%dma_start3A_69, %dma_start3A_74] : memref<4x80xi32, #tpu.memory_space<vmem>> -> memref<1x80xi32, #tpu.memory_space<vmem>>
    %dma_start3A_76 = tpu.memref_squeeze %dma_start3A_75 : memref<1x80xi32, #tpu.memory_space<vmem>> -> memref<80xi32, #tpu.memory_space<vmem>>
    %dma_start3A_77 = tpu.memref_slice %arg3[%add3A_68] : memref<320000xi32, #tpu.memory_space<hbm>> -> memref<80xi32, #tpu.memory_space<hbm>>
    tpu.enqueue_dma source(%dma_start3A_77 : memref<80xi32, #tpu.memory_space<hbm>>) target(%dma_start3A_76 : memref<80xi32, #tpu.memory_space<vmem>>) target_semaphore(%arg11 : memref<!tpu.dma_semaphore, #tpu.memory_space<semaphore_mem>>)
    %mul3A_78 = arith.constant 2 : i32
    %mul3A_79 = arith.constant 80 : i32
    %mul3A_80 = arith.muli %mul3A_78, %mul3A_79 : i32
    %add3A_81 = arith.addi %mul3A_13, %mul3A_80 : i32
    %dma_start3A_82 = arith.constant 2 : i32
    %dma_start3A_83 = arith.constant 0 : i32
    %dma_start3A_84 = tpu.memref_slice %arg7[%dma_start3A_82, %dma_start3A_83] : memref<4x80xi32, #tpu.memory_space<vmem>> -> memref<1x80xi32, #tpu.memory_space<vmem>>
    %dma_start3A_85 = tpu.memref_squeeze %dma_start3A_84 : memref<1x80xi32, #tpu.memory_space<vmem>> -> memref<80xi32, #tpu.memory_space<vmem>>
    %dma_start3A_86 = tpu.memref_slice %arg4[%add3A_81] : memref<320000xi32, #tpu.memory_space<hbm>> -> memref<80xi32, #tpu.memory_space<hbm>>
    %dma_start3A_87 = arith.constant 0 : i32
    %dma_start3A_88 = tpu.memref_slice %arg7[%dma_start3A_82, %dma_start3A_87] : memref<4x80xi32, #tpu.memory_space<vmem>> -> memref<1x80xi32, #tpu.memory_space<vmem>>
    %dma_start3A_89 = tpu.memref_squeeze %dma_start3A_88 : memref<1x80xi32, #tpu.memory_space<vmem>> -> memref<80xi32, #tpu.memory_space<vmem>>
    %dma_start3A_90 = tpu.memref_slice %arg4[%add3A_81] : memref<320000xi32, #tpu.memory_space<hbm>> -> memref<80xi32, #tpu.memory_space<hbm>>
    tpu.enqueue_dma source(%dma_start3A_90 : memref<80xi32, #tpu.memory_space<hbm>>) target(%dma_start3A_89 : memref<80xi32, #tpu.memory_space<vmem>>) target_semaphore(%arg12 : memref<!tpu.dma_semaphore, #tpu.memory_space<semaphore_mem>>)
    %mul3A_91 = arith.constant 3 : i32
    %mul3A_92 = arith.constant 80 : i32
    %mul3A_93 = arith.muli %mul3A_91, %mul3A_92 : i32
    %add3A_94 = arith.addi %mul3A_13, %mul3A_93 : i32
    %dma_start3A_95 = arith.constant 3 : i32
    %dma_start3A_96 = arith.constant 0 : i32
    %dma_start3A_97 = tpu.memref_slice %arg6[%dma_start3A_95, %dma_start3A_96] : memref<4x80xi32, #tpu.memory_space<vmem>> -> memref<1x80xi32, #tpu.memory_space<vmem>>
    %dma_start3A_98 = tpu.memref_squeeze %dma_start3A_97 : memref<1x80xi32, #tpu.memory_space<vmem>> -> memref<80xi32, #tpu.memory_space<vmem>>
    %dma_start3A_99 = tpu.memref_slice %arg3[%add3A_94] : memref<320000xi32, #tpu.memory_space<hbm>> -> memref<80xi32, #tpu.memory_space<hbm>>
    %dma_start3A_100 = arith.constant 0 : i32
    %dma_start3A_101 = tpu.memref_slice %arg6[%dma_start3A_95, %dma_start3A_100] : memref<4x80xi32, #tpu.memory_space<vmem>> -> memref<1x80xi32, #tpu.memory_space<vmem>>
    %dma_start3A_102 = tpu.memref_squeeze %dma_start3A_101 : memref<1x80xi32, #tpu.memory_space<vmem>> -> memref<80xi32, #tpu.memory_space<vmem>>
    %dma_start3A_103 = tpu.memref_slice %arg3[%add3A_94] : memref<320000xi32, #tpu.memory_space<hbm>> -> memref<80xi32, #tpu.memory_space<hbm>>
    tpu.enqueue_dma source(%dma_start3A_103 : memref<80xi32, #tpu.memory_space<hbm>>) target(%dma_start3A_102 : memref<80xi32, #tpu.memory_space<vmem>>) target_semaphore(%arg11 : memref<!tpu.dma_semaphore, #tpu.memory_space<semaphore_mem>>)
    %mul3A_104 = arith.constant 3 : i32
    %mul3A_105 = arith.constant 80 : i32
    %mul3A_106 = arith.muli %mul3A_104, %mul3A_105 : i32
    %add3A_107 = arith.addi %mul3A_13, %mul3A_106 : i32
    %dma_start3A_108 = arith.constant 3 : i32
    %dma_start3A_109 = arith.constant 0 : i32
    %dma_start3A_110 = tpu.memref_slice %arg7[%dma_start3A_108, %dma_start3A_109] : memref<4x80xi32, #tpu.memory_space<vmem>> -> memref<1x80xi32, #tpu.memory_space<vmem>>
    %dma_start3A_111 = tpu.memref_squeeze %dma_start3A_110 : memref<1x80xi32, #tpu.memory_space<vmem>> -> memref<80xi32, #tpu.memory_space<vmem>>
    %dma_start3A_112 = tpu.memref_slice %arg4[%add3A_107] : memref<320000xi32, #tpu.memory_space<hbm>> -> memref<80xi32, #tpu.memory_space<hbm>>
    %dma_start3A_113 = arith.constant 0 : i32
    %dma_start3A_114 = tpu.memref_slice %arg7[%dma_start3A_108, %dma_start3A_113] : memref<4x80xi32, #tpu.memory_space<vmem>> -> memref<1x80xi32, #tpu.memory_space<vmem>>
    %dma_start3A_115 = tpu.memref_squeeze %dma_start3A_114 : memref<1x80xi32, #tpu.memory_space<vmem>> -> memref<80xi32, #tpu.memory_space<vmem>>
    %dma_start3A_116 = tpu.memref_slice %arg4[%add3A_107] : memref<320000xi32, #tpu.memory_space<hbm>> -> memref<80xi32, #tpu.memory_space<hbm>>
    tpu.enqueue_dma source(%dma_start3A_116 : memref<80xi32, #tpu.memory_space<hbm>>) target(%dma_start3A_115 : memref<80xi32, #tpu.memory_space<vmem>>) target_semaphore(%arg12 : memref<!tpu.dma_semaphore, #tpu.memory_space<semaphore_mem>>)
    %dma_wait3A = arith.constant 0 : i32
    %dma_wait3A_117 = arith.constant 0 : i32
    %dma_wait3A_118 = tpu.memref_slice %arg6[%dma_wait3A, %dma_wait3A_117] : memref<4x80xi32, #tpu.memory_space<vmem>> -> memref<1x80xi32, #tpu.memory_space<vmem>>
    %dma_wait3A_119 = tpu.memref_squeeze %dma_wait3A_118 : memref<1x80xi32, #tpu.memory_space<vmem>> -> memref<80xi32, #tpu.memory_space<vmem>>
    %dma_wait3A_120 = arith.constant 0 : i32
    %dma_wait3A_121 = tpu.memref_slice %arg3[%dma_wait3A_120] : memref<320000xi32, #tpu.memory_space<hbm>> -> memref<80xi32, #tpu.memory_space<hbm>>
    %dma_wait3A_122 = arith.constant 0 : i32
    %dma_wait3A_123 = tpu.memref_slice %arg6[%dma_wait3A, %dma_wait3A_122] : memref<4x80xi32, #tpu.memory_space<vmem>> -> memref<1x80xi32, #tpu.memory_space<vmem>>
    %dma_wait3A_124 = tpu.memref_squeeze %dma_wait3A_123 : memref<1x80xi32, #tpu.memory_space<vmem>> -> memref<80xi32, #tpu.memory_space<vmem>>
    %dma_wait3A_125 = arith.constant 0 : i32
    %dma_wait3A_126 = tpu.memref_slice %arg3[%dma_wait3A_125] : memref<320000xi32, #tpu.memory_space<hbm>> -> memref<80xi32, #tpu.memory_space<hbm>>
    tpu.wait_dma2 semaphore(%arg11 : memref<!tpu.dma_semaphore, #tpu.memory_space<semaphore_mem>>) src(%dma_wait3A_126 : memref<80xi32, #tpu.memory_space<hbm>>) dst(%dma_wait3A_124 : memref<80xi32, #tpu.memory_space<vmem>>)
    %dma_start3A_127 = arith.constant 0 : i32
    %dma_start3A_128 = arith.constant 0 : i32
    %dma_start3A_129 = arith.constant 0 : i32
    %dma_start3A_130 = arith.constant 0 : i32
    %dma_start3A_131 = tpu.memref_slice %arg8[%dma_start3A_128, %dma_start3A_129, %dma_start3A_130] : memref<4x80x128xf32, #tpu.memory_space<vmem>> -> memref<1x80x128xf32, #tpu.memory_space<vmem>>
    %dma_start3A_132 = tpu.memref_squeeze %dma_start3A_131 : memref<1x80x128xf32, #tpu.memory_space<vmem>> -> memref<80x128xf32, #tpu.memory_space<vmem>>
    %dma_start3A_133 = arith.constant 0 : i32
    %dma_start3A_134 = arith.constant 0 : i32
    %dma_start3A_135 = tpu.memref_slice %dma_start3A_132[%dma_start3A_133, %dma_start3A_134] : memref<80x128xf32, #tpu.memory_space<vmem>> -> memref<40x128xf32, #tpu.memory_space<vmem>>
    %dma_start3A_136 = arith.constant 0 : i32
    %dma_start3A_137 = tpu.memref_slice %arg6[%dma_start3A_127, %dma_start3A_136] : memref<4x80xi32, #tpu.memory_space<vmem>> -> memref<1x80xi32, #tpu.memory_space<vmem>>
    %dma_start3A_138 = tpu.memref_squeeze %dma_start3A_137 : memref<1x80xi32, #tpu.memory_space<vmem>> -> memref<80xi32, #tpu.memory_space<vmem>>
    %dma_start3A_139 = arith.constant 0 : i32
    %dma_start3A_140 = tpu.memref_slice %dma_start3A_138[%dma_start3A_139] : memref<80xi32, #tpu.memory_space<vmem>> -> memref<40xi32, #tpu.memory_space<vmem>>
    %dma_start3A_141 = arith.constant 0 : i32
    %dma_start3A_142 = arith.constant 0 : i32
    %dma_start3A_143 = tpu.memref_slice %arg2[%dma_start3A_141, %dma_start3A_142] : memref<10240x128xf32, #tpu.memory_space<hbm>> -> memref<10240x128xf32, #tpu.memory_space<hbm>>
    tpu.enqueue_indirect_dma source(%dma_start3A_143 : memref<10240x128xf32, #tpu.memory_space<hbm>>) target(%dma_start3A_135 : memref<40x128xf32, #tpu.memory_space<vmem>>) offsets(%dma_start3A_140 : memref<40xi32, #tpu.memory_space<vmem>>) semaphore(%arg13 : memref<!tpu.dma_semaphore, #tpu.memory_space<semaphore_mem>>)
    %dma_start3A_144 = arith.constant 0 : i32
    %dma_start3A_145 = arith.constant 0 : i32
    %dma_start3A_146 = arith.constant 0 : i32
    %dma_start3A_147 = arith.constant 0 : i32
    %dma_start3A_148 = tpu.memref_slice %arg8[%dma_start3A_145, %dma_start3A_146, %dma_start3A_147] : memref<4x80x128xf32, #tpu.memory_space<vmem>> -> memref<1x80x128xf32, #tpu.memory_space<vmem>>
    %dma_start3A_149 = tpu.memref_squeeze %dma_start3A_148 : memref<1x80x128xf32, #tpu.memory_space<vmem>> -> memref<80x128xf32, #tpu.memory_space<vmem>>
    %dma_start3A_150 = arith.constant 40 : i32
    %dma_start3A_151 = arith.constant 0 : i32
    %dma_start3A_152 = tpu.memref_slice %dma_start3A_149[%dma_start3A_150, %dma_start3A_151] : memref<80x128xf32, #tpu.memory_space<vmem>> -> memref<40x128xf32, #tpu.memory_space<vmem>>
    %dma_start3A_153 = arith.constant 0 : i32
    %dma_start3A_154 = tpu.memref_slice %arg6[%dma_start3A_144, %dma_start3A_153] : memref<4x80xi32, #tpu.memory_space<vmem>> -> memref<1x80xi32, #tpu.memory_space<vmem>>
    %dma_start3A_155 = tpu.memref_squeeze %dma_start3A_154 : memref<1x80xi32, #tpu.memory_space<vmem>> -> memref<80xi32, #tpu.memory_space<vmem>>
    %dma_start3A_156 = arith.constant 40 : i32
    %dma_start3A_157 = tpu.memref_slice %dma_start3A_155[%dma_start3A_156] : memref<80xi32, #tpu.memory_space<vmem>> -> memref<40xi32, #tpu.memory_space<vmem>>
    %dma_start3A_158 = arith.constant 0 : i32
    %dma_start3A_159 = arith.constant 0 : i32
    %dma_start3A_160 = tpu.memref_slice %arg2[%dma_start3A_158, %dma_start3A_159] : memref<10240x128xf32, #tpu.memory_space<hbm>> -> memref<10240x128xf32, #tpu.memory_space<hbm>>
    tpu.enqueue_indirect_dma source(%dma_start3A_160 : memref<10240x128xf32, #tpu.memory_space<hbm>>) target(%dma_start3A_152 : memref<40x128xf32, #tpu.memory_space<vmem>>) offsets(%dma_start3A_157 : memref<40xi32, #tpu.memory_space<vmem>>) semaphore(%arg13 : memref<!tpu.dma_semaphore, #tpu.memory_space<semaphore_mem>>)
    %dma_wait3A_161 = arith.constant 1 : i32
    %dma_wait3A_162 = arith.constant 0 : i32
    %dma_wait3A_163 = tpu.memref_slice %arg6[%dma_wait3A_161, %dma_wait3A_162] : memref<4x80xi32, #tpu.memory_space<vmem>> -> memref<1x80xi32, #tpu.memory_space<vmem>>
    %dma_wait3A_164 = tpu.memref_squeeze %dma_wait3A_163 : memref<1x80xi32, #tpu.memory_space<vmem>> -> memref<80xi32, #tpu.memory_space<vmem>>
    %dma_wait3A_165 = arith.constant 0 : i32
    %dma_wait3A_166 = tpu.memref_slice %arg3[%dma_wait3A_165] : memref<320000xi32, #tpu.memory_space<hbm>> -> memref<80xi32, #tpu.memory_space<hbm>>
    %dma_wait3A_167 = arith.constant 0 : i32
    %dma_wait3A_168 = tpu.memref_slice %arg6[%dma_wait3A_161, %dma_wait3A_167] : memref<4x80xi32, #tpu.memory_space<vmem>> -> memref<1x80xi32, #tpu.memory_space<vmem>>
    %dma_wait3A_169 = tpu.memref_squeeze %dma_wait3A_168 : memref<1x80xi32, #tpu.memory_space<vmem>> -> memref<80xi32, #tpu.memory_space<vmem>>
    %dma_wait3A_170 = arith.constant 0 : i32
    %dma_wait3A_171 = tpu.memref_slice %arg3[%dma_wait3A_170] : memref<320000xi32, #tpu.memory_space<hbm>> -> memref<80xi32, #tpu.memory_space<hbm>>
    tpu.wait_dma2 semaphore(%arg11 : memref<!tpu.dma_semaphore, #tpu.memory_space<semaphore_mem>>) src(%dma_wait3A_171 : memref<80xi32, #tpu.memory_space<hbm>>) dst(%dma_wait3A_169 : memref<80xi32, #tpu.memory_space<vmem>>)
    %dma_start3A_172 = arith.constant 1 : i32
    %dma_start3A_173 = arith.constant 1 : i32
    %dma_start3A_174 = arith.constant 0 : i32
    %dma_start3A_175 = arith.constant 0 : i32
    %dma_start3A_176 = tpu.memref_slice %arg8[%dma_start3A_173, %dma_start3A_174, %dma_start3A_175] : memref<4x80x128xf32, #tpu.memory_space<vmem>> -> memref<1x80x128xf32, #tpu.memory_space<vmem>>
    %dma_start3A_177 = tpu.memref_squeeze %dma_start3A_176 : memref<1x80x128xf32, #tpu.memory_space<vmem>> -> memref<80x128xf32, #tpu.memory_space<vmem>>
    %dma_start3A_178 = arith.constant 0 : i32
    %dma_start3A_179 = arith.constant 0 : i32
    %dma_start3A_180 = tpu.memref_slice %dma_start3A_177[%dma_start3A_178, %dma_start3A_179] : memref<80x128xf32, #tpu.memory_space<vmem>> -> memref<40x128xf32, #tpu.memory_space<vmem>>
    %dma_start3A_181 = arith.constant 0 : i32
    %dma_start3A_182 = tpu.memref_slice %arg6[%dma_start3A_172, %dma_start3A_181] : memref<4x80xi32, #tpu.memory_space<vmem>> -> memref<1x80xi32, #tpu.memory_space<vmem>>
    %dma_start3A_183 = tpu.memref_squeeze %dma_start3A_182 : memref<1x80xi32, #tpu.memory_space<vmem>> -> memref<80xi32, #tpu.memory_space<vmem>>
    %dma_start3A_184 = arith.constant 0 : i32
    %dma_start3A_185 = tpu.memref_slice %dma_start3A_183[%dma_start3A_184] : memref<80xi32, #tpu.memory_space<vmem>> -> memref<40xi32, #tpu.memory_space<vmem>>
    %dma_start3A_186 = arith.constant 0 : i32
    %dma_start3A_187 = arith.constant 0 : i32
    %dma_start3A_188 = tpu.memref_slice %arg2[%dma_start3A_186, %dma_start3A_187] : memref<10240x128xf32, #tpu.memory_space<hbm>> -> memref<10240x128xf32, #tpu.memory_space<hbm>>
    tpu.enqueue_indirect_dma source(%dma_start3A_188 : memref<10240x128xf32, #tpu.memory_space<hbm>>) target(%dma_start3A_180 : memref<40x128xf32, #tpu.memory_space<vmem>>) offsets(%dma_start3A_185 : memref<40xi32, #tpu.memory_space<vmem>>) semaphore(%arg13 : memref<!tpu.dma_semaphore, #tpu.memory_space<semaphore_mem>>)
    %dma_start3A_189 = arith.constant 1 : i32
    %dma_start3A_190 = arith.constant 1 : i32
    %dma_start3A_191 = arith.constant 0 : i32
    %dma_start3A_192 = arith.constant 0 : i32
    %dma_start3A_193 = tpu.memref_slice %arg8[%dma_start3A_190, %dma_start3A_191, %dma_start3A_192] : memref<4x80x128xf32, #tpu.memory_space<vmem>> -> memref<1x80x128xf32, #tpu.memory_space<vmem>>
    %dma_start3A_194 = tpu.memref_squeeze %dma_start3A_193 : memref<1x80x128xf32, #tpu.memory_space<vmem>> -> memref<80x128xf32, #tpu.memory_space<vmem>>
    %dma_start3A_195 = arith.constant 40 : i32
    %dma_start3A_196 = arith.constant 0 : i32
    %dma_start3A_197 = tpu.memref_slice %dma_start3A_194[%dma_start3A_195, %dma_start3A_196] : memref<80x128xf32, #tpu.memory_space<vmem>> -> memref<40x128xf32, #tpu.memory_space<vmem>>
    %dma_start3A_198 = arith.constant 0 : i32
    %dma_start3A_199 = tpu.memref_slice %arg6[%dma_start3A_189, %dma_start3A_198] : memref<4x80xi32, #tpu.memory_space<vmem>> -> memref<1x80xi32, #tpu.memory_space<vmem>>
    %dma_start3A_200 = tpu.memref_squeeze %dma_start3A_199 : memref<1x80xi32, #tpu.memory_space<vmem>> -> memref<80xi32, #tpu.memory_space<vmem>>
    %dma_start3A_201 = arith.constant 40 : i32
    %dma_start3A_202 = tpu.memref_slice %dma_start3A_200[%dma_start3A_201] : memref<80xi32, #tpu.memory_space<vmem>> -> memref<40xi32, #tpu.memory_space<vmem>>
    %dma_start3A_203 = arith.constant 0 : i32
    %dma_start3A_204 = arith.constant 0 : i32
    %dma_start3A_205 = tpu.memref_slice %arg2[%dma_start3A_203, %dma_start3A_204] : memref<10240x128xf32, #tpu.memory_space<hbm>> -> memref<10240x128xf32, #tpu.memory_space<hbm>>
    tpu.enqueue_indirect_dma source(%dma_start3A_205 : memref<10240x128xf32, #tpu.memory_space<hbm>>) target(%dma_start3A_197 : memref<40x128xf32, #tpu.memory_space<vmem>>) offsets(%dma_start3A_202 : memref<40xi32, #tpu.memory_space<vmem>>) semaphore(%arg13 : memref<!tpu.dma_semaphore, #tpu.memory_space<semaphore_mem>>)
    %dma_wait3A_206 = arith.constant 2 : i32
    %dma_wait3A_207 = arith.constant 0 : i32
    %dma_wait3A_208 = tpu.memref_slice %arg6[%dma_wait3A_206, %dma_wait3A_207] : memref<4x80xi32, #tpu.memory_space<vmem>> -> memref<1x80xi32, #tpu.memory_space<vmem>>
    %dma_wait3A_209 = tpu.memref_squeeze %dma_wait3A_208 : memref<1x80xi32, #tpu.memory_space<vmem>> -> memref<80xi32, #tpu.memory_space<vmem>>
    %dma_wait3A_210 = arith.constant 0 : i32
    %dma_wait3A_211 = tpu.memref_slice %arg3[%dma_wait3A_210] : memref<320000xi32, #tpu.memory_space<hbm>> -> memref<80xi32, #tpu.memory_space<hbm>>
    %dma_wait3A_212 = arith.constant 0 : i32
    %dma_wait3A_213 = tpu.memref_slice %arg6[%dma_wait3A_206, %dma_wait3A_212] : memref<4x80xi32, #tpu.memory_space<vmem>> -> memref<1x80xi32, #tpu.memory_space<vmem>>
    %dma_wait3A_214 = tpu.memref_squeeze %dma_wait3A_213 : memref<1x80xi32, #tpu.memory_space<vmem>> -> memref<80xi32, #tpu.memory_space<vmem>>
    %dma_wait3A_215 = arith.constant 0 : i32
    %dma_wait3A_216 = tpu.memref_slice %arg3[%dma_wait3A_215] : memref<320000xi32, #tpu.memory_space<hbm>> -> memref<80xi32, #tpu.memory_space<hbm>>
    tpu.wait_dma2 semaphore(%arg11 : memref<!tpu.dma_semaphore, #tpu.memory_space<semaphore_mem>>) src(%dma_wait3A_216 : memref<80xi32, #tpu.memory_space<hbm>>) dst(%dma_wait3A_214 : memref<80xi32, #tpu.memory_space<vmem>>)
    %dma_start3A_217 = arith.constant 2 : i32
    %dma_start3A_218 = arith.constant 2 : i32
    %dma_start3A_219 = arith.constant 0 : i32
    %dma_start3A_220 = arith.constant 0 : i32
    %dma_start3A_221 = tpu.memref_slice %arg8[%dma_start3A_218, %dma_start3A_219, %dma_start3A_220] : memref<4x80x128xf32, #tpu.memory_space<vmem>> -> memref<1x80x128xf32, #tpu.memory_space<vmem>>
    %dma_start3A_222 = tpu.memref_squeeze %dma_start3A_221 : memref<1x80x128xf32, #tpu.memory_space<vmem>> -> memref<80x128xf32, #tpu.memory_space<vmem>>
    %dma_start3A_223 = arith.constant 0 : i32
    %dma_start3A_224 = arith.constant 0 : i32
    %dma_start3A_225 = tpu.memref_slice %dma_start3A_222[%dma_start3A_223, %dma_start3A_224] : memref<80x128xf32, #tpu.memory_space<vmem>> -> memref<40x128xf32, #tpu.memory_space<vmem>>
    %dma_start3A_226 = arith.constant 0 : i32
    %dma_start3A_227 = tpu.memref_slice %arg6[%dma_start3A_217, %dma_start3A_226] : memref<4x80xi32, #tpu.memory_space<vmem>> -> memref<1x80xi32, #tpu.memory_space<vmem>>
    %dma_start3A_228 = tpu.memref_squeeze %dma_start3A_227 : memref<1x80xi32, #tpu.memory_space<vmem>> -> memref<80xi32, #tpu.memory_space<vmem>>
    %dma_start3A_229 = arith.constant 0 : i32
    %dma_start3A_230 = tpu.memref_slice %dma_start3A_228[%dma_start3A_229] : memref<80xi32, #tpu.memory_space<vmem>> -> memref<40xi32, #tpu.memory_space<vmem>>
    %dma_start3A_231 = arith.constant 0 : i32
    %dma_start3A_232 = arith.constant 0 : i32
    %dma_start3A_233 = tpu.memref_slice %arg2[%dma_start3A_231, %dma_start3A_232] : memref<10240x128xf32, #tpu.memory_space<hbm>> -> memref<10240x128xf32, #tpu.memory_space<hbm>>
    tpu.enqueue_indirect_dma source(%dma_start3A_233 : memref<10240x128xf32, #tpu.memory_space<hbm>>) target(%dma_start3A_225 : memref<40x128xf32, #tpu.memory_space<vmem>>) offsets(%dma_start3A_230 : memref<40xi32, #tpu.memory_space<vmem>>) semaphore(%arg13 : memref<!tpu.dma_semaphore, #tpu.memory_space<semaphore_mem>>)
    %dma_start3A_234 = arith.constant 2 : i32
    %dma_start3A_235 = arith.constant 2 : i32
    %dma_start3A_236 = arith.constant 0 : i32
    %dma_start3A_237 = arith.constant 0 : i32
    %dma_start3A_238 = tpu.memref_slice %arg8[%dma_start3A_235, %dma_start3A_236, %dma_start3A_237] : memref<4x80x128xf32, #tpu.memory_space<vmem>> -> memref<1x80x128xf32, #tpu.memory_space<vmem>>
    %dma_start3A_239 = tpu.memref_squeeze %dma_start3A_238 : memref<1x80x128xf32, #tpu.memory_space<vmem>> -> memref<80x128xf32, #tpu.memory_space<vmem>>
    %dma_start3A_240 = arith.constant 40 : i32
    %dma_start3A_241 = arith.constant 0 : i32
    %dma_start3A_242 = tpu.memref_slice %dma_start3A_239[%dma_start3A_240, %dma_start3A_241] : memref<80x128xf32, #tpu.memory_space<vmem>> -> memref<40x128xf32, #tpu.memory_space<vmem>>
    %dma_start3A_243 = arith.constant 0 : i32
    %dma_start3A_244 = tpu.memref_slice %arg6[%dma_start3A_234, %dma_start3A_243] : memref<4x80xi32, #tpu.memory_space<vmem>> -> memref<1x80xi32, #tpu.memory_space<vmem>>
    %dma_start3A_245 = tpu.memref_squeeze %dma_start3A_244 : memref<1x80xi32, #tpu.memory_space<vmem>> -> memref<80xi32, #tpu.memory_space<vmem>>
    %dma_start3A_246 = arith.constant 40 : i32
    %dma_start3A_247 = tpu.memref_slice %dma_start3A_245[%dma_start3A_246] : memref<80xi32, #tpu.memory_space<vmem>> -> memref<40xi32, #tpu.memory_space<vmem>>
    %dma_start3A_248 = arith.constant 0 : i32
    %dma_start3A_249 = arith.constant 0 : i32
    %dma_start3A_250 = tpu.memref_slice %arg2[%dma_start3A_248, %dma_start3A_249] : memref<10240x128xf32, #tpu.memory_space<hbm>> -> memref<10240x128xf32, #tpu.memory_space<hbm>>
    tpu.enqueue_indirect_dma source(%dma_start3A_250 : memref<10240x128xf32, #tpu.memory_space<hbm>>) target(%dma_start3A_242 : memref<40x128xf32, #tpu.memory_space<vmem>>) offsets(%dma_start3A_247 : memref<40xi32, #tpu.memory_space<vmem>>) semaphore(%arg13 : memref<!tpu.dma_semaphore, #tpu.memory_space<semaphore_mem>>)
    %dma_wait3A_251 = arith.constant 0 : i32
    %dma_wait3A_252 = arith.constant 0 : i32
    %dma_wait3A_253 = arith.constant 0 : i32
    %dma_wait3A_254 = arith.constant 0 : i32
    %dma_wait3A_255 = tpu.memref_slice %arg8[%dma_wait3A_252, %dma_wait3A_253, %dma_wait3A_254] : memref<4x80x128xf32, #tpu.memory_space<vmem>> -> memref<1x80x128xf32, #tpu.memory_space<vmem>>
    %dma_wait3A_256 = tpu.memref_squeeze %dma_wait3A_255 : memref<1x80x128xf32, #tpu.memory_space<vmem>> -> memref<80x128xf32, #tpu.memory_space<vmem>>
    %dma_wait3A_257 = arith.constant 0 : i32
    %dma_wait3A_258 = arith.constant 0 : i32
    %dma_wait3A_259 = tpu.memref_slice %dma_wait3A_256[%dma_wait3A_257, %dma_wait3A_258] : memref<80x128xf32, #tpu.memory_space<vmem>> -> memref<40x128xf32, #tpu.memory_space<vmem>>
    %dma_wait3A_260 = arith.constant 0 : i32
    %dma_wait3A_261 = tpu.memref_slice %arg6[%dma_wait3A_251, %dma_wait3A_260] : memref<4x80xi32, #tpu.memory_space<vmem>> -> memref<1x80xi32, #tpu.memory_space<vmem>>
    %dma_wait3A_262 = tpu.memref_squeeze %dma_wait3A_261 : memref<1x80xi32, #tpu.memory_space<vmem>> -> memref<80xi32, #tpu.memory_space<vmem>>
    %dma_wait3A_263 = arith.constant 0 : i32
    %dma_wait3A_264 = tpu.memref_slice %dma_wait3A_262[%dma_wait3A_263] : memref<80xi32, #tpu.memory_space<vmem>> -> memref<40xi32, #tpu.memory_space<vmem>>
    %dma_wait3A_265 = arith.constant 0 : i32
    %dma_wait3A_266 = arith.constant 0 : i32
    %dma_wait3A_267 = tpu.memref_slice %arg2[%dma_wait3A_265, %dma_wait3A_266] : memref<10240x128xf32, #tpu.memory_space<hbm>> -> memref<10240x128xf32, #tpu.memory_space<hbm>>
    tpu.wait_indirect_dma semaphore(%arg13 : memref<!tpu.dma_semaphore, #tpu.memory_space<semaphore_mem>>) src(%dma_wait3A_267 : memref<10240x128xf32, #tpu.memory_space<hbm>>) dst(%dma_wait3A_259 : memref<40x128xf32, #tpu.memory_space<vmem>>)
    %dma_wait3A_268 = arith.constant 0 : i32
    %dma_wait3A_269 = arith.constant 0 : i32
    %dma_wait3A_270 = arith.constant 0 : i32
    %dma_wait3A_271 = arith.constant 0 : i32
    %dma_wait3A_272 = tpu.memref_slice %arg8[%dma_wait3A_269, %dma_wait3A_270, %dma_wait3A_271] : memref<4x80x128xf32, #tpu.memory_space<vmem>> -> memref<1x80x128xf32, #tpu.memory_space<vmem>>
    %dma_wait3A_273 = tpu.memref_squeeze %dma_wait3A_272 : memref<1x80x128xf32, #tpu.memory_space<vmem>> -> memref<80x128xf32, #tpu.memory_space<vmem>>
    %dma_wait3A_274 = arith.constant 40 : i32
    %dma_wait3A_275 = arith.constant 0 : i32
    %dma_wait3A_276 = tpu.memref_slice %dma_wait3A_273[%dma_wait3A_274, %dma_wait3A_275] : memref<80x128xf32, #tpu.memory_space<vmem>> -> memref<40x128xf32, #tpu.memory_space<vmem>>
    %dma_wait3A_277 = arith.constant 0 : i32
    %dma_wait3A_278 = tpu.memref_slice %arg6[%dma_wait3A_268, %dma_wait3A_277] : memref<4x80xi32, #tpu.memory_space<vmem>> -> memref<1x80xi32, #tpu.memory_space<vmem>>
    %dma_wait3A_279 = tpu.memref_squeeze %dma_wait3A_278 : memref<1x80xi32, #tpu.memory_space<vmem>> -> memref<80xi32, #tpu.memory_space<vmem>>
    %dma_wait3A_280 = arith.constant 0 : i32
    %dma_wait3A_281 = tpu.memref_slice %dma_wait3A_279[%dma_wait3A_280] : memref<80xi32, #tpu.memory_space<vmem>> -> memref<40xi32, #tpu.memory_space<vmem>>
    %dma_wait3A_282 = arith.constant 0 : i32
    %dma_wait3A_283 = arith.constant 0 : i32
    %dma_wait3A_284 = tpu.memref_slice %arg2[%dma_wait3A_282, %dma_wait3A_283] : memref<10240x128xf32, #tpu.memory_space<hbm>> -> memref<10240x128xf32, #tpu.memory_space<hbm>>
    tpu.wait_indirect_dma semaphore(%arg13 : memref<!tpu.dma_semaphore, #tpu.memory_space<semaphore_mem>>) src(%dma_wait3A_284 : memref<10240x128xf32, #tpu.memory_space<hbm>>) dst(%dma_wait3A_276 : memref<40x128xf32, #tpu.memory_space<vmem>>)
    %dma_wait3A_285 = arith.constant 0 : i32
    %dma_wait3A_286 = arith.constant 0 : i32
    %dma_wait3A_287 = tpu.memref_slice %arg7[%dma_wait3A_285, %dma_wait3A_286] : memref<4x80xi32, #tpu.memory_space<vmem>> -> memref<1x80xi32, #tpu.memory_space<vmem>>
    %dma_wait3A_288 = tpu.memref_squeeze %dma_wait3A_287 : memref<1x80xi32, #tpu.memory_space<vmem>> -> memref<80xi32, #tpu.memory_space<vmem>>
    %dma_wait3A_289 = arith.constant 0 : i32
    %dma_wait3A_290 = tpu.memref_slice %arg4[%dma_wait3A_289] : memref<320000xi32, #tpu.memory_space<hbm>> -> memref<80xi32, #tpu.memory_space<hbm>>
    %dma_wait3A_291 = arith.constant 0 : i32
    %dma_wait3A_292 = tpu.memref_slice %arg7[%dma_wait3A_285, %dma_wait3A_291] : memref<4x80xi32, #tpu.memory_space<vmem>> -> memref<1x80xi32, #tpu.memory_space<vmem>>
    %dma_wait3A_293 = tpu.memref_squeeze %dma_wait3A_292 : memref<1x80xi32, #tpu.memory_space<vmem>> -> memref<80xi32, #tpu.memory_space<vmem>>
    %dma_wait3A_294 = arith.constant 0 : i32
    %dma_wait3A_295 = tpu.memref_slice %arg4[%dma_wait3A_294] : memref<320000xi32, #tpu.memory_space<hbm>> -> memref<80xi32, #tpu.memory_space<hbm>>
    tpu.wait_dma2 semaphore(%arg12 : memref<!tpu.dma_semaphore, #tpu.memory_space<semaphore_mem>>) src(%dma_wait3A_295 : memref<80xi32, #tpu.memory_space<hbm>>) dst(%dma_wait3A_293 : memref<80xi32, #tpu.memory_space<vmem>>)
    %dma_start3A_296 = arith.constant 0 : i32
    %dma_start3A_297 = arith.constant 0 : i32
    %dma_start3A_298 = arith.constant 0 : i32
    %dma_start3A_299 = arith.constant 0 : i32
    %dma_start3A_300 = tpu.memref_slice %arg8[%dma_start3A_296, %dma_start3A_298, %dma_start3A_299] : memref<4x80x128xf32, #tpu.memory_space<vmem>> -> memref<1x80x128xf32, #tpu.memory_space<vmem>>
    %dma_start3A_301 = tpu.memref_squeeze %dma_start3A_300 : memref<1x80x128xf32, #tpu.memory_space<vmem>> -> memref<80x128xf32, #tpu.memory_space<vmem>>
    %dma_start3A_302 = arith.constant 0 : i32
    %dma_start3A_303 = tpu.memref_slice %arg7[%dma_start3A_297, %dma_start3A_302] : memref<4x80xi32, #tpu.memory_space<vmem>> -> memref<1x80xi32, #tpu.memory_space<vmem>>
    %dma_start3A_304 = tpu.memref_squeeze %dma_start3A_303 : memref<1x80xi32, #tpu.memory_space<vmem>> -> memref<80xi32, #tpu.memory_space<vmem>>
    %dma_start3A_305 = arith.constant 0 : i32
    %dma_start3A_306 = arith.constant 0 : i32
    %dma_start3A_307 = tpu.memref_slice %arg10[%dma_start3A_305, %dma_start3A_306] : memref<10240x128xf32, #tpu.memory_space<vmem_shared>> -> memref<10240x128xf32, #tpu.memory_space<vmem_shared>>
    tpu.enqueue_indirect_dma source(%dma_start3A_301 : memref<80x128xf32, #tpu.memory_space<vmem>>) target(%dma_start3A_307 : memref<10240x128xf32, #tpu.memory_space<vmem_shared>>) offsets(%dma_start3A_304 : memref<80xi32, #tpu.memory_space<vmem>>) semaphore(%arg14 : memref<!tpu.dma_semaphore, #tpu.memory_space<semaphore_mem>>) {add = true}
    %dma_wait3A_308 = arith.constant 3 : i32
    %dma_wait3A_309 = arith.constant 0 : i32
    %dma_wait3A_310 = tpu.memref_slice %arg6[%dma_wait3A_308, %dma_wait3A_309] : memref<4x80xi32, #tpu.memory_space<vmem>> -> memref<1x80xi32, #tpu.memory_space<vmem>>
    %dma_wait3A_311 = tpu.memref_squeeze %dma_wait3A_310 : memref<1x80xi32, #tpu.memory_space<vmem>> -> memref<80xi32, #tpu.memory_space<vmem>>
    %dma_wait3A_312 = arith.constant 0 : i32
    %dma_wait3A_313 = tpu.memref_slice %arg3[%dma_wait3A_312] : memref<320000xi32, #tpu.memory_space<hbm>> -> memref<80xi32, #tpu.memory_space<hbm>>
    %dma_wait3A_314 = arith.constant 0 : i32
    %dma_wait3A_315 = tpu.memref_slice %arg6[%dma_wait3A_308, %dma_wait3A_314] : memref<4x80xi32, #tpu.memory_space<vmem>> -> memref<1x80xi32, #tpu.memory_space<vmem>>
    %dma_wait3A_316 = tpu.memref_squeeze %dma_wait3A_315 : memref<1x80xi32, #tpu.memory_space<vmem>> -> memref<80xi32, #tpu.memory_space<vmem>>
    %dma_wait3A_317 = arith.constant 0 : i32
    %dma_wait3A_318 = tpu.memref_slice %arg3[%dma_wait3A_317] : memref<320000xi32, #tpu.memory_space<hbm>> -> memref<80xi32, #tpu.memory_space<hbm>>
    tpu.wait_dma2 semaphore(%arg11 : memref<!tpu.dma_semaphore, #tpu.memory_space<semaphore_mem>>) src(%dma_wait3A_318 : memref<80xi32, #tpu.memory_space<hbm>>) dst(%dma_wait3A_316 : memref<80xi32, #tpu.memory_space<vmem>>)
    %dma_start3A_319 = arith.constant 3 : i32
    %dma_start3A_320 = arith.constant 3 : i32
    %dma_start3A_321 = arith.constant 0 : i32
    %dma_start3A_322 = arith.constant 0 : i32
    %dma_start3A_323 = tpu.memref_slice %arg8[%dma_start3A_320, %dma_start3A_321, %dma_start3A_322] : memref<4x80x128xf32, #tpu.memory_space<vmem>> -> memref<1x80x128xf32, #tpu.memory_space<vmem>>
    %dma_start3A_324 = tpu.memref_squeeze %dma_start3A_323 : memref<1x80x128xf32, #tpu.memory_space<vmem>> -> memref<80x128xf32, #tpu.memory_space<vmem>>
    %dma_start3A_325 = arith.constant 0 : i32
    %dma_start3A_326 = arith.constant 0 : i32
    %dma_start3A_327 = tpu.memref_slice %dma_start3A_324[%dma_start3A_325, %dma_start3A_326] : memref<80x128xf32, #tpu.memory_space<vmem>> -> memref<40x128xf32, #tpu.memory_space<vmem>>
    %dma_start3A_328 = arith.constant 0 : i32
    %dma_start3A_329 = tpu.memref_slice %arg6[%dma_start3A_319, %dma_start3A_328] : memref<4x80xi32, #tpu.memory_space<vmem>> -> memref<1x80xi32, #tpu.memory_space<vmem>>
    %dma_start3A_330 = tpu.memref_squeeze %dma_start3A_329 : memref<1x80xi32, #tpu.memory_space<vmem>> -> memref<80xi32, #tpu.memory_space<vmem>>
    %dma_start3A_331 = arith.constant 0 : i32
    %dma_start3A_332 = tpu.memref_slice %dma_start3A_330[%dma_start3A_331] : memref<80xi32, #tpu.memory_space<vmem>> -> memref<40xi32, #tpu.memory_space<vmem>>
    %dma_start3A_333 = arith.constant 0 : i32
    %dma_start3A_334 = arith.constant 0 : i32
    %dma_start3A_335 = tpu.memref_slice %arg2[%dma_start3A_333, %dma_start3A_334] : memref<10240x128xf32, #tpu.memory_space<hbm>> -> memref<10240x128xf32, #tpu.memory_space<hbm>>
    tpu.enqueue_indirect_dma source(%dma_start3A_335 : memref<10240x128xf32, #tpu.memory_space<hbm>>) target(%dma_start3A_327 : memref<40x128xf32, #tpu.memory_space<vmem>>) offsets(%dma_start3A_332 : memref<40xi32, #tpu.memory_space<vmem>>) semaphore(%arg13 : memref<!tpu.dma_semaphore, #tpu.memory_space<semaphore_mem>>)
    %dma_start3A_336 = arith.constant 3 : i32
    %dma_start3A_337 = arith.constant 3 : i32
    %dma_start3A_338 = arith.constant 0 : i32
    %dma_start3A_339 = arith.constant 0 : i32
    %dma_start3A_340 = tpu.memref_slice %arg8[%dma_start3A_337, %dma_start3A_338, %dma_start3A_339] : memref<4x80x128xf32, #tpu.memory_space<vmem>> -> memref<1x80x128xf32, #tpu.memory_space<vmem>>
    %dma_start3A_341 = tpu.memref_squeeze %dma_start3A_340 : memref<1x80x128xf32, #tpu.memory_space<vmem>> -> memref<80x128xf32, #tpu.memory_space<vmem>>
    %dma_start3A_342 = arith.constant 40 : i32
    %dma_start3A_343 = arith.constant 0 : i32
    %dma_start3A_344 = tpu.memref_slice %dma_start3A_341[%dma_start3A_342, %dma_start3A_343] : memref<80x128xf32, #tpu.memory_space<vmem>> -> memref<40x128xf32, #tpu.memory_space<vmem>>
    %dma_start3A_345 = arith.constant 0 : i32
    %dma_start3A_346 = tpu.memref_slice %arg6[%dma_start3A_336, %dma_start3A_345] : memref<4x80xi32, #tpu.memory_space<vmem>> -> memref<1x80xi32, #tpu.memory_space<vmem>>
    %dma_start3A_347 = tpu.memref_squeeze %dma_start3A_346 : memref<1x80xi32, #tpu.memory_space<vmem>> -> memref<80xi32, #tpu.memory_space<vmem>>
    %dma_start3A_348 = arith.constant 40 : i32
    %dma_start3A_349 = tpu.memref_slice %dma_start3A_347[%dma_start3A_348] : memref<80xi32, #tpu.memory_space<vmem>> -> memref<40xi32, #tpu.memory_space<vmem>>
    %dma_start3A_350 = arith.constant 0 : i32
    %dma_start3A_351 = arith.constant 0 : i32
    %dma_start3A_352 = tpu.memref_slice %arg2[%dma_start3A_350, %dma_start3A_351] : memref<10240x128xf32, #tpu.memory_space<hbm>> -> memref<10240x128xf32, #tpu.memory_space<hbm>>
    tpu.enqueue_indirect_dma source(%dma_start3A_352 : memref<10240x128xf32, #tpu.memory_space<hbm>>) target(%dma_start3A_344 : memref<40x128xf32, #tpu.memory_space<vmem>>) offsets(%dma_start3A_349 : memref<40xi32, #tpu.memory_space<vmem>>) semaphore(%arg13 : memref<!tpu.dma_semaphore, #tpu.memory_space<semaphore_mem>>)
    %mul3A_353 = arith.constant 4 : i32
    %mul3A_354 = arith.constant 80 : i32
    %mul3A_355 = arith.muli %mul3A_353, %mul3A_354 : i32
    %add3A_356 = arith.addi %mul3A_13, %mul3A_355 : i32
    %dma_start3A_357 = arith.constant 0 : i32
    %dma_start3A_358 = arith.constant 0 : i32
    %dma_start3A_359 = tpu.memref_slice %arg6[%dma_start3A_357, %dma_start3A_358] : memref<4x80xi32, #tpu.memory_space<vmem>> -> memref<1x80xi32, #tpu.memory_space<vmem>>
    %dma_start3A_360 = tpu.memref_squeeze %dma_start3A_359 : memref<1x80xi32, #tpu.memory_space<vmem>> -> memref<80xi32, #tpu.memory_space<vmem>>
    %dma_start3A_361 = tpu.memref_slice %arg3[%add3A_356] : memref<320000xi32, #tpu.memory_space<hbm>> -> memref<80xi32, #tpu.memory_space<hbm>>
    %dma_start3A_362 = arith.constant 0 : i32
    %dma_start3A_363 = tpu.memref_slice %arg6[%dma_start3A_357, %dma_start3A_362] : memref<4x80xi32, #tpu.memory_space<vmem>> -> memref<1x80xi32, #tpu.memory_space<vmem>>
    %dma_start3A_364 = tpu.memref_squeeze %dma_start3A_363 : memref<1x80xi32, #tpu.memory_space<vmem>> -> memref<80xi32, #tpu.memory_space<vmem>>
    %dma_start3A_365 = tpu.memref_slice %arg3[%add3A_356] : memref<320000xi32, #tpu.memory_space<hbm>> -> memref<80xi32, #tpu.memory_space<hbm>>
    tpu.enqueue_dma source(%dma_start3A_365 : memref<80xi32, #tpu.memory_space<hbm>>) target(%dma_start3A_364 : memref<80xi32, #tpu.memory_space<vmem>>) target_semaphore(%arg11 : memref<!tpu.dma_semaphore, #tpu.memory_space<semaphore_mem>>)
    %scan3A_366 = arith.constant 0 : i32
    %scan3A_367 = arith.constant 0 : i32
    %scan3A_368 = arith.constant 31 : i32
    %scan3A_369 = arith.addi %scan3A_367, %scan3A_368 : i32
    %scan3A_370 = arith.constant 1 : i32
    scf.for %scan3A_389 = %scan3A_367 to %scan3A_369 step %scan3A_370  : i32 {
      %mul3A_390 = arith.constant 4 : i32
      %mul3A_391 = arith.muli %scan3A_389, %mul3A_390 : i32
      %add3A_392 = arith.constant 1 : i32
      %add3A_393 = arith.addi %add3A_392, %mul3A_391 : i32
      %add3A_394 = arith.constant 0 : i32
      %add3A_395 = arith.addi %add3A_393, %add3A_394 : i32
      %dma_wait3A_396 = arith.constant 1 : i32
      %dma_wait3A_397 = arith.constant 1 : i32
      %dma_wait3A_398 = arith.constant 0 : i32
      %dma_wait3A_399 = arith.constant 0 : i32
      %dma_wait3A_400 = tpu.memref_slice %arg8[%dma_wait3A_397, %dma_wait3A_398, %dma_wait3A_399] : memref<4x80x128xf32, #tpu.memory_space<vmem>> -> memref<1x80x128xf32, #tpu.memory_space<vmem>>
      %dma_wait3A_401 = tpu.memref_squeeze %dma_wait3A_400 : memref<1x80x128xf32, #tpu.memory_space<vmem>> -> memref<80x128xf32, #tpu.memory_space<vmem>>
      %dma_wait3A_402 = arith.constant 0 : i32
      %dma_wait3A_403 = arith.constant 0 : i32
      %dma_wait3A_404 = tpu.memref_slice %dma_wait3A_401[%dma_wait3A_402, %dma_wait3A_403] : memref<80x128xf32, #tpu.memory_space<vmem>> -> memref<40x128xf32, #tpu.memory_space<vmem>>
      %dma_wait3A_405 = arith.constant 0 : i32
      %dma_wait3A_406 = tpu.memref_slice %arg6[%dma_wait3A_396, %dma_wait3A_405] : memref<4x80xi32, #tpu.memory_space<vmem>> -> memref<1x80xi32, #tpu.memory_space<vmem>>
      %dma_wait3A_407 = tpu.memref_squeeze %dma_wait3A_406 : memref<1x80xi32, #tpu.memory_space<vmem>> -> memref<80xi32, #tpu.memory_space<vmem>>
      %dma_wait3A_408 = arith.constant 0 : i32
      %dma_wait3A_409 = tpu.memref_slice %dma_wait3A_407[%dma_wait3A_408] : memref<80xi32, #tpu.memory_space<vmem>> -> memref<40xi32, #tpu.memory_space<vmem>>
      %dma_wait3A_410 = arith.constant 0 : i32
      %dma_wait3A_411 = arith.constant 0 : i32
      %dma_wait3A_412 = tpu.memref_slice %arg2[%dma_wait3A_410, %dma_wait3A_411] : memref<10240x128xf32, #tpu.memory_space<hbm>> -> memref<10240x128xf32, #tpu.memory_space<hbm>>
      tpu.wait_indirect_dma semaphore(%arg13 : memref<!tpu.dma_semaphore, #tpu.memory_space<semaphore_mem>>) src(%dma_wait3A_412 : memref<10240x128xf32, #tpu.memory_space<hbm>>) dst(%dma_wait3A_404 : memref<40x128xf32, #tpu.memory_space<vmem>>)
      %dma_wait3A_413 = arith.constant 1 : i32
      %dma_wait3A_414 = arith.constant 1 : i32
      %dma_wait3A_415 = arith.constant 0 : i32
      %dma_wait3A_416 = arith.constant 0 : i32
      %dma_wait3A_417 = tpu.memref_slice %arg8[%dma_wait3A_414, %dma_wait3A_415, %dma_wait3A_416] : memref<4x80x128xf32, #tpu.memory_space<vmem>> -> memref<1x80x128xf32, #tpu.memory_space<vmem>>
      %dma_wait3A_418 = tpu.memref_squeeze %dma_wait3A_417 : memref<1x80x128xf32, #tpu.memory_space<vmem>> -> memref<80x128xf32, #tpu.memory_space<vmem>>
      %dma_wait3A_419 = arith.constant 40 : i32
      %dma_wait3A_420 = arith.constant 0 : i32
      %dma_wait3A_421 = tpu.memref_slice %dma_wait3A_418[%dma_wait3A_419, %dma_wait3A_420] : memref<80x128xf32, #tpu.memory_space<vmem>> -> memref<40x128xf32, #tpu.memory_space<vmem>>
      %dma_wait3A_422 = arith.constant 0 : i32
      %dma_wait3A_423 = tpu.memref_slice %arg6[%dma_wait3A_413, %dma_wait3A_422] : memref<4x80xi32, #tpu.memory_space<vmem>> -> memref<1x80xi32, #tpu.memory_space<vmem>>
      %dma_wait3A_424 = tpu.memref_squeeze %dma_wait3A_423 : memref<1x80xi32, #tpu.memory_space<vmem>> -> memref<80xi32, #tpu.memory_space<vmem>>
      %dma_wait3A_425 = arith.constant 0 : i32
      %dma_wait3A_426 = tpu.memref_slice %dma_wait3A_424[%dma_wait3A_425] : memref<80xi32, #tpu.memory_space<vmem>> -> memref<40xi32, #tpu.memory_space<vmem>>
      %dma_wait3A_427 = arith.constant 0 : i32
      %dma_wait3A_428 = arith.constant 0 : i32
      %dma_wait3A_429 = tpu.memref_slice %arg2[%dma_wait3A_427, %dma_wait3A_428] : memref<10240x128xf32, #tpu.memory_space<hbm>> -> memref<10240x128xf32, #tpu.memory_space<hbm>>
      tpu.wait_indirect_dma semaphore(%arg13 : memref<!tpu.dma_semaphore, #tpu.memory_space<semaphore_mem>>) src(%dma_wait3A_429 : memref<10240x128xf32, #tpu.memory_space<hbm>>) dst(%dma_wait3A_421 : memref<40x128xf32, #tpu.memory_space<vmem>>)
      %dma_wait3A_430 = arith.constant 1 : i32
      %dma_wait3A_431 = arith.constant 0 : i32
      %dma_wait3A_432 = tpu.memref_slice %arg7[%dma_wait3A_430, %dma_wait3A_431] : memref<4x80xi32, #tpu.memory_space<vmem>> -> memref<1x80xi32, #tpu.memory_space<vmem>>
      %dma_wait3A_433 = tpu.memref_squeeze %dma_wait3A_432 : memref<1x80xi32, #tpu.memory_space<vmem>> -> memref<80xi32, #tpu.memory_space<vmem>>
      %dma_wait3A_434 = arith.constant 0 : i32
      %dma_wait3A_435 = tpu.memref_slice %arg4[%dma_wait3A_434] : memref<320000xi32, #tpu.memory_space<hbm>> -> memref<80xi32, #tpu.memory_space<hbm>>
      %dma_wait3A_436 = arith.constant 0 : i32
      %dma_wait3A_437 = tpu.memref_slice %arg7[%dma_wait3A_430, %dma_wait3A_436] : memref<4x80xi32, #tpu.memory_space<vmem>> -> memref<1x80xi32, #tpu.memory_space<vmem>>
      %dma_wait3A_438 = tpu.memref_squeeze %dma_wait3A_437 : memref<1x80xi32, #tpu.memory_space<vmem>> -> memref<80xi32, #tpu.memory_space<vmem>>
      %dma_wait3A_439 = arith.constant 0 : i32
      %dma_wait3A_440 = tpu.memref_slice %arg4[%dma_wait3A_439] : memref<320000xi32, #tpu.memory_space<hbm>> -> memref<80xi32, #tpu.memory_space<hbm>>
      tpu.wait_dma2 semaphore(%arg12 : memref<!tpu.dma_semaphore, #tpu.memory_space<semaphore_mem>>) src(%dma_wait3A_440 : memref<80xi32, #tpu.memory_space<hbm>>) dst(%dma_wait3A_438 : memref<80xi32, #tpu.memory_space<vmem>>)
      %dma_start3A_441 = arith.constant 1 : i32
      %dma_start3A_442 = arith.constant 1 : i32
      %dma_start3A_443 = arith.constant 0 : i32
      %dma_start3A_444 = arith.constant 0 : i32
      %dma_start3A_445 = tpu.memref_slice %arg8[%dma_start3A_441, %dma_start3A_443, %dma_start3A_444] : memref<4x80x128xf32, #tpu.memory_space<vmem>> -> memref<1x80x128xf32, #tpu.memory_space<vmem>>
      %dma_start3A_446 = tpu.memref_squeeze %dma_start3A_445 : memref<1x80x128xf32, #tpu.memory_space<vmem>> -> memref<80x128xf32, #tpu.memory_space<vmem>>
      %dma_start3A_447 = arith.constant 0 : i32
      %dma_start3A_448 = tpu.memref_slice %arg7[%dma_start3A_442, %dma_start3A_447] : memref<4x80xi32, #tpu.memory_space<vmem>> -> memref<1x80xi32, #tpu.memory_space<vmem>>
      %dma_start3A_449 = tpu.memref_squeeze %dma_start3A_448 : memref<1x80xi32, #tpu.memory_space<vmem>> -> memref<80xi32, #tpu.memory_space<vmem>>
      %dma_start3A_450 = arith.constant 0 : i32
      %dma_start3A_451 = arith.constant 0 : i32
      %dma_start3A_452 = tpu.memref_slice %arg10[%dma_start3A_450, %dma_start3A_451] : memref<10240x128xf32, #tpu.memory_space<vmem_shared>> -> memref<10240x128xf32, #tpu.memory_space<vmem_shared>>
      tpu.enqueue_indirect_dma source(%dma_start3A_446 : memref<80x128xf32, #tpu.memory_space<vmem>>) target(%dma_start3A_452 : memref<10240x128xf32, #tpu.memory_space<vmem_shared>>) offsets(%dma_start3A_449 : memref<80xi32, #tpu.memory_space<vmem>>) semaphore(%arg14 : memref<!tpu.dma_semaphore, #tpu.memory_space<semaphore_mem>>) {add = true}
      %dma_wait3A_453 = arith.constant 0 : i32
      %dma_wait3A_454 = arith.constant 0 : i32
      %dma_wait3A_455 = arith.constant 0 : i32
      %dma_wait3A_456 = arith.constant 0 : i32
      %dma_wait3A_457 = tpu.memref_slice %arg8[%dma_wait3A_453, %dma_wait3A_455, %dma_wait3A_456] : memref<4x80x128xf32, #tpu.memory_space<vmem>> -> memref<1x80x128xf32, #tpu.memory_space<vmem>>
      %dma_wait3A_458 = tpu.memref_squeeze %dma_wait3A_457 : memref<1x80x128xf32, #tpu.memory_space<vmem>> -> memref<80x128xf32, #tpu.memory_space<vmem>>
      %dma_wait3A_459 = arith.constant 0 : i32
      %dma_wait3A_460 = tpu.memref_slice %arg7[%dma_wait3A_454, %dma_wait3A_459] : memref<4x80xi32, #tpu.memory_space<vmem>> -> memref<1x80xi32, #tpu.memory_space<vmem>>
      %dma_wait3A_461 = tpu.memref_squeeze %dma_wait3A_460 : memref<1x80xi32, #tpu.memory_space<vmem>> -> memref<80xi32, #tpu.memory_space<vmem>>
      %dma_wait3A_462 = arith.constant 0 : i32
      %dma_wait3A_463 = arith.constant 0 : i32
      %dma_wait3A_464 = tpu.memref_slice %arg10[%dma_wait3A_462, %dma_wait3A_463] : memref<10240x128xf32, #tpu.memory_space<vmem_shared>> -> memref<10240x128xf32, #tpu.memory_space<vmem_shared>>
      tpu.wait_indirect_dma semaphore(%arg14 : memref<!tpu.dma_semaphore, #tpu.memory_space<semaphore_mem>>) src(%dma_wait3A_458 : memref<80x128xf32, #tpu.memory_space<vmem>>) dst(%dma_wait3A_464 : memref<10240x128xf32, #tpu.memory_space<vmem_shared>>)
      %add3A_465 = arith.constant 3 : i32
      %add3A_466 = arith.addi %add3A_395, %add3A_465 : i32
      %lt3A = arith.constant 125 : i32
      %lt3A_467 = arith.cmpi slt, %add3A_466, %lt3A : i32
      %convert_element_type3A = arith.extui %lt3A_467 : i1 to i32
      %cond3A = arith.constant 0 : i32
      %cond3A_468 = arith.cmpi ne, %convert_element_type3A, %cond3A : i32
      scf.if %cond3A_468 {
        %add3A_743 = arith.constant 3 : i32
        %add3A_744 = arith.addi %add3A_395, %add3A_743 : i32
        %mul3A_745 = arith.constant 80 : i32
        %mul3A_746 = arith.muli %add3A_744, %mul3A_745 : i32
        %add3A_747 = arith.addi %mul3A_13, %mul3A_746 : i32
        %dma_start3A_748 = arith.constant 0 : i32
        %dma_start3A_749 = arith.constant 0 : i32
        %dma_start3A_750 = tpu.memref_slice %arg7[%dma_start3A_748, %dma_start3A_749] : memref<4x80xi32, #tpu.memory_space<vmem>> -> memref<1x80xi32, #tpu.memory_space<vmem>>
        %dma_start3A_751 = tpu.memref_squeeze %dma_start3A_750 : memref<1x80xi32, #tpu.memory_space<vmem>> -> memref<80xi32, #tpu.memory_space<vmem>>
        %dma_start3A_752 = tpu.memref_slice %arg4[%add3A_747] : memref<320000xi32, #tpu.memory_space<hbm>> -> memref<80xi32, #tpu.memory_space<hbm>>
        %dma_start3A_753 = arith.constant 0 : i32
        %dma_start3A_754 = tpu.memref_slice %arg7[%dma_start3A_748, %dma_start3A_753] : memref<4x80xi32, #tpu.memory_space<vmem>> -> memref<1x80xi32, #tpu.memory_space<vmem>>
        %dma_start3A_755 = tpu.memref_squeeze %dma_start3A_754 : memref<1x80xi32, #tpu.memory_space<vmem>> -> memref<80xi32, #tpu.memory_space<vmem>>
        %dma_start3A_756 = tpu.memref_slice %arg4[%add3A_747] : memref<320000xi32, #tpu.memory_space<hbm>> -> memref<80xi32, #tpu.memory_space<hbm>>
        tpu.enqueue_dma source(%dma_start3A_756 : memref<80xi32, #tpu.memory_space<hbm>>) target(%dma_start3A_755 : memref<80xi32, #tpu.memory_space<vmem>>) target_semaphore(%arg12 : memref<!tpu.dma_semaphore, #tpu.memory_space<semaphore_mem>>)
        %dma_wait3A_757 = arith.constant 0 : i32
        %dma_wait3A_758 = arith.constant 0 : i32
        %dma_wait3A_759 = tpu.memref_slice %arg6[%dma_wait3A_757, %dma_wait3A_758] : memref<4x80xi32, #tpu.memory_space<vmem>> -> memref<1x80xi32, #tpu.memory_space<vmem>>
        %dma_wait3A_760 = tpu.memref_squeeze %dma_wait3A_759 : memref<1x80xi32, #tpu.memory_space<vmem>> -> memref<80xi32, #tpu.memory_space<vmem>>
        %dma_wait3A_761 = arith.constant 0 : i32
        %dma_wait3A_762 = tpu.memref_slice %arg3[%dma_wait3A_761] : memref<320000xi32, #tpu.memory_space<hbm>> -> memref<80xi32, #tpu.memory_space<hbm>>
        %dma_wait3A_763 = arith.constant 0 : i32
        %dma_wait3A_764 = tpu.memref_slice %arg6[%dma_wait3A_757, %dma_wait3A_763] : memref<4x80xi32, #tpu.memory_space<vmem>> -> memref<1x80xi32, #tpu.memory_space<vmem>>
        %dma_wait3A_765 = tpu.memref_squeeze %dma_wait3A_764 : memref<1x80xi32, #tpu.memory_space<vmem>> -> memref<80xi32, #tpu.memory_space<vmem>>
        %dma_wait3A_766 = arith.constant 0 : i32
        %dma_wait3A_767 = tpu.memref_slice %arg3[%dma_wait3A_766] : memref<320000xi32, #tpu.memory_space<hbm>> -> memref<80xi32, #tpu.memory_space<hbm>>
        tpu.wait_dma2 semaphore(%arg11 : memref<!tpu.dma_semaphore, #tpu.memory_space<semaphore_mem>>) src(%dma_wait3A_767 : memref<80xi32, #tpu.memory_space<hbm>>) dst(%dma_wait3A_765 : memref<80xi32, #tpu.memory_space<vmem>>)
        %dma_start3A_768 = arith.constant 0 : i32
        %dma_start3A_769 = arith.constant 0 : i32
        %dma_start3A_770 = arith.constant 0 : i32
        %dma_start3A_771 = arith.constant 0 : i32
        %dma_start3A_772 = tpu.memref_slice %arg8[%dma_start3A_769, %dma_start3A_770, %dma_start3A_771] : memref<4x80x128xf32, #tpu.memory_space<vmem>> -> memref<1x80x128xf32, #tpu.memory_space<vmem>>
        %dma_start3A_773 = tpu.memref_squeeze %dma_start3A_772 : memref<1x80x128xf32, #tpu.memory_space<vmem>> -> memref<80x128xf32, #tpu.memory_space<vmem>>
        %dma_start3A_774 = arith.constant 0 : i32
        %dma_start3A_775 = arith.constant 0 : i32
        %dma_start3A_776 = tpu.memref_slice %dma_start3A_773[%dma_start3A_774, %dma_start3A_775] : memref<80x128xf32, #tpu.memory_space<vmem>> -> memref<40x128xf32, #tpu.memory_space<vmem>>
        %dma_start3A_777 = arith.constant 0 : i32
        %dma_start3A_778 = tpu.memref_slice %arg6[%dma_start3A_768, %dma_start3A_777] : memref<4x80xi32, #tpu.memory_space<vmem>> -> memref<1x80xi32, #tpu.memory_space<vmem>>
        %dma_start3A_779 = tpu.memref_squeeze %dma_start3A_778 : memref<1x80xi32, #tpu.memory_space<vmem>> -> memref<80xi32, #tpu.memory_space<vmem>>
        %dma_start3A_780 = arith.constant 0 : i32
        %dma_start3A_781 = tpu.memref_slice %dma_start3A_779[%dma_start3A_780] : memref<80xi32, #tpu.memory_space<vmem>> -> memref<40xi32, #tpu.memory_space<vmem>>
        %dma_start3A_782 = arith.constant 0 : i32
        %dma_start3A_783 = arith.constant 0 : i32
        %dma_start3A_784 = tpu.memref_slice %arg2[%dma_start3A_782, %dma_start3A_783] : memref<10240x128xf32, #tpu.memory_space<hbm>> -> memref<10240x128xf32, #tpu.memory_space<hbm>>
        tpu.enqueue_indirect_dma source(%dma_start3A_784 : memref<10240x128xf32, #tpu.memory_space<hbm>>) target(%dma_start3A_776 : memref<40x128xf32, #tpu.memory_space<vmem>>) offsets(%dma_start3A_781 : memref<40xi32, #tpu.memory_space<vmem>>) semaphore(%arg13 : memref<!tpu.dma_semaphore, #tpu.memory_space<semaphore_mem>>)
        %dma_start3A_785 = arith.constant 0 : i32
        %dma_start3A_786 = arith.constant 0 : i32
        %dma_start3A_787 = arith.constant 0 : i32
        %dma_start3A_788 = arith.constant 0 : i32
        %dma_start3A_789 = tpu.memref_slice %arg8[%dma_start3A_786, %dma_start3A_787, %dma_start3A_788] : memref<4x80x128xf32, #tpu.memory_space<vmem>> -> memref<1x80x128xf32, #tpu.memory_space<vmem>>
        %dma_start3A_790 = tpu.memref_squeeze %dma_start3A_789 : memref<1x80x128xf32, #tpu.memory_space<vmem>> -> memref<80x128xf32, #tpu.memory_space<vmem>>
        %dma_start3A_791 = arith.constant 40 : i32
        %dma_start3A_792 = arith.constant 0 : i32
        %dma_start3A_793 = tpu.memref_slice %dma_start3A_790[%dma_start3A_791, %dma_start3A_792] : memref<80x128xf32, #tpu.memory_space<vmem>> -> memref<40x128xf32, #tpu.memory_space<vmem>>
        %dma_start3A_794 = arith.constant 0 : i32
        %dma_start3A_795 = tpu.memref_slice %arg6[%dma_start3A_785, %dma_start3A_794] : memref<4x80xi32, #tpu.memory_space<vmem>> -> memref<1x80xi32, #tpu.memory_space<vmem>>
        %dma_start3A_796 = tpu.memref_squeeze %dma_start3A_795 : memref<1x80xi32, #tpu.memory_space<vmem>> -> memref<80xi32, #tpu.memory_space<vmem>>
        %dma_start3A_797 = arith.constant 40 : i32
        %dma_start3A_798 = tpu.memref_slice %dma_start3A_796[%dma_start3A_797] : memref<80xi32, #tpu.memory_space<vmem>> -> memref<40xi32, #tpu.memory_space<vmem>>
        %dma_start3A_799 = arith.constant 0 : i32
        %dma_start3A_800 = arith.constant 0 : i32
        %dma_start3A_801 = tpu.memref_slice %arg2[%dma_start3A_799, %dma_start3A_800] : memref<10240x128xf32, #tpu.memory_space<hbm>> -> memref<10240x128xf32, #tpu.memory_space<hbm>>
        tpu.enqueue_indirect_dma source(%dma_start3A_801 : memref<10240x128xf32, #tpu.memory_space<hbm>>) target(%dma_start3A_793 : memref<40x128xf32, #tpu.memory_space<vmem>>) offsets(%dma_start3A_798 : memref<40xi32, #tpu.memory_space<vmem>>) semaphore(%arg13 : memref<!tpu.dma_semaphore, #tpu.memory_space<semaphore_mem>>)
      } else {
      }
      %add3A_469 = arith.constant 4 : i32
      %add3A_470 = arith.addi %add3A_395, %add3A_469 : i32
      %lt3A_471 = arith.constant 125 : i32
      %lt3A_472 = arith.cmpi slt, %add3A_470, %lt3A_471 : i32
      %convert_element_type3A_473 = arith.extui %lt3A_472 : i1 to i32
      %cond3A_474 = arith.constant 0 : i32
      %cond3A_475 = arith.cmpi ne, %convert_element_type3A_473, %cond3A_474 : i32
      scf.if %cond3A_475 {
        %add3A_743 = arith.constant 4 : i32
        %add3A_744 = arith.addi %add3A_395, %add3A_743 : i32
        %mul3A_745 = arith.constant 80 : i32
        %mul3A_746 = arith.muli %add3A_744, %mul3A_745 : i32
        %add3A_747 = arith.addi %mul3A_13, %mul3A_746 : i32
        %dma_start3A_748 = arith.constant 1 : i32
        %dma_start3A_749 = arith.constant 0 : i32
        %dma_start3A_750 = tpu.memref_slice %arg6[%dma_start3A_748, %dma_start3A_749] : memref<4x80xi32, #tpu.memory_space<vmem>> -> memref<1x80xi32, #tpu.memory_space<vmem>>
        %dma_start3A_751 = tpu.memref_squeeze %dma_start3A_750 : memref<1x80xi32, #tpu.memory_space<vmem>> -> memref<80xi32, #tpu.memory_space<vmem>>
        %dma_start3A_752 = tpu.memref_slice %arg3[%add3A_747] : memref<320000xi32, #tpu.memory_space<hbm>> -> memref<80xi32, #tpu.memory_space<hbm>>
        %dma_start3A_753 = arith.constant 0 : i32
        %dma_start3A_754 = tpu.memref_slice %arg6[%dma_start3A_748, %dma_start3A_753] : memref<4x80xi32, #tpu.memory_space<vmem>> -> memref<1x80xi32, #tpu.memory_space<vmem>>
        %dma_start3A_755 = tpu.memref_squeeze %dma_start3A_754 : memref<1x80xi32, #tpu.memory_space<vmem>> -> memref<80xi32, #tpu.memory_space<vmem>>
        %dma_start3A_756 = tpu.memref_slice %arg3[%add3A_747] : memref<320000xi32, #tpu.memory_space<hbm>> -> memref<80xi32, #tpu.memory_space<hbm>>
        tpu.enqueue_dma source(%dma_start3A_756 : memref<80xi32, #tpu.memory_space<hbm>>) target(%dma_start3A_755 : memref<80xi32, #tpu.memory_space<vmem>>) target_semaphore(%arg11 : memref<!tpu.dma_semaphore, #tpu.memory_space<semaphore_mem>>)
      } else {
      }
      %mul3A_476 = arith.constant 4 : i32
      %mul3A_477 = arith.muli %scan3A_389, %mul3A_476 : i32
      %add3A_478 = arith.constant 1 : i32
      %add3A_479 = arith.addi %add3A_478, %mul3A_477 : i32
      %add3A_480 = arith.constant 1 : i32
      %add3A_481 = arith.addi %add3A_479, %add3A_480 : i32
      %dma_wait3A_482 = arith.constant 2 : i32
      %dma_wait3A_483 = arith.constant 2 : i32
      %dma_wait3A_484 = arith.constant 0 : i32
      %dma_wait3A_485 = arith.constant 0 : i32
      %dma_wait3A_486 = tpu.memref_slice %arg8[%dma_wait3A_483, %dma_wait3A_484, %dma_wait3A_485] : memref<4x80x128xf32, #tpu.memory_space<vmem>> -> memref<1x80x128xf32, #tpu.memory_space<vmem>>
      %dma_wait3A_487 = tpu.memref_squeeze %dma_wait3A_486 : memref<1x80x128xf32, #tpu.memory_space<vmem>> -> memref<80x128xf32, #tpu.memory_space<vmem>>
      %dma_wait3A_488 = arith.constant 0 : i32
      %dma_wait3A_489 = arith.constant 0 : i32
      %dma_wait3A_490 = tpu.memref_slice %dma_wait3A_487[%dma_wait3A_488, %dma_wait3A_489] : memref<80x128xf32, #tpu.memory_space<vmem>> -> memref<40x128xf32, #tpu.memory_space<vmem>>
      %dma_wait3A_491 = arith.constant 0 : i32
      %dma_wait3A_492 = tpu.memref_slice %arg6[%dma_wait3A_482, %dma_wait3A_491] : memref<4x80xi32, #tpu.memory_space<vmem>> -> memref<1x80xi32, #tpu.memory_space<vmem>>
      %dma_wait3A_493 = tpu.memref_squeeze %dma_wait3A_492 : memref<1x80xi32, #tpu.memory_space<vmem>> -> memref<80xi32, #tpu.memory_space<vmem>>
      %dma_wait3A_494 = arith.constant 0 : i32
      %dma_wait3A_495 = tpu.memref_slice %dma_wait3A_493[%dma_wait3A_494] : memref<80xi32, #tpu.memory_space<vmem>> -> memref<40xi32, #tpu.memory_space<vmem>>
      %dma_wait3A_496 = arith.constant 0 : i32
      %dma_wait3A_497 = arith.constant 0 : i32
      %dma_wait3A_498 = tpu.memref_slice %arg2[%dma_wait3A_496, %dma_wait3A_497] : memref<10240x128xf32, #tpu.memory_space<hbm>> -> memref<10240x128xf32, #tpu.memory_space<hbm>>
      tpu.wait_indirect_dma semaphore(%arg13 : memref<!tpu.dma_semaphore, #tpu.memory_space<semaphore_mem>>) src(%dma_wait3A_498 : memref<10240x128xf32, #tpu.memory_space<hbm>>) dst(%dma_wait3A_490 : memref<40x128xf32, #tpu.memory_space<vmem>>)
      %dma_wait3A_499 = arith.constant 2 : i32
      %dma_wait3A_500 = arith.constant 2 : i32
      %dma_wait3A_501 = arith.constant 0 : i32
      %dma_wait3A_502 = arith.constant 0 : i32
      %dma_wait3A_503 = tpu.memref_slice %arg8[%dma_wait3A_500, %dma_wait3A_501, %dma_wait3A_502] : memref<4x80x128xf32, #tpu.memory_space<vmem>> -> memref<1x80x128xf32, #tpu.memory_space<vmem>>
      %dma_wait3A_504 = tpu.memref_squeeze %dma_wait3A_503 : memref<1x80x128xf32, #tpu.memory_space<vmem>> -> memref<80x128xf32, #tpu.memory_space<vmem>>
      %dma_wait3A_505 = arith.constant 40 : i32
      %dma_wait3A_506 = arith.constant 0 : i32
      %dma_wait3A_507 = tpu.memref_slice %dma_wait3A_504[%dma_wait3A_505, %dma_wait3A_506] : memref<80x128xf32, #tpu.memory_space<vmem>> -> memref<40x128xf32, #tpu.memory_space<vmem>>
      %dma_wait3A_508 = arith.constant 0 : i32
      %dma_wait3A_509 = tpu.memref_slice %arg6[%dma_wait3A_499, %dma_wait3A_508] : memref<4x80xi32, #tpu.memory_space<vmem>> -> memref<1x80xi32, #tpu.memory_space<vmem>>
      %dma_wait3A_510 = tpu.memref_squeeze %dma_wait3A_509 : memref<1x80xi32, #tpu.memory_space<vmem>> -> memref<80xi32, #tpu.memory_space<vmem>>
      %dma_wait3A_511 = arith.constant 0 : i32
      %dma_wait3A_512 = tpu.memref_slice %dma_wait3A_510[%dma_wait3A_511] : memref<80xi32, #tpu.memory_space<vmem>> -> memref<40xi32, #tpu.memory_space<vmem>>
      %dma_wait3A_513 = arith.constant 0 : i32
      %dma_wait3A_514 = arith.constant 0 : i32
      %dma_wait3A_515 = tpu.memref_slice %arg2[%dma_wait3A_513, %dma_wait3A_514] : memref<10240x128xf32, #tpu.memory_space<hbm>> -> memref<10240x128xf32, #tpu.memory_space<hbm>>
      tpu.wait_indirect_dma semaphore(%arg13 : memref<!tpu.dma_semaphore, #tpu.memory_space<semaphore_mem>>) src(%dma_wait3A_515 : memref<10240x128xf32, #tpu.memory_space<hbm>>) dst(%dma_wait3A_507 : memref<40x128xf32, #tpu.memory_space<vmem>>)
      %dma_wait3A_516 = arith.constant 2 : i32
      %dma_wait3A_517 = arith.constant 0 : i32
      %dma_wait3A_518 = tpu.memref_slice %arg7[%dma_wait3A_516, %dma_wait3A_517] : memref<4x80xi32, #tpu.memory_space<vmem>> -> memref<1x80xi32, #tpu.memory_space<vmem>>
      %dma_wait3A_519 = tpu.memref_squeeze %dma_wait3A_518 : memref<1x80xi32, #tpu.memory_space<vmem>> -> memref<80xi32, #tpu.memory_space<vmem>>
      %dma_wait3A_520 = arith.constant 0 : i32
      %dma_wait3A_521 = tpu.memref_slice %arg4[%dma_wait3A_520] : memref<320000xi32, #tpu.memory_space<hbm>> -> memref<80xi32, #tpu.memory_space<hbm>>
      %dma_wait3A_522 = arith.constant 0 : i32
      %dma_wait3A_523 = tpu.memref_slice %arg7[%dma_wait3A_516, %dma_wait3A_522] : memref<4x80xi32, #tpu.memory_space<vmem>> -> memref<1x80xi32, #tpu.memory_space<vmem>>
      %dma_wait3A_524 = tpu.memref_squeeze %dma_wait3A_523 : memref<1x80xi32, #tpu.memory_space<vmem>> -> memref<80xi32, #tpu.memory_space<vmem>>
      %dma_wait3A_525 = arith.constant 0 : i32
      %dma_wait3A_526 = tpu.memref_slice %arg4[%dma_wait3A_525] : memref<320000xi32, #tpu.memory_space<hbm>> -> memref<80xi32, #tpu.memory_space<hbm>>
      tpu.wait_dma2 semaphore(%arg12 : memref<!tpu.dma_semaphore, #tpu.memory_space<semaphore_mem>>) src(%dma_wait3A_526 : memref<80xi32, #tpu.memory_space<hbm>>) dst(%dma_wait3A_524 : memref<80xi32, #tpu.memory_space<vmem>>)
      %dma_start3A_527 = arith.constant 2 : i32
      %dma_start3A_528 = arith.constant 2 : i32
      %dma_start3A_529 = arith.constant 0 : i32
      %dma_start3A_530 = arith.constant 0 : i32
      %dma_start3A_531 = tpu.memref_slice %arg8[%dma_start3A_527, %dma_start3A_529, %dma_start3A_530] : memref<4x80x128xf32, #tpu.memory_space<vmem>> -> memref<1x80x128xf32, #tpu.memory_space<vmem>>
      %dma_start3A_532 = tpu.memref_squeeze %dma_start3A_531 : memref<1x80x128xf32, #tpu.memory_space<vmem>> -> memref<80x128xf32, #tpu.memory_space<vmem>>
      %dma_start3A_533 = arith.constant 0 : i32
      %dma_start3A_534 = tpu.memref_slice %arg7[%dma_start3A_528, %dma_start3A_533] : memref<4x80xi32, #tpu.memory_space<vmem>> -> memref<1x80xi32, #tpu.memory_space<vmem>>
      %dma_start3A_535 = tpu.memref_squeeze %dma_start3A_534 : memref<1x80xi32, #tpu.memory_space<vmem>> -> memref<80xi32, #tpu.memory_space<vmem>>
      %dma_start3A_536 = arith.constant 0 : i32
      %dma_start3A_537 = arith.constant 0 : i32
      %dma_start3A_538 = tpu.memref_slice %arg10[%dma_start3A_536, %dma_start3A_537] : memref<10240x128xf32, #tpu.memory_space<vmem_shared>> -> memref<10240x128xf32, #tpu.memory_space<vmem_shared>>
      tpu.enqueue_indirect_dma source(%dma_start3A_532 : memref<80x128xf32, #tpu.memory_space<vmem>>) target(%dma_start3A_538 : memref<10240x128xf32, #tpu.memory_space<vmem_shared>>) offsets(%dma_start3A_535 : memref<80xi32, #tpu.memory_space<vmem>>) semaphore(%arg14 : memref<!tpu.dma_semaphore, #tpu.memory_space<semaphore_mem>>) {add = true}
      %dma_wait3A_539 = arith.constant 1 : i32
      %dma_wait3A_540 = arith.constant 1 : i32
      %dma_wait3A_541 = arith.constant 0 : i32
      %dma_wait3A_542 = arith.constant 0 : i32
      %dma_wait3A_543 = tpu.memref_slice %arg8[%dma_wait3A_539, %dma_wait3A_541, %dma_wait3A_542] : memref<4x80x128xf32, #tpu.memory_space<vmem>> -> memref<1x80x128xf32, #tpu.memory_space<vmem>>
      %dma_wait3A_544 = tpu.memref_squeeze %dma_wait3A_543 : memref<1x80x128xf32, #tpu.memory_space<vmem>> -> memref<80x128xf32, #tpu.memory_space<vmem>>
      %dma_wait3A_545 = arith.constant 0 : i32
      %dma_wait3A_546 = tpu.memref_slice %arg7[%dma_wait3A_540, %dma_wait3A_545] : memref<4x80xi32, #tpu.memory_space<vmem>> -> memref<1x80xi32, #tpu.memory_space<vmem>>
      %dma_wait3A_547 = tpu.memref_squeeze %dma_wait3A_546 : memref<1x80xi32, #tpu.memory_space<vmem>> -> memref<80xi32, #tpu.memory_space<vmem>>
      %dma_wait3A_548 = arith.constant 0 : i32
      %dma_wait3A_549 = arith.constant 0 : i32
      %dma_wait3A_550 = tpu.memref_slice %arg10[%dma_wait3A_548, %dma_wait3A_549] : memref<10240x128xf32, #tpu.memory_space<vmem_shared>> -> memref<10240x128xf32, #tpu.memory_space<vmem_shared>>
      tpu.wait_indirect_dma semaphore(%arg14 : memref<!tpu.dma_semaphore, #tpu.memory_space<semaphore_mem>>) src(%dma_wait3A_544 : memref<80x128xf32, #tpu.memory_space<vmem>>) dst(%dma_wait3A_550 : memref<10240x128xf32, #tpu.memory_space<vmem_shared>>)
      %add3A_551 = arith.constant 3 : i32
      %add3A_552 = arith.addi %add3A_481, %add3A_551 : i32
      %lt3A_553 = arith.constant 125 : i32
      %lt3A_554 = arith.cmpi slt, %add3A_552, %lt3A_553 : i32
      %convert_element_type3A_555 = arith.extui %lt3A_554 : i1 to i32
      %cond3A_556 = arith.constant 0 : i32
      %cond3A_557 = arith.cmpi ne, %convert_element_type3A_555, %cond3A_556 : i32
      scf.if %cond3A_557 {
        %add3A_743 = arith.constant 3 : i32
        %add3A_744 = arith.addi %add3A_481, %add3A_743 : i32
        %mul3A_745 = arith.constant 80 : i32
        %mul3A_746 = arith.muli %add3A_744, %mul3A_745 : i32
        %add3A_747 = arith.addi %mul3A_13, %mul3A_746 : i32
        %dma_start3A_748 = arith.constant 1 : i32
        %dma_start3A_749 = arith.constant 0 : i32
        %dma_start3A_750 = tpu.memref_slice %arg7[%dma_start3A_748, %dma_start3A_749] : memref<4x80xi32, #tpu.memory_space<vmem>> -> memref<1x80xi32, #tpu.memory_space<vmem>>
        %dma_start3A_751 = tpu.memref_squeeze %dma_start3A_750 : memref<1x80xi32, #tpu.memory_space<vmem>> -> memref<80xi32, #tpu.memory_space<vmem>>
        %dma_start3A_752 = tpu.memref_slice %arg4[%add3A_747] : memref<320000xi32, #tpu.memory_space<hbm>> -> memref<80xi32, #tpu.memory_space<hbm>>
        %dma_start3A_753 = arith.constant 0 : i32
        %dma_start3A_754 = tpu.memref_slice %arg7[%dma_start3A_748, %dma_start3A_753] : memref<4x80xi32, #tpu.memory_space<vmem>> -> memref<1x80xi32, #tpu.memory_space<vmem>>
        %dma_start3A_755 = tpu.memref_squeeze %dma_start3A_754 : memref<1x80xi32, #tpu.memory_space<vmem>> -> memref<80xi32, #tpu.memory_space<vmem>>
        %dma_start3A_756 = tpu.memref_slice %arg4[%add3A_747] : memref<320000xi32, #tpu.memory_space<hbm>> -> memref<80xi32, #tpu.memory_space<hbm>>
        tpu.enqueue_dma source(%dma_start3A_756 : memref<80xi32, #tpu.memory_space<hbm>>) target(%dma_start3A_755 : memref<80xi32, #tpu.memory_space<vmem>>) target_semaphore(%arg12 : memref<!tpu.dma_semaphore, #tpu.memory_space<semaphore_mem>>)
        %dma_wait3A_757 = arith.constant 1 : i32
        %dma_wait3A_758 = arith.constant 0 : i32
        %dma_wait3A_759 = tpu.memref_slice %arg6[%dma_wait3A_757, %dma_wait3A_758] : memref<4x80xi32, #tpu.memory_space<vmem>> -> memref<1x80xi32, #tpu.memory_space<vmem>>
        %dma_wait3A_760 = tpu.memref_squeeze %dma_wait3A_759 : memref<1x80xi32, #tpu.memory_space<vmem>> -> memref<80xi32, #tpu.memory_space<vmem>>
        %dma_wait3A_761 = arith.constant 0 : i32
        %dma_wait3A_762 = tpu.memref_slice %arg3[%dma_wait3A_761] : memref<320000xi32, #tpu.memory_space<hbm>> -> memref<80xi32, #tpu.memory_space<hbm>>
        %dma_wait3A_763 = arith.constant 0 : i32
        %dma_wait3A_764 = tpu.memref_slice %arg6[%dma_wait3A_757, %dma_wait3A_763] : memref<4x80xi32, #tpu.memory_space<vmem>> -> memref<1x80xi32, #tpu.memory_space<vmem>>
        %dma_wait3A_765 = tpu.memref_squeeze %dma_wait3A_764 : memref<1x80xi32, #tpu.memory_space<vmem>> -> memref<80xi32, #tpu.memory_space<vmem>>
        %dma_wait3A_766 = arith.constant 0 : i32
        %dma_wait3A_767 = tpu.memref_slice %arg3[%dma_wait3A_766] : memref<320000xi32, #tpu.memory_space<hbm>> -> memref<80xi32, #tpu.memory_space<hbm>>
        tpu.wait_dma2 semaphore(%arg11 : memref<!tpu.dma_semaphore, #tpu.memory_space<semaphore_mem>>) src(%dma_wait3A_767 : memref<80xi32, #tpu.memory_space<hbm>>) dst(%dma_wait3A_765 : memref<80xi32, #tpu.memory_space<vmem>>)
        %dma_start3A_768 = arith.constant 1 : i32
        %dma_start3A_769 = arith.constant 1 : i32
        %dma_start3A_770 = arith.constant 0 : i32
        %dma_start3A_771 = arith.constant 0 : i32
        %dma_start3A_772 = tpu.memref_slice %arg8[%dma_start3A_769, %dma_start3A_770, %dma_start3A_771] : memref<4x80x128xf32, #tpu.memory_space<vmem>> -> memref<1x80x128xf32, #tpu.memory_space<vmem>>
        %dma_start3A_773 = tpu.memref_squeeze %dma_start3A_772 : memref<1x80x128xf32, #tpu.memory_space<vmem>> -> memref<80x128xf32, #tpu.memory_space<vmem>>
        %dma_start3A_774 = arith.constant 0 : i32
        %dma_start3A_775 = arith.constant 0 : i32
        %dma_start3A_776 = tpu.memref_slice %dma_start3A_773[%dma_start3A_774, %dma_start3A_775] : memref<80x128xf32, #tpu.memory_space<vmem>> -> memref<40x128xf32, #tpu.memory_space<vmem>>
        %dma_start3A_777 = arith.constant 0 : i32
        %dma_start3A_778 = tpu.memref_slice %arg6[%dma_start3A_768, %dma_start3A_777] : memref<4x80xi32, #tpu.memory_space<vmem>> -> memref<1x80xi32, #tpu.memory_space<vmem>>
        %dma_start3A_779 = tpu.memref_squeeze %dma_start3A_778 : memref<1x80xi32, #tpu.memory_space<vmem>> -> memref<80xi32, #tpu.memory_space<vmem>>
        %dma_start3A_780 = arith.constant 0 : i32
        %dma_start3A_781 = tpu.memref_slice %dma_start3A_779[%dma_start3A_780] : memref<80xi32, #tpu.memory_space<vmem>> -> memref<40xi32, #tpu.memory_space<vmem>>
        %dma_start3A_782 = arith.constant 0 : i32
        %dma_start3A_783 = arith.constant 0 : i32
        %dma_start3A_784 = tpu.memref_slice %arg2[%dma_start3A_782, %dma_start3A_783] : memref<10240x128xf32, #tpu.memory_space<hbm>> -> memref<10240x128xf32, #tpu.memory_space<hbm>>
        tpu.enqueue_indirect_dma source(%dma_start3A_784 : memref<10240x128xf32, #tpu.memory_space<hbm>>) target(%dma_start3A_776 : memref<40x128xf32, #tpu.memory_space<vmem>>) offsets(%dma_start3A_781 : memref<40xi32, #tpu.memory_space<vmem>>) semaphore(%arg13 : memref<!tpu.dma_semaphore, #tpu.memory_space<semaphore_mem>>)
        %dma_start3A_785 = arith.constant 1 : i32
        %dma_start3A_786 = arith.constant 1 : i32
        %dma_start3A_787 = arith.constant 0 : i32
        %dma_start3A_788 = arith.constant 0 : i32
        %dma_start3A_789 = tpu.memref_slice %arg8[%dma_start3A_786, %dma_start3A_787, %dma_start3A_788] : memref<4x80x128xf32, #tpu.memory_space<vmem>> -> memref<1x80x128xf32, #tpu.memory_space<vmem>>
        %dma_start3A_790 = tpu.memref_squeeze %dma_start3A_789 : memref<1x80x128xf32, #tpu.memory_space<vmem>> -> memref<80x128xf32, #tpu.memory_space<vmem>>
        %dma_start3A_791 = arith.constant 40 : i32
        %dma_start3A_792 = arith.constant 0 : i32
        %dma_start3A_793 = tpu.memref_slice %dma_start3A_790[%dma_start3A_791, %dma_start3A_792] : memref<80x128xf32, #tpu.memory_space<vmem>> -> memref<40x128xf32, #tpu.memory_space<vmem>>
        %dma_start3A_794 = arith.constant 0 : i32
        %dma_start3A_795 = tpu.memref_slice %arg6[%dma_start3A_785, %dma_start3A_794] : memref<4x80xi32, #tpu.memory_space<vmem>> -> memref<1x80xi32, #tpu.memory_space<vmem>>
        %dma_start3A_796 = tpu.memref_squeeze %dma_start3A_795 : memref<1x80xi32, #tpu.memory_space<vmem>> -> memref<80xi32, #tpu.memory_space<vmem>>
        %dma_start3A_797 = arith.constant 40 : i32
        %dma_start3A_798 = tpu.memref_slice %dma_start3A_796[%dma_start3A_797] : memref<80xi32, #tpu.memory_space<vmem>> -> memref<40xi32, #tpu.memory_space<vmem>>
        %dma_start3A_799 = arith.constant 0 : i32
        %dma_start3A_800 = arith.constant 0 : i32
        %dma_start3A_801 = tpu.memref_slice %arg2[%dma_start3A_799, %dma_start3A_800] : memref<10240x128xf32, #tpu.memory_space<hbm>> -> memref<10240x128xf32, #tpu.memory_space<hbm>>
        tpu.enqueue_indirect_dma source(%dma_start3A_801 : memref<10240x128xf32, #tpu.memory_space<hbm>>) target(%dma_start3A_793 : memref<40x128xf32, #tpu.memory_space<vmem>>) offsets(%dma_start3A_798 : memref<40xi32, #tpu.memory_space<vmem>>) semaphore(%arg13 : memref<!tpu.dma_semaphore, #tpu.memory_space<semaphore_mem>>)
      } else {
      }
      %add3A_558 = arith.constant 4 : i32
      %add3A_559 = arith.addi %add3A_481, %add3A_558 : i32
      %lt3A_560 = arith.constant 125 : i32
      %lt3A_561 = arith.cmpi slt, %add3A_559, %lt3A_560 : i32
      %convert_element_type3A_562 = arith.extui %lt3A_561 : i1 to i32
      %cond3A_563 = arith.constant 0 : i32
      %cond3A_564 = arith.cmpi ne, %convert_element_type3A_562, %cond3A_563 : i32
      scf.if %cond3A_564 {
        %add3A_743 = arith.constant 4 : i32
        %add3A_744 = arith.addi %add3A_481, %add3A_743 : i32
        %mul3A_745 = arith.constant 80 : i32
        %mul3A_746 = arith.muli %add3A_744, %mul3A_745 : i32
        %add3A_747 = arith.addi %mul3A_13, %mul3A_746 : i32
        %dma_start3A_748 = arith.constant 2 : i32
        %dma_start3A_749 = arith.constant 0 : i32
        %dma_start3A_750 = tpu.memref_slice %arg6[%dma_start3A_748, %dma_start3A_749] : memref<4x80xi32, #tpu.memory_space<vmem>> -> memref<1x80xi32, #tpu.memory_space<vmem>>
        %dma_start3A_751 = tpu.memref_squeeze %dma_start3A_750 : memref<1x80xi32, #tpu.memory_space<vmem>> -> memref<80xi32, #tpu.memory_space<vmem>>
        %dma_start3A_752 = tpu.memref_slice %arg3[%add3A_747] : memref<320000xi32, #tpu.memory_space<hbm>> -> memref<80xi32, #tpu.memory_space<hbm>>
        %dma_start3A_753 = arith.constant 0 : i32
        %dma_start3A_754 = tpu.memref_slice %arg6[%dma_start3A_748, %dma_start3A_753] : memref<4x80xi32, #tpu.memory_space<vmem>> -> memref<1x80xi32, #tpu.memory_space<vmem>>
        %dma_start3A_755 = tpu.memref_squeeze %dma_start3A_754 : memref<1x80xi32, #tpu.memory_space<vmem>> -> memref<80xi32, #tpu.memory_space<vmem>>
        %dma_start3A_756 = tpu.memref_slice %arg3[%add3A_747] : memref<320000xi32, #tpu.memory_space<hbm>> -> memref<80xi32, #tpu.memory_space<hbm>>
        tpu.enqueue_dma source(%dma_start3A_756 : memref<80xi32, #tpu.memory_space<hbm>>) target(%dma_start3A_755 : memref<80xi32, #tpu.memory_space<vmem>>) target_semaphore(%arg11 : memref<!tpu.dma_semaphore, #tpu.memory_space<semaphore_mem>>)
      } else {
      }
      %mul3A_565 = arith.constant 4 : i32
      %mul3A_566 = arith.muli %scan3A_389, %mul3A_565 : i32
      %add3A_567 = arith.constant 1 : i32
      %add3A_568 = arith.addi %add3A_567, %mul3A_566 : i32
      %add3A_569 = arith.constant 2 : i32
      %add3A_570 = arith.addi %add3A_568, %add3A_569 : i32
      %dma_wait3A_571 = arith.constant 3 : i32
      %dma_wait3A_572 = arith.constant 3 : i32
      %dma_wait3A_573 = arith.constant 0 : i32
      %dma_wait3A_574 = arith.constant 0 : i32
      %dma_wait3A_575 = tpu.memref_slice %arg8[%dma_wait3A_572, %dma_wait3A_573, %dma_wait3A_574] : memref<4x80x128xf32, #tpu.memory_space<vmem>> -> memref<1x80x128xf32, #tpu.memory_space<vmem>>
      %dma_wait3A_576 = tpu.memref_squeeze %dma_wait3A_575 : memref<1x80x128xf32, #tpu.memory_space<vmem>> -> memref<80x128xf32, #tpu.memory_space<vmem>>
      %dma_wait3A_577 = arith.constant 0 : i32
      %dma_wait3A_578 = arith.constant 0 : i32
      %dma_wait3A_579 = tpu.memref_slice %dma_wait3A_576[%dma_wait3A_577, %dma_wait3A_578] : memref<80x128xf32, #tpu.memory_space<vmem>> -> memref<40x128xf32, #tpu.memory_space<vmem>>
      %dma_wait3A_580 = arith.constant 0 : i32
      %dma_wait3A_581 = tpu.memref_slice %arg6[%dma_wait3A_571, %dma_wait3A_580] : memref<4x80xi32, #tpu.memory_space<vmem>> -> memref<1x80xi32, #tpu.memory_space<vmem>>
      %dma_wait3A_582 = tpu.memref_squeeze %dma_wait3A_581 : memref<1x80xi32, #tpu.memory_space<vmem>> -> memref<80xi32, #tpu.memory_space<vmem>>
      %dma_wait3A_583 = arith.constant 0 : i32
      %dma_wait3A_584 = tpu.memref_slice %dma_wait3A_582[%dma_wait3A_583] : memref<80xi32, #tpu.memory_space<vmem>> -> memref<40xi32, #tpu.memory_space<vmem>>
      %dma_wait3A_585 = arith.constant 0 : i32
      %dma_wait3A_586 = arith.constant 0 : i32
      %dma_wait3A_587 = tpu.memref_slice %arg2[%dma_wait3A_585, %dma_wait3A_586] : memref<10240x128xf32, #tpu.memory_space<hbm>> -> memref<10240x128xf32, #tpu.memory_space<hbm>>
      tpu.wait_indirect_dma semaphore(%arg13 : memref<!tpu.dma_semaphore, #tpu.memory_space<semaphore_mem>>) src(%dma_wait3A_587 : memref<10240x128xf32, #tpu.memory_space<hbm>>) dst(%dma_wait3A_579 : memref<40x128xf32, #tpu.memory_space<vmem>>)
      %dma_wait3A_588 = arith.constant 3 : i32
      %dma_wait3A_589 = arith.constant 3 : i32
      %dma_wait3A_590 = arith.constant 0 : i32
      %dma_wait3A_591 = arith.constant 0 : i32
      %dma_wait3A_592 = tpu.memref_slice %arg8[%dma_wait3A_589, %dma_wait3A_590, %dma_wait3A_591] : memref<4x80x128xf32, #tpu.memory_space<vmem>> -> memref<1x80x128xf32, #tpu.memory_space<vmem>>
      %dma_wait3A_593 = tpu.memref_squeeze %dma_wait3A_592 : memref<1x80x128xf32, #tpu.memory_space<vmem>> -> memref<80x128xf32, #tpu.memory_space<vmem>>
      %dma_wait3A_594 = arith.constant 40 : i32
      %dma_wait3A_595 = arith.constant 0 : i32
      %dma_wait3A_596 = tpu.memref_slice %dma_wait3A_593[%dma_wait3A_594, %dma_wait3A_595] : memref<80x128xf32, #tpu.memory_space<vmem>> -> memref<40x128xf32, #tpu.memory_space<vmem>>
      %dma_wait3A_597 = arith.constant 0 : i32
      %dma_wait3A_598 = tpu.memref_slice %arg6[%dma_wait3A_588, %dma_wait3A_597] : memref<4x80xi32, #tpu.memory_space<vmem>> -> memref<1x80xi32, #tpu.memory_space<vmem>>
      %dma_wait3A_599 = tpu.memref_squeeze %dma_wait3A_598 : memref<1x80xi32, #tpu.memory_space<vmem>> -> memref<80xi32, #tpu.memory_space<vmem>>
      %dma_wait3A_600 = arith.constant 0 : i32
      %dma_wait3A_601 = tpu.memref_slice %dma_wait3A_599[%dma_wait3A_600] : memref<80xi32, #tpu.memory_space<vmem>> -> memref<40xi32, #tpu.memory_space<vmem>>
      %dma_wait3A_602 = arith.constant 0 : i32
      %dma_wait3A_603 = arith.constant 0 : i32
      %dma_wait3A_604 = tpu.memref_slice %arg2[%dma_wait3A_602, %dma_wait3A_603] : memref<10240x128xf32, #tpu.memory_space<hbm>> -> memref<10240x128xf32, #tpu.memory_space<hbm>>
      tpu.wait_indirect_dma semaphore(%arg13 : memref<!tpu.dma_semaphore, #tpu.memory_space<semaphore_mem>>) src(%dma_wait3A_604 : memref<10240x128xf32, #tpu.memory_space<hbm>>) dst(%dma_wait3A_596 : memref<40x128xf32, #tpu.memory_space<vmem>>)
      %dma_wait3A_605 = arith.constant 3 : i32
      %dma_wait3A_606 = arith.constant 0 : i32
      %dma_wait3A_607 = tpu.memref_slice %arg7[%dma_wait3A_605, %dma_wait3A_606] : memref<4x80xi32, #tpu.memory_space<vmem>> -> memref<1x80xi32, #tpu.memory_space<vmem>>
      %dma_wait3A_608 = tpu.memref_squeeze %dma_wait3A_607 : memref<1x80xi32, #tpu.memory_space<vmem>> -> memref<80xi32, #tpu.memory_space<vmem>>
      %dma_wait3A_609 = arith.constant 0 : i32
      %dma_wait3A_610 = tpu.memref_slice %arg4[%dma_wait3A_609] : memref<320000xi32, #tpu.memory_space<hbm>> -> memref<80xi32, #tpu.memory_space<hbm>>
      %dma_wait3A_611 = arith.constant 0 : i32
      %dma_wait3A_612 = tpu.memref_slice %arg7[%dma_wait3A_605, %dma_wait3A_611] : memref<4x80xi32, #tpu.memory_space<vmem>> -> memref<1x80xi32, #tpu.memory_space<vmem>>
      %dma_wait3A_613 = tpu.memref_squeeze %dma_wait3A_612 : memref<1x80xi32, #tpu.memory_space<vmem>> -> memref<80xi32, #tpu.memory_space<vmem>>
      %dma_wait3A_614 = arith.constant 0 : i32
      %dma_wait3A_615 = tpu.memref_slice %arg4[%dma_wait3A_614] : memref<320000xi32, #tpu.memory_space<hbm>> -> memref<80xi32, #tpu.memory_space<hbm>>
      tpu.wait_dma2 semaphore(%arg12 : memref<!tpu.dma_semaphore, #tpu.memory_space<semaphore_mem>>) src(%dma_wait3A_615 : memref<80xi32, #tpu.memory_space<hbm>>) dst(%dma_wait3A_613 : memref<80xi32, #tpu.memory_space<vmem>>)
      %dma_start3A_616 = arith.constant 3 : i32
      %dma_start3A_617 = arith.constant 3 : i32
      %dma_start3A_618 = arith.constant 0 : i32
      %dma_start3A_619 = arith.constant 0 : i32
      %dma_start3A_620 = tpu.memref_slice %arg8[%dma_start3A_616, %dma_start3A_618, %dma_start3A_619] : memref<4x80x128xf32, #tpu.memory_space<vmem>> -> memref<1x80x128xf32, #tpu.memory_space<vmem>>
      %dma_start3A_621 = tpu.memref_squeeze %dma_start3A_620 : memref<1x80x128xf32, #tpu.memory_space<vmem>> -> memref<80x128xf32, #tpu.memory_space<vmem>>
      %dma_start3A_622 = arith.constant 0 : i32
      %dma_start3A_623 = tpu.memref_slice %arg7[%dma_start3A_617, %dma_start3A_622] : memref<4x80xi32, #tpu.memory_space<vmem>> -> memref<1x80xi32, #tpu.memory_space<vmem>>
      %dma_start3A_624 = tpu.memref_squeeze %dma_start3A_623 : memref<1x80xi32, #tpu.memory_space<vmem>> -> memref<80xi32, #tpu.memory_space<vmem>>
      %dma_start3A_625 = arith.constant 0 : i32
      %dma_start3A_626 = arith.constant 0 : i32
      %dma_start3A_627 = tpu.memref_slice %arg10[%dma_start3A_625, %dma_start3A_626] : memref<10240x128xf32, #tpu.memory_space<vmem_shared>> -> memref<10240x128xf32, #tpu.memory_space<vmem_shared>>
      tpu.enqueue_indirect_dma source(%dma_start3A_621 : memref<80x128xf32, #tpu.memory_space<vmem>>) target(%dma_start3A_627 : memref<10240x128xf32, #tpu.memory_space<vmem_shared>>) offsets(%dma_start3A_624 : memref<80xi32, #tpu.memory_space<vmem>>) semaphore(%arg14 : memref<!tpu.dma_semaphore, #tpu.memory_space<semaphore_mem>>) {add = true}
      %dma_wait3A_628 = arith.constant 2 : i32
      %dma_wait3A_629 = arith.constant 2 : i32
      %dma_wait3A_630 = arith.constant 0 : i32
      %dma_wait3A_631 = arith.constant 0 : i32
      %dma_wait3A_632 = tpu.memref_slice %arg8[%dma_wait3A_628, %dma_wait3A_630, %dma_wait3A_631] : memref<4x80x128xf32, #tpu.memory_space<vmem>> -> memref<1x80x128xf32, #tpu.memory_space<vmem>>
      %dma_wait3A_633 = tpu.memref_squeeze %dma_wait3A_632 : memref<1x80x128xf32, #tpu.memory_space<vmem>> -> memref<80x128xf32, #tpu.memory_space<vmem>>
      %dma_wait3A_634 = arith.constant 0 : i32
      %dma_wait3A_635 = tpu.memref_slice %arg7[%dma_wait3A_629, %dma_wait3A_634] : memref<4x80xi32, #tpu.memory_space<vmem>> -> memref<1x80xi32, #tpu.memory_space<vmem>>
      %dma_wait3A_636 = tpu.memref_squeeze %dma_wait3A_635 : memref<1x80xi32, #tpu.memory_space<vmem>> -> memref<80xi32, #tpu.memory_space<vmem>>
      %dma_wait3A_637 = arith.constant 0 : i32
      %dma_wait3A_638 = arith.constant 0 : i32
      %dma_wait3A_639 = tpu.memref_slice %arg10[%dma_wait3A_637, %dma_wait3A_638] : memref<10240x128xf32, #tpu.memory_space<vmem_shared>> -> memref<10240x128xf32, #tpu.memory_space<vmem_shared>>
      tpu.wait_indirect_dma semaphore(%arg14 : memref<!tpu.dma_semaphore, #tpu.memory_space<semaphore_mem>>) src(%dma_wait3A_633 : memref<80x128xf32, #tpu.memory_space<vmem>>) dst(%dma_wait3A_639 : memref<10240x128xf32, #tpu.memory_space<vmem_shared>>)
      %add3A_640 = arith.constant 3 : i32
      %add3A_641 = arith.addi %add3A_570, %add3A_640 : i32
      %lt3A_642 = arith.constant 125 : i32
      %lt3A_643 = arith.cmpi slt, %add3A_641, %lt3A_642 : i32
      %convert_element_type3A_644 = arith.extui %lt3A_643 : i1 to i32
      %cond3A_645 = arith.constant 0 : i32
      %cond3A_646 = arith.cmpi ne, %convert_element_type3A_644, %cond3A_645 : i32
      scf.if %cond3A_646 {
        %add3A_743 = arith.constant 3 : i32
        %add3A_744 = arith.addi %add3A_570, %add3A_743 : i32
        %mul3A_745 = arith.constant 80 : i32
        %mul3A_746 = arith.muli %add3A_744, %mul3A_745 : i32
        %add3A_747 = arith.addi %mul3A_13, %mul3A_746 : i32
        %dma_start3A_748 = arith.constant 2 : i32
        %dma_start3A_749 = arith.constant 0 : i32
        %dma_start3A_750 = tpu.memref_slice %arg7[%dma_start3A_748, %dma_start3A_749] : memref<4x80xi32, #tpu.memory_space<vmem>> -> memref<1x80xi32, #tpu.memory_space<vmem>>
        %dma_start3A_751 = tpu.memref_squeeze %dma_start3A_750 : memref<1x80xi32, #tpu.memory_space<vmem>> -> memref<80xi32, #tpu.memory_space<vmem>>
        %dma_start3A_752 = tpu.memref_slice %arg4[%add3A_747] : memref<320000xi32, #tpu.memory_space<hbm>> -> memref<80xi32, #tpu.memory_space<hbm>>
        %dma_start3A_753 = arith.constant 0 : i32
        %dma_start3A_754 = tpu.memref_slice %arg7[%dma_start3A_748, %dma_start3A_753] : memref<4x80xi32, #tpu.memory_space<vmem>> -> memref<1x80xi32, #tpu.memory_space<vmem>>
        %dma_start3A_755 = tpu.memref_squeeze %dma_start3A_754 : memref<1x80xi32, #tpu.memory_space<vmem>> -> memref<80xi32, #tpu.memory_space<vmem>>
        %dma_start3A_756 = tpu.memref_slice %arg4[%add3A_747] : memref<320000xi32, #tpu.memory_space<hbm>> -> memref<80xi32, #tpu.memory_space<hbm>>
        tpu.enqueue_dma source(%dma_start3A_756 : memref<80xi32, #tpu.memory_space<hbm>>) target(%dma_start3A_755 : memref<80xi32, #tpu.memory_space<vmem>>) target_semaphore(%arg12 : memref<!tpu.dma_semaphore, #tpu.memory_space<semaphore_mem>>)
        %dma_wait3A_757 = arith.constant 2 : i32
        %dma_wait3A_758 = arith.constant 0 : i32
        %dma_wait3A_759 = tpu.memref_slice %arg6[%dma_wait3A_757, %dma_wait3A_758] : memref<4x80xi32, #tpu.memory_space<vmem>> -> memref<1x80xi32, #tpu.memory_space<vmem>>
        %dma_wait3A_760 = tpu.memref_squeeze %dma_wait3A_759 : memref<1x80xi32, #tpu.memory_space<vmem>> -> memref<80xi32, #tpu.memory_space<vmem>>
        %dma_wait3A_761 = arith.constant 0 : i32
        %dma_wait3A_762 = tpu.memref_slice %arg3[%dma_wait3A_761] : memref<320000xi32, #tpu.memory_space<hbm>> -> memref<80xi32, #tpu.memory_space<hbm>>
        %dma_wait3A_763 = arith.constant 0 : i32
        %dma_wait3A_764 = tpu.memref_slice %arg6[%dma_wait3A_757, %dma_wait3A_763] : memref<4x80xi32, #tpu.memory_space<vmem>> -> memref<1x80xi32, #tpu.memory_space<vmem>>
        %dma_wait3A_765 = tpu.memref_squeeze %dma_wait3A_764 : memref<1x80xi32, #tpu.memory_space<vmem>> -> memref<80xi32, #tpu.memory_space<vmem>>
        %dma_wait3A_766 = arith.constant 0 : i32
        %dma_wait3A_767 = tpu.memref_slice %arg3[%dma_wait3A_766] : memref<320000xi32, #tpu.memory_space<hbm>> -> memref<80xi32, #tpu.memory_space<hbm>>
        tpu.wait_dma2 semaphore(%arg11 : memref<!tpu.dma_semaphore, #tpu.memory_space<semaphore_mem>>) src(%dma_wait3A_767 : memref<80xi32, #tpu.memory_space<hbm>>) dst(%dma_wait3A_765 : memref<80xi32, #tpu.memory_space<vmem>>)
        %dma_start3A_768 = arith.constant 2 : i32
        %dma_start3A_769 = arith.constant 2 : i32
        %dma_start3A_770 = arith.constant 0 : i32
        %dma_start3A_771 = arith.constant 0 : i32
        %dma_start3A_772 = tpu.memref_slice %arg8[%dma_start3A_769, %dma_start3A_770, %dma_start3A_771] : memref<4x80x128xf32, #tpu.memory_space<vmem>> -> memref<1x80x128xf32, #tpu.memory_space<vmem>>
        %dma_start3A_773 = tpu.memref_squeeze %dma_start3A_772 : memref<1x80x128xf32, #tpu.memory_space<vmem>> -> memref<80x128xf32, #tpu.memory_space<vmem>>
        %dma_start3A_774 = arith.constant 0 : i32
        %dma_start3A_775 = arith.constant 0 : i32
        %dma_start3A_776 = tpu.memref_slice %dma_start3A_773[%dma_start3A_774, %dma_start3A_775] : memref<80x128xf32, #tpu.memory_space<vmem>> -> memref<40x128xf32, #tpu.memory_space<vmem>>
        %dma_start3A_777 = arith.constant 0 : i32
        %dma_start3A_778 = tpu.memref_slice %arg6[%dma_start3A_768, %dma_start3A_777] : memref<4x80xi32, #tpu.memory_space<vmem>> -> memref<1x80xi32, #tpu.memory_space<vmem>>
        %dma_start3A_779 = tpu.memref_squeeze %dma_start3A_778 : memref<1x80xi32, #tpu.memory_space<vmem>> -> memref<80xi32, #tpu.memory_space<vmem>>
        %dma_start3A_780 = arith.constant 0 : i32
        %dma_start3A_781 = tpu.memref_slice %dma_start3A_779[%dma_start3A_780] : memref<80xi32, #tpu.memory_space<vmem>> -> memref<40xi32, #tpu.memory_space<vmem>>
        %dma_start3A_782 = arith.constant 0 : i32
        %dma_start3A_783 = arith.constant 0 : i32
        %dma_start3A_784 = tpu.memref_slice %arg2[%dma_start3A_782, %dma_start3A_783] : memref<10240x128xf32, #tpu.memory_space<hbm>> -> memref<10240x128xf32, #tpu.memory_space<hbm>>
        tpu.enqueue_indirect_dma source(%dma_start3A_784 : memref<10240x128xf32, #tpu.memory_space<hbm>>) target(%dma_start3A_776 : memref<40x128xf32, #tpu.memory_space<vmem>>) offsets(%dma_start3A_781 : memref<40xi32, #tpu.memory_space<vmem>>) semaphore(%arg13 : memref<!tpu.dma_semaphore, #tpu.memory_space<semaphore_mem>>)
        %dma_start3A_785 = arith.constant 2 : i32
        %dma_start3A_786 = arith.constant 2 : i32
        %dma_start3A_787 = arith.constant 0 : i32
        %dma_start3A_788 = arith.constant 0 : i32
        %dma_start3A_789 = tpu.memref_slice %arg8[%dma_start3A_786, %dma_start3A_787, %dma_start3A_788] : memref<4x80x128xf32, #tpu.memory_space<vmem>> -> memref<1x80x128xf32, #tpu.memory_space<vmem>>
        %dma_start3A_790 = tpu.memref_squeeze %dma_start3A_789 : memref<1x80x128xf32, #tpu.memory_space<vmem>> -> memref<80x128xf32, #tpu.memory_space<vmem>>
        %dma_start3A_791 = arith.constant 40 : i32
        %dma_start3A_792 = arith.constant 0 : i32
        %dma_start3A_793 = tpu.memref_slice %dma_start3A_790[%dma_start3A_791, %dma_start3A_792] : memref<80x128xf32, #tpu.memory_space<vmem>> -> memref<40x128xf32, #tpu.memory_space<vmem>>
        %dma_start3A_794 = arith.constant 0 : i32
        %dma_start3A_795 = tpu.memref_slice %arg6[%dma_start3A_785, %dma_start3A_794] : memref<4x80xi32, #tpu.memory_space<vmem>> -> memref<1x80xi32, #tpu.memory_space<vmem>>
        %dma_start3A_796 = tpu.memref_squeeze %dma_start3A_795 : memref<1x80xi32, #tpu.memory_space<vmem>> -> memref<80xi32, #tpu.memory_space<vmem>>
        %dma_start3A_797 = arith.constant 40 : i32
        %dma_start3A_798 = tpu.memref_slice %dma_start3A_796[%dma_start3A_797] : memref<80xi32, #tpu.memory_space<vmem>> -> memref<40xi32, #tpu.memory_space<vmem>>
        %dma_start3A_799 = arith.constant 0 : i32
        %dma_start3A_800 = arith.constant 0 : i32
        %dma_start3A_801 = tpu.memref_slice %arg2[%dma_start3A_799, %dma_start3A_800] : memref<10240x128xf32, #tpu.memory_space<hbm>> -> memref<10240x128xf32, #tpu.memory_space<hbm>>
        tpu.enqueue_indirect_dma source(%dma_start3A_801 : memref<10240x128xf32, #tpu.memory_space<hbm>>) target(%dma_start3A_793 : memref<40x128xf32, #tpu.memory_space<vmem>>) offsets(%dma_start3A_798 : memref<40xi32, #tpu.memory_space<vmem>>) semaphore(%arg13 : memref<!tpu.dma_semaphore, #tpu.memory_space<semaphore_mem>>)
      } else {
      }
      %add3A_647 = arith.constant 4 : i32
      %add3A_648 = arith.addi %add3A_570, %add3A_647 : i32
      %lt3A_649 = arith.constant 125 : i32
      %lt3A_650 = arith.cmpi slt, %add3A_648, %lt3A_649 : i32
      %convert_element_type3A_651 = arith.extui %lt3A_650 : i1 to i32
      %cond3A_652 = arith.constant 0 : i32
      %cond3A_653 = arith.cmpi ne, %convert_element_type3A_651, %cond3A_652 : i32
      scf.if %cond3A_653 {
        %add3A_743 = arith.constant 4 : i32
        %add3A_744 = arith.addi %add3A_570, %add3A_743 : i32
        %mul3A_745 = arith.constant 80 : i32
        %mul3A_746 = arith.muli %add3A_744, %mul3A_745 : i32
        %add3A_747 = arith.addi %mul3A_13, %mul3A_746 : i32
        %dma_start3A_748 = arith.constant 3 : i32
        %dma_start3A_749 = arith.constant 0 : i32
        %dma_start3A_750 = tpu.memref_slice %arg6[%dma_start3A_748, %dma_start3A_749] : memref<4x80xi32, #tpu.memory_space<vmem>> -> memref<1x80xi32, #tpu.memory_space<vmem>>
        %dma_start3A_751 = tpu.memref_squeeze %dma_start3A_750 : memref<1x80xi32, #tpu.memory_space<vmem>> -> memref<80xi32, #tpu.memory_space<vmem>>
        %dma_start3A_752 = tpu.memref_slice %arg3[%add3A_747] : memref<320000xi32, #tpu.memory_space<hbm>> -> memref<80xi32, #tpu.memory_space<hbm>>
        %dma_start3A_753 = arith.constant 0 : i32
        %dma_start3A_754 = tpu.memref_slice %arg6[%dma_start3A_748, %dma_start3A_753] : memref<4x80xi32, #tpu.memory_space<vmem>> -> memref<1x80xi32, #tpu.memory_space<vmem>>
        %dma_start3A_755 = tpu.memref_squeeze %dma_start3A_754 : memref<1x80xi32, #tpu.memory_space<vmem>> -> memref<80xi32, #tpu.memory_space<vmem>>
        %dma_start3A_756 = tpu.memref_slice %arg3[%add3A_747] : memref<320000xi32, #tpu.memory_space<hbm>> -> memref<80xi32, #tpu.memory_space<hbm>>
        tpu.enqueue_dma source(%dma_start3A_756 : memref<80xi32, #tpu.memory_space<hbm>>) target(%dma_start3A_755 : memref<80xi32, #tpu.memory_space<vmem>>) target_semaphore(%arg11 : memref<!tpu.dma_semaphore, #tpu.memory_space<semaphore_mem>>)
      } else {
      }
      %mul3A_654 = arith.constant 4 : i32
      %mul3A_655 = arith.muli %scan3A_389, %mul3A_654 : i32
      %add3A_656 = arith.constant 1 : i32
      %add3A_657 = arith.addi %add3A_656, %mul3A_655 : i32
      %add3A_658 = arith.constant 3 : i32
      %add3A_659 = arith.addi %add3A_657, %add3A_658 : i32
      %dma_wait3A_660 = arith.constant 0 : i32
      %dma_wait3A_661 = arith.constant 0 : i32
      %dma_wait3A_662 = arith.constant 0 : i32
      %dma_wait3A_663 = arith.constant 0 : i32
      %dma_wait3A_664 = tpu.memref_slice %arg8[%dma_wait3A_661, %dma_wait3A_662, %dma_wait3A_663] : memref<4x80x128xf32, #tpu.memory_space<vmem>> -> memref<1x80x128xf32, #tpu.memory_space<vmem>>
      %dma_wait3A_665 = tpu.memref_squeeze %dma_wait3A_664 : memref<1x80x128xf32, #tpu.memory_space<vmem>> -> memref<80x128xf32, #tpu.memory_space<vmem>>
      %dma_wait3A_666 = arith.constant 0 : i32
      %dma_wait3A_667 = arith.constant 0 : i32
      %dma_wait3A_668 = tpu.memref_slice %dma_wait3A_665[%dma_wait3A_666, %dma_wait3A_667] : memref<80x128xf32, #tpu.memory_space<vmem>> -> memref<40x128xf32, #tpu.memory_space<vmem>>
      %dma_wait3A_669 = arith.constant 0 : i32
      %dma_wait3A_670 = tpu.memref_slice %arg6[%dma_wait3A_660, %dma_wait3A_669] : memref<4x80xi32, #tpu.memory_space<vmem>> -> memref<1x80xi32, #tpu.memory_space<vmem>>
      %dma_wait3A_671 = tpu.memref_squeeze %dma_wait3A_670 : memref<1x80xi32, #tpu.memory_space<vmem>> -> memref<80xi32, #tpu.memory_space<vmem>>
      %dma_wait3A_672 = arith.constant 0 : i32
      %dma_wait3A_673 = tpu.memref_slice %dma_wait3A_671[%dma_wait3A_672] : memref<80xi32, #tpu.memory_space<vmem>> -> memref<40xi32, #tpu.memory_space<vmem>>
      %dma_wait3A_674 = arith.constant 0 : i32
      %dma_wait3A_675 = arith.constant 0 : i32
      %dma_wait3A_676 = tpu.memref_slice %arg2[%dma_wait3A_674, %dma_wait3A_675] : memref<10240x128xf32, #tpu.memory_space<hbm>> -> memref<10240x128xf32, #tpu.memory_space<hbm>>
      tpu.wait_indirect_dma semaphore(%arg13 : memref<!tpu.dma_semaphore, #tpu.memory_space<semaphore_mem>>) src(%dma_wait3A_676 : memref<10240x128xf32, #tpu.memory_space<hbm>>) dst(%dma_wait3A_668 : memref<40x128xf32, #tpu.memory_space<vmem>>)
      %dma_wait3A_677 = arith.constant 0 : i32
      %dma_wait3A_678 = arith.constant 0 : i32
      %dma_wait3A_679 = arith.constant 0 : i32
      %dma_wait3A_680 = arith.constant 0 : i32
      %dma_wait3A_681 = tpu.memref_slice %arg8[%dma_wait3A_678, %dma_wait3A_679, %dma_wait3A_680] : memref<4x80x128xf32, #tpu.memory_space<vmem>> -> memref<1x80x128xf32, #tpu.memory_space<vmem>>
      %dma_wait3A_682 = tpu.memref_squeeze %dma_wait3A_681 : memref<1x80x128xf32, #tpu.memory_space<vmem>> -> memref<80x128xf32, #tpu.memory_space<vmem>>
      %dma_wait3A_683 = arith.constant 40 : i32
      %dma_wait3A_684 = arith.constant 0 : i32
      %dma_wait3A_685 = tpu.memref_slice %dma_wait3A_682[%dma_wait3A_683, %dma_wait3A_684] : memref<80x128xf32, #tpu.memory_space<vmem>> -> memref<40x128xf32, #tpu.memory_space<vmem>>
      %dma_wait3A_686 = arith.constant 0 : i32
      %dma_wait3A_687 = tpu.memref_slice %arg6[%dma_wait3A_677, %dma_wait3A_686] : memref<4x80xi32, #tpu.memory_space<vmem>> -> memref<1x80xi32, #tpu.memory_space<vmem>>
      %dma_wait3A_688 = tpu.memref_squeeze %dma_wait3A_687 : memref<1x80xi32, #tpu.memory_space<vmem>> -> memref<80xi32, #tpu.memory_space<vmem>>
      %dma_wait3A_689 = arith.constant 0 : i32
      %dma_wait3A_690 = tpu.memref_slice %dma_wait3A_688[%dma_wait3A_689] : memref<80xi32, #tpu.memory_space<vmem>> -> memref<40xi32, #tpu.memory_space<vmem>>
      %dma_wait3A_691 = arith.constant 0 : i32
      %dma_wait3A_692 = arith.constant 0 : i32
      %dma_wait3A_693 = tpu.memref_slice %arg2[%dma_wait3A_691, %dma_wait3A_692] : memref<10240x128xf32, #tpu.memory_space<hbm>> -> memref<10240x128xf32, #tpu.memory_space<hbm>>
      tpu.wait_indirect_dma semaphore(%arg13 : memref<!tpu.dma_semaphore, #tpu.memory_space<semaphore_mem>>) src(%dma_wait3A_693 : memref<10240x128xf32, #tpu.memory_space<hbm>>) dst(%dma_wait3A_685 : memref<40x128xf32, #tpu.memory_space<vmem>>)
      %dma_wait3A_694 = arith.constant 0 : i32
      %dma_wait3A_695 = arith.constant 0 : i32
      %dma_wait3A_696 = tpu.memref_slice %arg7[%dma_wait3A_694, %dma_wait3A_695] : memref<4x80xi32, #tpu.memory_space<vmem>> -> memref<1x80xi32, #tpu.memory_space<vmem>>
      %dma_wait3A_697 = tpu.memref_squeeze %dma_wait3A_696 : memref<1x80xi32, #tpu.memory_space<vmem>> -> memref<80xi32, #tpu.memory_space<vmem>>
      %dma_wait3A_698 = arith.constant 0 : i32
      %dma_wait3A_699 = tpu.memref_slice %arg4[%dma_wait3A_698] : memref<320000xi32, #tpu.memory_space<hbm>> -> memref<80xi32, #tpu.memory_space<hbm>>
      %dma_wait3A_700 = arith.constant 0 : i32
      %dma_wait3A_701 = tpu.memref_slice %arg7[%dma_wait3A_694, %dma_wait3A_700] : memref<4x80xi32, #tpu.memory_space<vmem>> -> memref<1x80xi32, #tpu.memory_space<vmem>>
      %dma_wait3A_702 = tpu.memref_squeeze %dma_wait3A_701 : memref<1x80xi32, #tpu.memory_space<vmem>> -> memref<80xi32, #tpu.memory_space<vmem>>
      %dma_wait3A_703 = arith.constant 0 : i32
      %dma_wait3A_704 = tpu.memref_slice %arg4[%dma_wait3A_703] : memref<320000xi32, #tpu.memory_space<hbm>> -> memref<80xi32, #tpu.memory_space<hbm>>
      tpu.wait_dma2 semaphore(%arg12 : memref<!tpu.dma_semaphore, #tpu.memory_space<semaphore_mem>>) src(%dma_wait3A_704 : memref<80xi32, #tpu.memory_space<hbm>>) dst(%dma_wait3A_702 : memref<80xi32, #tpu.memory_space<vmem>>)
      %dma_start3A_705 = arith.constant 0 : i32
      %dma_start3A_706 = arith.constant 0 : i32
      %dma_start3A_707 = arith.constant 0 : i32
      %dma_start3A_708 = arith.constant 0 : i32
      %dma_start3A_709 = tpu.memref_slice %arg8[%dma_start3A_705, %dma_start3A_707, %dma_start3A_708] : memref<4x80x128xf32, #tpu.memory_space<vmem>> -> memref<1x80x128xf32, #tpu.memory_space<vmem>>
      %dma_start3A_710 = tpu.memref_squeeze %dma_start3A_709 : memref<1x80x128xf32, #tpu.memory_space<vmem>> -> memref<80x128xf32, #tpu.memory_space<vmem>>
      %dma_start3A_711 = arith.constant 0 : i32
      %dma_start3A_712 = tpu.memref_slice %arg7[%dma_start3A_706, %dma_start3A_711] : memref<4x80xi32, #tpu.memory_space<vmem>> -> memref<1x80xi32, #tpu.memory_space<vmem>>
      %dma_start3A_713 = tpu.memref_squeeze %dma_start3A_712 : memref<1x80xi32, #tpu.memory_space<vmem>> -> memref<80xi32, #tpu.memory_space<vmem>>
      %dma_start3A_714 = arith.constant 0 : i32
      %dma_start3A_715 = arith.constant 0 : i32
      %dma_start3A_716 = tpu.memref_slice %arg10[%dma_start3A_714, %dma_start3A_715] : memref<10240x128xf32, #tpu.memory_space<vmem_shared>> -> memref<10240x128xf32, #tpu.memory_space<vmem_shared>>
      tpu.enqueue_indirect_dma source(%dma_start3A_710 : memref<80x128xf32, #tpu.memory_space<vmem>>) target(%dma_start3A_716 : memref<10240x128xf32, #tpu.memory_space<vmem_shared>>) offsets(%dma_start3A_713 : memref<80xi32, #tpu.memory_space<vmem>>) semaphore(%arg14 : memref<!tpu.dma_semaphore, #tpu.memory_space<semaphore_mem>>) {add = true}
      %dma_wait3A_717 = arith.constant 3 : i32
      %dma_wait3A_718 = arith.constant 3 : i32
      %dma_wait3A_719 = arith.constant 0 : i32
      %dma_wait3A_720 = arith.constant 0 : i32
      %dma_wait3A_721 = tpu.memref_slice %arg8[%dma_wait3A_717, %dma_wait3A_719, %dma_wait3A_720] : memref<4x80x128xf32, #tpu.memory_space<vmem>> -> memref<1x80x128xf32, #tpu.memory_space<vmem>>
      %dma_wait3A_722 = tpu.memref_squeeze %dma_wait3A_721 : memref<1x80x128xf32, #tpu.memory_space<vmem>> -> memref<80x128xf32, #tpu.memory_space<vmem>>
      %dma_wait3A_723 = arith.constant 0 : i32
      %dma_wait3A_724 = tpu.memref_slice %arg7[%dma_wait3A_718, %dma_wait3A_723] : memref<4x80xi32, #tpu.memory_space<vmem>> -> memref<1x80xi32, #tpu.memory_space<vmem>>
      %dma_wait3A_725 = tpu.memref_squeeze %dma_wait3A_724 : memref<1x80xi32, #tpu.memory_space<vmem>> -> memref<80xi32, #tpu.memory_space<vmem>>
      %dma_wait3A_726 = arith.constant 0 : i32
      %dma_wait3A_727 = arith.constant 0 : i32
      %dma_wait3A_728 = tpu.memref_slice %arg10[%dma_wait3A_726, %dma_wait3A_727] : memref<10240x128xf32, #tpu.memory_space<vmem_shared>> -> memref<10240x128xf32, #tpu.memory_space<vmem_shared>>
      tpu.wait_indirect_dma semaphore(%arg14 : memref<!tpu.dma_semaphore, #tpu.memory_space<semaphore_mem>>) src(%dma_wait3A_722 : memref<80x128xf32, #tpu.memory_space<vmem>>) dst(%dma_wait3A_728 : memref<10240x128xf32, #tpu.memory_space<vmem_shared>>)
      %add3A_729 = arith.constant 3 : i32
      %add3A_730 = arith.addi %add3A_659, %add3A_729 : i32
      %lt3A_731 = arith.constant 125 : i32
      %lt3A_732 = arith.cmpi slt, %add3A_730, %lt3A_731 : i32
      %convert_element_type3A_733 = arith.extui %lt3A_732 : i1 to i32
      %cond3A_734 = arith.constant 0 : i32
      %cond3A_735 = arith.cmpi ne, %convert_element_type3A_733, %cond3A_734 : i32
      scf.if %cond3A_735 {
        %add3A_743 = arith.constant 3 : i32
        %add3A_744 = arith.addi %add3A_659, %add3A_743 : i32
        %mul3A_745 = arith.constant 80 : i32
        %mul3A_746 = arith.muli %add3A_744, %mul3A_745 : i32
        %add3A_747 = arith.addi %mul3A_13, %mul3A_746 : i32
        %dma_start3A_748 = arith.constant 3 : i32
        %dma_start3A_749 = arith.constant 0 : i32
        %dma_start3A_750 = tpu.memref_slice %arg7[%dma_start3A_748, %dma_start3A_749] : memref<4x80xi32, #tpu.memory_space<vmem>> -> memref<1x80xi32, #tpu.memory_space<vmem>>
        %dma_start3A_751 = tpu.memref_squeeze %dma_start3A_750 : memref<1x80xi32, #tpu.memory_space<vmem>> -> memref<80xi32, #tpu.memory_space<vmem>>
        %dma_start3A_752 = tpu.memref_slice %arg4[%add3A_747] : memref<320000xi32, #tpu.memory_space<hbm>> -> memref<80xi32, #tpu.memory_space<hbm>>
        %dma_start3A_753 = arith.constant 0 : i32
        %dma_start3A_754 = tpu.memref_slice %arg7[%dma_start3A_748, %dma_start3A_753] : memref<4x80xi32, #tpu.memory_space<vmem>> -> memref<1x80xi32, #tpu.memory_space<vmem>>
        %dma_start3A_755 = tpu.memref_squeeze %dma_start3A_754 : memref<1x80xi32, #tpu.memory_space<vmem>> -> memref<80xi32, #tpu.memory_space<vmem>>
        %dma_start3A_756 = tpu.memref_slice %arg4[%add3A_747] : memref<320000xi32, #tpu.memory_space<hbm>> -> memref<80xi32, #tpu.memory_space<hbm>>
        tpu.enqueue_dma source(%dma_start3A_756 : memref<80xi32, #tpu.memory_space<hbm>>) target(%dma_start3A_755 : memref<80xi32, #tpu.memory_space<vmem>>) target_semaphore(%arg12 : memref<!tpu.dma_semaphore, #tpu.memory_space<semaphore_mem>>)
        %dma_wait3A_757 = arith.constant 3 : i32
        %dma_wait3A_758 = arith.constant 0 : i32
        %dma_wait3A_759 = tpu.memref_slice %arg6[%dma_wait3A_757, %dma_wait3A_758] : memref<4x80xi32, #tpu.memory_space<vmem>> -> memref<1x80xi32, #tpu.memory_space<vmem>>
        %dma_wait3A_760 = tpu.memref_squeeze %dma_wait3A_759 : memref<1x80xi32, #tpu.memory_space<vmem>> -> memref<80xi32, #tpu.memory_space<vmem>>
        %dma_wait3A_761 = arith.constant 0 : i32
        %dma_wait3A_762 = tpu.memref_slice %arg3[%dma_wait3A_761] : memref<320000xi32, #tpu.memory_space<hbm>> -> memref<80xi32, #tpu.memory_space<hbm>>
        %dma_wait3A_763 = arith.constant 0 : i32
        %dma_wait3A_764 = tpu.memref_slice %arg6[%dma_wait3A_757, %dma_wait3A_763] : memref<4x80xi32, #tpu.memory_space<vmem>> -> memref<1x80xi32, #tpu.memory_space<vmem>>
        %dma_wait3A_765 = tpu.memref_squeeze %dma_wait3A_764 : memref<1x80xi32, #tpu.memory_space<vmem>> -> memref<80xi32, #tpu.memory_space<vmem>>
        %dma_wait3A_766 = arith.constant 0 : i32
        %dma_wait3A_767 = tpu.memref_slice %arg3[%dma_wait3A_766] : memref<320000xi32, #tpu.memory_space<hbm>> -> memref<80xi32, #tpu.memory_space<hbm>>
        tpu.wait_dma2 semaphore(%arg11 : memref<!tpu.dma_semaphore, #tpu.memory_space<semaphore_mem>>) src(%dma_wait3A_767 : memref<80xi32, #tpu.memory_space<hbm>>) dst(%dma_wait3A_765 : memref<80xi32, #tpu.memory_space<vmem>>)
        %dma_start3A_768 = arith.constant 3 : i32
        %dma_start3A_769 = arith.constant 3 : i32
        %dma_start3A_770 = arith.constant 0 : i32
        %dma_start3A_771 = arith.constant 0 : i32
        %dma_start3A_772 = tpu.memref_slice %arg8[%dma_start3A_769, %dma_start3A_770, %dma_start3A_771] : memref<4x80x128xf32, #tpu.memory_space<vmem>> -> memref<1x80x128xf32, #tpu.memory_space<vmem>>
        %dma_start3A_773 = tpu.memref_squeeze %dma_start3A_772 : memref<1x80x128xf32, #tpu.memory_space<vmem>> -> memref<80x128xf32, #tpu.memory_space<vmem>>
        %dma_start3A_774 = arith.constant 0 : i32
        %dma_start3A_775 = arith.constant 0 : i32
        %dma_start3A_776 = tpu.memref_slice %dma_start3A_773[%dma_start3A_774, %dma_start3A_775] : memref<80x128xf32, #tpu.memory_space<vmem>> -> memref<40x128xf32, #tpu.memory_space<vmem>>
        %dma_start3A_777 = arith.constant 0 : i32
        %dma_start3A_778 = tpu.memref_slice %arg6[%dma_start3A_768, %dma_start3A_777] : memref<4x80xi32, #tpu.memory_space<vmem>> -> memref<1x80xi32, #tpu.memory_space<vmem>>
        %dma_start3A_779 = tpu.memref_squeeze %dma_start3A_778 : memref<1x80xi32, #tpu.memory_space<vmem>> -> memref<80xi32, #tpu.memory_space<vmem>>
        %dma_start3A_780 = arith.constant 0 : i32
        %dma_start3A_781 = tpu.memref_slice %dma_start3A_779[%dma_start3A_780] : memref<80xi32, #tpu.memory_space<vmem>> -> memref<40xi32, #tpu.memory_space<vmem>>
        %dma_start3A_782 = arith.constant 0 : i32
        %dma_start3A_783 = arith.constant 0 : i32
        %dma_start3A_784 = tpu.memref_slice %arg2[%dma_start3A_782, %dma_start3A_783] : memref<10240x128xf32, #tpu.memory_space<hbm>> -> memref<10240x128xf32, #tpu.memory_space<hbm>>
        tpu.enqueue_indirect_dma source(%dma_start3A_784 : memref<10240x128xf32, #tpu.memory_space<hbm>>) target(%dma_start3A_776 : memref<40x128xf32, #tpu.memory_space<vmem>>) offsets(%dma_start3A_781 : memref<40xi32, #tpu.memory_space<vmem>>) semaphore(%arg13 : memref<!tpu.dma_semaphore, #tpu.memory_space<semaphore_mem>>)
        %dma_start3A_785 = arith.constant 3 : i32
        %dma_start3A_786 = arith.constant 3 : i32
        %dma_start3A_787 = arith.constant 0 : i32
        %dma_start3A_788 = arith.constant 0 : i32
        %dma_start3A_789 = tpu.memref_slice %arg8[%dma_start3A_786, %dma_start3A_787, %dma_start3A_788] : memref<4x80x128xf32, #tpu.memory_space<vmem>> -> memref<1x80x128xf32, #tpu.memory_space<vmem>>
        %dma_start3A_790 = tpu.memref_squeeze %dma_start3A_789 : memref<1x80x128xf32, #tpu.memory_space<vmem>> -> memref<80x128xf32, #tpu.memory_space<vmem>>
        %dma_start3A_791 = arith.constant 40 : i32
        %dma_start3A_792 = arith.constant 0 : i32
        %dma_start3A_793 = tpu.memref_slice %dma_start3A_790[%dma_start3A_791, %dma_start3A_792] : memref<80x128xf32, #tpu.memory_space<vmem>> -> memref<40x128xf32, #tpu.memory_space<vmem>>
        %dma_start3A_794 = arith.constant 0 : i32
        %dma_start3A_795 = tpu.memref_slice %arg6[%dma_start3A_785, %dma_start3A_794] : memref<4x80xi32, #tpu.memory_space<vmem>> -> memref<1x80xi32, #tpu.memory_space<vmem>>
        %dma_start3A_796 = tpu.memref_squeeze %dma_start3A_795 : memref<1x80xi32, #tpu.memory_space<vmem>> -> memref<80xi32, #tpu.memory_space<vmem>>
        %dma_start3A_797 = arith.constant 40 : i32
        %dma_start3A_798 = tpu.memref_slice %dma_start3A_796[%dma_start3A_797] : memref<80xi32, #tpu.memory_space<vmem>> -> memref<40xi32, #tpu.memory_space<vmem>>
        %dma_start3A_799 = arith.constant 0 : i32
        %dma_start3A_800 = arith.constant 0 : i32
        %dma_start3A_801 = tpu.memref_slice %arg2[%dma_start3A_799, %dma_start3A_800] : memref<10240x128xf32, #tpu.memory_space<hbm>> -> memref<10240x128xf32, #tpu.memory_space<hbm>>
        tpu.enqueue_indirect_dma source(%dma_start3A_801 : memref<10240x128xf32, #tpu.memory_space<hbm>>) target(%dma_start3A_793 : memref<40x128xf32, #tpu.memory_space<vmem>>) offsets(%dma_start3A_798 : memref<40xi32, #tpu.memory_space<vmem>>) semaphore(%arg13 : memref<!tpu.dma_semaphore, #tpu.memory_space<semaphore_mem>>)
      } else {
      }
      %add3A_736 = arith.constant 4 : i32
      %add3A_737 = arith.addi %add3A_659, %add3A_736 : i32
      %lt3A_738 = arith.constant 125 : i32
      %lt3A_739 = arith.cmpi slt, %add3A_737, %lt3A_738 : i32
      %convert_element_type3A_740 = arith.extui %lt3A_739 : i1 to i32
      %cond3A_741 = arith.constant 0 : i32
      %cond3A_742 = arith.cmpi ne, %convert_element_type3A_740, %cond3A_741 : i32
      scf.if %cond3A_742 {
        %add3A_743 = arith.constant 4 : i32
        %add3A_744 = arith.addi %add3A_659, %add3A_743 : i32
        %mul3A_745 = arith.constant 80 : i32
        %mul3A_746 = arith.muli %add3A_744, %mul3A_745 : i32
        %add3A_747 = arith.addi %mul3A_13, %mul3A_746 : i32
        %dma_start3A_748 = arith.constant 0 : i32
        %dma_start3A_749 = arith.constant 0 : i32
        %dma_start3A_750 = tpu.memref_slice %arg6[%dma_start3A_748, %dma_start3A_749] : memref<4x80xi32, #tpu.memory_space<vmem>> -> memref<1x80xi32, #tpu.memory_space<vmem>>
        %dma_start3A_751 = tpu.memref_squeeze %dma_start3A_750 : memref<1x80xi32, #tpu.memory_space<vmem>> -> memref<80xi32, #tpu.memory_space<vmem>>
        %dma_start3A_752 = tpu.memref_slice %arg3[%add3A_747] : memref<320000xi32, #tpu.memory_space<hbm>> -> memref<80xi32, #tpu.memory_space<hbm>>
        %dma_start3A_753 = arith.constant 0 : i32
        %dma_start3A_754 = tpu.memref_slice %arg6[%dma_start3A_748, %dma_start3A_753] : memref<4x80xi32, #tpu.memory_space<vmem>> -> memref<1x80xi32, #tpu.memory_space<vmem>>
        %dma_start3A_755 = tpu.memref_squeeze %dma_start3A_754 : memref<1x80xi32, #tpu.memory_space<vmem>> -> memref<80xi32, #tpu.memory_space<vmem>>
        %dma_start3A_756 = tpu.memref_slice %arg3[%add3A_747] : memref<320000xi32, #tpu.memory_space<hbm>> -> memref<80xi32, #tpu.memory_space<hbm>>
        tpu.enqueue_dma source(%dma_start3A_756 : memref<80xi32, #tpu.memory_space<hbm>>) target(%dma_start3A_755 : memref<80xi32, #tpu.memory_space<vmem>>) target_semaphore(%arg11 : memref<!tpu.dma_semaphore, #tpu.memory_space<semaphore_mem>>)
      } else {
      }
    }
    %scan3A_371 = arith.constant 31 : i32
    %dma_wait3A_372 = arith.constant 0 : i32
    %dma_wait3A_373 = arith.constant 0 : i32
    %dma_wait3A_374 = arith.constant 0 : i32
    %dma_wait3A_375 = arith.constant 0 : i32
    %dma_wait3A_376 = tpu.memref_slice %arg8[%dma_wait3A_372, %dma_wait3A_374, %dma_wait3A_375] : memref<4x80x128xf32, #tpu.memory_space<vmem>> -> memref<1x80x128xf32, #tpu.memory_space<vmem>>
    %dma_wait3A_377 = tpu.memref_squeeze %dma_wait3A_376 : memref<1x80x128xf32, #tpu.memory_space<vmem>> -> memref<80x128xf32, #tpu.memory_space<vmem>>
    %dma_wait3A_378 = arith.constant 0 : i32
    %dma_wait3A_379 = tpu.memref_slice %arg7[%dma_wait3A_373, %dma_wait3A_378] : memref<4x80xi32, #tpu.memory_space<vmem>> -> memref<1x80xi32, #tpu.memory_space<vmem>>
    %dma_wait3A_380 = tpu.memref_squeeze %dma_wait3A_379 : memref<1x80xi32, #tpu.memory_space<vmem>> -> memref<80xi32, #tpu.memory_space<vmem>>
    %dma_wait3A_381 = arith.constant 0 : i32
    %dma_wait3A_382 = arith.constant 0 : i32
    %dma_wait3A_383 = tpu.memref_slice %arg10[%dma_wait3A_381, %dma_wait3A_382] : memref<10240x128xf32, #tpu.memory_space<vmem_shared>> -> memref<10240x128xf32, #tpu.memory_space<vmem_shared>>
    tpu.wait_indirect_dma semaphore(%arg14 : memref<!tpu.dma_semaphore, #tpu.memory_space<semaphore_mem>>) src(%dma_wait3A_377 : memref<80x128xf32, #tpu.memory_space<vmem>>) dst(%dma_wait3A_383 : memref<10240x128xf32, #tpu.memory_space<vmem_shared>>)
    %barrier3A_384 = arith.constant 0 : index
    tpu.barrier barrier_id(%barrier3A_384)
    %mul3A_385 = arith.constant 640 : i32
    %mul3A_386 = arith.muli %arg1, %mul3A_385 : i32
    %mul3A_387 = arith.constant 640 : i32
    %mul3A_388 = arith.muli %arg1, %mul3A_387 : i32
    "tpu.region"() ({
      %run_scoped3A = tpu.sem_alloc : memref<!tpu.dma_semaphore, #tpu.memory_space<semaphore_mem>>
      %dma_start3A_389 = arith.constant 0 : i32
      %dma_start3A_390 = arith.constant 0 : i32
      %dma_start3A_391 = tpu.memref_slice %arg5[%arg0, %dma_start3A_389, %dma_start3A_390] : memref<2x10240x128xf32, #tpu.memory_space<hbm>> -> memref<1x10240x128xf32, #tpu.memory_space<hbm>>
      %dma_start3A_392 = tpu.memref_squeeze %dma_start3A_391 : memref<1x10240x128xf32, #tpu.memory_space<hbm>> -> memref<10240x128xf32, #tpu.memory_space<hbm>>
      %dma_start3A_393 = arith.constant 0 : i32
      %dma_start3A_394 = tpu.memref_slice %dma_start3A_392[%mul3A_388, %dma_start3A_393] : memref<10240x128xf32, #tpu.memory_space<hbm>> -> memref<640x128xf32, #tpu.memory_space<hbm>>
      %dma_start3A_395 = arith.constant 0 : i32
      %dma_start3A_396 = tpu.memref_slice %arg10[%mul3A_386, %dma_start3A_395] : memref<10240x128xf32, #tpu.memory_space<vmem_shared>> -> memref<640x128xf32, #tpu.memory_space<vmem_shared>>
      tpu.enqueue_dma source(%dma_start3A_396 : memref<640x128xf32, #tpu.memory_space<vmem_shared>>) target(%dma_start3A_394 : memref<640x128xf32, #tpu.memory_space<hbm>>) target_semaphore(%run_scoped3A : memref<!tpu.dma_semaphore, #tpu.memory_space<semaphore_mem>>)
      %dma_wait3A_397 = arith.constant 0 : i32
      %dma_wait3A_398 = arith.constant 0 : i32
      %dma_wait3A_399 = tpu.memref_slice %arg5[%arg0, %dma_wait3A_397, %dma_wait3A_398] : memref<2x10240x128xf32, #tpu.memory_space<hbm>> -> memref<1x10240x128xf32, #tpu.memory_space<hbm>>
      %dma_wait3A_400 = tpu.memref_squeeze %dma_wait3A_399 : memref<1x10240x128xf32, #tpu.memory_space<hbm>> -> memref<10240x128xf32, #tpu.memory_space<hbm>>
      %dma_wait3A_401 = arith.constant 0 : i32
      %dma_wait3A_402 = tpu.memref_slice %dma_wait3A_400[%mul3A_388, %dma_wait3A_401] : memref<10240x128xf32, #tpu.memory_space<hbm>> -> memref<640x128xf32, #tpu.memory_space<hbm>>
      %dma_wait3A_403 = arith.constant 0 : i32
      %dma_wait3A_404 = tpu.memref_slice %arg10[%mul3A_386, %dma_wait3A_403] : memref<10240x128xf32, #tpu.memory_space<vmem_shared>> -> memref<640x128xf32, #tpu.memory_space<vmem_shared>>
      tpu.wait_dma2 semaphore(%run_scoped3A : memref<!tpu.dma_semaphore, #tpu.memory_space<semaphore_mem>>) src(%dma_wait3A_404 : memref<640x128xf32, #tpu.memory_space<vmem_shared>>) dst(%dma_wait3A_402 : memref<640x128xf32, #tpu.memory_space<hbm>>)
      tpu.yield
    }) : () -> ()
    return
  }
}

#map = affine_map<(d0, d1) -> (0, 0)>
module attributes {stable_mosaic.version = 14 : i64} {
  func.func @k(%arg0: i32, %arg1: i32, %arg2: memref<32x10000xi32, #tpu.memory_space<hbm>>, %arg3: memref<32x10240xf32, #tpu.memory_space<hbm>>, %arg4: memref<10000xi32, #tpu.memory_space<vmem>>, %arg5: memref<10240xf32, #tpu.memory_space<vmem>>) attributes {dimension_semantics = [#tpu.dimension_semantics<core_parallel>, #tpu.dimension_semantics<subcore_parallel>], iteration_bounds = array<i64: 2, 16>, scalar_prefetch = 0 : i64, scratch_operands = 2 : i64, tpu.core_type = #tpu.core_type<sc_vector_subcore>, window_params = [{transform_indices = #map}, {transform_indices = #map}]} {
    %mul3A = arith.constant 2 : i32
    %mul3A_0 = arith.muli %arg1, %mul3A : i32
    %add3A = arith.addi %mul3A_0, %arg0 : i32
    %scan3A = arith.constant 0 : i32
    %scan3A_1 = arith.constant 0 : i32
    %scan3A_2 = arith.constant 640 : i32
    %scan3A_3 = arith.addi %scan3A_1, %scan3A_2 : i32
    %scan3A_4 = arith.constant 1 : i32
    scf.for %scan3A_13 = %scan3A_1 to %scan3A_3 step %scan3A_4  : i32 {
      %broadcast_in_dim3A_14 = arith.constant 0.000000e+00 : f32
      %broadcast_in_dim3A_15 = vector.broadcast %broadcast_in_dim3A_14 : f32 to vector<16xf32>
      %mul3A_16 = arith.constant 16 : i32
      %mul3A_17 = arith.muli %scan3A_13, %mul3A_16 : i32
      %swap3A = arith.index_cast %mul3A_17 : i32 to index
      %swap3A_18 = tpu.vector_load %arg5[%swap3A] {strides = array<i32>} : memref<10240xf32, #tpu.memory_space<vmem>>, vector<16xf32>,
      tpu.vector_store %arg5[%swap3A], %broadcast_in_dim3A_15 {strides = array<i32>} : memref<10240xf32, #tpu.memory_space<vmem>>, vector<16xf32>,
    }
    %scan3A_5 = arith.constant 640 : i32
    "tpu.region"() ({
      %run_scoped3A = tpu.sem_alloc : memref<!tpu.dma_semaphore, #tpu.memory_space<semaphore_mem>>
      %dma_start3A = arith.constant 0 : i32
      %dma_start3A_13 = tpu.memref_slice %arg2[%add3A, %dma_start3A] : memref<32x10000xi32, #tpu.memory_space<hbm>> -> memref<1x10000xi32, #tpu.memory_space<hbm>>
      %dma_start3A_14 = tpu.memref_squeeze %dma_start3A_13 : memref<1x10000xi32, #tpu.memory_space<hbm>> -> memref<10000xi32, #tpu.memory_space<hbm>>
      %dma_start3A_15 = arith.constant 0 : i32
      %dma_start3A_16 = tpu.memref_slice %arg2[%add3A, %dma_start3A_15] : memref<32x10000xi32, #tpu.memory_space<hbm>> -> memref<1x10000xi32, #tpu.memory_space<hbm>>
      %dma_start3A_17 = tpu.memref_squeeze %dma_start3A_16 : memref<1x10000xi32, #tpu.memory_space<hbm>> -> memref<10000xi32, #tpu.memory_space<hbm>>
      tpu.enqueue_dma source(%dma_start3A_17 : memref<10000xi32, #tpu.memory_space<hbm>>) target(%arg4 : memref<10000xi32, #tpu.memory_space<vmem>>) target_semaphore(%run_scoped3A : memref<!tpu.dma_semaphore, #tpu.memory_space<semaphore_mem>>)
      %dma_wait3A = arith.constant 0 : i32
      %dma_wait3A_18 = tpu.memref_slice %arg2[%add3A, %dma_wait3A] : memref<32x10000xi32, #tpu.memory_space<hbm>> -> memref<1x10000xi32, #tpu.memory_space<hbm>>
      %dma_wait3A_19 = tpu.memref_squeeze %dma_wait3A_18 : memref<1x10000xi32, #tpu.memory_space<hbm>> -> memref<10000xi32, #tpu.memory_space<hbm>>
      %dma_wait3A_20 = arith.constant 0 : i32
      %dma_wait3A_21 = tpu.memref_slice %arg2[%add3A, %dma_wait3A_20] : memref<32x10000xi32, #tpu.memory_space<hbm>> -> memref<1x10000xi32, #tpu.memory_space<hbm>>
      %dma_wait3A_22 = tpu.memref_squeeze %dma_wait3A_21 : memref<1x10000xi32, #tpu.memory_space<hbm>> -> memref<10000xi32, #tpu.memory_space<hbm>>
      tpu.wait_dma2 semaphore(%run_scoped3A : memref<!tpu.dma_semaphore, #tpu.memory_space<semaphore_mem>>) src(%dma_wait3A_22 : memref<10000xi32, #tpu.memory_space<hbm>>) dst(%arg4 : memref<10000xi32, #tpu.memory_space<vmem>>)
      tpu.yield
    }) : () -> ()
    %broadcast_in_dim3A = arith.constant 1.000000e+00 : f32
    %broadcast_in_dim3A_6 = vector.broadcast %broadcast_in_dim3A : f32 to vector<16xf32>
    %scan3A_7 = arith.constant 0 : i32
    %scan3A_8 = arith.constant 0 : i32
    %scan3A_9 = arith.constant 625 : i32
    %scan3A_10 = arith.addi %scan3A_8, %scan3A_9 : i32
    %scan3A_11 = arith.constant 1 : i32
    scf.for %scan3A_13 = %scan3A_8 to %scan3A_10 step %scan3A_11  : i32 {
      %mul3A_14 = arith.constant 16 : i32
      %mul3A_15 = arith.muli %scan3A_13, %mul3A_14 : i32
      %get3A = arith.index_cast %mul3A_15 : i32 to index
      %get3A_16 = tpu.vector_load %arg4[%get3A] {strides = array<i32>} : memref<10000xi32, #tpu.memory_space<vmem>>, vector<16xi32>,
      tpu.vector_store_idx %arg5[%get3A_16], %broadcast_in_dim3A_6 {add = true} : memref<10240xf32, #tpu.memory_space<vmem>>[vector<16xi32>], vector<16xf32>,
    }
    %scan3A_12 = arith.constant 625 : i32
    "tpu.region"() ({
      %run_scoped3A = tpu.sem_alloc : memref<!tpu.dma_semaphore, #tpu.memory_space<semaphore_mem>>
      %dma_start3A = arith.constant 0 : i32
      %dma_start3A_13 = tpu.memref_slice %arg3[%add3A, %dma_start3A] : memref<32x10240xf32, #tpu.memory_space<hbm>> -> memref<1x10240xf32, #tpu.memory_space<hbm>>
      %dma_start3A_14 = tpu.memref_squeeze %dma_start3A_13 : memref<1x10240xf32, #tpu.memory_space<hbm>> -> memref<10240xf32, #tpu.memory_space<hbm>>
      %dma_start3A_15 = arith.constant 0 : i32
      %dma_start3A_16 = tpu.memref_slice %arg3[%add3A, %dma_start3A_15] : memref<32x10240xf32, #tpu.memory_space<hbm>> -> memref<1x10240xf32, #tpu.memory_space<hbm>>
      %dma_start3A_17 = tpu.memref_squeeze %dma_start3A_16 : memref<1x10240xf32, #tpu.memory_space<hbm>> -> memref<10240xf32, #tpu.memory_space<hbm>>
      tpu.enqueue_dma source(%arg5 : memref<10240xf32, #tpu.memory_space<vmem>>) target(%dma_start3A_17 : memref<10240xf32, #tpu.memory_space<hbm>>) target_semaphore(%run_scoped3A : memref<!tpu.dma_semaphore, #tpu.memory_space<semaphore_mem>>)
      %dma_wait3A = arith.constant 0 : i32
      %dma_wait3A_18 = tpu.memref_slice %arg3[%add3A, %dma_wait3A] : memref<32x10240xf32, #tpu.memory_space<hbm>> -> memref<1x10240xf32, #tpu.memory_space<hbm>>
      %dma_wait3A_19 = tpu.memref_squeeze %dma_wait3A_18 : memref<1x10240xf32, #tpu.memory_space<hbm>> -> memref<10240xf32, #tpu.memory_space<hbm>>
      %dma_wait3A_20 = arith.constant 0 : i32
      %dma_wait3A_21 = tpu.memref_slice %arg3[%add3A, %dma_wait3A_20] : memref<32x10240xf32, #tpu.memory_space<hbm>> -> memref<1x10240xf32, #tpu.memory_space<hbm>>
      %dma_wait3A_22 = tpu.memref_squeeze %dma_wait3A_21 : memref<1x10240xf32, #tpu.memory_space<hbm>> -> memref<10240xf32, #tpu.memory_space<hbm>>
      tpu.wait_dma2 semaphore(%run_scoped3A : memref<!tpu.dma_semaphore, #tpu.memory_space<semaphore_mem>>) src(%arg5 : memref<10240xf32, #tpu.memory_space<vmem>>) dst(%dma_wait3A_22 : memref<10240xf32, #tpu.memory_space<hbm>>)
      tpu.yield
    }) : () -> ()
    return
  }
}

#map = affine_map<(d0, d1) -> (0, 0)>
#map1 = affine_map<(d0, d1) -> (0)>
#map2 = affine_map<(d0, d1) -> (0, 0, 0)>
module attributes {stable_mosaic.version = 14 : i64} {
  func.func @body(%arg0: i32, %arg1: i32, %arg2: memref<10240x128xf32, #tpu.memory_space<hbm>>, %arg3: memref<320000xi32, #tpu.memory_space<hbm>>, %arg4: memref<320000xi32, #tpu.memory_space<hbm>>, %arg5: memref<2x10240x128xf32, #tpu.memory_space<hbm>>, %arg6: memref<4x80xi32, #tpu.memory_space<vmem>>, %arg7: memref<4x80xi32, #tpu.memory_space<vmem>>, %arg8: memref<4x80x128xf32, #tpu.memory_space<vmem>>, %arg9: memref<8x128xf32, #tpu.memory_space<vmem>>, %arg10: memref<10240x128xf32, #tpu.memory_space<vmem_shared>>, %arg11: memref<!tpu.dma_semaphore, #tpu.memory_space<semaphore_mem>>, %arg12: memref<!tpu.dma_semaphore, #tpu.memory_space<semaphore_mem>>, %arg13: memref<!tpu.dma_semaphore, #tpu.memory_space<semaphore_mem>>, %arg14: memref<!tpu.dma_semaphore, #tpu.memory_space<semaphore_mem>>) attributes {dimension_semantics = [#tpu.dimension_semantics<core_parallel>, #tpu.dimension_semantics<subcore_parallel>], iteration_bounds = array<i64: 2, 16>, scalar_prefetch = 0 : i64, scratch_operands = 9 : i64, tpu.core_type = #tpu.core_type<sc_vector_subcore>, window_params = [{transform_indices = #map}, {transform_indices = #map1}, {transform_indices = #map1}, {transform_indices = #map2}]} {
    %mul3A = arith.constant 2 : i32
    %mul3A_0 = arith.muli %arg1, %mul3A : i32
    %add3A = arith.addi %mul3A_0, %arg0 : i32
    %scan3A = arith.constant 0 : i32
    %scan3A_1 = arith.constant 0 : i32
    %scan3A_2 = arith.constant 8 : i32
    %scan3A_3 = arith.addi %scan3A_1, %scan3A_2 : i32
    %scan3A_4 = arith.constant 1 : i32
    scf.for %scan3A_389 = %scan3A_1 to %scan3A_3 step %scan3A_4  : i32 {
      %scan3A_390 = arith.constant 0 : i32
      %scan3A_391 = arith.constant 8 : i32
      %scan3A_392 = arith.addi %scan3A_390, %scan3A_391 : i32
      %scan3A_393 = arith.constant 1 : i32
      scf.for %scan3A_395 = %scan3A_390 to %scan3A_392 step %scan3A_393  : i32 {
        %broadcast_in_dim3A = arith.constant 0.000000e+00 : f32
        %broadcast_in_dim3A_396 = vector.broadcast %broadcast_in_dim3A : f32 to vector<16xf32>
        %mul3A_397 = arith.constant 16 : i32
        %mul3A_398 = arith.muli %scan3A_395, %mul3A_397 : i32
        %swap3A = arith.index_cast %scan3A_389 : i32 to index
        %swap3A_399 = arith.index_cast %mul3A_398 : i32 to index
        %swap3A_400 = tpu.vector_load %arg9[%swap3A, %swap3A_399] {strides = array<i32>} : memref<8x128xf32, #tpu.memory_space<vmem>>, vector<1x16xf32>,
        %swap3A_401 = vector.shape_cast %swap3A_400 : vector<1x16xf32> to vector<16xf32>
        %swap3A_402 = vector.shape_cast %broadcast_in_dim3A_396 : vector<16xf32> to vector<1x16xf32>
        tpu.vector_store %arg9[%swap3A, %swap3A_399], %swap3A_402 {strides = array<i32>} : memref<8x128xf32, #tpu.memory_space<vmem>>, vector<1x16xf32>,
      }
      %scan3A_394 = arith.constant 8 : i32
    }
    %scan3A_5 = arith.constant 8 : i32
    %scan3A_6 = arith.constant 0 : i32
    %scan3A_7 = arith.constant 0 : i32
    %scan3A_8 = arith.constant 80 : i32
    %scan3A_9 = arith.addi %scan3A_7, %scan3A_8 : i32
    %scan3A_10 = arith.constant 1 : i32
    scf.for %scan3A_389 = %scan3A_7 to %scan3A_9 step %scan3A_10  : i32 {
      %mul3A_390 = arith.constant 640 : i32
      %mul3A_391 = arith.muli %arg1, %mul3A_390 : i32
      %mul3A_392 = arith.constant 8 : i32
      %mul3A_393 = arith.muli %scan3A_389, %mul3A_392 : i32
      %add3A_394 = arith.addi %mul3A_391, %mul3A_393 : i32
      "tpu.region"() ({
        %run_scoped3A = tpu.sem_alloc : memref<!tpu.dma_semaphore, #tpu.memory_space<semaphore_mem>>
        %dma_start3A_395 = arith.constant 0 : i32
        %dma_start3A_396 = tpu.memref_slice %arg10[%add3A_394, %dma_start3A_395] : memref<10240x128xf32, #tpu.memory_space<vmem_shared>> -> memref<8x128xf32, #tpu.memory_space<vmem_shared>>
        %dma_start3A_397 = arith.constant 0 : i32
        %dma_start3A_398 = tpu.memref_slice %arg10[%add3A_394, %dma_start3A_397] : memref<10240x128xf32, #tpu.memory_space<vmem_shared>> -> memref<8x128xf32, #tpu.memory_space<vmem_shared>>
        tpu.enqueue_dma source(%arg9 : memref<8x128xf32, #tpu.memory_space<vmem>>) target(%dma_start3A_398 : memref<8x128xf32, #tpu.memory_space<vmem_shared>>) target_semaphore(%run_scoped3A : memref<!tpu.dma_semaphore, #tpu.memory_space<semaphore_mem>>)
        %dma_wait3A_399 = arith.constant 0 : i32
        %dma_wait3A_400 = tpu.memref_slice %arg10[%add3A_394, %dma_wait3A_399] : memref<10240x128xf32, #tpu.memory_space<vmem_shared>> -> memref<8x128xf32, #tpu.memory_space<vmem_shared>>
        %dma_wait3A_401 = arith.constant 0 : i32
        %dma_wait3A_402 = tpu.memref_slice %arg10[%add3A_394, %dma_wait3A_401] : memref<10240x128xf32, #tpu.memory_space<vmem_shared>> -> memref<8x128xf32, #tpu.memory_space<vmem_shared>>
        tpu.wait_dma2 semaphore(%run_scoped3A : memref<!tpu.dma_semaphore, #tpu.memory_space<semaphore_mem>>) src(%arg9 : memref<8x128xf32, #tpu.memory_space<vmem>>) dst(%dma_wait3A_402 : memref<8x128xf32, #tpu.memory_space<vmem_shared>>)
        tpu.yield
      }) : () -> ()
    }
    %scan3A_11 = arith.constant 80 : i32
    %barrier3A = arith.constant 0 : index
    tpu.barrier barrier_id(%barrier3A)
    %mul3A_12 = arith.constant 10000 : i32
    %mul3A_13 = arith.muli %add3A, %mul3A_12 : i32
    %mul3A_14 = arith.constant 0 : i32
    %mul3A_15 = arith.constant 80 : i32
    %mul3A_16 = arith.muli %mul3A_14, %mul3A_15 : i32
    %add3A_17 = arith.addi %mul3A_13, %mul3A_16 : i32
    %dma_start3A = arith.constant 0 : i32
    %dma_start3A_18 = arith.constant 0 : i32
    %dma_start3A_19 = tpu.memref_slice %arg6[%dma_start3A, %dma_start3A_18] : memref<4x80xi32, #tpu.memory_space<vmem>> -> memref<1x80xi32, #tpu.memory_space<vmem>>
    %dma_start3A_20 = tpu.memref_squeeze %dma_start3A_19 : memref<1x80xi32, #tpu.memory_space<vmem>> -> memref<80xi32, #tpu.memory_space<vmem>>
    %dma_start3A_21 = tpu.memref_slice %arg3[%add3A_17] : memref<320000xi32, #tpu.memory_space<hbm>> -> memref<80xi32, #tpu.memory_space<hbm>>
    %dma_start3A_22 = arith.constant 0 : i32
    %dma_start3A_23 = tpu.memref_slice %arg6[%dma_start3A, %dma_start3A_22] : memref<4x80xi32, #tpu.memory_space<vmem>> -> memref<1x80xi32, #tpu.memory_space<vmem>>
    %dma_start3A_24 = tpu.memref_squeeze %dma_start3A_23 : memref<1x80xi32, #tpu.memory_space<vmem>> -> memref<80xi32, #tpu.memory_space<vmem>>
    %dma_start3A_25 = tpu.memref_slice %arg3[%add3A_17] : memref<320000xi32, #tpu.memory_space<hbm>> -> memref<80xi32, #tpu.memory_space<hbm>>
    tpu.enqueue_dma source(%dma_start3A_25 : memref<80xi32, #tpu.memory_space<hbm>>) target(%dma_start3A_24 : memref<80xi32, #tpu.memory_space<vmem>>) target_semaphore(%arg11 : memref<!tpu.dma_semaphore, #tpu.memory_space<semaphore_mem>>)
    %mul3A_26 = arith.constant 0 : i32
    %mul3A_27 = arith.constant 80 : i32
    %mul3A_28 = arith.muli %mul3A_26, %mul3A_27 : i32
    %add3A_29 = arith.addi %mul3A_13, %mul3A_28 : i32
    %dma_start3A_30 = arith.constant 0 : i32
    %dma_start3A_31 = arith.constant 0 : i32
    %dma_start3A_32 = tpu.memref_slice %arg7[%dma_start3A_30, %dma_start3A_31] : memref<4x80xi32, #tpu.memory_space<vmem>> -> memref<1x80xi32, #tpu.memory_space<vmem>>
    %dma_start3A_33 = tpu.memref_squeeze %dma_start3A_32 : memref<1x80xi32, #tpu.memory_space<vmem>> -> memref<80xi32, #tpu.memory_space<vmem>>
    %dma_start3A_34 = tpu.memref_slice %arg4[%add3A_29] : memref<320000xi32, #tpu.memory_space<hbm>> -> memref<80xi32, #tpu.memory_space<hbm>>
    %dma_start3A_35 = arith.constant 0 : i32
    %dma_start3A_36 = tpu.memref_slice %arg7[%dma_start3A_30, %dma_start3A_35] : memref<4x80xi32, #tpu.memory_space<vmem>> -> memref<1x80xi32, #tpu.memory_space<vmem>>
    %dma_start3A_37 = tpu.memref_squeeze %dma_start3A_36 : memref<1x80xi32, #tpu.memory_space<vmem>> -> memref<80xi32, #tpu.memory_space<vmem>>
    %dma_start3A_38 = tpu.memref_slice %arg4[%add3A_29] : memref<320000xi32, #tpu.memory_space<hbm>> -> memref<80xi32, #tpu.memory_space<hbm>>
    tpu.enqueue_dma source(%dma_start3A_38 : memref<80xi32, #tpu.memory_space<hbm>>) target(%dma_start3A_37 : memref<80xi32, #tpu.memory_space<vmem>>) target_semaphore(%arg12 : memref<!tpu.dma_semaphore, #tpu.memory_space<semaphore_mem>>)
    %mul3A_39 = arith.constant 1 : i32
    %mul3A_40 = arith.constant 80 : i32
    %mul3A_41 = arith.muli %mul3A_39, %mul3A_40 : i32
    %add3A_42 = arith.addi %mul3A_13, %mul3A_41 : i32
    %dma_start3A_43 = arith.constant 1 : i32
    %dma_start3A_44 = arith.constant 0 : i32
    %dma_start3A_45 = tpu.memref_slice %arg6[%dma_start3A_43, %dma_start3A_44] : memref<4x80xi32, #tpu.memory_space<vmem>> -> memref<1x80xi32, #tpu.memory_space<vmem>>
    %dma_start3A_46 = tpu.memref_squeeze %dma_start3A_45 : memref<1x80xi32, #tpu.memory_space<vmem>> -> memref<80xi32, #tpu.memory_space<vmem>>
    %dma_start3A_47 = tpu.memref_slice %arg3[%add3A_42] : memref<320000xi32, #tpu.memory_space<hbm>> -> memref<80xi32, #tpu.memory_space<hbm>>
    %dma_start3A_48 = arith.constant 0 : i32
    %dma_start3A_49 = tpu.memref_slice %arg6[%dma_start3A_43, %dma_start3A_48] : memref<4x80xi32, #tpu.memory_space<vmem>> -> memref<1x80xi32, #tpu.memory_space<vmem>>
    %dma_start3A_50 = tpu.memref_squeeze %dma_start3A_49 : memref<1x80xi32, #tpu.memory_space<vmem>> -> memref<80xi32, #tpu.memory_space<vmem>>
    %dma_start3A_51 = tpu.memref_slice %arg3[%add3A_42] : memref<320000xi32, #tpu.memory_space<hbm>> -> memref<80xi32, #tpu.memory_space<hbm>>
    tpu.enqueue_dma source(%dma_start3A_51 : memref<80xi32, #tpu.memory_space<hbm>>) target(%dma_start3A_50 : memref<80xi32, #tpu.memory_space<vmem>>) target_semaphore(%arg11 : memref<!tpu.dma_semaphore, #tpu.memory_space<semaphore_mem>>)
    %mul3A_52 = arith.constant 1 : i32
    %mul3A_53 = arith.constant 80 : i32
    %mul3A_54 = arith.muli %mul3A_52, %mul3A_53 : i32
    %add3A_55 = arith.addi %mul3A_13, %mul3A_54 : i32
    %dma_start3A_56 = arith.constant 1 : i32
    %dma_start3A_57 = arith.constant 0 : i32
    %dma_start3A_58 = tpu.memref_slice %arg7[%dma_start3A_56, %dma_start3A_57] : memref<4x80xi32, #tpu.memory_space<vmem>> -> memref<1x80xi32, #tpu.memory_space<vmem>>
    %dma_start3A_59 = tpu.memref_squeeze %dma_start3A_58 : memref<1x80xi32, #tpu.memory_space<vmem>> -> memref<80xi32, #tpu.memory_space<vmem>>
    %dma_start3A_60 = tpu.memref_slice %arg4[%add3A_55] : memref<320000xi32, #tpu.memory_space<hbm>> -> memref<80xi32, #tpu.memory_space<hbm>>
    %dma_start3A_61 = arith.constant 0 : i32
    %dma_start3A_62 = tpu.memref_slice %arg7[%dma_start3A_56, %dma_start3A_61] : memref<4x80xi32, #tpu.memory_space<vmem>> -> memref<1x80xi32, #tpu.memory_space<vmem>>
    %dma_start3A_63 = tpu.memref_squeeze %dma_start3A_62 : memref<1x80xi32, #tpu.memory_space<vmem>> -> memref<80xi32, #tpu.memory_space<vmem>>
    %dma_start3A_64 = tpu.memref_slice %arg4[%add3A_55] : memref<320000xi32, #tpu.memory_space<hbm>> -> memref<80xi32, #tpu.memory_space<hbm>>
    tpu.enqueue_dma source(%dma_start3A_64 : memref<80xi32, #tpu.memory_space<hbm>>) target(%dma_start3A_63 : memref<80xi32, #tpu.memory_space<vmem>>) target_semaphore(%arg12 : memref<!tpu.dma_semaphore, #tpu.memory_space<semaphore_mem>>)
    %mul3A_65 = arith.constant 2 : i32
    %mul3A_66 = arith.constant 80 : i32
    %mul3A_67 = arith.muli %mul3A_65, %mul3A_66 : i32
    %add3A_68 = arith.addi %mul3A_13, %mul3A_67 : i32
    %dma_start3A_69 = arith.constant 2 : i32
    %dma_start3A_70 = arith.constant 0 : i32
    %dma_start3A_71 = tpu.memref_slice %arg6[%dma_start3A_69, %dma_start3A_70] : memref<4x80xi32, #tpu.memory_space<vmem>> -> memref<1x80xi32, #tpu.memory_space<vmem>>
    %dma_start3A_72 = tpu.memref_squeeze %dma_start3A_71 : memref<1x80xi32, #tpu.memory_space<vmem>> -> memref<80xi32, #tpu.memory_space<vmem>>
    %dma_start3A_73 = tpu.memref_slice %arg3[%add3A_68] : memref<320000xi32, #tpu.memory_space<hbm>> -> memref<80xi32, #tpu.memory_space<hbm>>
    %dma_start3A_74 = arith.constant 0 : i32
    %dma_start3A_75 = tpu.memref_slice %arg6[%dma_start3A_69, %dma_start3A_74] : memref<4x80xi32, #tpu.memory_space<vmem>> -> memref<1x80xi32, #tpu.memory_space<vmem>>
    %dma_start3A_76 = tpu.memref_squeeze %dma_start3A_75 : memref<1x80xi32, #tpu.memory_space<vmem>> -> memref<80xi32, #tpu.memory_space<vmem>>
    %dma_start3A_77 = tpu.memref_slice %arg3[%add3A_68] : memref<320000xi32, #tpu.memory_space<hbm>> -> memref<80xi32, #tpu.memory_space<hbm>>
    tpu.enqueue_dma source(%dma_start3A_77 : memref<80xi32, #tpu.memory_space<hbm>>) target(%dma_start3A_76 : memref<80xi32, #tpu.memory_space<vmem>>) target_semaphore(%arg11 : memref<!tpu.dma_semaphore, #tpu.memory_space<semaphore_mem>>)
    %mul3A_78 = arith.constant 2 : i32
    %mul3A_79 = arith.constant 80 : i32
    %mul3A_80 = arith.muli %mul3A_78, %mul3A_79 : i32
    %add3A_81 = arith.addi %mul3A_13, %mul3A_80 : i32
    %dma_start3A_82 = arith.constant 2 : i32
    %dma_start3A_83 = arith.constant 0 : i32
    %dma_start3A_84 = tpu.memref_slice %arg7[%dma_start3A_82, %dma_start3A_83] : memref<4x80xi32, #tpu.memory_space<vmem>> -> memref<1x80xi32, #tpu.memory_space<vmem>>
    %dma_start3A_85 = tpu.memref_squeeze %dma_start3A_84 : memref<1x80xi32, #tpu.memory_space<vmem>> -> memref<80xi32, #tpu.memory_space<vmem>>
    %dma_start3A_86 = tpu.memref_slice %arg4[%add3A_81] : memref<320000xi32, #tpu.memory_space<hbm>> -> memref<80xi32, #tpu.memory_space<hbm>>
    %dma_start3A_87 = arith.constant 0 : i32
    %dma_start3A_88 = tpu.memref_slice %arg7[%dma_start3A_82, %dma_start3A_87] : memref<4x80xi32, #tpu.memory_space<vmem>> -> memref<1x80xi32, #tpu.memory_space<vmem>>
    %dma_start3A_89 = tpu.memref_squeeze %dma_start3A_88 : memref<1x80xi32, #tpu.memory_space<vmem>> -> memref<80xi32, #tpu.memory_space<vmem>>
    %dma_start3A_90 = tpu.memref_slice %arg4[%add3A_81] : memref<320000xi32, #tpu.memory_space<hbm>> -> memref<80xi32, #tpu.memory_space<hbm>>
    tpu.enqueue_dma source(%dma_start3A_90 : memref<80xi32, #tpu.memory_space<hbm>>) target(%dma_start3A_89 : memref<80xi32, #tpu.memory_space<vmem>>) target_semaphore(%arg12 : memref<!tpu.dma_semaphore, #tpu.memory_space<semaphore_mem>>)
    %mul3A_91 = arith.constant 3 : i32
    %mul3A_92 = arith.constant 80 : i32
    %mul3A_93 = arith.muli %mul3A_91, %mul3A_92 : i32
    %add3A_94 = arith.addi %mul3A_13, %mul3A_93 : i32
    %dma_start3A_95 = arith.constant 3 : i32
    %dma_start3A_96 = arith.constant 0 : i32
    %dma_start3A_97 = tpu.memref_slice %arg6[%dma_start3A_95, %dma_start3A_96] : memref<4x80xi32, #tpu.memory_space<vmem>> -> memref<1x80xi32, #tpu.memory_space<vmem>>
    %dma_start3A_98 = tpu.memref_squeeze %dma_start3A_97 : memref<1x80xi32, #tpu.memory_space<vmem>> -> memref<80xi32, #tpu.memory_space<vmem>>
    %dma_start3A_99 = tpu.memref_slice %arg3[%add3A_94] : memref<320000xi32, #tpu.memory_space<hbm>> -> memref<80xi32, #tpu.memory_space<hbm>>
    %dma_start3A_100 = arith.constant 0 : i32
    %dma_start3A_101 = tpu.memref_slice %arg6[%dma_start3A_95, %dma_start3A_100] : memref<4x80xi32, #tpu.memory_space<vmem>> -> memref<1x80xi32, #tpu.memory_space<vmem>>
    %dma_start3A_102 = tpu.memref_squeeze %dma_start3A_101 : memref<1x80xi32, #tpu.memory_space<vmem>> -> memref<80xi32, #tpu.memory_space<vmem>>
    %dma_start3A_103 = tpu.memref_slice %arg3[%add3A_94] : memref<320000xi32, #tpu.memory_space<hbm>> -> memref<80xi32, #tpu.memory_space<hbm>>
    tpu.enqueue_dma source(%dma_start3A_103 : memref<80xi32, #tpu.memory_space<hbm>>) target(%dma_start3A_102 : memref<80xi32, #tpu.memory_space<vmem>>) target_semaphore(%arg11 : memref<!tpu.dma_semaphore, #tpu.memory_space<semaphore_mem>>)
    %mul3A_104 = arith.constant 3 : i32
    %mul3A_105 = arith.constant 80 : i32
    %mul3A_106 = arith.muli %mul3A_104, %mul3A_105 : i32
    %add3A_107 = arith.addi %mul3A_13, %mul3A_106 : i32
    %dma_start3A_108 = arith.constant 3 : i32
    %dma_start3A_109 = arith.constant 0 : i32
    %dma_start3A_110 = tpu.memref_slice %arg7[%dma_start3A_108, %dma_start3A_109] : memref<4x80xi32, #tpu.memory_space<vmem>> -> memref<1x80xi32, #tpu.memory_space<vmem>>
    %dma_start3A_111 = tpu.memref_squeeze %dma_start3A_110 : memref<1x80xi32, #tpu.memory_space<vmem>> -> memref<80xi32, #tpu.memory_space<vmem>>
    %dma_start3A_112 = tpu.memref_slice %arg4[%add3A_107] : memref<320000xi32, #tpu.memory_space<hbm>> -> memref<80xi32, #tpu.memory_space<hbm>>
    %dma_start3A_113 = arith.constant 0 : i32
    %dma_start3A_114 = tpu.memref_slice %arg7[%dma_start3A_108, %dma_start3A_113] : memref<4x80xi32, #tpu.memory_space<vmem>> -> memref<1x80xi32, #tpu.memory_space<vmem>>
    %dma_start3A_115 = tpu.memref_squeeze %dma_start3A_114 : memref<1x80xi32, #tpu.memory_space<vmem>> -> memref<80xi32, #tpu.memory_space<vmem>>
    %dma_start3A_116 = tpu.memref_slice %arg4[%add3A_107] : memref<320000xi32, #tpu.memory_space<hbm>> -> memref<80xi32, #tpu.memory_space<hbm>>
    tpu.enqueue_dma source(%dma_start3A_116 : memref<80xi32, #tpu.memory_space<hbm>>) target(%dma_start3A_115 : memref<80xi32, #tpu.memory_space<vmem>>) target_semaphore(%arg12 : memref<!tpu.dma_semaphore, #tpu.memory_space<semaphore_mem>>)
    %dma_wait3A = arith.constant 0 : i32
    %dma_wait3A_117 = arith.constant 0 : i32
    %dma_wait3A_118 = tpu.memref_slice %arg6[%dma_wait3A, %dma_wait3A_117] : memref<4x80xi32, #tpu.memory_space<vmem>> -> memref<1x80xi32, #tpu.memory_space<vmem>>
    %dma_wait3A_119 = tpu.memref_squeeze %dma_wait3A_118 : memref<1x80xi32, #tpu.memory_space<vmem>> -> memref<80xi32, #tpu.memory_space<vmem>>
    %dma_wait3A_120 = arith.constant 0 : i32
    %dma_wait3A_121 = tpu.memref_slice %arg3[%dma_wait3A_120] : memref<320000xi32, #tpu.memory_space<hbm>> -> memref<80xi32, #tpu.memory_space<hbm>>
    %dma_wait3A_122 = arith.constant 0 : i32
    %dma_wait3A_123 = tpu.memref_slice %arg6[%dma_wait3A, %dma_wait3A_122] : memref<4x80xi32, #tpu.memory_space<vmem>> -> memref<1x80xi32, #tpu.memory_space<vmem>>
    %dma_wait3A_124 = tpu.memref_squeeze %dma_wait3A_123 : memref<1x80xi32, #tpu.memory_space<vmem>> -> memref<80xi32, #tpu.memory_space<vmem>>
    %dma_wait3A_125 = arith.constant 0 : i32
    %dma_wait3A_126 = tpu.memref_slice %arg3[%dma_wait3A_125] : memref<320000xi32, #tpu.memory_space<hbm>> -> memref<80xi32, #tpu.memory_space<hbm>>
    tpu.wait_dma2 semaphore(%arg11 : memref<!tpu.dma_semaphore, #tpu.memory_space<semaphore_mem>>) src(%dma_wait3A_126 : memref<80xi32, #tpu.memory_space<hbm>>) dst(%dma_wait3A_124 : memref<80xi32, #tpu.memory_space<vmem>>)
    %dma_start3A_127 = arith.constant 0 : i32
    %dma_start3A_128 = arith.constant 0 : i32
    %dma_start3A_129 = arith.constant 0 : i32
    %dma_start3A_130 = arith.constant 0 : i32
    %dma_start3A_131 = tpu.memref_slice %arg8[%dma_start3A_128, %dma_start3A_129, %dma_start3A_130] : memref<4x80x128xf32, #tpu.memory_space<vmem>> -> memref<1x80x128xf32, #tpu.memory_space<vmem>>
    %dma_start3A_132 = tpu.memref_squeeze %dma_start3A_131 : memref<1x80x128xf32, #tpu.memory_space<vmem>> -> memref<80x128xf32, #tpu.memory_space<vmem>>
    %dma_start3A_133 = arith.constant 0 : i32
    %dma_start3A_134 = arith.constant 0 : i32
    %dma_start3A_135 = tpu.memref_slice %dma_start3A_132[%dma_start3A_133, %dma_start3A_134] : memref<80x128xf32, #tpu.memory_space<vmem>> -> memref<40x128xf32, #tpu.memory_space<vmem>>
    %dma_start3A_136 = arith.constant 0 : i32
    %dma_start3A_137 = tpu.memref_slice %arg6[%dma_start3A_127, %dma_start3A_136] : memref<4x80xi32, #tpu.memory_space<vmem>> -> memref<1x80xi32, #tpu.memory_space<vmem>>
    %dma_start3A_138 = tpu.memref_squeeze %dma_start3A_137 : memref<1x80xi32, #tpu.memory_space<vmem>> -> memref<80xi32, #tpu.memory_space<vmem>>
    %dma_start3A_139 = arith.constant 0 : i32
    %dma_start3A_140 = tpu.memref_slice %dma_start3A_138[%dma_start3A_139] : memref<80xi32, #tpu.memory_space<vmem>> -> memref<40xi32, #tpu.memory_space<vmem>>
    %dma_start3A_141 = arith.constant 0 : i32
    %dma_start3A_142 = arith.constant 0 : i32
    %dma_start3A_143 = tpu.memref_slice %arg2[%dma_start3A_141, %dma_start3A_142] : memref<10240x128xf32, #tpu.memory_space<hbm>> -> memref<10240x128xf32, #tpu.memory_space<hbm>>
    tpu.enqueue_indirect_dma source(%dma_start3A_143 : memref<10240x128xf32, #tpu.memory_space<hbm>>) target(%dma_start3A_135 : memref<40x128xf32, #tpu.memory_space<vmem>>) offsets(%dma_start3A_140 : memref<40xi32, #tpu.memory_space<vmem>>) semaphore(%arg13 : memref<!tpu.dma_semaphore, #tpu.memory_space<semaphore_mem>>)
    %dma_start3A_144 = arith.constant 0 : i32
    %dma_start3A_145 = arith.constant 0 : i32
    %dma_start3A_146 = arith.constant 0 : i32
    %dma_start3A_147 = arith.constant 0 : i32
    %dma_start3A_148 = tpu.memref_slice %arg8[%dma_start3A_145, %dma_start3A_146, %dma_start3A_147] : memref<4x80x128xf32, #tpu.memory_space<vmem>> -> memref<1x80x128xf32, #tpu.memory_space<vmem>>
    %dma_start3A_149 = tpu.memref_squeeze %dma_start3A_148 : memref<1x80x128xf32, #tpu.memory_space<vmem>> -> memref<80x128xf32, #tpu.memory_space<vmem>>
    %dma_start3A_150 = arith.constant 40 : i32
    %dma_start3A_151 = arith.constant 0 : i32
    %dma_start3A_152 = tpu.memref_slice %dma_start3A_149[%dma_start3A_150, %dma_start3A_151] : memref<80x128xf32, #tpu.memory_space<vmem>> -> memref<40x128xf32, #tpu.memory_space<vmem>>
    %dma_start3A_153 = arith.constant 0 : i32
    %dma_start3A_154 = tpu.memref_slice %arg6[%dma_start3A_144, %dma_start3A_153] : memref<4x80xi32, #tpu.memory_space<vmem>> -> memref<1x80xi32, #tpu.memory_space<vmem>>
    %dma_start3A_155 = tpu.memref_squeeze %dma_start3A_154 : memref<1x80xi32, #tpu.memory_space<vmem>> -> memref<80xi32, #tpu.memory_space<vmem>>
    %dma_start3A_156 = arith.constant 40 : i32
    %dma_start3A_157 = tpu.memref_slice %dma_start3A_155[%dma_start3A_156] : memref<80xi32, #tpu.memory_space<vmem>> -> memref<40xi32, #tpu.memory_space<vmem>>
    %dma_start3A_158 = arith.constant 0 : i32
    %dma_start3A_159 = arith.constant 0 : i32
    %dma_start3A_160 = tpu.memref_slice %arg2[%dma_start3A_158, %dma_start3A_159] : memref<10240x128xf32, #tpu.memory_space<hbm>> -> memref<10240x128xf32, #tpu.memory_space<hbm>>
    tpu.enqueue_indirect_dma source(%dma_start3A_160 : memref<10240x128xf32, #tpu.memory_space<hbm>>) target(%dma_start3A_152 : memref<40x128xf32, #tpu.memory_space<vmem>>) offsets(%dma_start3A_157 : memref<40xi32, #tpu.memory_space<vmem>>) semaphore(%arg13 : memref<!tpu.dma_semaphore, #tpu.memory_space<semaphore_mem>>)
    %dma_wait3A_161 = arith.constant 1 : i32
    %dma_wait3A_162 = arith.constant 0 : i32
    %dma_wait3A_163 = tpu.memref_slice %arg6[%dma_wait3A_161, %dma_wait3A_162] : memref<4x80xi32, #tpu.memory_space<vmem>> -> memref<1x80xi32, #tpu.memory_space<vmem>>
    %dma_wait3A_164 = tpu.memref_squeeze %dma_wait3A_163 : memref<1x80xi32, #tpu.memory_space<vmem>> -> memref<80xi32, #tpu.memory_space<vmem>>
    %dma_wait3A_165 = arith.constant 0 : i32
    %dma_wait3A_166 = tpu.memref_slice %arg3[%dma_wait3A_165] : memref<320000xi32, #tpu.memory_space<hbm>> -> memref<80xi32, #tpu.memory_space<hbm>>
    %dma_wait3A_167 = arith.constant 0 : i32
    %dma_wait3A_168 = tpu.memref_slice %arg6[%dma_wait3A_161, %dma_wait3A_167] : memref<4x80xi32, #tpu.memory_space<vmem>> -> memref<1x80xi32, #tpu.memory_space<vmem>>
    %dma_wait3A_169 = tpu.memref_squeeze %dma_wait3A_168 : memref<1x80xi32, #tpu.memory_space<vmem>> -> memref<80xi32, #tpu.memory_space<vmem>>
    %dma_wait3A_170 = arith.constant 0 : i32
    %dma_wait3A_171 = tpu.memref_slice %arg3[%dma_wait3A_170] : memref<320000xi32, #tpu.memory_space<hbm>> -> memref<80xi32, #tpu.memory_space<hbm>>
    tpu.wait_dma2 semaphore(%arg11 : memref<!tpu.dma_semaphore, #tpu.memory_space<semaphore_mem>>) src(%dma_wait3A_171 : memref<80xi32, #tpu.memory_space<hbm>>) dst(%dma_wait3A_169 : memref<80xi32, #tpu.memory_space<vmem>>)
    %dma_start3A_172 = arith.constant 1 : i32
    %dma_start3A_173 = arith.constant 1 : i32
    %dma_start3A_174 = arith.constant 0 : i32
    %dma_start3A_175 = arith.constant 0 : i32
    %dma_start3A_176 = tpu.memref_slice %arg8[%dma_start3A_173, %dma_start3A_174, %dma_start3A_175] : memref<4x80x128xf32, #tpu.memory_space<vmem>> -> memref<1x80x128xf32, #tpu.memory_space<vmem>>
    %dma_start3A_177 = tpu.memref_squeeze %dma_start3A_176 : memref<1x80x128xf32, #tpu.memory_space<vmem>> -> memref<80x128xf32, #tpu.memory_space<vmem>>
    %dma_start3A_178 = arith.constant 0 : i32
    %dma_start3A_179 = arith.constant 0 : i32
    %dma_start3A_180 = tpu.memref_slice %dma_start3A_177[%dma_start3A_178, %dma_start3A_179] : memref<80x128xf32, #tpu.memory_space<vmem>> -> memref<40x128xf32, #tpu.memory_space<vmem>>
    %dma_start3A_181 = arith.constant 0 : i32
    %dma_start3A_182 = tpu.memref_slice %arg6[%dma_start3A_172, %dma_start3A_181] : memref<4x80xi32, #tpu.memory_space<vmem>> -> memref<1x80xi32, #tpu.memory_space<vmem>>
    %dma_start3A_183 = tpu.memref_squeeze %dma_start3A_182 : memref<1x80xi32, #tpu.memory_space<vmem>> -> memref<80xi32, #tpu.memory_space<vmem>>
    %dma_start3A_184 = arith.constant 0 : i32
    %dma_start3A_185 = tpu.memref_slice %dma_start3A_183[%dma_start3A_184] : memref<80xi32, #tpu.memory_space<vmem>> -> memref<40xi32, #tpu.memory_space<vmem>>
    %dma_start3A_186 = arith.constant 0 : i32
    %dma_start3A_187 = arith.constant 0 : i32
    %dma_start3A_188 = tpu.memref_slice %arg2[%dma_start3A_186, %dma_start3A_187] : memref<10240x128xf32, #tpu.memory_space<hbm>> -> memref<10240x128xf32, #tpu.memory_space<hbm>>
    tpu.enqueue_indirect_dma source(%dma_start3A_188 : memref<10240x128xf32, #tpu.memory_space<hbm>>) target(%dma_start3A_180 : memref<40x128xf32, #tpu.memory_space<vmem>>) offsets(%dma_start3A_185 : memref<40xi32, #tpu.memory_space<vmem>>) semaphore(%arg13 : memref<!tpu.dma_semaphore, #tpu.memory_space<semaphore_mem>>)
    %dma_start3A_189 = arith.constant 1 : i32
    %dma_start3A_190 = arith.constant 1 : i32
    %dma_start3A_191 = arith.constant 0 : i32
    %dma_start3A_192 = arith.constant 0 : i32
    %dma_start3A_193 = tpu.memref_slice %arg8[%dma_start3A_190, %dma_start3A_191, %dma_start3A_192] : memref<4x80x128xf32, #tpu.memory_space<vmem>> -> memref<1x80x128xf32, #tpu.memory_space<vmem>>
    %dma_start3A_194 = tpu.memref_squeeze %dma_start3A_193 : memref<1x80x128xf32, #tpu.memory_space<vmem>> -> memref<80x128xf32, #tpu.memory_space<vmem>>
    %dma_start3A_195 = arith.constant 40 : i32
    %dma_start3A_196 = arith.constant 0 : i32
    %dma_start3A_197 = tpu.memref_slice %dma_start3A_194[%dma_start3A_195, %dma_start3A_196] : memref<80x128xf32, #tpu.memory_space<vmem>> -> memref<40x128xf32, #tpu.memory_space<vmem>>
    %dma_start3A_198 = arith.constant 0 : i32
    %dma_start3A_199 = tpu.memref_slice %arg6[%dma_start3A_189, %dma_start3A_198] : memref<4x80xi32, #tpu.memory_space<vmem>> -> memref<1x80xi32, #tpu.memory_space<vmem>>
    %dma_start3A_200 = tpu.memref_squeeze %dma_start3A_199 : memref<1x80xi32, #tpu.memory_space<vmem>> -> memref<80xi32, #tpu.memory_space<vmem>>
    %dma_start3A_201 = arith.constant 40 : i32
    %dma_start3A_202 = tpu.memref_slice %dma_start3A_200[%dma_start3A_201] : memref<80xi32, #tpu.memory_space<vmem>> -> memref<40xi32, #tpu.memory_space<vmem>>
    %dma_start3A_203 = arith.constant 0 : i32
    %dma_start3A_204 = arith.constant 0 : i32
    %dma_start3A_205 = tpu.memref_slice %arg2[%dma_start3A_203, %dma_start3A_204] : memref<10240x128xf32, #tpu.memory_space<hbm>> -> memref<10240x128xf32, #tpu.memory_space<hbm>>
    tpu.enqueue_indirect_dma source(%dma_start3A_205 : memref<10240x128xf32, #tpu.memory_space<hbm>>) target(%dma_start3A_197 : memref<40x128xf32, #tpu.memory_space<vmem>>) offsets(%dma_start3A_202 : memref<40xi32, #tpu.memory_space<vmem>>) semaphore(%arg13 : memref<!tpu.dma_semaphore, #tpu.memory_space<semaphore_mem>>)
    %dma_wait3A_206 = arith.constant 2 : i32
    %dma_wait3A_207 = arith.constant 0 : i32
    %dma_wait3A_208 = tpu.memref_slice %arg6[%dma_wait3A_206, %dma_wait3A_207] : memref<4x80xi32, #tpu.memory_space<vmem>> -> memref<1x80xi32, #tpu.memory_space<vmem>>
    %dma_wait3A_209 = tpu.memref_squeeze %dma_wait3A_208 : memref<1x80xi32, #tpu.memory_space<vmem>> -> memref<80xi32, #tpu.memory_space<vmem>>
    %dma_wait3A_210 = arith.constant 0 : i32
    %dma_wait3A_211 = tpu.memref_slice %arg3[%dma_wait3A_210] : memref<320000xi32, #tpu.memory_space<hbm>> -> memref<80xi32, #tpu.memory_space<hbm>>
    %dma_wait3A_212 = arith.constant 0 : i32
    %dma_wait3A_213 = tpu.memref_slice %arg6[%dma_wait3A_206, %dma_wait3A_212] : memref<4x80xi32, #tpu.memory_space<vmem>> -> memref<1x80xi32, #tpu.memory_space<vmem>>
    %dma_wait3A_214 = tpu.memref_squeeze %dma_wait3A_213 : memref<1x80xi32, #tpu.memory_space<vmem>> -> memref<80xi32, #tpu.memory_space<vmem>>
    %dma_wait3A_215 = arith.constant 0 : i32
    %dma_wait3A_216 = tpu.memref_slice %arg3[%dma_wait3A_215] : memref<320000xi32, #tpu.memory_space<hbm>> -> memref<80xi32, #tpu.memory_space<hbm>>
    tpu.wait_dma2 semaphore(%arg11 : memref<!tpu.dma_semaphore, #tpu.memory_space<semaphore_mem>>) src(%dma_wait3A_216 : memref<80xi32, #tpu.memory_space<hbm>>) dst(%dma_wait3A_214 : memref<80xi32, #tpu.memory_space<vmem>>)
    %dma_start3A_217 = arith.constant 2 : i32
    %dma_start3A_218 = arith.constant 2 : i32
    %dma_start3A_219 = arith.constant 0 : i32
    %dma_start3A_220 = arith.constant 0 : i32
    %dma_start3A_221 = tpu.memref_slice %arg8[%dma_start3A_218, %dma_start3A_219, %dma_start3A_220] : memref<4x80x128xf32, #tpu.memory_space<vmem>> -> memref<1x80x128xf32, #tpu.memory_space<vmem>>
    %dma_start3A_222 = tpu.memref_squeeze %dma_start3A_221 : memref<1x80x128xf32, #tpu.memory_space<vmem>> -> memref<80x128xf32, #tpu.memory_space<vmem>>
    %dma_start3A_223 = arith.constant 0 : i32
    %dma_start3A_224 = arith.constant 0 : i32
    %dma_start3A_225 = tpu.memref_slice %dma_start3A_222[%dma_start3A_223, %dma_start3A_224] : memref<80x128xf32, #tpu.memory_space<vmem>> -> memref<40x128xf32, #tpu.memory_space<vmem>>
    %dma_start3A_226 = arith.constant 0 : i32
    %dma_start3A_227 = tpu.memref_slice %arg6[%dma_start3A_217, %dma_start3A_226] : memref<4x80xi32, #tpu.memory_space<vmem>> -> memref<1x80xi32, #tpu.memory_space<vmem>>
    %dma_start3A_228 = tpu.memref_squeeze %dma_start3A_227 : memref<1x80xi32, #tpu.memory_space<vmem>> -> memref<80xi32, #tpu.memory_space<vmem>>
    %dma_start3A_229 = arith.constant 0 : i32
    %dma_start3A_230 = tpu.memref_slice %dma_start3A_228[%dma_start3A_229] : memref<80xi32, #tpu.memory_space<vmem>> -> memref<40xi32, #tpu.memory_space<vmem>>
    %dma_start3A_231 = arith.constant 0 : i32
    %dma_start3A_232 = arith.constant 0 : i32
    %dma_start3A_233 = tpu.memref_slice %arg2[%dma_start3A_231, %dma_start3A_232] : memref<10240x128xf32, #tpu.memory_space<hbm>> -> memref<10240x128xf32, #tpu.memory_space<hbm>>
    tpu.enqueue_indirect_dma source(%dma_start3A_233 : memref<10240x128xf32, #tpu.memory_space<hbm>>) target(%dma_start3A_225 : memref<40x128xf32, #tpu.memory_space<vmem>>) offsets(%dma_start3A_230 : memref<40xi32, #tpu.memory_space<vmem>>) semaphore(%arg13 : memref<!tpu.dma_semaphore, #tpu.memory_space<semaphore_mem>>)
    %dma_start3A_234 = arith.constant 2 : i32
    %dma_start3A_235 = arith.constant 2 : i32
    %dma_start3A_236 = arith.constant 0 : i32
    %dma_start3A_237 = arith.constant 0 : i32
    %dma_start3A_238 = tpu.memref_slice %arg8[%dma_start3A_235, %dma_start3A_236, %dma_start3A_237] : memref<4x80x128xf32, #tpu.memory_space<vmem>> -> memref<1x80x128xf32, #tpu.memory_space<vmem>>
    %dma_start3A_239 = tpu.memref_squeeze %dma_start3A_238 : memref<1x80x128xf32, #tpu.memory_space<vmem>> -> memref<80x128xf32, #tpu.memory_space<vmem>>
    %dma_start3A_240 = arith.constant 40 : i32
    %dma_start3A_241 = arith.constant 0 : i32
    %dma_start3A_242 = tpu.memref_slice %dma_start3A_239[%dma_start3A_240, %dma_start3A_241] : memref<80x128xf32, #tpu.memory_space<vmem>> -> memref<40x128xf32, #tpu.memory_space<vmem>>
    %dma_start3A_243 = arith.constant 0 : i32
    %dma_start3A_244 = tpu.memref_slice %arg6[%dma_start3A_234, %dma_start3A_243] : memref<4x80xi32, #tpu.memory_space<vmem>> -> memref<1x80xi32, #tpu.memory_space<vmem>>
    %dma_start3A_245 = tpu.memref_squeeze %dma_start3A_244 : memref<1x80xi32, #tpu.memory_space<vmem>> -> memref<80xi32, #tpu.memory_space<vmem>>
    %dma_start3A_246 = arith.constant 40 : i32
    %dma_start3A_247 = tpu.memref_slice %dma_start3A_245[%dma_start3A_246] : memref<80xi32, #tpu.memory_space<vmem>> -> memref<40xi32, #tpu.memory_space<vmem>>
    %dma_start3A_248 = arith.constant 0 : i32
    %dma_start3A_249 = arith.constant 0 : i32
    %dma_start3A_250 = tpu.memref_slice %arg2[%dma_start3A_248, %dma_start3A_249] : memref<10240x128xf32, #tpu.memory_space<hbm>> -> memref<10240x128xf32, #tpu.memory_space<hbm>>
    tpu.enqueue_indirect_dma source(%dma_start3A_250 : memref<10240x128xf32, #tpu.memory_space<hbm>>) target(%dma_start3A_242 : memref<40x128xf32, #tpu.memory_space<vmem>>) offsets(%dma_start3A_247 : memref<40xi32, #tpu.memory_space<vmem>>) semaphore(%arg13 : memref<!tpu.dma_semaphore, #tpu.memory_space<semaphore_mem>>)
    %dma_wait3A_251 = arith.constant 0 : i32
    %dma_wait3A_252 = arith.constant 0 : i32
    %dma_wait3A_253 = arith.constant 0 : i32
    %dma_wait3A_254 = arith.constant 0 : i32
    %dma_wait3A_255 = tpu.memref_slice %arg8[%dma_wait3A_252, %dma_wait3A_253, %dma_wait3A_254] : memref<4x80x128xf32, #tpu.memory_space<vmem>> -> memref<1x80x128xf32, #tpu.memory_space<vmem>>
    %dma_wait3A_256 = tpu.memref_squeeze %dma_wait3A_255 : memref<1x80x128xf32, #tpu.memory_space<vmem>> -> memref<80x128xf32, #tpu.memory_space<vmem>>
    %dma_wait3A_257 = arith.constant 0 : i32
    %dma_wait3A_258 = arith.constant 0 : i32
    %dma_wait3A_259 = tpu.memref_slice %dma_wait3A_256[%dma_wait3A_257, %dma_wait3A_258] : memref<80x128xf32, #tpu.memory_space<vmem>> -> memref<40x128xf32, #tpu.memory_space<vmem>>
    %dma_wait3A_260 = arith.constant 0 : i32
    %dma_wait3A_261 = tpu.memref_slice %arg6[%dma_wait3A_251, %dma_wait3A_260] : memref<4x80xi32, #tpu.memory_space<vmem>> -> memref<1x80xi32, #tpu.memory_space<vmem>>
    %dma_wait3A_262 = tpu.memref_squeeze %dma_wait3A_261 : memref<1x80xi32, #tpu.memory_space<vmem>> -> memref<80xi32, #tpu.memory_space<vmem>>
    %dma_wait3A_263 = arith.constant 0 : i32
    %dma_wait3A_264 = tpu.memref_slice %dma_wait3A_262[%dma_wait3A_263] : memref<80xi32, #tpu.memory_space<vmem>> -> memref<40xi32, #tpu.memory_space<vmem>>
    %dma_wait3A_265 = arith.constant 0 : i32
    %dma_wait3A_266 = arith.constant 0 : i32
    %dma_wait3A_267 = tpu.memref_slice %arg2[%dma_wait3A_265, %dma_wait3A_266] : memref<10240x128xf32, #tpu.memory_space<hbm>> -> memref<10240x128xf32, #tpu.memory_space<hbm>>
    tpu.wait_indirect_dma semaphore(%arg13 : memref<!tpu.dma_semaphore, #tpu.memory_space<semaphore_mem>>) src(%dma_wait3A_267 : memref<10240x128xf32, #tpu.memory_space<hbm>>) dst(%dma_wait3A_259 : memref<40x128xf32, #tpu.memory_space<vmem>>)
    %dma_wait3A_268 = arith.constant 0 : i32
    %dma_wait3A_269 = arith.constant 0 : i32
    %dma_wait3A_270 = arith.constant 0 : i32
    %dma_wait3A_271 = arith.constant 0 : i32
    %dma_wait3A_272 = tpu.memref_slice %arg8[%dma_wait3A_269, %dma_wait3A_270, %dma_wait3A_271] : memref<4x80x128xf32, #tpu.memory_space<vmem>> -> memref<1x80x128xf32, #tpu.memory_space<vmem>>
    %dma_wait3A_273 = tpu.memref_squeeze %dma_wait3A_272 : memref<1x80x128xf32, #tpu.memory_space<vmem>> -> memref<80x128xf32, #tpu.memory_space<vmem>>
    %dma_wait3A_274 = arith.constant 40 : i32
    %dma_wait3A_275 = arith.constant 0 : i32
    %dma_wait3A_276 = tpu.memref_slice %dma_wait3A_273[%dma_wait3A_274, %dma_wait3A_275] : memref<80x128xf32, #tpu.memory_space<vmem>> -> memref<40x128xf32, #tpu.memory_space<vmem>>
    %dma_wait3A_277 = arith.constant 0 : i32
    %dma_wait3A_278 = tpu.memref_slice %arg6[%dma_wait3A_268, %dma_wait3A_277] : memref<4x80xi32, #tpu.memory_space<vmem>> -> memref<1x80xi32, #tpu.memory_space<vmem>>
    %dma_wait3A_279 = tpu.memref_squeeze %dma_wait3A_278 : memref<1x80xi32, #tpu.memory_space<vmem>> -> memref<80xi32, #tpu.memory_space<vmem>>
    %dma_wait3A_280 = arith.constant 0 : i32
    %dma_wait3A_281 = tpu.memref_slice %dma_wait3A_279[%dma_wait3A_280] : memref<80xi32, #tpu.memory_space<vmem>> -> memref<40xi32, #tpu.memory_space<vmem>>
    %dma_wait3A_282 = arith.constant 0 : i32
    %dma_wait3A_283 = arith.constant 0 : i32
    %dma_wait3A_284 = tpu.memref_slice %arg2[%dma_wait3A_282, %dma_wait3A_283] : memref<10240x128xf32, #tpu.memory_space<hbm>> -> memref<10240x128xf32, #tpu.memory_space<hbm>>
    tpu.wait_indirect_dma semaphore(%arg13 : memref<!tpu.dma_semaphore, #tpu.memory_space<semaphore_mem>>) src(%dma_wait3A_284 : memref<10240x128xf32, #tpu.memory_space<hbm>>) dst(%dma_wait3A_276 : memref<40x128xf32, #tpu.memory_space<vmem>>)
    %dma_wait3A_285 = arith.constant 0 : i32
    %dma_wait3A_286 = arith.constant 0 : i32
    %dma_wait3A_287 = tpu.memref_slice %arg7[%dma_wait3A_285, %dma_wait3A_286] : memref<4x80xi32, #tpu.memory_space<vmem>> -> memref<1x80xi32, #tpu.memory_space<vmem>>
    %dma_wait3A_288 = tpu.memref_squeeze %dma_wait3A_287 : memref<1x80xi32, #tpu.memory_space<vmem>> -> memref<80xi32, #tpu.memory_space<vmem>>
    %dma_wait3A_289 = arith.constant 0 : i32
    %dma_wait3A_290 = tpu.memref_slice %arg4[%dma_wait3A_289] : memref<320000xi32, #tpu.memory_space<hbm>> -> memref<80xi32, #tpu.memory_space<hbm>>
    %dma_wait3A_291 = arith.constant 0 : i32
    %dma_wait3A_292 = tpu.memref_slice %arg7[%dma_wait3A_285, %dma_wait3A_291] : memref<4x80xi32, #tpu.memory_space<vmem>> -> memref<1x80xi32, #tpu.memory_space<vmem>>
    %dma_wait3A_293 = tpu.memref_squeeze %dma_wait3A_292 : memref<1x80xi32, #tpu.memory_space<vmem>> -> memref<80xi32, #tpu.memory_space<vmem>>
    %dma_wait3A_294 = arith.constant 0 : i32
    %dma_wait3A_295 = tpu.memref_slice %arg4[%dma_wait3A_294] : memref<320000xi32, #tpu.memory_space<hbm>> -> memref<80xi32, #tpu.memory_space<hbm>>
    tpu.wait_dma2 semaphore(%arg12 : memref<!tpu.dma_semaphore, #tpu.memory_space<semaphore_mem>>) src(%dma_wait3A_295 : memref<80xi32, #tpu.memory_space<hbm>>) dst(%dma_wait3A_293 : memref<80xi32, #tpu.memory_space<vmem>>)
    %dma_start3A_296 = arith.constant 0 : i32
    %dma_start3A_297 = arith.constant 0 : i32
    %dma_start3A_298 = arith.constant 0 : i32
    %dma_start3A_299 = arith.constant 0 : i32
    %dma_start3A_300 = tpu.memref_slice %arg8[%dma_start3A_296, %dma_start3A_298, %dma_start3A_299] : memref<4x80x128xf32, #tpu.memory_space<vmem>> -> memref<1x80x128xf32, #tpu.memory_space<vmem>>
    %dma_start3A_301 = tpu.memref_squeeze %dma_start3A_300 : memref<1x80x128xf32, #tpu.memory_space<vmem>> -> memref<80x128xf32, #tpu.memory_space<vmem>>
    %dma_start3A_302 = arith.constant 0 : i32
    %dma_start3A_303 = tpu.memref_slice %arg7[%dma_start3A_297, %dma_start3A_302] : memref<4x80xi32, #tpu.memory_space<vmem>> -> memref<1x80xi32, #tpu.memory_space<vmem>>
    %dma_start3A_304 = tpu.memref_squeeze %dma_start3A_303 : memref<1x80xi32, #tpu.memory_space<vmem>> -> memref<80xi32, #tpu.memory_space<vmem>>
    %dma_start3A_305 = arith.constant 0 : i32
    %dma_start3A_306 = arith.constant 0 : i32
    %dma_start3A_307 = tpu.memref_slice %arg10[%dma_start3A_305, %dma_start3A_306] : memref<10240x128xf32, #tpu.memory_space<vmem_shared>> -> memref<10240x128xf32, #tpu.memory_space<vmem_shared>>
    tpu.enqueue_indirect_dma source(%dma_start3A_301 : memref<80x128xf32, #tpu.memory_space<vmem>>) target(%dma_start3A_307 : memref<10240x128xf32, #tpu.memory_space<vmem_shared>>) offsets(%dma_start3A_304 : memref<80xi32, #tpu.memory_space<vmem>>) semaphore(%arg14 : memref<!tpu.dma_semaphore, #tpu.memory_space<semaphore_mem>>) {add = true}
    %dma_wait3A_308 = arith.constant 3 : i32
    %dma_wait3A_309 = arith.constant 0 : i32
    %dma_wait3A_310 = tpu.memref_slice %arg6[%dma_wait3A_308, %dma_wait3A_309] : memref<4x80xi32, #tpu.memory_space<vmem>> -> memref<1x80xi32, #tpu.memory_space<vmem>>
    %dma_wait3A_311 = tpu.memref_squeeze %dma_wait3A_310 : memref<1x80xi32, #tpu.memory_space<vmem>> -> memref<80xi32, #tpu.memory_space<vmem>>
    %dma_wait3A_312 = arith.constant 0 : i32
    %dma_wait3A_313 = tpu.memref_slice %arg3[%dma_wait3A_312] : memref<320000xi32, #tpu.memory_space<hbm>> -> memref<80xi32, #tpu.memory_space<hbm>>
    %dma_wait3A_314 = arith.constant 0 : i32
    %dma_wait3A_315 = tpu.memref_slice %arg6[%dma_wait3A_308, %dma_wait3A_314] : memref<4x80xi32, #tpu.memory_space<vmem>> -> memref<1x80xi32, #tpu.memory_space<vmem>>
    %dma_wait3A_316 = tpu.memref_squeeze %dma_wait3A_315 : memref<1x80xi32, #tpu.memory_space<vmem>> -> memref<80xi32, #tpu.memory_space<vmem>>
    %dma_wait3A_317 = arith.constant 0 : i32
    %dma_wait3A_318 = tpu.memref_slice %arg3[%dma_wait3A_317] : memref<320000xi32, #tpu.memory_space<hbm>> -> memref<80xi32, #tpu.memory_space<hbm>>
    tpu.wait_dma2 semaphore(%arg11 : memref<!tpu.dma_semaphore, #tpu.memory_space<semaphore_mem>>) src(%dma_wait3A_318 : memref<80xi32, #tpu.memory_space<hbm>>) dst(%dma_wait3A_316 : memref<80xi32, #tpu.memory_space<vmem>>)
    %dma_start3A_319 = arith.constant 3 : i32
    %dma_start3A_320 = arith.constant 3 : i32
    %dma_start3A_321 = arith.constant 0 : i32
    %dma_start3A_322 = arith.constant 0 : i32
    %dma_start3A_323 = tpu.memref_slice %arg8[%dma_start3A_320, %dma_start3A_321, %dma_start3A_322] : memref<4x80x128xf32, #tpu.memory_space<vmem>> -> memref<1x80x128xf32, #tpu.memory_space<vmem>>
    %dma_start3A_324 = tpu.memref_squeeze %dma_start3A_323 : memref<1x80x128xf32, #tpu.memory_space<vmem>> -> memref<80x128xf32, #tpu.memory_space<vmem>>
    %dma_start3A_325 = arith.constant 0 : i32
    %dma_start3A_326 = arith.constant 0 : i32
    %dma_start3A_327 = tpu.memref_slice %dma_start3A_324[%dma_start3A_325, %dma_start3A_326] : memref<80x128xf32, #tpu.memory_space<vmem>> -> memref<40x128xf32, #tpu.memory_space<vmem>>
    %dma_start3A_328 = arith.constant 0 : i32
    %dma_start3A_329 = tpu.memref_slice %arg6[%dma_start3A_319, %dma_start3A_328] : memref<4x80xi32, #tpu.memory_space<vmem>> -> memref<1x80xi32, #tpu.memory_space<vmem>>
    %dma_start3A_330 = tpu.memref_squeeze %dma_start3A_329 : memref<1x80xi32, #tpu.memory_space<vmem>> -> memref<80xi32, #tpu.memory_space<vmem>>
    %dma_start3A_331 = arith.constant 0 : i32
    %dma_start3A_332 = tpu.memref_slice %dma_start3A_330[%dma_start3A_331] : memref<80xi32, #tpu.memory_space<vmem>> -> memref<40xi32, #tpu.memory_space<vmem>>
    %dma_start3A_333 = arith.constant 0 : i32
    %dma_start3A_334 = arith.constant 0 : i32
    %dma_start3A_335 = tpu.memref_slice %arg2[%dma_start3A_333, %dma_start3A_334] : memref<10240x128xf32, #tpu.memory_space<hbm>> -> memref<10240x128xf32, #tpu.memory_space<hbm>>
    tpu.enqueue_indirect_dma source(%dma_start3A_335 : memref<10240x128xf32, #tpu.memory_space<hbm>>) target(%dma_start3A_327 : memref<40x128xf32, #tpu.memory_space<vmem>>) offsets(%dma_start3A_332 : memref<40xi32, #tpu.memory_space<vmem>>) semaphore(%arg13 : memref<!tpu.dma_semaphore, #tpu.memory_space<semaphore_mem>>)
    %dma_start3A_336 = arith.constant 3 : i32
    %dma_start3A_337 = arith.constant 3 : i32
    %dma_start3A_338 = arith.constant 0 : i32
    %dma_start3A_339 = arith.constant 0 : i32
    %dma_start3A_340 = tpu.memref_slice %arg8[%dma_start3A_337, %dma_start3A_338, %dma_start3A_339] : memref<4x80x128xf32, #tpu.memory_space<vmem>> -> memref<1x80x128xf32, #tpu.memory_space<vmem>>
    %dma_start3A_341 = tpu.memref_squeeze %dma_start3A_340 : memref<1x80x128xf32, #tpu.memory_space<vmem>> -> memref<80x128xf32, #tpu.memory_space<vmem>>
    %dma_start3A_342 = arith.constant 40 : i32
    %dma_start3A_343 = arith.constant 0 : i32
    %dma_start3A_344 = tpu.memref_slice %dma_start3A_341[%dma_start3A_342, %dma_start3A_343] : memref<80x128xf32, #tpu.memory_space<vmem>> -> memref<40x128xf32, #tpu.memory_space<vmem>>
    %dma_start3A_345 = arith.constant 0 : i32
    %dma_start3A_346 = tpu.memref_slice %arg6[%dma_start3A_336, %dma_start3A_345] : memref<4x80xi32, #tpu.memory_space<vmem>> -> memref<1x80xi32, #tpu.memory_space<vmem>>
    %dma_start3A_347 = tpu.memref_squeeze %dma_start3A_346 : memref<1x80xi32, #tpu.memory_space<vmem>> -> memref<80xi32, #tpu.memory_space<vmem>>
    %dma_start3A_348 = arith.constant 40 : i32
    %dma_start3A_349 = tpu.memref_slice %dma_start3A_347[%dma_start3A_348] : memref<80xi32, #tpu.memory_space<vmem>> -> memref<40xi32, #tpu.memory_space<vmem>>
    %dma_start3A_350 = arith.constant 0 : i32
    %dma_start3A_351 = arith.constant 0 : i32
    %dma_start3A_352 = tpu.memref_slice %arg2[%dma_start3A_350, %dma_start3A_351] : memref<10240x128xf32, #tpu.memory_space<hbm>> -> memref<10240x128xf32, #tpu.memory_space<hbm>>
    tpu.enqueue_indirect_dma source(%dma_start3A_352 : memref<10240x128xf32, #tpu.memory_space<hbm>>) target(%dma_start3A_344 : memref<40x128xf32, #tpu.memory_space<vmem>>) offsets(%dma_start3A_349 : memref<40xi32, #tpu.memory_space<vmem>>) semaphore(%arg13 : memref<!tpu.dma_semaphore, #tpu.memory_space<semaphore_mem>>)
    %mul3A_353 = arith.constant 4 : i32
    %mul3A_354 = arith.constant 80 : i32
    %mul3A_355 = arith.muli %mul3A_353, %mul3A_354 : i32
    %add3A_356 = arith.addi %mul3A_13, %mul3A_355 : i32
    %dma_start3A_357 = arith.constant 0 : i32
    %dma_start3A_358 = arith.constant 0 : i32
    %dma_start3A_359 = tpu.memref_slice %arg6[%dma_start3A_357, %dma_start3A_358] : memref<4x80xi32, #tpu.memory_space<vmem>> -> memref<1x80xi32, #tpu.memory_space<vmem>>
    %dma_start3A_360 = tpu.memref_squeeze %dma_start3A_359 : memref<1x80xi32, #tpu.memory_space<vmem>> -> memref<80xi32, #tpu.memory_space<vmem>>
    %dma_start3A_361 = tpu.memref_slice %arg3[%add3A_356] : memref<320000xi32, #tpu.memory_space<hbm>> -> memref<80xi32, #tpu.memory_space<hbm>>
    %dma_start3A_362 = arith.constant 0 : i32
    %dma_start3A_363 = tpu.memref_slice %arg6[%dma_start3A_357, %dma_start3A_362] : memref<4x80xi32, #tpu.memory_space<vmem>> -> memref<1x80xi32, #tpu.memory_space<vmem>>
    %dma_start3A_364 = tpu.memref_squeeze %dma_start3A_363 : memref<1x80xi32, #tpu.memory_space<vmem>> -> memref<80xi32, #tpu.memory_space<vmem>>
    %dma_start3A_365 = tpu.memref_slice %arg3[%add3A_356] : memref<320000xi32, #tpu.memory_space<hbm>> -> memref<80xi32, #tpu.memory_space<hbm>>
    tpu.enqueue_dma source(%dma_start3A_365 : memref<80xi32, #tpu.memory_space<hbm>>) target(%dma_start3A_364 : memref<80xi32, #tpu.memory_space<vmem>>) target_semaphore(%arg11 : memref<!tpu.dma_semaphore, #tpu.memory_space<semaphore_mem>>)
    %scan3A_366 = arith.constant 0 : i32
    %scan3A_367 = arith.constant 0 : i32
    %scan3A_368 = arith.constant 31 : i32
    %scan3A_369 = arith.addi %scan3A_367, %scan3A_368 : i32
    %scan3A_370 = arith.constant 1 : i32
    scf.for %scan3A_389 = %scan3A_367 to %scan3A_369 step %scan3A_370  : i32 {
      %mul3A_390 = arith.constant 4 : i32
      %mul3A_391 = arith.muli %scan3A_389, %mul3A_390 : i32
      %add3A_392 = arith.constant 1 : i32
      %add3A_393 = arith.addi %add3A_392, %mul3A_391 : i32
      %add3A_394 = arith.constant 0 : i32
      %add3A_395 = arith.addi %add3A_393, %add3A_394 : i32
      %dma_wait3A_396 = arith.constant 1 : i32
      %dma_wait3A_397 = arith.constant 1 : i32
      %dma_wait3A_398 = arith.constant 0 : i32
      %dma_wait3A_399 = arith.constant 0 : i32
      %dma_wait3A_400 = tpu.memref_slice %arg8[%dma_wait3A_397, %dma_wait3A_398, %dma_wait3A_399] : memref<4x80x128xf32, #tpu.memory_space<vmem>> -> memref<1x80x128xf32, #tpu.memory_space<vmem>>
      %dma_wait3A_401 = tpu.memref_squeeze %dma_wait3A_400 : memref<1x80x128xf32, #tpu.memory_space<vmem>> -> memref<80x128xf32, #tpu.memory_space<vmem>>
      %dma_wait3A_402 = arith.constant 0 : i32
      %dma_wait3A_403 = arith.constant 0 : i32
      %dma_wait3A_404 = tpu.memref_slice %dma_wait3A_401[%dma_wait3A_402, %dma_wait3A_403] : memref<80x128xf32, #tpu.memory_space<vmem>> -> memref<40x128xf32, #tpu.memory_space<vmem>>
      %dma_wait3A_405 = arith.constant 0 : i32
      %dma_wait3A_406 = tpu.memref_slice %arg6[%dma_wait3A_396, %dma_wait3A_405] : memref<4x80xi32, #tpu.memory_space<vmem>> -> memref<1x80xi32, #tpu.memory_space<vmem>>
      %dma_wait3A_407 = tpu.memref_squeeze %dma_wait3A_406 : memref<1x80xi32, #tpu.memory_space<vmem>> -> memref<80xi32, #tpu.memory_space<vmem>>
      %dma_wait3A_408 = arith.constant 0 : i32
      %dma_wait3A_409 = tpu.memref_slice %dma_wait3A_407[%dma_wait3A_408] : memref<80xi32, #tpu.memory_space<vmem>> -> memref<40xi32, #tpu.memory_space<vmem>>
      %dma_wait3A_410 = arith.constant 0 : i32
      %dma_wait3A_411 = arith.constant 0 : i32
      %dma_wait3A_412 = tpu.memref_slice %arg2[%dma_wait3A_410, %dma_wait3A_411] : memref<10240x128xf32, #tpu.memory_space<hbm>> -> memref<10240x128xf32, #tpu.memory_space<hbm>>
      tpu.wait_indirect_dma semaphore(%arg13 : memref<!tpu.dma_semaphore, #tpu.memory_space<semaphore_mem>>) src(%dma_wait3A_412 : memref<10240x128xf32, #tpu.memory_space<hbm>>) dst(%dma_wait3A_404 : memref<40x128xf32, #tpu.memory_space<vmem>>)
      %dma_wait3A_413 = arith.constant 1 : i32
      %dma_wait3A_414 = arith.constant 1 : i32
      %dma_wait3A_415 = arith.constant 0 : i32
      %dma_wait3A_416 = arith.constant 0 : i32
      %dma_wait3A_417 = tpu.memref_slice %arg8[%dma_wait3A_414, %dma_wait3A_415, %dma_wait3A_416] : memref<4x80x128xf32, #tpu.memory_space<vmem>> -> memref<1x80x128xf32, #tpu.memory_space<vmem>>
      %dma_wait3A_418 = tpu.memref_squeeze %dma_wait3A_417 : memref<1x80x128xf32, #tpu.memory_space<vmem>> -> memref<80x128xf32, #tpu.memory_space<vmem>>
      %dma_wait3A_419 = arith.constant 40 : i32
      %dma_wait3A_420 = arith.constant 0 : i32
      %dma_wait3A_421 = tpu.memref_slice %dma_wait3A_418[%dma_wait3A_419, %dma_wait3A_420] : memref<80x128xf32, #tpu.memory_space<vmem>> -> memref<40x128xf32, #tpu.memory_space<vmem>>
      %dma_wait3A_422 = arith.constant 0 : i32
      %dma_wait3A_423 = tpu.memref_slice %arg6[%dma_wait3A_413, %dma_wait3A_422] : memref<4x80xi32, #tpu.memory_space<vmem>> -> memref<1x80xi32, #tpu.memory_space<vmem>>
      %dma_wait3A_424 = tpu.memref_squeeze %dma_wait3A_423 : memref<1x80xi32, #tpu.memory_space<vmem>> -> memref<80xi32, #tpu.memory_space<vmem>>
      %dma_wait3A_425 = arith.constant 0 : i32
      %dma_wait3A_426 = tpu.memref_slice %dma_wait3A_424[%dma_wait3A_425] : memref<80xi32, #tpu.memory_space<vmem>> -> memref<40xi32, #tpu.memory_space<vmem>>
      %dma_wait3A_427 = arith.constant 0 : i32
      %dma_wait3A_428 = arith.constant 0 : i32
      %dma_wait3A_429 = tpu.memref_slice %arg2[%dma_wait3A_427, %dma_wait3A_428] : memref<10240x128xf32, #tpu.memory_space<hbm>> -> memref<10240x128xf32, #tpu.memory_space<hbm>>
      tpu.wait_indirect_dma semaphore(%arg13 : memref<!tpu.dma_semaphore, #tpu.memory_space<semaphore_mem>>) src(%dma_wait3A_429 : memref<10240x128xf32, #tpu.memory_space<hbm>>) dst(%dma_wait3A_421 : memref<40x128xf32, #tpu.memory_space<vmem>>)
      %dma_wait3A_430 = arith.constant 1 : i32
      %dma_wait3A_431 = arith.constant 0 : i32
      %dma_wait3A_432 = tpu.memref_slice %arg7[%dma_wait3A_430, %dma_wait3A_431] : memref<4x80xi32, #tpu.memory_space<vmem>> -> memref<1x80xi32, #tpu.memory_space<vmem>>
      %dma_wait3A_433 = tpu.memref_squeeze %dma_wait3A_432 : memref<1x80xi32, #tpu.memory_space<vmem>> -> memref<80xi32, #tpu.memory_space<vmem>>
      %dma_wait3A_434 = arith.constant 0 : i32
      %dma_wait3A_435 = tpu.memref_slice %arg4[%dma_wait3A_434] : memref<320000xi32, #tpu.memory_space<hbm>> -> memref<80xi32, #tpu.memory_space<hbm>>
      %dma_wait3A_436 = arith.constant 0 : i32
      %dma_wait3A_437 = tpu.memref_slice %arg7[%dma_wait3A_430, %dma_wait3A_436] : memref<4x80xi32, #tpu.memory_space<vmem>> -> memref<1x80xi32, #tpu.memory_space<vmem>>
      %dma_wait3A_438 = tpu.memref_squeeze %dma_wait3A_437 : memref<1x80xi32, #tpu.memory_space<vmem>> -> memref<80xi32, #tpu.memory_space<vmem>>
      %dma_wait3A_439 = arith.constant 0 : i32
      %dma_wait3A_440 = tpu.memref_slice %arg4[%dma_wait3A_439] : memref<320000xi32, #tpu.memory_space<hbm>> -> memref<80xi32, #tpu.memory_space<hbm>>
      tpu.wait_dma2 semaphore(%arg12 : memref<!tpu.dma_semaphore, #tpu.memory_space<semaphore_mem>>) src(%dma_wait3A_440 : memref<80xi32, #tpu.memory_space<hbm>>) dst(%dma_wait3A_438 : memref<80xi32, #tpu.memory_space<vmem>>)
      %dma_start3A_441 = arith.constant 1 : i32
      %dma_start3A_442 = arith.constant 1 : i32
      %dma_start3A_443 = arith.constant 0 : i32
      %dma_start3A_444 = arith.constant 0 : i32
      %dma_start3A_445 = tpu.memref_slice %arg8[%dma_start3A_441, %dma_start3A_443, %dma_start3A_444] : memref<4x80x128xf32, #tpu.memory_space<vmem>> -> memref<1x80x128xf32, #tpu.memory_space<vmem>>
      %dma_start3A_446 = tpu.memref_squeeze %dma_start3A_445 : memref<1x80x128xf32, #tpu.memory_space<vmem>> -> memref<80x128xf32, #tpu.memory_space<vmem>>
      %dma_start3A_447 = arith.constant 0 : i32
      %dma_start3A_448 = tpu.memref_slice %arg7[%dma_start3A_442, %dma_start3A_447] : memref<4x80xi32, #tpu.memory_space<vmem>> -> memref<1x80xi32, #tpu.memory_space<vmem>>
      %dma_start3A_449 = tpu.memref_squeeze %dma_start3A_448 : memref<1x80xi32, #tpu.memory_space<vmem>> -> memref<80xi32, #tpu.memory_space<vmem>>
      %dma_start3A_450 = arith.constant 0 : i32
      %dma_start3A_451 = arith.constant 0 : i32
      %dma_start3A_452 = tpu.memref_slice %arg10[%dma_start3A_450, %dma_start3A_451] : memref<10240x128xf32, #tpu.memory_space<vmem_shared>> -> memref<10240x128xf32, #tpu.memory_space<vmem_shared>>
      tpu.enqueue_indirect_dma source(%dma_start3A_446 : memref<80x128xf32, #tpu.memory_space<vmem>>) target(%dma_start3A_452 : memref<10240x128xf32, #tpu.memory_space<vmem_shared>>) offsets(%dma_start3A_449 : memref<80xi32, #tpu.memory_space<vmem>>) semaphore(%arg14 : memref<!tpu.dma_semaphore, #tpu.memory_space<semaphore_mem>>) {add = true}
      %dma_wait3A_453 = arith.constant 0 : i32
      %dma_wait3A_454 = arith.constant 0 : i32
      %dma_wait3A_455 = arith.constant 0 : i32
      %dma_wait3A_456 = arith.constant 0 : i32
      %dma_wait3A_457 = tpu.memref_slice %arg8[%dma_wait3A_453, %dma_wait3A_455, %dma_wait3A_456] : memref<4x80x128xf32, #tpu.memory_space<vmem>> -> memref<1x80x128xf32, #tpu.memory_space<vmem>>
      %dma_wait3A_458 = tpu.memref_squeeze %dma_wait3A_457 : memref<1x80x128xf32, #tpu.memory_space<vmem>> -> memref<80x128xf32, #tpu.memory_space<vmem>>
      %dma_wait3A_459 = arith.constant 0 : i32
      %dma_wait3A_460 = tpu.memref_slice %arg7[%dma_wait3A_454, %dma_wait3A_459] : memref<4x80xi32, #tpu.memory_space<vmem>> -> memref<1x80xi32, #tpu.memory_space<vmem>>
      %dma_wait3A_461 = tpu.memref_squeeze %dma_wait3A_460 : memref<1x80xi32, #tpu.memory_space<vmem>> -> memref<80xi32, #tpu.memory_space<vmem>>
      %dma_wait3A_462 = arith.constant 0 : i32
      %dma_wait3A_463 = arith.constant 0 : i32
      %dma_wait3A_464 = tpu.memref_slice %arg10[%dma_wait3A_462, %dma_wait3A_463] : memref<10240x128xf32, #tpu.memory_space<vmem_shared>> -> memref<10240x128xf32, #tpu.memory_space<vmem_shared>>
      tpu.wait_indirect_dma semaphore(%arg14 : memref<!tpu.dma_semaphore, #tpu.memory_space<semaphore_mem>>) src(%dma_wait3A_458 : memref<80x128xf32, #tpu.memory_space<vmem>>) dst(%dma_wait3A_464 : memref<10240x128xf32, #tpu.memory_space<vmem_shared>>)
      %add3A_465 = arith.constant 3 : i32
      %add3A_466 = arith.addi %add3A_395, %add3A_465 : i32
      %lt3A = arith.constant 125 : i32
      %lt3A_467 = arith.cmpi slt, %add3A_466, %lt3A : i32
      %convert_element_type3A = arith.extui %lt3A_467 : i1 to i32
      %cond3A = arith.constant 0 : i32
      %cond3A_468 = arith.cmpi ne, %convert_element_type3A, %cond3A : i32
      scf.if %cond3A_468 {
        %add3A_743 = arith.constant 3 : i32
        %add3A_744 = arith.addi %add3A_395, %add3A_743 : i32
        %mul3A_745 = arith.constant 80 : i32
        %mul3A_746 = arith.muli %add3A_744, %mul3A_745 : i32
        %add3A_747 = arith.addi %mul3A_13, %mul3A_746 : i32
        %dma_start3A_748 = arith.constant 0 : i32
        %dma_start3A_749 = arith.constant 0 : i32
        %dma_start3A_750 = tpu.memref_slice %arg7[%dma_start3A_748, %dma_start3A_749] : memref<4x80xi32, #tpu.memory_space<vmem>> -> memref<1x80xi32, #tpu.memory_space<vmem>>
        %dma_start3A_751 = tpu.memref_squeeze %dma_start3A_750 : memref<1x80xi32, #tpu.memory_space<vmem>> -> memref<80xi32, #tpu.memory_space<vmem>>
        %dma_start3A_752 = tpu.memref_slice %arg4[%add3A_747] : memref<320000xi32, #tpu.memory_space<hbm>> -> memref<80xi32, #tpu.memory_space<hbm>>
        %dma_start3A_753 = arith.constant 0 : i32
        %dma_start3A_754 = tpu.memref_slice %arg7[%dma_start3A_748, %dma_start3A_753] : memref<4x80xi32, #tpu.memory_space<vmem>> -> memref<1x80xi32, #tpu.memory_space<vmem>>
        %dma_start3A_755 = tpu.memref_squeeze %dma_start3A_754 : memref<1x80xi32, #tpu.memory_space<vmem>> -> memref<80xi32, #tpu.memory_space<vmem>>
        %dma_start3A_756 = tpu.memref_slice %arg4[%add3A_747] : memref<320000xi32, #tpu.memory_space<hbm>> -> memref<80xi32, #tpu.memory_space<hbm>>
        tpu.enqueue_dma source(%dma_start3A_756 : memref<80xi32, #tpu.memory_space<hbm>>) target(%dma_start3A_755 : memref<80xi32, #tpu.memory_space<vmem>>) target_semaphore(%arg12 : memref<!tpu.dma_semaphore, #tpu.memory_space<semaphore_mem>>)
        %dma_wait3A_757 = arith.constant 0 : i32
        %dma_wait3A_758 = arith.constant 0 : i32
        %dma_wait3A_759 = tpu.memref_slice %arg6[%dma_wait3A_757, %dma_wait3A_758] : memref<4x80xi32, #tpu.memory_space<vmem>> -> memref<1x80xi32, #tpu.memory_space<vmem>>
        %dma_wait3A_760 = tpu.memref_squeeze %dma_wait3A_759 : memref<1x80xi32, #tpu.memory_space<vmem>> -> memref<80xi32, #tpu.memory_space<vmem>>
        %dma_wait3A_761 = arith.constant 0 : i32
        %dma_wait3A_762 = tpu.memref_slice %arg3[%dma_wait3A_761] : memref<320000xi32, #tpu.memory_space<hbm>> -> memref<80xi32, #tpu.memory_space<hbm>>
        %dma_wait3A_763 = arith.constant 0 : i32
        %dma_wait3A_764 = tpu.memref_slice %arg6[%dma_wait3A_757, %dma_wait3A_763] : memref<4x80xi32, #tpu.memory_space<vmem>> -> memref<1x80xi32, #tpu.memory_space<vmem>>
        %dma_wait3A_765 = tpu.memref_squeeze %dma_wait3A_764 : memref<1x80xi32, #tpu.memory_space<vmem>> -> memref<80xi32, #tpu.memory_space<vmem>>
        %dma_wait3A_766 = arith.constant 0 : i32
        %dma_wait3A_767 = tpu.memref_slice %arg3[%dma_wait3A_766] : memref<320000xi32, #tpu.memory_space<hbm>> -> memref<80xi32, #tpu.memory_space<hbm>>
        tpu.wait_dma2 semaphore(%arg11 : memref<!tpu.dma_semaphore, #tpu.memory_space<semaphore_mem>>) src(%dma_wait3A_767 : memref<80xi32, #tpu.memory_space<hbm>>) dst(%dma_wait3A_765 : memref<80xi32, #tpu.memory_space<vmem>>)
        %dma_start3A_768 = arith.constant 0 : i32
        %dma_start3A_769 = arith.constant 0 : i32
        %dma_start3A_770 = arith.constant 0 : i32
        %dma_start3A_771 = arith.constant 0 : i32
        %dma_start3A_772 = tpu.memref_slice %arg8[%dma_start3A_769, %dma_start3A_770, %dma_start3A_771] : memref<4x80x128xf32, #tpu.memory_space<vmem>> -> memref<1x80x128xf32, #tpu.memory_space<vmem>>
        %dma_start3A_773 = tpu.memref_squeeze %dma_start3A_772 : memref<1x80x128xf32, #tpu.memory_space<vmem>> -> memref<80x128xf32, #tpu.memory_space<vmem>>
        %dma_start3A_774 = arith.constant 0 : i32
        %dma_start3A_775 = arith.constant 0 : i32
        %dma_start3A_776 = tpu.memref_slice %dma_start3A_773[%dma_start3A_774, %dma_start3A_775] : memref<80x128xf32, #tpu.memory_space<vmem>> -> memref<40x128xf32, #tpu.memory_space<vmem>>
        %dma_start3A_777 = arith.constant 0 : i32
        %dma_start3A_778 = tpu.memref_slice %arg6[%dma_start3A_768, %dma_start3A_777] : memref<4x80xi32, #tpu.memory_space<vmem>> -> memref<1x80xi32, #tpu.memory_space<vmem>>
        %dma_start3A_779 = tpu.memref_squeeze %dma_start3A_778 : memref<1x80xi32, #tpu.memory_space<vmem>> -> memref<80xi32, #tpu.memory_space<vmem>>
        %dma_start3A_780 = arith.constant 0 : i32
        %dma_start3A_781 = tpu.memref_slice %dma_start3A_779[%dma_start3A_780] : memref<80xi32, #tpu.memory_space<vmem>> -> memref<40xi32, #tpu.memory_space<vmem>>
        %dma_start3A_782 = arith.constant 0 : i32
        %dma_start3A_783 = arith.constant 0 : i32
        %dma_start3A_784 = tpu.memref_slice %arg2[%dma_start3A_782, %dma_start3A_783] : memref<10240x128xf32, #tpu.memory_space<hbm>> -> memref<10240x128xf32, #tpu.memory_space<hbm>>
        tpu.enqueue_indirect_dma source(%dma_start3A_784 : memref<10240x128xf32, #tpu.memory_space<hbm>>) target(%dma_start3A_776 : memref<40x128xf32, #tpu.memory_space<vmem>>) offsets(%dma_start3A_781 : memref<40xi32, #tpu.memory_space<vmem>>) semaphore(%arg13 : memref<!tpu.dma_semaphore, #tpu.memory_space<semaphore_mem>>)
        %dma_start3A_785 = arith.constant 0 : i32
        %dma_start3A_786 = arith.constant 0 : i32
        %dma_start3A_787 = arith.constant 0 : i32
        %dma_start3A_788 = arith.constant 0 : i32
        %dma_start3A_789 = tpu.memref_slice %arg8[%dma_start3A_786, %dma_start3A_787, %dma_start3A_788] : memref<4x80x128xf32, #tpu.memory_space<vmem>> -> memref<1x80x128xf32, #tpu.memory_space<vmem>>
        %dma_start3A_790 = tpu.memref_squeeze %dma_start3A_789 : memref<1x80x128xf32, #tpu.memory_space<vmem>> -> memref<80x128xf32, #tpu.memory_space<vmem>>
        %dma_start3A_791 = arith.constant 40 : i32
        %dma_start3A_792 = arith.constant 0 : i32
        %dma_start3A_793 = tpu.memref_slice %dma_start3A_790[%dma_start3A_791, %dma_start3A_792] : memref<80x128xf32, #tpu.memory_space<vmem>> -> memref<40x128xf32, #tpu.memory_space<vmem>>
        %dma_start3A_794 = arith.constant 0 : i32
        %dma_start3A_795 = tpu.memref_slice %arg6[%dma_start3A_785, %dma_start3A_794] : memref<4x80xi32, #tpu.memory_space<vmem>> -> memref<1x80xi32, #tpu.memory_space<vmem>>
        %dma_start3A_796 = tpu.memref_squeeze %dma_start3A_795 : memref<1x80xi32, #tpu.memory_space<vmem>> -> memref<80xi32, #tpu.memory_space<vmem>>
        %dma_start3A_797 = arith.constant 40 : i32
        %dma_start3A_798 = tpu.memref_slice %dma_start3A_796[%dma_start3A_797] : memref<80xi32, #tpu.memory_space<vmem>> -> memref<40xi32, #tpu.memory_space<vmem>>
        %dma_start3A_799 = arith.constant 0 : i32
        %dma_start3A_800 = arith.constant 0 : i32
        %dma_start3A_801 = tpu.memref_slice %arg2[%dma_start3A_799, %dma_start3A_800] : memref<10240x128xf32, #tpu.memory_space<hbm>> -> memref<10240x128xf32, #tpu.memory_space<hbm>>
        tpu.enqueue_indirect_dma source(%dma_start3A_801 : memref<10240x128xf32, #tpu.memory_space<hbm>>) target(%dma_start3A_793 : memref<40x128xf32, #tpu.memory_space<vmem>>) offsets(%dma_start3A_798 : memref<40xi32, #tpu.memory_space<vmem>>) semaphore(%arg13 : memref<!tpu.dma_semaphore, #tpu.memory_space<semaphore_mem>>)
      } else {
      }
      %add3A_469 = arith.constant 4 : i32
      %add3A_470 = arith.addi %add3A_395, %add3A_469 : i32
      %lt3A_471 = arith.constant 125 : i32
      %lt3A_472 = arith.cmpi slt, %add3A_470, %lt3A_471 : i32
      %convert_element_type3A_473 = arith.extui %lt3A_472 : i1 to i32
      %cond3A_474 = arith.constant 0 : i32
      %cond3A_475 = arith.cmpi ne, %convert_element_type3A_473, %cond3A_474 : i32
      scf.if %cond3A_475 {
        %add3A_743 = arith.constant 4 : i32
        %add3A_744 = arith.addi %add3A_395, %add3A_743 : i32
        %mul3A_745 = arith.constant 80 : i32
        %mul3A_746 = arith.muli %add3A_744, %mul3A_745 : i32
        %add3A_747 = arith.addi %mul3A_13, %mul3A_746 : i32
        %dma_start3A_748 = arith.constant 1 : i32
        %dma_start3A_749 = arith.constant 0 : i32
        %dma_start3A_750 = tpu.memref_slice %arg6[%dma_start3A_748, %dma_start3A_749] : memref<4x80xi32, #tpu.memory_space<vmem>> -> memref<1x80xi32, #tpu.memory_space<vmem>>
        %dma_start3A_751 = tpu.memref_squeeze %dma_start3A_750 : memref<1x80xi32, #tpu.memory_space<vmem>> -> memref<80xi32, #tpu.memory_space<vmem>>
        %dma_start3A_752 = tpu.memref_slice %arg3[%add3A_747] : memref<320000xi32, #tpu.memory_space<hbm>> -> memref<80xi32, #tpu.memory_space<hbm>>
        %dma_start3A_753 = arith.constant 0 : i32
        %dma_start3A_754 = tpu.memref_slice %arg6[%dma_start3A_748, %dma_start3A_753] : memref<4x80xi32, #tpu.memory_space<vmem>> -> memref<1x80xi32, #tpu.memory_space<vmem>>
        %dma_start3A_755 = tpu.memref_squeeze %dma_start3A_754 : memref<1x80xi32, #tpu.memory_space<vmem>> -> memref<80xi32, #tpu.memory_space<vmem>>
        %dma_start3A_756 = tpu.memref_slice %arg3[%add3A_747] : memref<320000xi32, #tpu.memory_space<hbm>> -> memref<80xi32, #tpu.memory_space<hbm>>
        tpu.enqueue_dma source(%dma_start3A_756 : memref<80xi32, #tpu.memory_space<hbm>>) target(%dma_start3A_755 : memref<80xi32, #tpu.memory_space<vmem>>) target_semaphore(%arg11 : memref<!tpu.dma_semaphore, #tpu.memory_space<semaphore_mem>>)
      } else {
      }
      %mul3A_476 = arith.constant 4 : i32
      %mul3A_477 = arith.muli %scan3A_389, %mul3A_476 : i32
      %add3A_478 = arith.constant 1 : i32
      %add3A_479 = arith.addi %add3A_478, %mul3A_477 : i32
      %add3A_480 = arith.constant 1 : i32
      %add3A_481 = arith.addi %add3A_479, %add3A_480 : i32
      %dma_wait3A_482 = arith.constant 2 : i32
      %dma_wait3A_483 = arith.constant 2 : i32
      %dma_wait3A_484 = arith.constant 0 : i32
      %dma_wait3A_485 = arith.constant 0 : i32
      %dma_wait3A_486 = tpu.memref_slice %arg8[%dma_wait3A_483, %dma_wait3A_484, %dma_wait3A_485] : memref<4x80x128xf32, #tpu.memory_space<vmem>> -> memref<1x80x128xf32, #tpu.memory_space<vmem>>
      %dma_wait3A_487 = tpu.memref_squeeze %dma_wait3A_486 : memref<1x80x128xf32, #tpu.memory_space<vmem>> -> memref<80x128xf32, #tpu.memory_space<vmem>>
      %dma_wait3A_488 = arith.constant 0 : i32
      %dma_wait3A_489 = arith.constant 0 : i32
      %dma_wait3A_490 = tpu.memref_slice %dma_wait3A_487[%dma_wait3A_488, %dma_wait3A_489] : memref<80x128xf32, #tpu.memory_space<vmem>> -> memref<40x128xf32, #tpu.memory_space<vmem>>
      %dma_wait3A_491 = arith.constant 0 : i32
      %dma_wait3A_492 = tpu.memref_slice %arg6[%dma_wait3A_482, %dma_wait3A_491] : memref<4x80xi32, #tpu.memory_space<vmem>> -> memref<1x80xi32, #tpu.memory_space<vmem>>
      %dma_wait3A_493 = tpu.memref_squeeze %dma_wait3A_492 : memref<1x80xi32, #tpu.memory_space<vmem>> -> memref<80xi32, #tpu.memory_space<vmem>>
      %dma_wait3A_494 = arith.constant 0 : i32
      %dma_wait3A_495 = tpu.memref_slice %dma_wait3A_493[%dma_wait3A_494] : memref<80xi32, #tpu.memory_space<vmem>> -> memref<40xi32, #tpu.memory_space<vmem>>
      %dma_wait3A_496 = arith.constant 0 : i32
      %dma_wait3A_497 = arith.constant 0 : i32
      %dma_wait3A_498 = tpu.memref_slice %arg2[%dma_wait3A_496, %dma_wait3A_497] : memref<10240x128xf32, #tpu.memory_space<hbm>> -> memref<10240x128xf32, #tpu.memory_space<hbm>>
      tpu.wait_indirect_dma semaphore(%arg13 : memref<!tpu.dma_semaphore, #tpu.memory_space<semaphore_mem>>) src(%dma_wait3A_498 : memref<10240x128xf32, #tpu.memory_space<hbm>>) dst(%dma_wait3A_490 : memref<40x128xf32, #tpu.memory_space<vmem>>)
      %dma_wait3A_499 = arith.constant 2 : i32
      %dma_wait3A_500 = arith.constant 2 : i32
      %dma_wait3A_501 = arith.constant 0 : i32
      %dma_wait3A_502 = arith.constant 0 : i32
      %dma_wait3A_503 = tpu.memref_slice %arg8[%dma_wait3A_500, %dma_wait3A_501, %dma_wait3A_502] : memref<4x80x128xf32, #tpu.memory_space<vmem>> -> memref<1x80x128xf32, #tpu.memory_space<vmem>>
      %dma_wait3A_504 = tpu.memref_squeeze %dma_wait3A_503 : memref<1x80x128xf32, #tpu.memory_space<vmem>> -> memref<80x128xf32, #tpu.memory_space<vmem>>
      %dma_wait3A_505 = arith.constant 40 : i32
      %dma_wait3A_506 = arith.constant 0 : i32
      %dma_wait3A_507 = tpu.memref_slice %dma_wait3A_504[%dma_wait3A_505, %dma_wait3A_506] : memref<80x128xf32, #tpu.memory_space<vmem>> -> memref<40x128xf32, #tpu.memory_space<vmem>>
      %dma_wait3A_508 = arith.constant 0 : i32
      %dma_wait3A_509 = tpu.memref_slice %arg6[%dma_wait3A_499, %dma_wait3A_508] : memref<4x80xi32, #tpu.memory_space<vmem>> -> memref<1x80xi32, #tpu.memory_space<vmem>>
      %dma_wait3A_510 = tpu.memref_squeeze %dma_wait3A_509 : memref<1x80xi32, #tpu.memory_space<vmem>> -> memref<80xi32, #tpu.memory_space<vmem>>
      %dma_wait3A_511 = arith.constant 0 : i32
      %dma_wait3A_512 = tpu.memref_slice %dma_wait3A_510[%dma_wait3A_511] : memref<80xi32, #tpu.memory_space<vmem>> -> memref<40xi32, #tpu.memory_space<vmem>>
      %dma_wait3A_513 = arith.constant 0 : i32
      %dma_wait3A_514 = arith.constant 0 : i32
      %dma_wait3A_515 = tpu.memref_slice %arg2[%dma_wait3A_513, %dma_wait3A_514] : memref<10240x128xf32, #tpu.memory_space<hbm>> -> memref<10240x128xf32, #tpu.memory_space<hbm>>
      tpu.wait_indirect_dma semaphore(%arg13 : memref<!tpu.dma_semaphore, #tpu.memory_space<semaphore_mem>>) src(%dma_wait3A_515 : memref<10240x128xf32, #tpu.memory_space<hbm>>) dst(%dma_wait3A_507 : memref<40x128xf32, #tpu.memory_space<vmem>>)
      %dma_wait3A_516 = arith.constant 2 : i32
      %dma_wait3A_517 = arith.constant 0 : i32
      %dma_wait3A_518 = tpu.memref_slice %arg7[%dma_wait3A_516, %dma_wait3A_517] : memref<4x80xi32, #tpu.memory_space<vmem>> -> memref<1x80xi32, #tpu.memory_space<vmem>>
      %dma_wait3A_519 = tpu.memref_squeeze %dma_wait3A_518 : memref<1x80xi32, #tpu.memory_space<vmem>> -> memref<80xi32, #tpu.memory_space<vmem>>
      %dma_wait3A_520 = arith.constant 0 : i32
      %dma_wait3A_521 = tpu.memref_slice %arg4[%dma_wait3A_520] : memref<320000xi32, #tpu.memory_space<hbm>> -> memref<80xi32, #tpu.memory_space<hbm>>
      %dma_wait3A_522 = arith.constant 0 : i32
      %dma_wait3A_523 = tpu.memref_slice %arg7[%dma_wait3A_516, %dma_wait3A_522] : memref<4x80xi32, #tpu.memory_space<vmem>> -> memref<1x80xi32, #tpu.memory_space<vmem>>
      %dma_wait3A_524 = tpu.memref_squeeze %dma_wait3A_523 : memref<1x80xi32, #tpu.memory_space<vmem>> -> memref<80xi32, #tpu.memory_space<vmem>>
      %dma_wait3A_525 = arith.constant 0 : i32
      %dma_wait3A_526 = tpu.memref_slice %arg4[%dma_wait3A_525] : memref<320000xi32, #tpu.memory_space<hbm>> -> memref<80xi32, #tpu.memory_space<hbm>>
      tpu.wait_dma2 semaphore(%arg12 : memref<!tpu.dma_semaphore, #tpu.memory_space<semaphore_mem>>) src(%dma_wait3A_526 : memref<80xi32, #tpu.memory_space<hbm>>) dst(%dma_wait3A_524 : memref<80xi32, #tpu.memory_space<vmem>>)
      %dma_start3A_527 = arith.constant 2 : i32
      %dma_start3A_528 = arith.constant 2 : i32
      %dma_start3A_529 = arith.constant 0 : i32
      %dma_start3A_530 = arith.constant 0 : i32
      %dma_start3A_531 = tpu.memref_slice %arg8[%dma_start3A_527, %dma_start3A_529, %dma_start3A_530] : memref<4x80x128xf32, #tpu.memory_space<vmem>> -> memref<1x80x128xf32, #tpu.memory_space<vmem>>
      %dma_start3A_532 = tpu.memref_squeeze %dma_start3A_531 : memref<1x80x128xf32, #tpu.memory_space<vmem>> -> memref<80x128xf32, #tpu.memory_space<vmem>>
      %dma_start3A_533 = arith.constant 0 : i32
      %dma_start3A_534 = tpu.memref_slice %arg7[%dma_start3A_528, %dma_start3A_533] : memref<4x80xi32, #tpu.memory_space<vmem>> -> memref<1x80xi32, #tpu.memory_space<vmem>>
      %dma_start3A_535 = tpu.memref_squeeze %dma_start3A_534 : memref<1x80xi32, #tpu.memory_space<vmem>> -> memref<80xi32, #tpu.memory_space<vmem>>
      %dma_start3A_536 = arith.constant 0 : i32
      %dma_start3A_537 = arith.constant 0 : i32
      %dma_start3A_538 = tpu.memref_slice %arg10[%dma_start3A_536, %dma_start3A_537] : memref<10240x128xf32, #tpu.memory_space<vmem_shared>> -> memref<10240x128xf32, #tpu.memory_space<vmem_shared>>
      tpu.enqueue_indirect_dma source(%dma_start3A_532 : memref<80x128xf32, #tpu.memory_space<vmem>>) target(%dma_start3A_538 : memref<10240x128xf32, #tpu.memory_space<vmem_shared>>) offsets(%dma_start3A_535 : memref<80xi32, #tpu.memory_space<vmem>>) semaphore(%arg14 : memref<!tpu.dma_semaphore, #tpu.memory_space<semaphore_mem>>) {add = true}
      %dma_wait3A_539 = arith.constant 1 : i32
      %dma_wait3A_540 = arith.constant 1 : i32
      %dma_wait3A_541 = arith.constant 0 : i32
      %dma_wait3A_542 = arith.constant 0 : i32
      %dma_wait3A_543 = tpu.memref_slice %arg8[%dma_wait3A_539, %dma_wait3A_541, %dma_wait3A_542] : memref<4x80x128xf32, #tpu.memory_space<vmem>> -> memref<1x80x128xf32, #tpu.memory_space<vmem>>
      %dma_wait3A_544 = tpu.memref_squeeze %dma_wait3A_543 : memref<1x80x128xf32, #tpu.memory_space<vmem>> -> memref<80x128xf32, #tpu.memory_space<vmem>>
      %dma_wait3A_545 = arith.constant 0 : i32
      %dma_wait3A_546 = tpu.memref_slice %arg7[%dma_wait3A_540, %dma_wait3A_545] : memref<4x80xi32, #tpu.memory_space<vmem>> -> memref<1x80xi32, #tpu.memory_space<vmem>>
      %dma_wait3A_547 = tpu.memref_squeeze %dma_wait3A_546 : memref<1x80xi32, #tpu.memory_space<vmem>> -> memref<80xi32, #tpu.memory_space<vmem>>
      %dma_wait3A_548 = arith.constant 0 : i32
      %dma_wait3A_549 = arith.constant 0 : i32
      %dma_wait3A_550 = tpu.memref_slice %arg10[%dma_wait3A_548, %dma_wait3A_549] : memref<10240x128xf32, #tpu.memory_space<vmem_shared>> -> memref<10240x128xf32, #tpu.memory_space<vmem_shared>>
      tpu.wait_indirect_dma semaphore(%arg14 : memref<!tpu.dma_semaphore, #tpu.memory_space<semaphore_mem>>) src(%dma_wait3A_544 : memref<80x128xf32, #tpu.memory_space<vmem>>) dst(%dma_wait3A_550 : memref<10240x128xf32, #tpu.memory_space<vmem_shared>>)
      %add3A_551 = arith.constant 3 : i32
      %add3A_552 = arith.addi %add3A_481, %add3A_551 : i32
      %lt3A_553 = arith.constant 125 : i32
      %lt3A_554 = arith.cmpi slt, %add3A_552, %lt3A_553 : i32
      %convert_element_type3A_555 = arith.extui %lt3A_554 : i1 to i32
      %cond3A_556 = arith.constant 0 : i32
      %cond3A_557 = arith.cmpi ne, %convert_element_type3A_555, %cond3A_556 : i32
      scf.if %cond3A_557 {
        %add3A_743 = arith.constant 3 : i32
        %add3A_744 = arith.addi %add3A_481, %add3A_743 : i32
        %mul3A_745 = arith.constant 80 : i32
        %mul3A_746 = arith.muli %add3A_744, %mul3A_745 : i32
        %add3A_747 = arith.addi %mul3A_13, %mul3A_746 : i32
        %dma_start3A_748 = arith.constant 1 : i32
        %dma_start3A_749 = arith.constant 0 : i32
        %dma_start3A_750 = tpu.memref_slice %arg7[%dma_start3A_748, %dma_start3A_749] : memref<4x80xi32, #tpu.memory_space<vmem>> -> memref<1x80xi32, #tpu.memory_space<vmem>>
        %dma_start3A_751 = tpu.memref_squeeze %dma_start3A_750 : memref<1x80xi32, #tpu.memory_space<vmem>> -> memref<80xi32, #tpu.memory_space<vmem>>
        %dma_start3A_752 = tpu.memref_slice %arg4[%add3A_747] : memref<320000xi32, #tpu.memory_space<hbm>> -> memref<80xi32, #tpu.memory_space<hbm>>
        %dma_start3A_753 = arith.constant 0 : i32
        %dma_start3A_754 = tpu.memref_slice %arg7[%dma_start3A_748, %dma_start3A_753] : memref<4x80xi32, #tpu.memory_space<vmem>> -> memref<1x80xi32, #tpu.memory_space<vmem>>
        %dma_start3A_755 = tpu.memref_squeeze %dma_start3A_754 : memref<1x80xi32, #tpu.memory_space<vmem>> -> memref<80xi32, #tpu.memory_space<vmem>>
        %dma_start3A_756 = tpu.memref_slice %arg4[%add3A_747] : memref<320000xi32, #tpu.memory_space<hbm>> -> memref<80xi32, #tpu.memory_space<hbm>>
        tpu.enqueue_dma source(%dma_start3A_756 : memref<80xi32, #tpu.memory_space<hbm>>) target(%dma_start3A_755 : memref<80xi32, #tpu.memory_space<vmem>>) target_semaphore(%arg12 : memref<!tpu.dma_semaphore, #tpu.memory_space<semaphore_mem>>)
        %dma_wait3A_757 = arith.constant 1 : i32
        %dma_wait3A_758 = arith.constant 0 : i32
        %dma_wait3A_759 = tpu.memref_slice %arg6[%dma_wait3A_757, %dma_wait3A_758] : memref<4x80xi32, #tpu.memory_space<vmem>> -> memref<1x80xi32, #tpu.memory_space<vmem>>
        %dma_wait3A_760 = tpu.memref_squeeze %dma_wait3A_759 : memref<1x80xi32, #tpu.memory_space<vmem>> -> memref<80xi32, #tpu.memory_space<vmem>>
        %dma_wait3A_761 = arith.constant 0 : i32
        %dma_wait3A_762 = tpu.memref_slice %arg3[%dma_wait3A_761] : memref<320000xi32, #tpu.memory_space<hbm>> -> memref<80xi32, #tpu.memory_space<hbm>>
        %dma_wait3A_763 = arith.constant 0 : i32
        %dma_wait3A_764 = tpu.memref_slice %arg6[%dma_wait3A_757, %dma_wait3A_763] : memref<4x80xi32, #tpu.memory_space<vmem>> -> memref<1x80xi32, #tpu.memory_space<vmem>>
        %dma_wait3A_765 = tpu.memref_squeeze %dma_wait3A_764 : memref<1x80xi32, #tpu.memory_space<vmem>> -> memref<80xi32, #tpu.memory_space<vmem>>
        %dma_wait3A_766 = arith.constant 0 : i32
        %dma_wait3A_767 = tpu.memref_slice %arg3[%dma_wait3A_766] : memref<320000xi32, #tpu.memory_space<hbm>> -> memref<80xi32, #tpu.memory_space<hbm>>
        tpu.wait_dma2 semaphore(%arg11 : memref<!tpu.dma_semaphore, #tpu.memory_space<semaphore_mem>>) src(%dma_wait3A_767 : memref<80xi32, #tpu.memory_space<hbm>>) dst(%dma_wait3A_765 : memref<80xi32, #tpu.memory_space<vmem>>)
        %dma_start3A_768 = arith.constant 1 : i32
        %dma_start3A_769 = arith.constant 1 : i32
        %dma_start3A_770 = arith.constant 0 : i32
        %dma_start3A_771 = arith.constant 0 : i32
        %dma_start3A_772 = tpu.memref_slice %arg8[%dma_start3A_769, %dma_start3A_770, %dma_start3A_771] : memref<4x80x128xf32, #tpu.memory_space<vmem>> -> memref<1x80x128xf32, #tpu.memory_space<vmem>>
        %dma_start3A_773 = tpu.memref_squeeze %dma_start3A_772 : memref<1x80x128xf32, #tpu.memory_space<vmem>> -> memref<80x128xf32, #tpu.memory_space<vmem>>
        %dma_start3A_774 = arith.constant 0 : i32
        %dma_start3A_775 = arith.constant 0 : i32
        %dma_start3A_776 = tpu.memref_slice %dma_start3A_773[%dma_start3A_774, %dma_start3A_775] : memref<80x128xf32, #tpu.memory_space<vmem>> -> memref<40x128xf32, #tpu.memory_space<vmem>>
        %dma_start3A_777 = arith.constant 0 : i32
        %dma_start3A_778 = tpu.memref_slice %arg6[%dma_start3A_768, %dma_start3A_777] : memref<4x80xi32, #tpu.memory_space<vmem>> -> memref<1x80xi32, #tpu.memory_space<vmem>>
        %dma_start3A_779 = tpu.memref_squeeze %dma_start3A_778 : memref<1x80xi32, #tpu.memory_space<vmem>> -> memref<80xi32, #tpu.memory_space<vmem>>
        %dma_start3A_780 = arith.constant 0 : i32
        %dma_start3A_781 = tpu.memref_slice %dma_start3A_779[%dma_start3A_780] : memref<80xi32, #tpu.memory_space<vmem>> -> memref<40xi32, #tpu.memory_space<vmem>>
        %dma_start3A_782 = arith.constant 0 : i32
        %dma_start3A_783 = arith.constant 0 : i32
        %dma_start3A_784 = tpu.memref_slice %arg2[%dma_start3A_782, %dma_start3A_783] : memref<10240x128xf32, #tpu.memory_space<hbm>> -> memref<10240x128xf32, #tpu.memory_space<hbm>>
        tpu.enqueue_indirect_dma source(%dma_start3A_784 : memref<10240x128xf32, #tpu.memory_space<hbm>>) target(%dma_start3A_776 : memref<40x128xf32, #tpu.memory_space<vmem>>) offsets(%dma_start3A_781 : memref<40xi32, #tpu.memory_space<vmem>>) semaphore(%arg13 : memref<!tpu.dma_semaphore, #tpu.memory_space<semaphore_mem>>)
        %dma_start3A_785 = arith.constant 1 : i32
        %dma_start3A_786 = arith.constant 1 : i32
        %dma_start3A_787 = arith.constant 0 : i32
        %dma_start3A_788 = arith.constant 0 : i32
        %dma_start3A_789 = tpu.memref_slice %arg8[%dma_start3A_786, %dma_start3A_787, %dma_start3A_788] : memref<4x80x128xf32, #tpu.memory_space<vmem>> -> memref<1x80x128xf32, #tpu.memory_space<vmem>>
        %dma_start3A_790 = tpu.memref_squeeze %dma_start3A_789 : memref<1x80x128xf32, #tpu.memory_space<vmem>> -> memref<80x128xf32, #tpu.memory_space<vmem>>
        %dma_start3A_791 = arith.constant 40 : i32
        %dma_start3A_792 = arith.constant 0 : i32
        %dma_start3A_793 = tpu.memref_slice %dma_start3A_790[%dma_start3A_791, %dma_start3A_792] : memref<80x128xf32, #tpu.memory_space<vmem>> -> memref<40x128xf32, #tpu.memory_space<vmem>>
        %dma_start3A_794 = arith.constant 0 : i32
        %dma_start3A_795 = tpu.memref_slice %arg6[%dma_start3A_785, %dma_start3A_794] : memref<4x80xi32, #tpu.memory_space<vmem>> -> memref<1x80xi32, #tpu.memory_space<vmem>>
        %dma_start3A_796 = tpu.memref_squeeze %dma_start3A_795 : memref<1x80xi32, #tpu.memory_space<vmem>> -> memref<80xi32, #tpu.memory_space<vmem>>
        %dma_start3A_797 = arith.constant 40 : i32
        %dma_start3A_798 = tpu.memref_slice %dma_start3A_796[%dma_start3A_797] : memref<80xi32, #tpu.memory_space<vmem>> -> memref<40xi32, #tpu.memory_space<vmem>>
        %dma_start3A_799 = arith.constant 0 : i32
        %dma_start3A_800 = arith.constant 0 : i32
        %dma_start3A_801 = tpu.memref_slice %arg2[%dma_start3A_799, %dma_start3A_800] : memref<10240x128xf32, #tpu.memory_space<hbm>> -> memref<10240x128xf32, #tpu.memory_space<hbm>>
        tpu.enqueue_indirect_dma source(%dma_start3A_801 : memref<10240x128xf32, #tpu.memory_space<hbm>>) target(%dma_start3A_793 : memref<40x128xf32, #tpu.memory_space<vmem>>) offsets(%dma_start3A_798 : memref<40xi32, #tpu.memory_space<vmem>>) semaphore(%arg13 : memref<!tpu.dma_semaphore, #tpu.memory_space<semaphore_mem>>)
      } else {
      }
      %add3A_558 = arith.constant 4 : i32
      %add3A_559 = arith.addi %add3A_481, %add3A_558 : i32
      %lt3A_560 = arith.constant 125 : i32
      %lt3A_561 = arith.cmpi slt, %add3A_559, %lt3A_560 : i32
      %convert_element_type3A_562 = arith.extui %lt3A_561 : i1 to i32
      %cond3A_563 = arith.constant 0 : i32
      %cond3A_564 = arith.cmpi ne, %convert_element_type3A_562, %cond3A_563 : i32
      scf.if %cond3A_564 {
        %add3A_743 = arith.constant 4 : i32
        %add3A_744 = arith.addi %add3A_481, %add3A_743 : i32
        %mul3A_745 = arith.constant 80 : i32
        %mul3A_746 = arith.muli %add3A_744, %mul3A_745 : i32
        %add3A_747 = arith.addi %mul3A_13, %mul3A_746 : i32
        %dma_start3A_748 = arith.constant 2 : i32
        %dma_start3A_749 = arith.constant 0 : i32
        %dma_start3A_750 = tpu.memref_slice %arg6[%dma_start3A_748, %dma_start3A_749] : memref<4x80xi32, #tpu.memory_space<vmem>> -> memref<1x80xi32, #tpu.memory_space<vmem>>
        %dma_start3A_751 = tpu.memref_squeeze %dma_start3A_750 : memref<1x80xi32, #tpu.memory_space<vmem>> -> memref<80xi32, #tpu.memory_space<vmem>>
        %dma_start3A_752 = tpu.memref_slice %arg3[%add3A_747] : memref<320000xi32, #tpu.memory_space<hbm>> -> memref<80xi32, #tpu.memory_space<hbm>>
        %dma_start3A_753 = arith.constant 0 : i32
        %dma_start3A_754 = tpu.memref_slice %arg6[%dma_start3A_748, %dma_start3A_753] : memref<4x80xi32, #tpu.memory_space<vmem>> -> memref<1x80xi32, #tpu.memory_space<vmem>>
        %dma_start3A_755 = tpu.memref_squeeze %dma_start3A_754 : memref<1x80xi32, #tpu.memory_space<vmem>> -> memref<80xi32, #tpu.memory_space<vmem>>
        %dma_start3A_756 = tpu.memref_slice %arg3[%add3A_747] : memref<320000xi32, #tpu.memory_space<hbm>> -> memref<80xi32, #tpu.memory_space<hbm>>
        tpu.enqueue_dma source(%dma_start3A_756 : memref<80xi32, #tpu.memory_space<hbm>>) target(%dma_start3A_755 : memref<80xi32, #tpu.memory_space<vmem>>) target_semaphore(%arg11 : memref<!tpu.dma_semaphore, #tpu.memory_space<semaphore_mem>>)
      } else {
      }
      %mul3A_565 = arith.constant 4 : i32
      %mul3A_566 = arith.muli %scan3A_389, %mul3A_565 : i32
      %add3A_567 = arith.constant 1 : i32
      %add3A_568 = arith.addi %add3A_567, %mul3A_566 : i32
      %add3A_569 = arith.constant 2 : i32
      %add3A_570 = arith.addi %add3A_568, %add3A_569 : i32
      %dma_wait3A_571 = arith.constant 3 : i32
      %dma_wait3A_572 = arith.constant 3 : i32
      %dma_wait3A_573 = arith.constant 0 : i32
      %dma_wait3A_574 = arith.constant 0 : i32
      %dma_wait3A_575 = tpu.memref_slice %arg8[%dma_wait3A_572, %dma_wait3A_573, %dma_wait3A_574] : memref<4x80x128xf32, #tpu.memory_space<vmem>> -> memref<1x80x128xf32, #tpu.memory_space<vmem>>
      %dma_wait3A_576 = tpu.memref_squeeze %dma_wait3A_575 : memref<1x80x128xf32, #tpu.memory_space<vmem>> -> memref<80x128xf32, #tpu.memory_space<vmem>>
      %dma_wait3A_577 = arith.constant 0 : i32
      %dma_wait3A_578 = arith.constant 0 : i32
      %dma_wait3A_579 = tpu.memref_slice %dma_wait3A_576[%dma_wait3A_577, %dma_wait3A_578] : memref<80x128xf32, #tpu.memory_space<vmem>> -> memref<40x128xf32, #tpu.memory_space<vmem>>
      %dma_wait3A_580 = arith.constant 0 : i32
      %dma_wait3A_581 = tpu.memref_slice %arg6[%dma_wait3A_571, %dma_wait3A_580] : memref<4x80xi32, #tpu.memory_space<vmem>> -> memref<1x80xi32, #tpu.memory_space<vmem>>
      %dma_wait3A_582 = tpu.memref_squeeze %dma_wait3A_581 : memref<1x80xi32, #tpu.memory_space<vmem>> -> memref<80xi32, #tpu.memory_space<vmem>>
      %dma_wait3A_583 = arith.constant 0 : i32
      %dma_wait3A_584 = tpu.memref_slice %dma_wait3A_582[%dma_wait3A_583] : memref<80xi32, #tpu.memory_space<vmem>> -> memref<40xi32, #tpu.memory_space<vmem>>
      %dma_wait3A_585 = arith.constant 0 : i32
      %dma_wait3A_586 = arith.constant 0 : i32
      %dma_wait3A_587 = tpu.memref_slice %arg2[%dma_wait3A_585, %dma_wait3A_586] : memref<10240x128xf32, #tpu.memory_space<hbm>> -> memref<10240x128xf32, #tpu.memory_space<hbm>>
      tpu.wait_indirect_dma semaphore(%arg13 : memref<!tpu.dma_semaphore, #tpu.memory_space<semaphore_mem>>) src(%dma_wait3A_587 : memref<10240x128xf32, #tpu.memory_space<hbm>>) dst(%dma_wait3A_579 : memref<40x128xf32, #tpu.memory_space<vmem>>)
      %dma_wait3A_588 = arith.constant 3 : i32
      %dma_wait3A_589 = arith.constant 3 : i32
      %dma_wait3A_590 = arith.constant 0 : i32
      %dma_wait3A_591 = arith.constant 0 : i32
      %dma_wait3A_592 = tpu.memref_slice %arg8[%dma_wait3A_589, %dma_wait3A_590, %dma_wait3A_591] : memref<4x80x128xf32, #tpu.memory_space<vmem>> -> memref<1x80x128xf32, #tpu.memory_space<vmem>>
      %dma_wait3A_593 = tpu.memref_squeeze %dma_wait3A_592 : memref<1x80x128xf32, #tpu.memory_space<vmem>> -> memref<80x128xf32, #tpu.memory_space<vmem>>
      %dma_wait3A_594 = arith.constant 40 : i32
      %dma_wait3A_595 = arith.constant 0 : i32
      %dma_wait3A_596 = tpu.memref_slice %dma_wait3A_593[%dma_wait3A_594, %dma_wait3A_595] : memref<80x128xf32, #tpu.memory_space<vmem>> -> memref<40x128xf32, #tpu.memory_space<vmem>>
      %dma_wait3A_597 = arith.constant 0 : i32
      %dma_wait3A_598 = tpu.memref_slice %arg6[%dma_wait3A_588, %dma_wait3A_597] : memref<4x80xi32, #tpu.memory_space<vmem>> -> memref<1x80xi32, #tpu.memory_space<vmem>>
      %dma_wait3A_599 = tpu.memref_squeeze %dma_wait3A_598 : memref<1x80xi32, #tpu.memory_space<vmem>> -> memref<80xi32, #tpu.memory_space<vmem>>
      %dma_wait3A_600 = arith.constant 0 : i32
      %dma_wait3A_601 = tpu.memref_slice %dma_wait3A_599[%dma_wait3A_600] : memref<80xi32, #tpu.memory_space<vmem>> -> memref<40xi32, #tpu.memory_space<vmem>>
      %dma_wait3A_602 = arith.constant 0 : i32
      %dma_wait3A_603 = arith.constant 0 : i32
      %dma_wait3A_604 = tpu.memref_slice %arg2[%dma_wait3A_602, %dma_wait3A_603] : memref<10240x128xf32, #tpu.memory_space<hbm>> -> memref<10240x128xf32, #tpu.memory_space<hbm>>
      tpu.wait_indirect_dma semaphore(%arg13 : memref<!tpu.dma_semaphore, #tpu.memory_space<semaphore_mem>>) src(%dma_wait3A_604 : memref<10240x128xf32, #tpu.memory_space<hbm>>) dst(%dma_wait3A_596 : memref<40x128xf32, #tpu.memory_space<vmem>>)
      %dma_wait3A_605 = arith.constant 3 : i32
      %dma_wait3A_606 = arith.constant 0 : i32
      %dma_wait3A_607 = tpu.memref_slice %arg7[%dma_wait3A_605, %dma_wait3A_606] : memref<4x80xi32, #tpu.memory_space<vmem>> -> memref<1x80xi32, #tpu.memory_space<vmem>>
      %dma_wait3A_608 = tpu.memref_squeeze %dma_wait3A_607 : memref<1x80xi32, #tpu.memory_space<vmem>> -> memref<80xi32, #tpu.memory_space<vmem>>
      %dma_wait3A_609 = arith.constant 0 : i32
      %dma_wait3A_610 = tpu.memref_slice %arg4[%dma_wait3A_609] : memref<320000xi32, #tpu.memory_space<hbm>> -> memref<80xi32, #tpu.memory_space<hbm>>
      %dma_wait3A_611 = arith.constant 0 : i32
      %dma_wait3A_612 = tpu.memref_slice %arg7[%dma_wait3A_605, %dma_wait3A_611] : memref<4x80xi32, #tpu.memory_space<vmem>> -> memref<1x80xi32, #tpu.memory_space<vmem>>
      %dma_wait3A_613 = tpu.memref_squeeze %dma_wait3A_612 : memref<1x80xi32, #tpu.memory_space<vmem>> -> memref<80xi32, #tpu.memory_space<vmem>>
      %dma_wait3A_614 = arith.constant 0 : i32
      %dma_wait3A_615 = tpu.memref_slice %arg4[%dma_wait3A_614] : memref<320000xi32, #tpu.memory_space<hbm>> -> memref<80xi32, #tpu.memory_space<hbm>>
      tpu.wait_dma2 semaphore(%arg12 : memref<!tpu.dma_semaphore, #tpu.memory_space<semaphore_mem>>) src(%dma_wait3A_615 : memref<80xi32, #tpu.memory_space<hbm>>) dst(%dma_wait3A_613 : memref<80xi32, #tpu.memory_space<vmem>>)
      %dma_start3A_616 = arith.constant 3 : i32
      %dma_start3A_617 = arith.constant 3 : i32
      %dma_start3A_618 = arith.constant 0 : i32
      %dma_start3A_619 = arith.constant 0 : i32
      %dma_start3A_620 = tpu.memref_slice %arg8[%dma_start3A_616, %dma_start3A_618, %dma_start3A_619] : memref<4x80x128xf32, #tpu.memory_space<vmem>> -> memref<1x80x128xf32, #tpu.memory_space<vmem>>
      %dma_start3A_621 = tpu.memref_squeeze %dma_start3A_620 : memref<1x80x128xf32, #tpu.memory_space<vmem>> -> memref<80x128xf32, #tpu.memory_space<vmem>>
      %dma_start3A_622 = arith.constant 0 : i32
      %dma_start3A_623 = tpu.memref_slice %arg7[%dma_start3A_617, %dma_start3A_622] : memref<4x80xi32, #tpu.memory_space<vmem>> -> memref<1x80xi32, #tpu.memory_space<vmem>>
      %dma_start3A_624 = tpu.memref_squeeze %dma_start3A_623 : memref<1x80xi32, #tpu.memory_space<vmem>> -> memref<80xi32, #tpu.memory_space<vmem>>
      %dma_start3A_625 = arith.constant 0 : i32
      %dma_start3A_626 = arith.constant 0 : i32
      %dma_start3A_627 = tpu.memref_slice %arg10[%dma_start3A_625, %dma_start3A_626] : memref<10240x128xf32, #tpu.memory_space<vmem_shared>> -> memref<10240x128xf32, #tpu.memory_space<vmem_shared>>
      tpu.enqueue_indirect_dma source(%dma_start3A_621 : memref<80x128xf32, #tpu.memory_space<vmem>>) target(%dma_start3A_627 : memref<10240x128xf32, #tpu.memory_space<vmem_shared>>) offsets(%dma_start3A_624 : memref<80xi32, #tpu.memory_space<vmem>>) semaphore(%arg14 : memref<!tpu.dma_semaphore, #tpu.memory_space<semaphore_mem>>) {add = true}
      %dma_wait3A_628 = arith.constant 2 : i32
      %dma_wait3A_629 = arith.constant 2 : i32
      %dma_wait3A_630 = arith.constant 0 : i32
      %dma_wait3A_631 = arith.constant 0 : i32
      %dma_wait3A_632 = tpu.memref_slice %arg8[%dma_wait3A_628, %dma_wait3A_630, %dma_wait3A_631] : memref<4x80x128xf32, #tpu.memory_space<vmem>> -> memref<1x80x128xf32, #tpu.memory_space<vmem>>
      %dma_wait3A_633 = tpu.memref_squeeze %dma_wait3A_632 : memref<1x80x128xf32, #tpu.memory_space<vmem>> -> memref<80x128xf32, #tpu.memory_space<vmem>>
      %dma_wait3A_634 = arith.constant 0 : i32
      %dma_wait3A_635 = tpu.memref_slice %arg7[%dma_wait3A_629, %dma_wait3A_634] : memref<4x80xi32, #tpu.memory_space<vmem>> -> memref<1x80xi32, #tpu.memory_space<vmem>>
      %dma_wait3A_636 = tpu.memref_squeeze %dma_wait3A_635 : memref<1x80xi32, #tpu.memory_space<vmem>> -> memref<80xi32, #tpu.memory_space<vmem>>
      %dma_wait3A_637 = arith.constant 0 : i32
      %dma_wait3A_638 = arith.constant 0 : i32
      %dma_wait3A_639 = tpu.memref_slice %arg10[%dma_wait3A_637, %dma_wait3A_638] : memref<10240x128xf32, #tpu.memory_space<vmem_shared>> -> memref<10240x128xf32, #tpu.memory_space<vmem_shared>>
      tpu.wait_indirect_dma semaphore(%arg14 : memref<!tpu.dma_semaphore, #tpu.memory_space<semaphore_mem>>) src(%dma_wait3A_633 : memref<80x128xf32, #tpu.memory_space<vmem>>) dst(%dma_wait3A_639 : memref<10240x128xf32, #tpu.memory_space<vmem_shared>>)
      %add3A_640 = arith.constant 3 : i32
      %add3A_641 = arith.addi %add3A_570, %add3A_640 : i32
      %lt3A_642 = arith.constant 125 : i32
      %lt3A_643 = arith.cmpi slt, %add3A_641, %lt3A_642 : i32
      %convert_element_type3A_644 = arith.extui %lt3A_643 : i1 to i32
      %cond3A_645 = arith.constant 0 : i32
      %cond3A_646 = arith.cmpi ne, %convert_element_type3A_644, %cond3A_645 : i32
      scf.if %cond3A_646 {
        %add3A_743 = arith.constant 3 : i32
        %add3A_744 = arith.addi %add3A_570, %add3A_743 : i32
        %mul3A_745 = arith.constant 80 : i32
        %mul3A_746 = arith.muli %add3A_744, %mul3A_745 : i32
        %add3A_747 = arith.addi %mul3A_13, %mul3A_746 : i32
        %dma_start3A_748 = arith.constant 2 : i32
        %dma_start3A_749 = arith.constant 0 : i32
        %dma_start3A_750 = tpu.memref_slice %arg7[%dma_start3A_748, %dma_start3A_749] : memref<4x80xi32, #tpu.memory_space<vmem>> -> memref<1x80xi32, #tpu.memory_space<vmem>>
        %dma_start3A_751 = tpu.memref_squeeze %dma_start3A_750 : memref<1x80xi32, #tpu.memory_space<vmem>> -> memref<80xi32, #tpu.memory_space<vmem>>
        %dma_start3A_752 = tpu.memref_slice %arg4[%add3A_747] : memref<320000xi32, #tpu.memory_space<hbm>> -> memref<80xi32, #tpu.memory_space<hbm>>
        %dma_start3A_753 = arith.constant 0 : i32
        %dma_start3A_754 = tpu.memref_slice %arg7[%dma_start3A_748, %dma_start3A_753] : memref<4x80xi32, #tpu.memory_space<vmem>> -> memref<1x80xi32, #tpu.memory_space<vmem>>
        %dma_start3A_755 = tpu.memref_squeeze %dma_start3A_754 : memref<1x80xi32, #tpu.memory_space<vmem>> -> memref<80xi32, #tpu.memory_space<vmem>>
        %dma_start3A_756 = tpu.memref_slice %arg4[%add3A_747] : memref<320000xi32, #tpu.memory_space<hbm>> -> memref<80xi32, #tpu.memory_space<hbm>>
        tpu.enqueue_dma source(%dma_start3A_756 : memref<80xi32, #tpu.memory_space<hbm>>) target(%dma_start3A_755 : memref<80xi32, #tpu.memory_space<vmem>>) target_semaphore(%arg12 : memref<!tpu.dma_semaphore, #tpu.memory_space<semaphore_mem>>)
        %dma_wait3A_757 = arith.constant 2 : i32
        %dma_wait3A_758 = arith.constant 0 : i32
        %dma_wait3A_759 = tpu.memref_slice %arg6[%dma_wait3A_757, %dma_wait3A_758] : memref<4x80xi32, #tpu.memory_space<vmem>> -> memref<1x80xi32, #tpu.memory_space<vmem>>
        %dma_wait3A_760 = tpu.memref_squeeze %dma_wait3A_759 : memref<1x80xi32, #tpu.memory_space<vmem>> -> memref<80xi32, #tpu.memory_space<vmem>>
        %dma_wait3A_761 = arith.constant 0 : i32
        %dma_wait3A_762 = tpu.memref_slice %arg3[%dma_wait3A_761] : memref<320000xi32, #tpu.memory_space<hbm>> -> memref<80xi32, #tpu.memory_space<hbm>>
        %dma_wait3A_763 = arith.constant 0 : i32
        %dma_wait3A_764 = tpu.memref_slice %arg6[%dma_wait3A_757, %dma_wait3A_763] : memref<4x80xi32, #tpu.memory_space<vmem>> -> memref<1x80xi32, #tpu.memory_space<vmem>>
        %dma_wait3A_765 = tpu.memref_squeeze %dma_wait3A_764 : memref<1x80xi32, #tpu.memory_space<vmem>> -> memref<80xi32, #tpu.memory_space<vmem>>
        %dma_wait3A_766 = arith.constant 0 : i32
        %dma_wait3A_767 = tpu.memref_slice %arg3[%dma_wait3A_766] : memref<320000xi32, #tpu.memory_space<hbm>> -> memref<80xi32, #tpu.memory_space<hbm>>
        tpu.wait_dma2 semaphore(%arg11 : memref<!tpu.dma_semaphore, #tpu.memory_space<semaphore_mem>>) src(%dma_wait3A_767 : memref<80xi32, #tpu.memory_space<hbm>>) dst(%dma_wait3A_765 : memref<80xi32, #tpu.memory_space<vmem>>)
        %dma_start3A_768 = arith.constant 2 : i32
        %dma_start3A_769 = arith.constant 2 : i32
        %dma_start3A_770 = arith.constant 0 : i32
        %dma_start3A_771 = arith.constant 0 : i32
        %dma_start3A_772 = tpu.memref_slice %arg8[%dma_start3A_769, %dma_start3A_770, %dma_start3A_771] : memref<4x80x128xf32, #tpu.memory_space<vmem>> -> memref<1x80x128xf32, #tpu.memory_space<vmem>>
        %dma_start3A_773 = tpu.memref_squeeze %dma_start3A_772 : memref<1x80x128xf32, #tpu.memory_space<vmem>> -> memref<80x128xf32, #tpu.memory_space<vmem>>
        %dma_start3A_774 = arith.constant 0 : i32
        %dma_start3A_775 = arith.constant 0 : i32
        %dma_start3A_776 = tpu.memref_slice %dma_start3A_773[%dma_start3A_774, %dma_start3A_775] : memref<80x128xf32, #tpu.memory_space<vmem>> -> memref<40x128xf32, #tpu.memory_space<vmem>>
        %dma_start3A_777 = arith.constant 0 : i32
        %dma_start3A_778 = tpu.memref_slice %arg6[%dma_start3A_768, %dma_start3A_777] : memref<4x80xi32, #tpu.memory_space<vmem>> -> memref<1x80xi32, #tpu.memory_space<vmem>>
        %dma_start3A_779 = tpu.memref_squeeze %dma_start3A_778 : memref<1x80xi32, #tpu.memory_space<vmem>> -> memref<80xi32, #tpu.memory_space<vmem>>
        %dma_start3A_780 = arith.constant 0 : i32
        %dma_start3A_781 = tpu.memref_slice %dma_start3A_779[%dma_start3A_780] : memref<80xi32, #tpu.memory_space<vmem>> -> memref<40xi32, #tpu.memory_space<vmem>>
        %dma_start3A_782 = arith.constant 0 : i32
        %dma_start3A_783 = arith.constant 0 : i32
        %dma_start3A_784 = tpu.memref_slice %arg2[%dma_start3A_782, %dma_start3A_783] : memref<10240x128xf32, #tpu.memory_space<hbm>> -> memref<10240x128xf32, #tpu.memory_space<hbm>>
        tpu.enqueue_indirect_dma source(%dma_start3A_784 : memref<10240x128xf32, #tpu.memory_space<hbm>>) target(%dma_start3A_776 : memref<40x128xf32, #tpu.memory_space<vmem>>) offsets(%dma_start3A_781 : memref<40xi32, #tpu.memory_space<vmem>>) semaphore(%arg13 : memref<!tpu.dma_semaphore, #tpu.memory_space<semaphore_mem>>)
        %dma_start3A_785 = arith.constant 2 : i32
        %dma_start3A_786 = arith.constant 2 : i32
        %dma_start3A_787 = arith.constant 0 : i32
        %dma_start3A_788 = arith.constant 0 : i32
        %dma_start3A_789 = tpu.memref_slice %arg8[%dma_start3A_786, %dma_start3A_787, %dma_start3A_788] : memref<4x80x128xf32, #tpu.memory_space<vmem>> -> memref<1x80x128xf32, #tpu.memory_space<vmem>>
        %dma_start3A_790 = tpu.memref_squeeze %dma_start3A_789 : memref<1x80x128xf32, #tpu.memory_space<vmem>> -> memref<80x128xf32, #tpu.memory_space<vmem>>
        %dma_start3A_791 = arith.constant 40 : i32
        %dma_start3A_792 = arith.constant 0 : i32
        %dma_start3A_793 = tpu.memref_slice %dma_start3A_790[%dma_start3A_791, %dma_start3A_792] : memref<80x128xf32, #tpu.memory_space<vmem>> -> memref<40x128xf32, #tpu.memory_space<vmem>>
        %dma_start3A_794 = arith.constant 0 : i32
        %dma_start3A_795 = tpu.memref_slice %arg6[%dma_start3A_785, %dma_start3A_794] : memref<4x80xi32, #tpu.memory_space<vmem>> -> memref<1x80xi32, #tpu.memory_space<vmem>>
        %dma_start3A_796 = tpu.memref_squeeze %dma_start3A_795 : memref<1x80xi32, #tpu.memory_space<vmem>> -> memref<80xi32, #tpu.memory_space<vmem>>
        %dma_start3A_797 = arith.constant 40 : i32
        %dma_start3A_798 = tpu.memref_slice %dma_start3A_796[%dma_start3A_797] : memref<80xi32, #tpu.memory_space<vmem>> -> memref<40xi32, #tpu.memory_space<vmem>>
        %dma_start3A_799 = arith.constant 0 : i32
        %dma_start3A_800 = arith.constant 0 : i32
        %dma_start3A_801 = tpu.memref_slice %arg2[%dma_start3A_799, %dma_start3A_800] : memref<10240x128xf32, #tpu.memory_space<hbm>> -> memref<10240x128xf32, #tpu.memory_space<hbm>>
        tpu.enqueue_indirect_dma source(%dma_start3A_801 : memref<10240x128xf32, #tpu.memory_space<hbm>>) target(%dma_start3A_793 : memref<40x128xf32, #tpu.memory_space<vmem>>) offsets(%dma_start3A_798 : memref<40xi32, #tpu.memory_space<vmem>>) semaphore(%arg13 : memref<!tpu.dma_semaphore, #tpu.memory_space<semaphore_mem>>)
      } else {
      }
      %add3A_647 = arith.constant 4 : i32
      %add3A_648 = arith.addi %add3A_570, %add3A_647 : i32
      %lt3A_649 = arith.constant 125 : i32
      %lt3A_650 = arith.cmpi slt, %add3A_648, %lt3A_649 : i32
      %convert_element_type3A_651 = arith.extui %lt3A_650 : i1 to i32
      %cond3A_652 = arith.constant 0 : i32
      %cond3A_653 = arith.cmpi ne, %convert_element_type3A_651, %cond3A_652 : i32
      scf.if %cond3A_653 {
        %add3A_743 = arith.constant 4 : i32
        %add3A_744 = arith.addi %add3A_570, %add3A_743 : i32
        %mul3A_745 = arith.constant 80 : i32
        %mul3A_746 = arith.muli %add3A_744, %mul3A_745 : i32
        %add3A_747 = arith.addi %mul3A_13, %mul3A_746 : i32
        %dma_start3A_748 = arith.constant 3 : i32
        %dma_start3A_749 = arith.constant 0 : i32
        %dma_start3A_750 = tpu.memref_slice %arg6[%dma_start3A_748, %dma_start3A_749] : memref<4x80xi32, #tpu.memory_space<vmem>> -> memref<1x80xi32, #tpu.memory_space<vmem>>
        %dma_start3A_751 = tpu.memref_squeeze %dma_start3A_750 : memref<1x80xi32, #tpu.memory_space<vmem>> -> memref<80xi32, #tpu.memory_space<vmem>>
        %dma_start3A_752 = tpu.memref_slice %arg3[%add3A_747] : memref<320000xi32, #tpu.memory_space<hbm>> -> memref<80xi32, #tpu.memory_space<hbm>>
        %dma_start3A_753 = arith.constant 0 : i32
        %dma_start3A_754 = tpu.memref_slice %arg6[%dma_start3A_748, %dma_start3A_753] : memref<4x80xi32, #tpu.memory_space<vmem>> -> memref<1x80xi32, #tpu.memory_space<vmem>>
        %dma_start3A_755 = tpu.memref_squeeze %dma_start3A_754 : memref<1x80xi32, #tpu.memory_space<vmem>> -> memref<80xi32, #tpu.memory_space<vmem>>
        %dma_start3A_756 = tpu.memref_slice %arg3[%add3A_747] : memref<320000xi32, #tpu.memory_space<hbm>> -> memref<80xi32, #tpu.memory_space<hbm>>
        tpu.enqueue_dma source(%dma_start3A_756 : memref<80xi32, #tpu.memory_space<hbm>>) target(%dma_start3A_755 : memref<80xi32, #tpu.memory_space<vmem>>) target_semaphore(%arg11 : memref<!tpu.dma_semaphore, #tpu.memory_space<semaphore_mem>>)
      } else {
      }
      %mul3A_654 = arith.constant 4 : i32
      %mul3A_655 = arith.muli %scan3A_389, %mul3A_654 : i32
      %add3A_656 = arith.constant 1 : i32
      %add3A_657 = arith.addi %add3A_656, %mul3A_655 : i32
      %add3A_658 = arith.constant 3 : i32
      %add3A_659 = arith.addi %add3A_657, %add3A_658 : i32
      %dma_wait3A_660 = arith.constant 0 : i32
      %dma_wait3A_661 = arith.constant 0 : i32
      %dma_wait3A_662 = arith.constant 0 : i32
      %dma_wait3A_663 = arith.constant 0 : i32
      %dma_wait3A_664 = tpu.memref_slice %arg8[%dma_wait3A_661, %dma_wait3A_662, %dma_wait3A_663] : memref<4x80x128xf32, #tpu.memory_space<vmem>> -> memref<1x80x128xf32, #tpu.memory_space<vmem>>
      %dma_wait3A_665 = tpu.memref_squeeze %dma_wait3A_664 : memref<1x80x128xf32, #tpu.memory_space<vmem>> -> memref<80x128xf32, #tpu.memory_space<vmem>>
      %dma_wait3A_666 = arith.constant 0 : i32
      %dma_wait3A_667 = arith.constant 0 : i32
      %dma_wait3A_668 = tpu.memref_slice %dma_wait3A_665[%dma_wait3A_666, %dma_wait3A_667] : memref<80x128xf32, #tpu.memory_space<vmem>> -> memref<40x128xf32, #tpu.memory_space<vmem>>
      %dma_wait3A_669 = arith.constant 0 : i32
      %dma_wait3A_670 = tpu.memref_slice %arg6[%dma_wait3A_660, %dma_wait3A_669] : memref<4x80xi32, #tpu.memory_space<vmem>> -> memref<1x80xi32, #tpu.memory_space<vmem>>
      %dma_wait3A_671 = tpu.memref_squeeze %dma_wait3A_670 : memref<1x80xi32, #tpu.memory_space<vmem>> -> memref<80xi32, #tpu.memory_space<vmem>>
      %dma_wait3A_672 = arith.constant 0 : i32
      %dma_wait3A_673 = tpu.memref_slice %dma_wait3A_671[%dma_wait3A_672] : memref<80xi32, #tpu.memory_space<vmem>> -> memref<40xi32, #tpu.memory_space<vmem>>
      %dma_wait3A_674 = arith.constant 0 : i32
      %dma_wait3A_675 = arith.constant 0 : i32
      %dma_wait3A_676 = tpu.memref_slice %arg2[%dma_wait3A_674, %dma_wait3A_675] : memref<10240x128xf32, #tpu.memory_space<hbm>> -> memref<10240x128xf32, #tpu.memory_space<hbm>>
      tpu.wait_indirect_dma semaphore(%arg13 : memref<!tpu.dma_semaphore, #tpu.memory_space<semaphore_mem>>) src(%dma_wait3A_676 : memref<10240x128xf32, #tpu.memory_space<hbm>>) dst(%dma_wait3A_668 : memref<40x128xf32, #tpu.memory_space<vmem>>)
      %dma_wait3A_677 = arith.constant 0 : i32
      %dma_wait3A_678 = arith.constant 0 : i32
      %dma_wait3A_679 = arith.constant 0 : i32
      %dma_wait3A_680 = arith.constant 0 : i32
      %dma_wait3A_681 = tpu.memref_slice %arg8[%dma_wait3A_678, %dma_wait3A_679, %dma_wait3A_680] : memref<4x80x128xf32, #tpu.memory_space<vmem>> -> memref<1x80x128xf32, #tpu.memory_space<vmem>>
      %dma_wait3A_682 = tpu.memref_squeeze %dma_wait3A_681 : memref<1x80x128xf32, #tpu.memory_space<vmem>> -> memref<80x128xf32, #tpu.memory_space<vmem>>
      %dma_wait3A_683 = arith.constant 40 : i32
      %dma_wait3A_684 = arith.constant 0 : i32
      %dma_wait3A_685 = tpu.memref_slice %dma_wait3A_682[%dma_wait3A_683, %dma_wait3A_684] : memref<80x128xf32, #tpu.memory_space<vmem>> -> memref<40x128xf32, #tpu.memory_space<vmem>>
      %dma_wait3A_686 = arith.constant 0 : i32
      %dma_wait3A_687 = tpu.memref_slice %arg6[%dma_wait3A_677, %dma_wait3A_686] : memref<4x80xi32, #tpu.memory_space<vmem>> -> memref<1x80xi32, #tpu.memory_space<vmem>>
      %dma_wait3A_688 = tpu.memref_squeeze %dma_wait3A_687 : memref<1x80xi32, #tpu.memory_space<vmem>> -> memref<80xi32, #tpu.memory_space<vmem>>
      %dma_wait3A_689 = arith.constant 0 : i32
      %dma_wait3A_690 = tpu.memref_slice %dma_wait3A_688[%dma_wait3A_689] : memref<80xi32, #tpu.memory_space<vmem>> -> memref<40xi32, #tpu.memory_space<vmem>>
      %dma_wait3A_691 = arith.constant 0 : i32
      %dma_wait3A_692 = arith.constant 0 : i32
      %dma_wait3A_693 = tpu.memref_slice %arg2[%dma_wait3A_691, %dma_wait3A_692] : memref<10240x128xf32, #tpu.memory_space<hbm>> -> memref<10240x128xf32, #tpu.memory_space<hbm>>
      tpu.wait_indirect_dma semaphore(%arg13 : memref<!tpu.dma_semaphore, #tpu.memory_space<semaphore_mem>>) src(%dma_wait3A_693 : memref<10240x128xf32, #tpu.memory_space<hbm>>) dst(%dma_wait3A_685 : memref<40x128xf32, #tpu.memory_space<vmem>>)
      %dma_wait3A_694 = arith.constant 0 : i32
      %dma_wait3A_695 = arith.constant 0 : i32
      %dma_wait3A_696 = tpu.memref_slice %arg7[%dma_wait3A_694, %dma_wait3A_695] : memref<4x80xi32, #tpu.memory_space<vmem>> -> memref<1x80xi32, #tpu.memory_space<vmem>>
      %dma_wait3A_697 = tpu.memref_squeeze %dma_wait3A_696 : memref<1x80xi32, #tpu.memory_space<vmem>> -> memref<80xi32, #tpu.memory_space<vmem>>
      %dma_wait3A_698 = arith.constant 0 : i32
      %dma_wait3A_699 = tpu.memref_slice %arg4[%dma_wait3A_698] : memref<320000xi32, #tpu.memory_space<hbm>> -> memref<80xi32, #tpu.memory_space<hbm>>
      %dma_wait3A_700 = arith.constant 0 : i32
      %dma_wait3A_701 = tpu.memref_slice %arg7[%dma_wait3A_694, %dma_wait3A_700] : memref<4x80xi32, #tpu.memory_space<vmem>> -> memref<1x80xi32, #tpu.memory_space<vmem>>
      %dma_wait3A_702 = tpu.memref_squeeze %dma_wait3A_701 : memref<1x80xi32, #tpu.memory_space<vmem>> -> memref<80xi32, #tpu.memory_space<vmem>>
      %dma_wait3A_703 = arith.constant 0 : i32
      %dma_wait3A_704 = tpu.memref_slice %arg4[%dma_wait3A_703] : memref<320000xi32, #tpu.memory_space<hbm>> -> memref<80xi32, #tpu.memory_space<hbm>>
      tpu.wait_dma2 semaphore(%arg12 : memref<!tpu.dma_semaphore, #tpu.memory_space<semaphore_mem>>) src(%dma_wait3A_704 : memref<80xi32, #tpu.memory_space<hbm>>) dst(%dma_wait3A_702 : memref<80xi32, #tpu.memory_space<vmem>>)
      %dma_start3A_705 = arith.constant 0 : i32
      %dma_start3A_706 = arith.constant 0 : i32
      %dma_start3A_707 = arith.constant 0 : i32
      %dma_start3A_708 = arith.constant 0 : i32
      %dma_start3A_709 = tpu.memref_slice %arg8[%dma_start3A_705, %dma_start3A_707, %dma_start3A_708] : memref<4x80x128xf32, #tpu.memory_space<vmem>> -> memref<1x80x128xf32, #tpu.memory_space<vmem>>
      %dma_start3A_710 = tpu.memref_squeeze %dma_start3A_709 : memref<1x80x128xf32, #tpu.memory_space<vmem>> -> memref<80x128xf32, #tpu.memory_space<vmem>>
      %dma_start3A_711 = arith.constant 0 : i32
      %dma_start3A_712 = tpu.memref_slice %arg7[%dma_start3A_706, %dma_start3A_711] : memref<4x80xi32, #tpu.memory_space<vmem>> -> memref<1x80xi32, #tpu.memory_space<vmem>>
      %dma_start3A_713 = tpu.memref_squeeze %dma_start3A_712 : memref<1x80xi32, #tpu.memory_space<vmem>> -> memref<80xi32, #tpu.memory_space<vmem>>
      %dma_start3A_714 = arith.constant 0 : i32
      %dma_start3A_715 = arith.constant 0 : i32
      %dma_start3A_716 = tpu.memref_slice %arg10[%dma_start3A_714, %dma_start3A_715] : memref<10240x128xf32, #tpu.memory_space<vmem_shared>> -> memref<10240x128xf32, #tpu.memory_space<vmem_shared>>
      tpu.enqueue_indirect_dma source(%dma_start3A_710 : memref<80x128xf32, #tpu.memory_space<vmem>>) target(%dma_start3A_716 : memref<10240x128xf32, #tpu.memory_space<vmem_shared>>) offsets(%dma_start3A_713 : memref<80xi32, #tpu.memory_space<vmem>>) semaphore(%arg14 : memref<!tpu.dma_semaphore, #tpu.memory_space<semaphore_mem>>) {add = true}
      %dma_wait3A_717 = arith.constant 3 : i32
      %dma_wait3A_718 = arith.constant 3 : i32
      %dma_wait3A_719 = arith.constant 0 : i32
      %dma_wait3A_720 = arith.constant 0 : i32
      %dma_wait3A_721 = tpu.memref_slice %arg8[%dma_wait3A_717, %dma_wait3A_719, %dma_wait3A_720] : memref<4x80x128xf32, #tpu.memory_space<vmem>> -> memref<1x80x128xf32, #tpu.memory_space<vmem>>
      %dma_wait3A_722 = tpu.memref_squeeze %dma_wait3A_721 : memref<1x80x128xf32, #tpu.memory_space<vmem>> -> memref<80x128xf32, #tpu.memory_space<vmem>>
      %dma_wait3A_723 = arith.constant 0 : i32
      %dma_wait3A_724 = tpu.memref_slice %arg7[%dma_wait3A_718, %dma_wait3A_723] : memref<4x80xi32, #tpu.memory_space<vmem>> -> memref<1x80xi32, #tpu.memory_space<vmem>>
      %dma_wait3A_725 = tpu.memref_squeeze %dma_wait3A_724 : memref<1x80xi32, #tpu.memory_space<vmem>> -> memref<80xi32, #tpu.memory_space<vmem>>
      %dma_wait3A_726 = arith.constant 0 : i32
      %dma_wait3A_727 = arith.constant 0 : i32
      %dma_wait3A_728 = tpu.memref_slice %arg10[%dma_wait3A_726, %dma_wait3A_727] : memref<10240x128xf32, #tpu.memory_space<vmem_shared>> -> memref<10240x128xf32, #tpu.memory_space<vmem_shared>>
      tpu.wait_indirect_dma semaphore(%arg14 : memref<!tpu.dma_semaphore, #tpu.memory_space<semaphore_mem>>) src(%dma_wait3A_722 : memref<80x128xf32, #tpu.memory_space<vmem>>) dst(%dma_wait3A_728 : memref<10240x128xf32, #tpu.memory_space<vmem_shared>>)
      %add3A_729 = arith.constant 3 : i32
      %add3A_730 = arith.addi %add3A_659, %add3A_729 : i32
      %lt3A_731 = arith.constant 125 : i32
      %lt3A_732 = arith.cmpi slt, %add3A_730, %lt3A_731 : i32
      %convert_element_type3A_733 = arith.extui %lt3A_732 : i1 to i32
      %cond3A_734 = arith.constant 0 : i32
      %cond3A_735 = arith.cmpi ne, %convert_element_type3A_733, %cond3A_734 : i32
      scf.if %cond3A_735 {
        %add3A_743 = arith.constant 3 : i32
        %add3A_744 = arith.addi %add3A_659, %add3A_743 : i32
        %mul3A_745 = arith.constant 80 : i32
        %mul3A_746 = arith.muli %add3A_744, %mul3A_745 : i32
        %add3A_747 = arith.addi %mul3A_13, %mul3A_746 : i32
        %dma_start3A_748 = arith.constant 3 : i32
        %dma_start3A_749 = arith.constant 0 : i32
        %dma_start3A_750 = tpu.memref_slice %arg7[%dma_start3A_748, %dma_start3A_749] : memref<4x80xi32, #tpu.memory_space<vmem>> -> memref<1x80xi32, #tpu.memory_space<vmem>>
        %dma_start3A_751 = tpu.memref_squeeze %dma_start3A_750 : memref<1x80xi32, #tpu.memory_space<vmem>> -> memref<80xi32, #tpu.memory_space<vmem>>
        %dma_start3A_752 = tpu.memref_slice %arg4[%add3A_747] : memref<320000xi32, #tpu.memory_space<hbm>> -> memref<80xi32, #tpu.memory_space<hbm>>
        %dma_start3A_753 = arith.constant 0 : i32
        %dma_start3A_754 = tpu.memref_slice %arg7[%dma_start3A_748, %dma_start3A_753] : memref<4x80xi32, #tpu.memory_space<vmem>> -> memref<1x80xi32, #tpu.memory_space<vmem>>
        %dma_start3A_755 = tpu.memref_squeeze %dma_start3A_754 : memref<1x80xi32, #tpu.memory_space<vmem>> -> memref<80xi32, #tpu.memory_space<vmem>>
        %dma_start3A_756 = tpu.memref_slice %arg4[%add3A_747] : memref<320000xi32, #tpu.memory_space<hbm>> -> memref<80xi32, #tpu.memory_space<hbm>>
        tpu.enqueue_dma source(%dma_start3A_756 : memref<80xi32, #tpu.memory_space<hbm>>) target(%dma_start3A_755 : memref<80xi32, #tpu.memory_space<vmem>>) target_semaphore(%arg12 : memref<!tpu.dma_semaphore, #tpu.memory_space<semaphore_mem>>)
        %dma_wait3A_757 = arith.constant 3 : i32
        %dma_wait3A_758 = arith.constant 0 : i32
        %dma_wait3A_759 = tpu.memref_slice %arg6[%dma_wait3A_757, %dma_wait3A_758] : memref<4x80xi32, #tpu.memory_space<vmem>> -> memref<1x80xi32, #tpu.memory_space<vmem>>
        %dma_wait3A_760 = tpu.memref_squeeze %dma_wait3A_759 : memref<1x80xi32, #tpu.memory_space<vmem>> -> memref<80xi32, #tpu.memory_space<vmem>>
        %dma_wait3A_761 = arith.constant 0 : i32
        %dma_wait3A_762 = tpu.memref_slice %arg3[%dma_wait3A_761] : memref<320000xi32, #tpu.memory_space<hbm>> -> memref<80xi32, #tpu.memory_space<hbm>>
        %dma_wait3A_763 = arith.constant 0 : i32
        %dma_wait3A_764 = tpu.memref_slice %arg6[%dma_wait3A_757, %dma_wait3A_763] : memref<4x80xi32, #tpu.memory_space<vmem>> -> memref<1x80xi32, #tpu.memory_space<vmem>>
        %dma_wait3A_765 = tpu.memref_squeeze %dma_wait3A_764 : memref<1x80xi32, #tpu.memory_space<vmem>> -> memref<80xi32, #tpu.memory_space<vmem>>
        %dma_wait3A_766 = arith.constant 0 : i32
        %dma_wait3A_767 = tpu.memref_slice %arg3[%dma_wait3A_766] : memref<320000xi32, #tpu.memory_space<hbm>> -> memref<80xi32, #tpu.memory_space<hbm>>
        tpu.wait_dma2 semaphore(%arg11 : memref<!tpu.dma_semaphore, #tpu.memory_space<semaphore_mem>>) src(%dma_wait3A_767 : memref<80xi32, #tpu.memory_space<hbm>>) dst(%dma_wait3A_765 : memref<80xi32, #tpu.memory_space<vmem>>)
        %dma_start3A_768 = arith.constant 3 : i32
        %dma_start3A_769 = arith.constant 3 : i32
        %dma_start3A_770 = arith.constant 0 : i32
        %dma_start3A_771 = arith.constant 0 : i32
        %dma_start3A_772 = tpu.memref_slice %arg8[%dma_start3A_769, %dma_start3A_770, %dma_start3A_771] : memref<4x80x128xf32, #tpu.memory_space<vmem>> -> memref<1x80x128xf32, #tpu.memory_space<vmem>>
        %dma_start3A_773 = tpu.memref_squeeze %dma_start3A_772 : memref<1x80x128xf32, #tpu.memory_space<vmem>> -> memref<80x128xf32, #tpu.memory_space<vmem>>
        %dma_start3A_774 = arith.constant 0 : i32
        %dma_start3A_775 = arith.constant 0 : i32
        %dma_start3A_776 = tpu.memref_slice %dma_start3A_773[%dma_start3A_774, %dma_start3A_775] : memref<80x128xf32, #tpu.memory_space<vmem>> -> memref<40x128xf32, #tpu.memory_space<vmem>>
        %dma_start3A_777 = arith.constant 0 : i32
        %dma_start3A_778 = tpu.memref_slice %arg6[%dma_start3A_768, %dma_start3A_777] : memref<4x80xi32, #tpu.memory_space<vmem>> -> memref<1x80xi32, #tpu.memory_space<vmem>>
        %dma_start3A_779 = tpu.memref_squeeze %dma_start3A_778 : memref<1x80xi32, #tpu.memory_space<vmem>> -> memref<80xi32, #tpu.memory_space<vmem>>
        %dma_start3A_780 = arith.constant 0 : i32
        %dma_start3A_781 = tpu.memref_slice %dma_start3A_779[%dma_start3A_780] : memref<80xi32, #tpu.memory_space<vmem>> -> memref<40xi32, #tpu.memory_space<vmem>>
        %dma_start3A_782 = arith.constant 0 : i32
        %dma_start3A_783 = arith.constant 0 : i32
        %dma_start3A_784 = tpu.memref_slice %arg2[%dma_start3A_782, %dma_start3A_783] : memref<10240x128xf32, #tpu.memory_space<hbm>> -> memref<10240x128xf32, #tpu.memory_space<hbm>>
        tpu.enqueue_indirect_dma source(%dma_start3A_784 : memref<10240x128xf32, #tpu.memory_space<hbm>>) target(%dma_start3A_776 : memref<40x128xf32, #tpu.memory_space<vmem>>) offsets(%dma_start3A_781 : memref<40xi32, #tpu.memory_space<vmem>>) semaphore(%arg13 : memref<!tpu.dma_semaphore, #tpu.memory_space<semaphore_mem>>)
        %dma_start3A_785 = arith.constant 3 : i32
        %dma_start3A_786 = arith.constant 3 : i32
        %dma_start3A_787 = arith.constant 0 : i32
        %dma_start3A_788 = arith.constant 0 : i32
        %dma_start3A_789 = tpu.memref_slice %arg8[%dma_start3A_786, %dma_start3A_787, %dma_start3A_788] : memref<4x80x128xf32, #tpu.memory_space<vmem>> -> memref<1x80x128xf32, #tpu.memory_space<vmem>>
        %dma_start3A_790 = tpu.memref_squeeze %dma_start3A_789 : memref<1x80x128xf32, #tpu.memory_space<vmem>> -> memref<80x128xf32, #tpu.memory_space<vmem>>
        %dma_start3A_791 = arith.constant 40 : i32
        %dma_start3A_792 = arith.constant 0 : i32
        %dma_start3A_793 = tpu.memref_slice %dma_start3A_790[%dma_start3A_791, %dma_start3A_792] : memref<80x128xf32, #tpu.memory_space<vmem>> -> memref<40x128xf32, #tpu.memory_space<vmem>>
        %dma_start3A_794 = arith.constant 0 : i32
        %dma_start3A_795 = tpu.memref_slice %arg6[%dma_start3A_785, %dma_start3A_794] : memref<4x80xi32, #tpu.memory_space<vmem>> -> memref<1x80xi32, #tpu.memory_space<vmem>>
        %dma_start3A_796 = tpu.memref_squeeze %dma_start3A_795 : memref<1x80xi32, #tpu.memory_space<vmem>> -> memref<80xi32, #tpu.memory_space<vmem>>
        %dma_start3A_797 = arith.constant 40 : i32
        %dma_start3A_798 = tpu.memref_slice %dma_start3A_796[%dma_start3A_797] : memref<80xi32, #tpu.memory_space<vmem>> -> memref<40xi32, #tpu.memory_space<vmem>>
        %dma_start3A_799 = arith.constant 0 : i32
        %dma_start3A_800 = arith.constant 0 : i32
        %dma_start3A_801 = tpu.memref_slice %arg2[%dma_start3A_799, %dma_start3A_800] : memref<10240x128xf32, #tpu.memory_space<hbm>> -> memref<10240x128xf32, #tpu.memory_space<hbm>>
        tpu.enqueue_indirect_dma source(%dma_start3A_801 : memref<10240x128xf32, #tpu.memory_space<hbm>>) target(%dma_start3A_793 : memref<40x128xf32, #tpu.memory_space<vmem>>) offsets(%dma_start3A_798 : memref<40xi32, #tpu.memory_space<vmem>>) semaphore(%arg13 : memref<!tpu.dma_semaphore, #tpu.memory_space<semaphore_mem>>)
      } else {
      }
      %add3A_736 = arith.constant 4 : i32
      %add3A_737 = arith.addi %add3A_659, %add3A_736 : i32
      %lt3A_738 = arith.constant 125 : i32
      %lt3A_739 = arith.cmpi slt, %add3A_737, %lt3A_738 : i32
      %convert_element_type3A_740 = arith.extui %lt3A_739 : i1 to i32
      %cond3A_741 = arith.constant 0 : i32
      %cond3A_742 = arith.cmpi ne, %convert_element_type3A_740, %cond3A_741 : i32
      scf.if %cond3A_742 {
        %add3A_743 = arith.constant 4 : i32
        %add3A_744 = arith.addi %add3A_659, %add3A_743 : i32
        %mul3A_745 = arith.constant 80 : i32
        %mul3A_746 = arith.muli %add3A_744, %mul3A_745 : i32
        %add3A_747 = arith.addi %mul3A_13, %mul3A_746 : i32
        %dma_start3A_748 = arith.constant 0 : i32
        %dma_start3A_749 = arith.constant 0 : i32
        %dma_start3A_750 = tpu.memref_slice %arg6[%dma_start3A_748, %dma_start3A_749] : memref<4x80xi32, #tpu.memory_space<vmem>> -> memref<1x80xi32, #tpu.memory_space<vmem>>
        %dma_start3A_751 = tpu.memref_squeeze %dma_start3A_750 : memref<1x80xi32, #tpu.memory_space<vmem>> -> memref<80xi32, #tpu.memory_space<vmem>>
        %dma_start3A_752 = tpu.memref_slice %arg3[%add3A_747] : memref<320000xi32, #tpu.memory_space<hbm>> -> memref<80xi32, #tpu.memory_space<hbm>>
        %dma_start3A_753 = arith.constant 0 : i32
        %dma_start3A_754 = tpu.memref_slice %arg6[%dma_start3A_748, %dma_start3A_753] : memref<4x80xi32, #tpu.memory_space<vmem>> -> memref<1x80xi32, #tpu.memory_space<vmem>>
        %dma_start3A_755 = tpu.memref_squeeze %dma_start3A_754 : memref<1x80xi32, #tpu.memory_space<vmem>> -> memref<80xi32, #tpu.memory_space<vmem>>
        %dma_start3A_756 = tpu.memref_slice %arg3[%add3A_747] : memref<320000xi32, #tpu.memory_space<hbm>> -> memref<80xi32, #tpu.memory_space<hbm>>
        tpu.enqueue_dma source(%dma_start3A_756 : memref<80xi32, #tpu.memory_space<hbm>>) target(%dma_start3A_755 : memref<80xi32, #tpu.memory_space<vmem>>) target_semaphore(%arg11 : memref<!tpu.dma_semaphore, #tpu.memory_space<semaphore_mem>>)
      } else {
      }
    }
    %scan3A_371 = arith.constant 31 : i32
    %dma_wait3A_372 = arith.constant 0 : i32
    %dma_wait3A_373 = arith.constant 0 : i32
    %dma_wait3A_374 = arith.constant 0 : i32
    %dma_wait3A_375 = arith.constant 0 : i32
    %dma_wait3A_376 = tpu.memref_slice %arg8[%dma_wait3A_372, %dma_wait3A_374, %dma_wait3A_375] : memref<4x80x128xf32, #tpu.memory_space<vmem>> -> memref<1x80x128xf32, #tpu.memory_space<vmem>>
    %dma_wait3A_377 = tpu.memref_squeeze %dma_wait3A_376 : memref<1x80x128xf32, #tpu.memory_space<vmem>> -> memref<80x128xf32, #tpu.memory_space<vmem>>
    %dma_wait3A_378 = arith.constant 0 : i32
    %dma_wait3A_379 = tpu.memref_slice %arg7[%dma_wait3A_373, %dma_wait3A_378] : memref<4x80xi32, #tpu.memory_space<vmem>> -> memref<1x80xi32, #tpu.memory_space<vmem>>
    %dma_wait3A_380 = tpu.memref_squeeze %dma_wait3A_379 : memref<1x80xi32, #tpu.memory_space<vmem>> -> memref<80xi32, #tpu.memory_space<vmem>>
    %dma_wait3A_381 = arith.constant 0 : i32
    %dma_wait3A_382 = arith.constant 0 : i32
    %dma_wait3A_383 = tpu.memref_slice %arg10[%dma_wait3A_381, %dma_wait3A_382] : memref<10240x128xf32, #tpu.memory_space<vmem_shared>> -> memref<10240x128xf32, #tpu.memory_space<vmem_shared>>
    tpu.wait_indirect_dma semaphore(%arg14 : memref<!tpu.dma_semaphore, #tpu.memory_space<semaphore_mem>>) src(%dma_wait3A_377 : memref<80x128xf32, #tpu.memory_space<vmem>>) dst(%dma_wait3A_383 : memref<10240x128xf32, #tpu.memory_space<vmem_shared>>)
    %barrier3A_384 = arith.constant 0 : index
    tpu.barrier barrier_id(%barrier3A_384)
    %mul3A_385 = arith.constant 640 : i32
    %mul3A_386 = arith.muli %arg1, %mul3A_385 : i32
    %mul3A_387 = arith.constant 640 : i32
    %mul3A_388 = arith.muli %arg1, %mul3A_387 : i32
    "tpu.region"() ({
      %run_scoped3A = tpu.sem_alloc : memref<!tpu.dma_semaphore, #tpu.memory_space<semaphore_mem>>
      %dma_start3A_389 = arith.constant 0 : i32
      %dma_start3A_390 = arith.constant 0 : i32
      %dma_start3A_391 = tpu.memref_slice %arg5[%arg0, %dma_start3A_389, %dma_start3A_390] : memref<2x10240x128xf32, #tpu.memory_space<hbm>> -> memref<1x10240x128xf32, #tpu.memory_space<hbm>>
      %dma_start3A_392 = tpu.memref_squeeze %dma_start3A_391 : memref<1x10240x128xf32, #tpu.memory_space<hbm>> -> memref<10240x128xf32, #tpu.memory_space<hbm>>
      %dma_start3A_393 = arith.constant 0 : i32
      %dma_start3A_394 = tpu.memref_slice %dma_start3A_392[%mul3A_388, %dma_start3A_393] : memref<10240x128xf32, #tpu.memory_space<hbm>> -> memref<640x128xf32, #tpu.memory_space<hbm>>
      %dma_start3A_395 = arith.constant 0 : i32
      %dma_start3A_396 = tpu.memref_slice %arg10[%mul3A_386, %dma_start3A_395] : memref<10240x128xf32, #tpu.memory_space<vmem_shared>> -> memref<640x128xf32, #tpu.memory_space<vmem_shared>>
      tpu.enqueue_dma source(%dma_start3A_396 : memref<640x128xf32, #tpu.memory_space<vmem_shared>>) target(%dma_start3A_394 : memref<640x128xf32, #tpu.memory_space<hbm>>) target_semaphore(%run_scoped3A : memref<!tpu.dma_semaphore, #tpu.memory_space<semaphore_mem>>)
      %dma_wait3A_397 = arith.constant 0 : i32
      %dma_wait3A_398 = arith.constant 0 : i32
      %dma_wait3A_399 = tpu.memref_slice %arg5[%arg0, %dma_wait3A_397, %dma_wait3A_398] : memref<2x10240x128xf32, #tpu.memory_space<hbm>> -> memref<1x10240x128xf32, #tpu.memory_space<hbm>>
      %dma_wait3A_400 = tpu.memref_squeeze %dma_wait3A_399 : memref<1x10240x128xf32, #tpu.memory_space<hbm>> -> memref<10240x128xf32, #tpu.memory_space<hbm>>
      %dma_wait3A_401 = arith.constant 0 : i32
      %dma_wait3A_402 = tpu.memref_slice %dma_wait3A_400[%mul3A_388, %dma_wait3A_401] : memref<10240x128xf32, #tpu.memory_space<hbm>> -> memref<640x128xf32, #tpu.memory_space<hbm>>
      %dma_wait3A_403 = arith.constant 0 : i32
      %dma_wait3A_404 = tpu.memref_slice %arg10[%mul3A_386, %dma_wait3A_403] : memref<10240x128xf32, #tpu.memory_space<vmem_shared>> -> memref<640x128xf32, #tpu.memory_space<vmem_shared>>
      tpu.wait_dma2 semaphore(%run_scoped3A : memref<!tpu.dma_semaphore, #tpu.memory_space<semaphore_mem>>) src(%dma_wait3A_404 : memref<640x128xf32, #tpu.memory_space<vmem_shared>>) dst(%dma_wait3A_402 : memref<640x128xf32, #tpu.memory_space<hbm>>)
      tpu.yield
    }) : () -> ()
    return
  }
}

module attributes {stable_mosaic.version = 14 : i64} {
  func.func @body(%arg0: i32, %arg1: memref<1024x128xf32, #tpu.memory_space<vmem>>, %arg2: memref<1x1024x128xf32, #tpu.memory_space<vmem>>, %arg3: memref<1x1024x128xf32, #tpu.memory_space<vmem>>, %arg4: memref<32x1024xf32, #tpu.memory_space<vmem>>, %arg5: memref<128x128xf32, #tpu.memory_space<vmem>>, %arg6: memref<128x128xf32, #tpu.memory_space<vmem>>, %arg7: memref<1x128xf32, #tpu.memory_space<vmem>>, %arg8: memref<1024x128xf32, #tpu.memory_space<vmem>>) attributes {dimension_semantics = [#tpu.dimension_semantics<arbitrary>], iteration_bounds = array<i64: 10>, scalar_prefetch = 0 : i64, scratch_operands = 0 : i64, tpu.core_type = #tpu.core_type<tc>, window_params = [{transform_indices = @transform_0, window_bounds = array<i64: 1024, 128>}, {transform_indices = @transform_1, window_bounds = array<i64: 1, 1024, 128>}, {transform_indices = @transform_2, window_bounds = array<i64: 1, 1024, 128>}, {transform_indices = @transform_3, window_bounds = array<i64: 32, 1024>}, {pipeline_mode = #tpu.pipeline_mode<synchronous>, transform_indices = @transform_4, window_bounds = array<i64: 128, 128>}, {pipeline_mode = #tpu.pipeline_mode<synchronous>, transform_indices = @transform_5, window_bounds = array<i64: 128, 128>}, {pipeline_mode = #tpu.pipeline_mode<synchronous>, transform_indices = @transform_6, window_bounds = array<i64: 1, 128>}, {transform_indices = @transform_7, window_bounds = array<i64: 1024, 128>}]} {
    %get3A = arith.constant 0 : index
    %get3A_0 = arith.constant 0 : index
    %get3A_1 = vector.load %arg4[%get3A, %get3A_0] : memref<32x1024xf32, #tpu.memory_space<vmem>>, vector<32x1024xf32>
    %reduce_sum3A = arith.constant dense<0.000000e+00> : vector<1024xf32>
    %reduce_sum3A_2 = vector.multi_reduction <add>, %get3A_1, %reduce_sum3A [0] : vector<32x1024xf32> to vector<1024xf32>
    %max3A = arith.constant 1.000000e+00 : f32
    %max3A_3 = vector.broadcast %max3A : f32 to vector<1024xf32>
    %max3A_4 = arith.maximumf %reduce_sum3A_2, %max3A_3 : vector<1024xf32>
    %div3A = arith.constant 1.000000e+00 : f32
    %div3A_5 = vector.broadcast %div3A : f32 to vector<1024xf32>
    %div3A_6 = arith.divf %div3A_5, %max3A_4 : vector<1024xf32>
    %get3A_7 = arith.constant 0 : index
    %get3A_8 = arith.constant 0 : index
    %get3A_9 = arith.constant 0 : index
    %get3A_10 = vector.load %arg2[%get3A_7, %get3A_8, %get3A_9] : memref<1x1024x128xf32, #tpu.memory_space<vmem>>, vector<1x1024x128xf32>
    %get3A_11 = vector.shape_cast %get3A_10 : vector<1x1024x128xf32> to vector<1024x128xf32>
    %get3A_12 = arith.constant 0 : index
    %get3A_13 = arith.constant 0 : index
    %get3A_14 = arith.constant 0 : index
    %get3A_15 = vector.load %arg3[%get3A_12, %get3A_13, %get3A_14] : memref<1x1024x128xf32, #tpu.memory_space<vmem>>, vector<1x1024x128xf32>
    %get3A_16 = vector.shape_cast %get3A_15 : vector<1x1024x128xf32> to vector<1024x128xf32>
    %add3A = arith.addf %get3A_11, %get3A_16 : vector<1024x128xf32>
    %broadcast_in_dim3A = vector.shape_cast %div3A_6 : vector<1024xf32> to vector<1024x1xf32>
    %mul3A = vector.broadcast %broadcast_in_dim3A : vector<1024x1xf32> to vector<1024x128xf32>
    %mul3A_17 = arith.mulf %add3A, %mul3A : vector<1024x128xf32>
    %get3A_18 = arith.constant 0 : index
    %get3A_19 = arith.constant 0 : index
    %get3A_20 = vector.load %arg1[%get3A_18, %get3A_19] : memref<1024x128xf32, #tpu.memory_space<vmem>>, vector<1024x128xf32>
    %get3A_21 = arith.constant 0 : index
    %get3A_22 = arith.constant 0 : index
    %get3A_23 = vector.load %arg5[%get3A_21, %get3A_22] : memref<128x128xf32, #tpu.memory_space<vmem>>, vector<128x128xf32>
    %dot_general3A = arith.constant dense<0.000000e+00> : vector<1024x128xf32>
    %dot_general3A_24 = tpu.matmul %get3A_20, %get3A_23, %dot_general3A {dimension_numbers = #tpu.dot_dimension_numbers<[1], [0], [0], [1], [0, 0, 1, 1], [], []>, transpose_lhs_hint = false} : vector<1024x128xf32>, vector<128x128xf32>, vector<1024x128xf32> -> vector<1024x128xf32>
    %get3A_25 = arith.constant 0 : index
    %get3A_26 = arith.constant 0 : index
    %get3A_27 = vector.load %arg6[%get3A_25, %get3A_26] : memref<128x128xf32, #tpu.memory_space<vmem>>, vector<128x128xf32>
    %dot_general3A_28 = arith.constant dense<0.000000e+00> : vector<1024x128xf32>
    %dot_general3A_29 = tpu.matmul %mul3A_17, %get3A_27, %dot_general3A_28 {dimension_numbers = #tpu.dot_dimension_numbers<[1], [0], [0], [1], [0, 0, 1, 1], [], []>, transpose_lhs_hint = false} : vector<1024x128xf32>, vector<128x128xf32>, vector<1024x128xf32> -> vector<1024x128xf32>
    %add3A_30 = arith.addf %dot_general3A_24, %dot_general3A_29 : vector<1024x128xf32>
    %get3A_31 = arith.constant 0 : index
    %get3A_32 = arith.constant 0 : index
    %get3A_33 = vector.load %arg7[%get3A_31, %get3A_32] : memref<1x128xf32, #tpu.memory_space<vmem>>, vector<1x128xf32>
    %add3A_34 = vector.broadcast %get3A_33 : vector<1x128xf32> to vector<1024x128xf32>
    %add3A_35 = arith.addf %add3A_30, %add3A_34 : vector<1024x128xf32>
    %max3A_36 = arith.constant 0.000000e+00 : f32
    %max3A_37 = vector.broadcast %max3A_36 : f32 to vector<1024x128xf32>
    %max3A_38 = arith.maximumf %add3A_35, %max3A_37 : vector<1024x128xf32>
    %swap3A = arith.constant 0 : index
    %swap3A_39 = arith.constant 0 : index
    %swap3A_40 = vector.load %arg8[%swap3A, %swap3A_39] : memref<1024x128xf32, #tpu.memory_space<vmem>>, vector<1024x128xf32>
    tpu.vector_store %arg8[%swap3A, %swap3A_39], %max3A_38 {strides = array<i32>} : memref<1024x128xf32, #tpu.memory_space<vmem>>, vector<1024x128xf32>,
    return
  }
  func.func @transform_0(%arg0: i32) -> (i32, i32) {
    %c0_i32 = arith.constant 0 : i32
    %c0_i32_0 = arith.constant 0 : i32
    return %arg0, %c0_i32 : i32, i32
  }
  func.func @transform_1(%arg0: i32) -> (i32, i32, i32) {
    %c0_i32 = arith.constant 0 : i32
    %c0_i32_0 = arith.constant 0 : i32
    %c0_i32_1 = arith.constant 0 : i32
    return %c0_i32, %arg0, %c0_i32_0 : i32, i32, i32
  }
  func.func @transform_2(%arg0: i32) -> (i32, i32, i32) {
    %c1_i32 = arith.constant 1 : i32
    %c0_i32 = arith.constant 0 : i32
    %c0_i32_0 = arith.constant 0 : i32
    return %c1_i32, %arg0, %c0_i32 : i32, i32, i32
  }
  func.func @transform_3(%arg0: i32) -> (i32, i32) {
    %c0_i32 = arith.constant 0 : i32
    %c0_i32_0 = arith.constant 0 : i32
    return %c0_i32, %arg0 : i32, i32
  }
  func.func @transform_4(%arg0: i32) -> (i32, i32) {
    %c0_i32 = arith.constant 0 : i32
    %c0_i32_0 = arith.constant 0 : i32
    %c0_i32_1 = arith.constant 0 : i32
    return %c0_i32, %c0_i32_0 : i32, i32
  }
  func.func @transform_5(%arg0: i32) -> (i32, i32) {
    %c0_i32 = arith.constant 0 : i32
    %c0_i32_0 = arith.constant 0 : i32
    %c0_i32_1 = arith.constant 0 : i32
    return %c0_i32, %c0_i32_0 : i32, i32
  }
  func.func @transform_6(%arg0: i32) -> (i32, i32) {
    %c0_i32 = arith.constant 0 : i32
    %c0_i32_0 = arith.constant 0 : i32
    %c0_i32_1 = arith.constant 0 : i32
    return %c0_i32, %c0_i32_0 : i32, i32
  }
  func.func @transform_7(%arg0: i32) -> (i32, i32) {
    %c0_i32 = arith.constant 0 : i32
    %c0_i32_0 = arith.constant 0 : i32
    return %arg0, %c0_i32 : i32, i32
  }
}

module attributes {stable_mosaic.version = 14 : i64} {
  func.func @body(%arg0: i32, %arg1: memref<1024x128xf32, #tpu.memory_space<vmem>>, %arg2: memref<1x1024x128xf32, #tpu.memory_space<vmem>>, %arg3: memref<1x1024x128xf32, #tpu.memory_space<vmem>>, %arg4: memref<32x1024xf32, #tpu.memory_space<vmem>>, %arg5: memref<128x128xf32, #tpu.memory_space<vmem>>, %arg6: memref<128x128xf32, #tpu.memory_space<vmem>>, %arg7: memref<1x128xf32, #tpu.memory_space<vmem>>, %arg8: memref<1024x128xf32, #tpu.memory_space<vmem>>) attributes {dimension_semantics = [#tpu.dimension_semantics<arbitrary>], iteration_bounds = array<i64: 10>, scalar_prefetch = 0 : i64, scratch_operands = 0 : i64, tpu.core_type = #tpu.core_type<tc>, window_params = [{transform_indices = @transform_0, window_bounds = array<i64: 1024, 128>}, {transform_indices = @transform_1, window_bounds = array<i64: 1, 1024, 128>}, {transform_indices = @transform_2, window_bounds = array<i64: 1, 1024, 128>}, {transform_indices = @transform_3, window_bounds = array<i64: 32, 1024>}, {pipeline_mode = #tpu.pipeline_mode<synchronous>, transform_indices = @transform_4, window_bounds = array<i64: 128, 128>}, {pipeline_mode = #tpu.pipeline_mode<synchronous>, transform_indices = @transform_5, window_bounds = array<i64: 128, 128>}, {pipeline_mode = #tpu.pipeline_mode<synchronous>, transform_indices = @transform_6, window_bounds = array<i64: 1, 128>}, {transform_indices = @transform_7, window_bounds = array<i64: 1024, 128>}]} {
    %get3A = arith.constant 0 : index
    %get3A_0 = arith.constant 0 : index
    %get3A_1 = vector.load %arg4[%get3A, %get3A_0] : memref<32x1024xf32, #tpu.memory_space<vmem>>, vector<32x1024xf32>
    %reduce_sum3A = arith.constant dense<0.000000e+00> : vector<1024xf32>
    %reduce_sum3A_2 = vector.multi_reduction <add>, %get3A_1, %reduce_sum3A [0] : vector<32x1024xf32> to vector<1024xf32>
    %max3A = arith.constant 1.000000e+00 : f32
    %max3A_3 = vector.broadcast %max3A : f32 to vector<1024xf32>
    %max3A_4 = arith.maximumf %reduce_sum3A_2, %max3A_3 : vector<1024xf32>
    %div3A = arith.constant 1.000000e+00 : f32
    %div3A_5 = vector.broadcast %div3A : f32 to vector<1024xf32>
    %div3A_6 = arith.divf %div3A_5, %max3A_4 : vector<1024xf32>
    %get3A_7 = arith.constant 0 : index
    %get3A_8 = arith.constant 0 : index
    %get3A_9 = arith.constant 0 : index
    %get3A_10 = vector.load %arg2[%get3A_7, %get3A_8, %get3A_9] : memref<1x1024x128xf32, #tpu.memory_space<vmem>>, vector<1x1024x128xf32>
    %get3A_11 = vector.shape_cast %get3A_10 : vector<1x1024x128xf32> to vector<1024x128xf32>
    %get3A_12 = arith.constant 0 : index
    %get3A_13 = arith.constant 0 : index
    %get3A_14 = arith.constant 0 : index
    %get3A_15 = vector.load %arg3[%get3A_12, %get3A_13, %get3A_14] : memref<1x1024x128xf32, #tpu.memory_space<vmem>>, vector<1x1024x128xf32>
    %get3A_16 = vector.shape_cast %get3A_15 : vector<1x1024x128xf32> to vector<1024x128xf32>
    %add3A = arith.addf %get3A_11, %get3A_16 : vector<1024x128xf32>
    %broadcast_in_dim3A = vector.shape_cast %div3A_6 : vector<1024xf32> to vector<1024x1xf32>
    %mul3A = vector.broadcast %broadcast_in_dim3A : vector<1024x1xf32> to vector<1024x128xf32>
    %mul3A_17 = arith.mulf %add3A, %mul3A : vector<1024x128xf32>
    %get3A_18 = arith.constant 0 : index
    %get3A_19 = arith.constant 0 : index
    %get3A_20 = vector.load %arg1[%get3A_18, %get3A_19] : memref<1024x128xf32, #tpu.memory_space<vmem>>, vector<1024x128xf32>
    %get3A_21 = arith.constant 0 : index
    %get3A_22 = arith.constant 0 : index
    %get3A_23 = vector.load %arg5[%get3A_21, %get3A_22] : memref<128x128xf32, #tpu.memory_space<vmem>>, vector<128x128xf32>
    %dot_general3A = arith.constant dense<0.000000e+00> : vector<1024x128xf32>
    %dot_general3A_24 = tpu.matmul %get3A_20, %get3A_23, %dot_general3A {dimension_numbers = #tpu.dot_dimension_numbers<[1], [0], [0], [1], [0, 0, 1, 1], [], []>, transpose_lhs_hint = false} : vector<1024x128xf32>, vector<128x128xf32>, vector<1024x128xf32> -> vector<1024x128xf32>
    %get3A_25 = arith.constant 0 : index
    %get3A_26 = arith.constant 0 : index
    %get3A_27 = vector.load %arg6[%get3A_25, %get3A_26] : memref<128x128xf32, #tpu.memory_space<vmem>>, vector<128x128xf32>
    %dot_general3A_28 = arith.constant dense<0.000000e+00> : vector<1024x128xf32>
    %dot_general3A_29 = tpu.matmul %mul3A_17, %get3A_27, %dot_general3A_28 {dimension_numbers = #tpu.dot_dimension_numbers<[1], [0], [0], [1], [0, 0, 1, 1], [], []>, transpose_lhs_hint = false} : vector<1024x128xf32>, vector<128x128xf32>, vector<1024x128xf32> -> vector<1024x128xf32>
    %add3A_30 = arith.addf %dot_general3A_24, %dot_general3A_29 : vector<1024x128xf32>
    %get3A_31 = arith.constant 0 : index
    %get3A_32 = arith.constant 0 : index
    %get3A_33 = vector.load %arg7[%get3A_31, %get3A_32] : memref<1x128xf32, #tpu.memory_space<vmem>>, vector<1x128xf32>
    %add3A_34 = vector.broadcast %get3A_33 : vector<1x128xf32> to vector<1024x128xf32>
    %add3A_35 = arith.addf %add3A_30, %add3A_34 : vector<1024x128xf32>
    %swap3A = arith.constant 0 : index
    %swap3A_36 = arith.constant 0 : index
    %swap3A_37 = vector.load %arg8[%swap3A, %swap3A_36] : memref<1024x128xf32, #tpu.memory_space<vmem>>, vector<1024x128xf32>
    tpu.vector_store %arg8[%swap3A, %swap3A_36], %add3A_35 {strides = array<i32>} : memref<1024x128xf32, #tpu.memory_space<vmem>>, vector<1024x128xf32>,
    return
  }
  func.func @transform_0(%arg0: i32) -> (i32, i32) {
    %c0_i32 = arith.constant 0 : i32
    %c0_i32_0 = arith.constant 0 : i32
    return %arg0, %c0_i32 : i32, i32
  }
  func.func @transform_1(%arg0: i32) -> (i32, i32, i32) {
    %c0_i32 = arith.constant 0 : i32
    %c0_i32_0 = arith.constant 0 : i32
    %c0_i32_1 = arith.constant 0 : i32
    return %c0_i32, %arg0, %c0_i32_0 : i32, i32, i32
  }
  func.func @transform_2(%arg0: i32) -> (i32, i32, i32) {
    %c1_i32 = arith.constant 1 : i32
    %c0_i32 = arith.constant 0 : i32
    %c0_i32_0 = arith.constant 0 : i32
    return %c1_i32, %arg0, %c0_i32 : i32, i32, i32
  }
  func.func @transform_3(%arg0: i32) -> (i32, i32) {
    %c0_i32 = arith.constant 0 : i32
    %c0_i32_0 = arith.constant 0 : i32
    return %c0_i32, %arg0 : i32, i32
  }
  func.func @transform_4(%arg0: i32) -> (i32, i32) {
    %c0_i32 = arith.constant 0 : i32
    %c0_i32_0 = arith.constant 0 : i32
    %c0_i32_1 = arith.constant 0 : i32
    return %c0_i32, %c0_i32_0 : i32, i32
  }
  func.func @transform_5(%arg0: i32) -> (i32, i32) {
    %c0_i32 = arith.constant 0 : i32
    %c0_i32_0 = arith.constant 0 : i32
    %c0_i32_1 = arith.constant 0 : i32
    return %c0_i32, %c0_i32_0 : i32, i32
  }
  func.func @transform_6(%arg0: i32) -> (i32, i32) {
    %c0_i32 = arith.constant 0 : i32
    %c0_i32_0 = arith.constant 0 : i32
    %c0_i32_1 = arith.constant 0 : i32
    return %c0_i32, %c0_i32_0 : i32, i32
  }
  func.func @transform_7(%arg0: i32) -> (i32, i32) {
    %c0_i32 = arith.constant 0 : i32
    %c0_i32_0 = arith.constant 0 : i32
    return %arg0, %c0_i32 : i32, i32
  }
}

</mosaic_0001>

<sc_bundles>
// kernel: kernel.10.cloned.1.call-start
scs
__scs_entry_jumppad:
0x0: {  	(pc) =	sbr.rel $0x88, $3  }
0x1: {  	(tag) =	ssettag $0x0;
	lr =	simm.s32 $0x1  }
0x2: {  	[smem:$0x3F99] =	sst lr;
	_ =	strace $0xD0000000  }
0x3: {  	_ = 	snop  }
0x4: {  	_ = 	snop  }
0x5: {  	_ = 	snop  }
0x6: {  	_ = 	snop  }
0x7: {  	_ = 	snop  }
__scs_overlays_trampoline_lowered:
0x8: {  	[smem:$0x3FA8] =	sst s0  }
0x9: {  	[smem:$0x3FA9] =	sst s1  }
0xa: {  	[smem:$0x3FAA] =	sst s2  }
0xb: {  	[smem:$0x3FAB] =	sst s3  }
0xc: {  	[smem:$0x3FAC] =	sst s4  }
0xd: {  	[smem:$0x3FAD] =	sst s5  }
0xe: {  	[smem:$0x3FAE] =	sst s6  }
0xf: {  	[smem:$0x3FAF] =	sst s7  }
0x10: {  	[smem:$0x3FB0] =	sst s8  }
0x11: {  	[smem:$0x3FB1] =	sst s9;
	s0 =	simm.s32 @!p0 $0x0  }
0x12: {  	s1 =	sld [smem:$0x3F97];
	s0 =	simm.s32 @p0 $0x1  }
0x13: {  	[smem:$0x3FB2] =	sst s0;
	s0 =	simm.s32 @!p1 $0x0  }
0x14: {  	s2 =	sld [smem:$0x3F96];
	s0 =	simm.s32 @p1 $0x1  }
0x15: {  	[smem:$0x3FB3] =	sst s0;
	s0 =	simm.s32 @!p2 $0x0  }
0x16: {  	s3 =	sld [smem:$0x3FDB];
	s0 =	simm.s32 @p2 $0x1  }
0x17: {  	s4 =	simm.s32 $0x1BF5;
	[smem:$0x3FB5] =	sst s0  }
0x18: {  	s0 =	sld [smem:$0x3F98];
	_ =	swait.ge [sflag:s4], $0x0  }
0x19: {  	s7 =	sld [smem:$0x3F99]  }
0x1a: {  	s8 =	sadd.s32 $0xFFFFE003, lr  }
0x1b: {  	s9 =	sadd.s32 $0xFFFFFEF7, lr;
	s5 =	simm.s32 $0xFFFFFFFF;
	p2 =	slt.u32 s8, $0xFFFFF086  }
0x1c: {  	p1 =	slt.u32 s9, $0xF7A;
	s5 =	simm.s32 @!p2 $0x0  }
0x1d: {  	s5 =	simm.s32 @p1 $0x1;
	p0 =	seq.s32 s7, s2  }
0x1e: {  	s7 =	smul.u32 @!p0 $0xF7A, s2;
	p2 =	seq.s32 @!p0 s5, $0x0  }
0x1f: {  	s9 =	smul.u32 $0xF7A, s1;
	s8 =	simm.s32 @!p0 $0x1BF5;
	p2 =	por !p2, p0  }
0x20: {  	[sflag:s8] =	ssyncset.s32 @!p0 $0xFFFFF086;
	s6 =	sadd.s32 @!p0 s3, s7;
	s7 =	simm.s32 @!p0 $0x108  }
0x21: {  	s3 =	sadd.s32 s3, s9;
	s6 =	sadd.s32 @!p0 $0x88, s6;
	s7 =	simm.s32 @p2 $0x1082  }
0x22: {  	[simem:s7], [sflag:s8] =	dma.local @!p0 [hbm:s6], $0xF7A  }
0x23: {  	s9 =	sor.u32 $0xD0000000, s2;
	s6 =	simm.s32 $0x108;
	_ =	swait.ge @!p0 [sflag:s8], $0x0  }
0x24: {  	s3 =	sadd.s32 $0x88, s3;
	s6 =	simm.s32 @!p1 $0x1082;
	[sflag:s4] =	ssyncset.s32 $0xFFFFF086  }
0x25: {  	[simem:s6], [sflag:s4] =	dma.local [hbm:s3], $0xF7A  }
0x26: {  	[smem:$0x3F99] =	sst s1;
	(tag) =	ssettag s2;
	_ =	strace s9  }
0x27: {  	s1 =	sld [smem:$0x3FA9]  }
0x28: {  	s2 =	sld [smem:$0x3FAA]  }
0x29: {  	s4 =	sld [smem:$0x3FAC]  }
0x2a: {  	p0 =	seq.s32 s5, $0x0;
	s5 =	sld [smem:$0x3FAD]  }
0x2b: {  	s6 =	sld [smem:$0x3FAE]  }
0x2c: {  	s7 =	sld [smem:$0x3FAF]  }
0x2d: {  	s3 =	simm.s32 $0x108;
	s8 =	sld [smem:$0x3FB0]  }
0x2e: {  	s3 =	simm.s32 @!p0 $0x1082;
	s9 =	sld [smem:$0x3FB1]  }
0x2f: {  	lr =	sadd.s32 s0, s3;
	s0 =	sld [smem:$0x3FA8]  }
0x30: {  	s3 =	sld [smem:$0x3FAB]  }
0x31: {  	[smem:$0x3FB4] =	sst s10  }
0x32: {  	s10 =	sld [smem:$0x3FB2];
	_ =	sdelay $0x3  }
0x33: {  	p0 =	seq.s32 s10, $0x1;
	s10 =	sld [smem:$0x3FB4];
	_ =	sdelay $0x3  }
0x34: {  	[smem:$0x3FB4] =	sst s10  }
0x35: {  	s10 =	sld [smem:$0x3FB3];
	_ =	sdelay $0x3  }
0x36: {  	p1 =	seq.s32 s10, $0x1;
	s10 =	sld [smem:$0x3FB4];
	_ =	sdelay $0x3  }
0x37: {  	[smem:$0x3FB4] =	sst s10  }
0x38: {  	s10 =	sld [smem:$0x3FB5]  }
0x39: {  	_ = 	snop;
	(pc) =	sbr.ind lr, $3  }
0x3a: {  	_ = 	snop  }
0x3b: {  	_ = 	snop  }
0x3c: {  	p2 =	seq.s32 s10, $0x1;
	s10 =	sld [smem:$0x3FB4]  }
0x3d: {  	_ =	shalt  }
0x3e: {  	_ =	shalt  }
0x3f: {  	_ =	shalt  }
0x40: {  	_ =	shalt  }
0x41: {  	_ =	shalt  }
0x42: {  	_ =	shalt  }
0x43: {  	_ =	shalt  }
0x44: {  	_ =	shalt  }
0x45: {  	_ =	shalt  }
0x46: {  	_ =	shalt  }
0x47: {  	_ =	shalt  }
0x48: {  	_ =	shalt  }
0x49: {  	_ =	shalt  }
0x4a: {  	_ =	shalt  }
0x4b: {  	_ =	shalt  }
0x4c: {  	_ =	shalt  }
0x4d: {  	_ =	shalt  }
0x4e: {  	_ =	shalt  }
0x4f: {  	_ =	shalt  }
0x50: {  	_ =	shalt  }
0x51: {  	_ =	shalt  }
0x52: {  	_ =	shalt  }
0x53: {  	_ =	shalt  }
0x54: {  	_ =	shalt  }
0x55: {  	_ =	shalt  }
0x56: {  	_ =	shalt  }
0x57: {  	_ =	shalt  }
0x58: {  	_ =	shalt  }
0x59: {  	_ =	shalt  }
0x5a: {  	_ =	shalt  }
0x5b: {  	_ =	shalt  }
0x5c: {  	_ =	shalt  }
0x5d: {  	_ =	shalt  }
0x5e: {  	_ =	shalt  }
0x5f: {  	_ =	shalt  }
0x60: {  	_ =	shalt  }
0x61: {  	_ =	shalt  }
0x62: {  	_ =	shalt  }
0x63: {  	_ =	shalt  }
0x64: {  	_ =	shalt  }
0x65: {  	_ =	shalt  }
0x66: {  	_ =	shalt  }
0x67: {  	_ =	shalt  }
0x68: {  	_ =	shalt  }
0x69: {  	_ =	shalt  }
0x6a: {  	_ =	shalt  }
0x6b: {  	_ =	shalt  }
0x6c: {  	_ =	shalt  }
0x6d: {  	_ =	shalt  }
0x6e: {  	_ =	shalt  }
0x6f: {  	_ =	shalt  }
0x70: {  	_ =	shalt  }
0x71: {  	_ =	shalt  }
0x72: {  	_ =	shalt  }
0x73: {  	_ =	shalt  }
0x74: {  	_ =	shalt  }
0x75: {  	_ =	shalt  }
0x76: {  	_ =	shalt  }
0x77: {  	_ =	shalt  }
0x78: {  	_ =	shalt  }
0x79: {  	_ =	shalt  }
0x7a: {  	_ =	shalt  }
0x7b: {  	_ =	shalt  }
0x7c: {  	_ =	shalt  }
0x7d: {  	_ =	shalt  }
0x7e: {  	_ =	shalt  }
0x7f: {  	_ =	shalt  }
0x80: {  	_ =	shalt  }
0x81: {  	_ =	shalt  }
0x82: {  	_ =	shalt  }
0x83: {  	_ =	shalt  }
0x84: {  	_ =	shalt  }
0x85: {  	_ =	shalt  }
0x86: {  	_ =	shalt  }
0x87: {  	_ =	shalt  }
.Lfunc_end0:
.L_simem_size_0:
called_computation.1_lowered:
.L_overlay_start_0:
0x88: {  	s2 =	sld [smem:$0x3FD9]  }
0x89: {  	s3 =	sld [smem:$0x3FFE];
	_ =	sdelay $0x1  }
0x8a: {  	s1 =	srdreg.scid  }
0x8b: {  	s0 =	sand.u32 $0x1, s1  }
0x8c: {  	s17 =	sshll.u32 s0, $0xA;
	s2 =	sadd.s32 s3, s2  }
0x8d: {  	s2 =	sadd.s32 s2, s17  }
0x8e: {  	[smem:$0x3FC0] =	sst s2  }
0x8f: {  	_ = 	snop  }
0x90: {  	(tm) =	ssettm $0x1  }
0x91: {  	s18 =	sld [smem:$0x3FFB];
	_ =	sdelay $0x3  }
0x92: {  	_ =	strace s18  }
0x93: {  	s2 =	sld [smem:$0x3FFC];
	_ =	sdelay $0x3  }
0x94: {  	_ =	strace s2  }
0x95: {  	s2 =	sld [smem:$0x3FFD];
	_ =	sdelay $0x3  }
0x96: {  	_ =	strace s2  }
0x97: {  	_ =	strace $0x8FFFFFFF  }
0x98: {  	s19 =	sld [smem:$0x3FDB];
	_ =	sdelay $0x1  }
0x99: {  	s20 =	simm.s32 $_scs_section_size  }
0x9a: {  	s4 =	simm.s32 $_size__tile_overlayer_lowered;
	s5 =	simm.s32 $_tile_overlayer_lowered  }
0x9b: {  	s6 =	simm.s32 $0x1BFF;
	s21 =	sshll.u32 s5, $0x1;
	s3 =	sadd.s32 s20, s19  }
0x9c: {  	s22 =	simm.s32 $0x0;
	s4 =	sshll.u32 s4, $0x1;
	s5 =	sadd.s32 s21, s3  }
0x9d: {  	[timem:s22], [sflag:s6] =	dma.local [hbm:s5], s4  }
0x9e: {  	_ =	swait.ge [sflag:s6], s4  }
0x9f: {  	s4 =	ssub.s32 $0x0, s4;
	[sflag:s6] =	ssyncset.done $0x0  }
0xa0: {  	[sflag:s6] =	ssyncadd.s32 s4;
	_ =	sdelay $0x1  }
0xa1: {  	s23 =	simm.s32 $0x1B8B  }
0xa2: {  	_ =	swait.ge [sflag:s23], $0x1  }
0xa3: {  	[sflag:s23] =	ssyncset.done $0x0  }
0xa4: {  	[sflag:s23] =	ssyncadd.s32 $0xFFFFFFFF  }
0xa5: {  	s4 =	sld [smem:$0x0]  }
0xa6: {  	s5 =	sand.u32 $0xFFFFFFFE, s1  }
0xa7: {  	p0 =	sne.s32 s1, s5  }
0xa8: {  	s5 =	sshll.u32 @p0 s5, $0xE  }
0xa9: {  	s5 =	sadd.s32 @p0 $0x11B8D, s5;
	s6 =	sshll.u32 @p0 s4, $0x11  }
0xaa: {  	s5 =	sor.u32 @p0 s6, s5  }
0xab: {  	[sflag:s5] =	ssyncadd.remote.s32 @p0 $0x1;
	_ =	sdelay $0x1  }
0xac: {  	s5 =	simm.s32 @p0 $0x1B8D  }
0xad: {  	_ =	swait.eq @p0 [sflag:s5], $0x1  }
0xae: {  	[sflag:s5] =	ssyncadd.s32 @p0 $0xFFFFFFFF  }
0xaf: {  	s6 =	sshll.u32 @!p0 s1, $0xE  }
0xb0: {  	s6 =	sor.u32 @!p0 $0x4000, s6;
	s5 =	simm.s32 @!p0 $0x1B8D  }
0xb1: {  	s4 =	sshll.u32 @!p0 s4, $0x11;
	s6 =	sadd.s32 @!p0 $0x11B8D, s6;
	_ =	swait.eq @!p0 [sflag:s5], $0x1  }
0xb2: {  	s4 =	sor.u32 @!p0 s4, s6;
	[sflag:s5] =	ssyncadd.s32 @!p0 $0xFFFFFFFF  }
0xb3: {  	s25 =	simm.s32 $0x1B8E;
	s24 =	sld [smem:$0x3FFE];
	[sflag:s4] =	ssyncadd.remote.s32 @!p0 $0x1  }
0xb4: {  	s26 =	simm.s32 $execute0_lowered;
	[smem:$0x3FD2] =	sst s25  }
0xb5: {  	s5 =	sshll.u32 s26, $0x1;
	_ =	strace $0x80000049;
	[dreg:$0x1] =	wrdreg $0xFFFFFFFF  }
0xb6: {  	s28 =	simm.s32 $_size_execute0_lowered;
	s3 =	sadd.s32 s3, s5;
	[dreg:$0x0] =	wrdreg $0x0  }
0xb7: {  	s5 =	sshll.u32 s28, $0x1;
	[dreg:$0x2] =	wrdreg s3  }
0xb8: {  	[dreg:$0x3] =	wrdreg s5  }
0xb9: {  	[dreg:$0x4] =	wrdreg $0xC0  }
0xba: {  	_ =	task [dreg:s22], $0x5FFFF  }
0xbb: {  	[dreg:$0x1] =	wrdreg $0xFFFFFFFF  }
0xbc: {  	[dreg:$0x0] =	wrdreg $0x60  }
0xbd: {  	[dreg:$0x2] =	wrdreg s24  }
0xbe: {  	[dreg:$0x3] =	wrdreg $0xA8000  }
0xbf: {  	[dreg:$0x4] =	wrdreg $0xA  }
0xc0: {  	_ =	task.clear_ibuf [dreg:s22], $0x5FFFF;
	_ =	strace $0x90000049  }
0xc1: {  	s29 =	simm.s32 $0xA;
	_ =	strace $0x8000004B  }
0xc2: {  	_ =	swait.ge [sflag:s29], $0x1  }
0xc3: {  	[sflag:s29] =	ssyncadd.s32 $0xFFFFFFFF  }
0xc4: {  	_ =	strace $0x9000004B  }
0xc5: {  	_ =	sfence  }
0xc6: {  	s30 =	sld [smem:$0x0];
	_ =	sdelay $0x2  }
0xc7: {  	s31 =	sshll.u32 s1, $0xD;
	s1 =	sshrl.u32 s1, $0x2  }
0xc8: {  	s4 =	sand.u32 $0x4000, s31;
	s1 =	sadd.s32 s1, s30  }
0xc9: {  	s0 =	sor.u32 s4, s0;
	s1 =	sshll.u32 s1, $0x11  }
0xca: {  	s0 =	sor.u32 s1, s0  }
0xcb: {  	s0 =	sadd.s32 $0x8F2B, s0  }
0xcc: {  	[sflag:s0] =	ssyncadd.remote.s32 $0x1  }
0xcd: {  	_ =	sfence.sel $0xFFFF  }
0xce: {  	[dreg:$0x0] =	wrdreg $0xFFFFFFFF;
	(pc) =	sbr.abs _section_cstart, $3  }
0xcf: {  	[dreg:$0x1] =	wrdreg $0xFFFFFFFF  }
0xd0: {  	_ =	task.clear_ibuf [dreg:s22], $0x2FFFF;
	_ =	strace $0x9FFFFFFF  }
0xd1: {  	(tm) =	ssettm $0x7FFFFFFF  }
tec
execute0_lowered:
.L_overlay_start_1:
0x0: {  	(tag) =	ssettag $0x1  }
0x1: {  	s0 =	rddreg [dreg:$0x0]  }
0x2: {  	s1 =	rddreg [dreg:$0x1];
	s2 =	simm.s32 $0x0  }
0x3: {  	s3 =	srdreg.scid;
	s13 =	stileid.u32;
	s28 =	simm.s32 $0x200  }
0x4: {  	s29 =	simm.s32 $0x7C00;
	s30 =	simm.s32 $0x4;
	s9 =	smul.u32 $0x50000, s13  }
0x5: {  	[smem:$0x7FF] =	sst s2;
	s3 =	sand.u32 $0x1, s3;
	s26 =	smul.u32 $0x4E20, s13  }
0x6: {  	s4 =	sadd.s32 $0x20600, s0;
	s5 =	sshll.u32 s13, $0x1;
	s18 =	smul.u32 $0x2800, s13  }
0x7: {  	s8 =	sadd.s32 $0x2C00, s0;
	_ =	strace $0x8000004A;
	s7 =	smul.u32 $0x28000, s3  }
0x8: {  	s6 =	sor.u32 s3, s5;
	s10 =	ssub.s32 $0x2, s3;
	s3 =	smul.u32 $0x2710, s3  }
0x9: {  	s5 =	sadd.s32 $0xCA00, s0;
	s6 =	smul.u32 $0x2710, s6;
	s23 =	sshrl.u32 s10, $0x1  }
0xa: {  	s9 =	sshrl.u32 s9, $0x2;
	s0 =	sadd.s32 s7, s0;
	s10 =	ssub.s32 s10, s23  }
0xb: {  	s7 =	sadd.s32 s9, s1;
	s3 =	sadd.s32 s3, s26;
	s24 =	sshrl.u32 s6, $0x3  }
0xc: {  	s0 =	sadd.s32 $0x48600, s0;
	s10 =	smax.u32 s10, $0x1;
	s22 =	sadd.s32 $0x1E0, s3  }
0xd: {  	s23 =	sadd.s32 $0x230, s3;
	s11 =	sadd.s32 s5, s24;
	[dreg:$0xc] =	wrdreg s10  }
0xe: {  	s14 =	sadd.s32 s8, s24;
	s25 =	sadd.s32 $0xA, s24;
	[dreg:$0x4] =	wrdreg s11  }
0xf: {  	s31 =	sadd.s32 $0x14, s24;
	s0 =	sadd.s32 s18, s0;
	[dreg:$0x3] =	wrdreg s14  }
0x10: {  	s9 =	sadd.s32 $0x1E, s24;
	s12 =	sadd.s32 s8, s25;
	[dreg:$0xe] =	wrdreg s0  }
0x11: {  	s24 =	sadd.s32 $0x280, s3;
	s11 =	sadd.s32 s5, s25;
	[dreg:$0x5] =	wrdreg s12  }
0x12: {  	s10 =	simm.s32 $0x1;
	s15 =	sadd.s32 s8, s31;
	[dreg:$0x6] =	wrdreg s11  }
0x13: {  	s18 =	simm.s32 $0x180;
	s16 =	sadd.s32 s8, s9;
	[dreg:$0x7] =	wrdreg s15  }
0x14: {  	s9 =	sadd.s32 s5, s9;
	s17 =	sadd.s32 $0x28, s14;
	[dreg:$0x9] =	wrdreg s16  }
0x15: {  	s25 =	sshrl.u32 s23, $0x3;
	s26 =	sshrl.u32 s24, $0x3;
	[dreg:$0xa] =	wrdreg s9  }
0x16: {  	s23 =	sadd.s32 $0x140, s3;
	s12 =	sadd.s32 s5, s31;
	[dreg:$0xb] =	wrdreg s17  }
0x17: {  	s11 =	sadd.s32 $0x190, s3;
	s19 =	sadd.s32 s25, s8;
	s31 =	sadd.s32 s26, s8  }
0x18: {  	s25 =	simm.s32 $0xA400;
	s26 =	simm.s32 $0x5;
	s9 =	simm.s32 $0x380  }
.Ltmp0:
0x19: {  	s15 =	simm.s32 $0x3;
	s16 =	simm.s32 $0x2;
	(pc) =	sbr.rel .LBB2_1-.Ltmp0, $4  }
0x1a: {  	s17 =	simm.s32 $0x50;
	s3 =	simm.s32 $0x0;
	[dreg:$0x8] =	wrdreg s12  }
0x1b: {  	s20 =	sshrl.u32 s11, $0x3;
	s11 =	sshrl.u32 s22, $0x3;
	[dreg:$0xd] =	wrdreg s31  }
0x1c: {  	s12 =	simm.s32 $0x400;
	s11 =	sadd.s32 s11, s8;
	s21 =	sadd.s32 s20, s8  }
0x1d: {  	v0 =	vimm.f32 $0.0e+00;
	s22 =	sadd.s32 s20, s5;
	[dreg:$0xf] =	wrdreg s11;
	s11 =	simm.s32 $0x28  }
.LBB2_6:
0x1e: {  	_ =	swait.ge [sflag:s30], $0x2800  }
0x1f: {  	[sflag:s30] =	ssyncset.done $0x0  }
0x20: {  	s0 =	stileid.u32;
	[sflag:s30] =	ssyncadd.s32 $0xFFFFD800  }
0x21: {  	s0 =	sshll.u32 s0, $0x6;
	[bflag:$0x0] =	sbarrier.arrive $0xFFFF  }
0x22: {  	s3 =	sshrl.u32 s7, $0x3;
	s0 =	sor.u32 $0x1C05, s0;
	s8 =	rddreg [dreg:$0xe]  }
0x23: {  	[hbm:s8], [sflag:s0] =	dma.local [spmem:s3], $0x2800  }
0x24: {  	_ =	swait.ge [sflag:s26], $0x2800  }
0x25: {  	s24 =	rddreg [dreg:$0x10]  }
0x26: {  	s31 =	rddreg [dreg:$0xc];
	s3 =	sadd.s32 $0x1, s24  }
0x27: {  	p0 =	sne.s32 s3, s31  }
.Ltmp1:
0x28: {  	_ = 	snop;
	(pc) =	sbr.rel @!p0 .LBB2_7-.Ltmp1, $3  }
0x29: {  	_ =	sdelay $0x1  }
0x2a: {  	[sflag:s26] =	ssyncset.done $0x0  }
0x2b: {  	[sflag:s26] =	ssyncadd.s32 $0xFFFFD800  }
.LBB2_1:
0x2c: {  	[tilespmem:$0xA400] =	vst v0  }
0x2d: {  	[tilespmem:$0xA410] =	vst v0  }
0x2e: {  	[tilespmem:$0xA420] =	vst v0  }
0x2f: {  	[tilespmem:$0xA430] =	vst v0  }
0x30: {  	[tilespmem:$0xA440] =	vst v0  }
0x31: {  	[tilespmem:$0xA450] =	vst v0  }
0x32: {  	[tilespmem:$0xA460] =	vst v0  }
0x33: {  	[tilespmem:$0xA470] =	vst v0  }
0x34: {  	[tilespmem:$0xA480] =	vst v0  }
0x35: {  	[tilespmem:$0xA490] =	vst v0  }
0x36: {  	[tilespmem:$0xA4A0] =	vst v0  }
0x37: {  	[tilespmem:$0xA4B0] =	vst v0  }
0x38: {  	[tilespmem:$0xA4C0] =	vst v0  }
0x39: {  	[tilespmem:$0xA4D0] =	vst v0  }
0x3a: {  	[tilespmem:$0xA4E0] =	vst v0  }
0x3b: {  	[tilespmem:$0xA4F0] =	vst v0  }
0x3c: {  	[tilespmem:$0xA500] =	vst v0  }
0x3d: {  	[tilespmem:$0xA510] =	vst v0  }
0x3e: {  	[tilespmem:$0xA520] =	vst v0  }
0x3f: {  	[tilespmem:$0xA530] =	vst v0  }
0x40: {  	[tilespmem:$0xA540] =	vst v0  }
0x41: {  	[tilespmem:$0xA550] =	vst v0  }
0x42: {  	[tilespmem:$0xA560] =	vst v0  }
0x43: {  	[tilespmem:$0xA570] =	vst v0  }
0x44: {  	[tilespmem:$0xA580] =	vst v0  }
0x45: {  	[tilespmem:$0xA590] =	vst v0  }
0x46: {  	[tilespmem:$0xA5A0] =	vst v0  }
0x47: {  	[tilespmem:$0xA5B0] =	vst v0  }
0x48: {  	[tilespmem:$0xA5C0] =	vst v0  }
0x49: {  	[tilespmem:$0xA5D0] =	vst v0  }
0x4a: {  	[tilespmem:$0xA5E0] =	vst v0  }
0x4b: {  	[tilespmem:$0xA5F0] =	vst v0  }
0x4c: {  	[tilespmem:$0xA600] =	vst v0  }
0x4d: {  	[tilespmem:$0xA610] =	vst v0  }
0x4e: {  	[tilespmem:$0xA620] =	vst v0  }
0x4f: {  	[tilespmem:$0xA630] =	vst v0  }
0x50: {  	[tilespmem:$0xA640] =	vst v0  }
0x51: {  	[tilespmem:$0xA650] =	vst v0  }
0x52: {  	[tilespmem:$0xA660] =	vst v0  }
0x53: {  	[tilespmem:$0xA670] =	vst v0  }
0x54: {  	[tilespmem:$0xA680] =	vst v0  }
0x55: {  	[tilespmem:$0xA690] =	vst v0  }
0x56: {  	[tilespmem:$0xA6A0] =	vst v0  }
0x57: {  	[tilespmem:$0xA6B0] =	vst v0  }
0x58: {  	[tilespmem:$0xA6C0] =	vst v0  }
0x59: {  	[tilespmem:$0xA6D0] =	vst v0  }
0x5a: {  	[tilespmem:$0xA6E0] =	vst v0  }
0x5b: {  	[tilespmem:$0xA6F0] =	vst v0  }
0x5c: {  	[tilespmem:$0xA700] =	vst v0  }
0x5d: {  	[tilespmem:$0xA710] =	vst v0  }
0x5e: {  	[tilespmem:$0xA720] =	vst v0  }
0x5f: {  	[tilespmem:$0xA730] =	vst v0  }
0x60: {  	[tilespmem:$0xA740] =	vst v0  }
0x61: {  	[tilespmem:$0xA750] =	vst v0  }
0x62: {  	[tilespmem:$0xA760] =	vst v0  }
0x63: {  	[tilespmem:$0xA770] =	vst v0  }
0x64: {  	[tilespmem:$0xA780] =	vst v0  }
0x65: {  	[tilespmem:$0xA790] =	vst v0  }
0x66: {  	[tilespmem:$0xA7A0] =	vst v0  }
0x67: {  	[tilespmem:$0xA7B0] =	vst v0  }
0x68: {  	[tilespmem:$0xA7C0] =	vst v0  }
0x69: {  	[tilespmem:$0xA7D0] =	vst v0  }
0x6a: {  	[tilespmem:$0xA7E0] =	vst v0  }
0x6b: {  	[dreg:$0x10] =	wrdreg s3;
	[tilespmem:$0xA7F0] =	vst v0;
	s0 =	sadd.s32 $0x0, s7  }
0x6c: {  	[spmem:s0] =	stream.linear.scatter [tilespmem:s25], [sflag:$0x5], $0x400, $0x38;
	[tilespmem:$0x1E800] =	vst v63  }
0x6d: {  	s0 =	simm.s32 $0x1000;
	_ =	swait.ge [sflag:s26], $0x400  }
.LBB2_2:
0x6e: {  	s3 =	sshra.s32 s0, $0x2;
	[sflag:s26] =	ssyncset.done $0x0;
	p0 =	sne.s32 s0, $0x4F000  }
.Ltmp2:
0x6f: {  	s3 =	sadd.s32 s3, s7;
	[sflag:s26] =	ssyncadd.s32 $0xFFFFFC00;
	(pc) =	sbr.rel @p0 .LBB2_2-.Ltmp2, $3  }
0x70: {  	[spmem:s3] =	stream.linear.scatter [tilespmem:s25], [sflag:$0x5], $0x400, $0x38;
	[tilespmem:$0x1E800] =	vst v63  }
0x71: {  	s0 =	sadd.s32 $0x1000, s0;
	_ =	sdelay $0x1  }
0x72: {  	_ =	swait.ge [sflag:s26], $0x400  }
0x73: {  	[sflag:s26] =	ssyncset.done $0x0  }
0x74: {  	[sflag:s26] =	ssyncadd.s32 $0xFFFFFC00  }
0x75: {  	[bflag:$0x0] =	sbarrier.arrive $0xFFFF  }
0x76: {  	s0 =	simm.s32 $0x0;
	s3 =	rddreg [dreg:$0x3]  }
0x77: {  	[tilespmem:s0], [sflag:$0x1] =	stream.linear.gather [hbm4b:s3+s0], $0x50, $0x38;
	[tilespmem:$0x1E800] =	vst v63  }
0x78: {  	s8 =	rddreg [dreg:$0x4]  }
0x79: {  	[tilespmem:s28], [sflag:$0x2] =	stream.linear.gather [hbm4b:s8+s0], $0x50, $0x38;
	[tilespmem:$0x1E800] =	vst v63  }
0x7a: {  	s13 =	rddreg [dreg:$0x5];
	s8 =	simm.s32 $0x80  }
0x7b: {  	[tilespmem:s8], [sflag:$0x1] =	stream.linear.gather [hbm4b:s13+s0], $0x50, $0x38;
	[tilespmem:$0x1E800] =	vst v63  }
0x7c: {  	s14 =	rddreg [dreg:$0x6];
	s13 =	simm.s32 $0x280  }
0x7d: {  	[tilespmem:s13], [sflag:$0x2] =	stream.linear.gather [hbm4b:s14+s0], $0x50, $0x38;
	[tilespmem:$0x1E800] =	vst v63  }
0x7e: {  	s20 =	rddreg [dreg:$0x7];
	s13 =	simm.s32 $0x100  }
0x7f: {  	[tilespmem:s13], [sflag:$0x1] =	stream.linear.gather [hbm4b:s20+s0], $0x50, $0x38;
	[tilespmem:$0x1E800] =	vst v63  }
0x80: {  	s24 =	rddreg [dreg:$0x8];
	s14 =	simm.s32 $0x300  }
0x81: {  	[tilespmem:s14], [sflag:$0x2] =	stream.linear.gather [hbm4b:s24+s0], $0x50, $0x38;
	[tilespmem:$0x1E800] =	vst v63  }
0x82: {  	s31 =	rddreg [dreg:$0x9];
	s14 =	simm.s32 $0x180  }
0x83: {  	[tilespmem:s14], [sflag:$0x1] =	stream.linear.gather [hbm4b:s31+s0], $0x50, $0x38;
	[tilespmem:$0x1E800] =	vst v63  }
0x84: {  	s20 =	rddreg [dreg:$0xa]  }
0x85: {  	[tilespmem:s9], [sflag:$0x2] =	stream.linear.gather [hbm4b:s20+s0], $0x50, $0x38;
	[tilespmem:$0x1E800] =	vst v63  }
0x86: {  	_ =	swait.ge [sflag:s10], $0x50  }
0x87: {  	[sflag:s10] =	ssyncset.done $0x0  }
0x88: {  	[sflag:s10] =	ssyncadd.s32 $0xFFFFFFB0  }
0x89: {  	[tilespmem:s12], [sflag:$0x3] =	stream.indirect.gather [hbm4b:s4+s11], $0x80, s0, s11, $0xb8;
	[tilespmem:$0x1E800] =	vst v63  }
0x8a: {  	s24 =	simm.s32 $0x1800  }
0x8b: {  	[tilespmem:s24], [sflag:$0x3] =	stream.indirect.gather [hbm4b:s4+s11], $0x80, s11, s11, $0xb8;
	[tilespmem:$0x1E800] =	vst v63  }
0x8c: {  	_ =	swait.ge [sflag:s10], $0x50  }
0x8d: {  	[sflag:s10] =	ssyncset.done $0x0  }
0x8e: {  	s31 =	simm.s32 $0x2C00;
	[sflag:s10] =	ssyncadd.s32 $0xFFFFFFB0  }
0x8f: {  	[tilespmem:s31], [sflag:$0x3] =	stream.indirect.gather [hbm4b:s4+s11], $0x80, s8, s11, $0xb8;
	[tilespmem:$0x1E800] =	vst v63  }
0x90: {  	s20 =	simm.s32 $0xA8;
	s24 =	simm.s32 $0x4000  }
0x91: {  	[tilespmem:s24], [sflag:$0x3] =	stream.indirect.gather [hbm4b:s4+s11], $0x80, s20, s11, $0xb8;
	[tilespmem:$0x1E800] =	vst v63  }
0x92: {  	_ =	swait.ge [sflag:s10], $0x50  }
0x93: {  	[sflag:s10] =	ssyncset.done $0x0  }
0x94: {  	s31 =	simm.s32 $0x5400;
	[sflag:s10] =	ssyncadd.s32 $0xFFFFFFB0  }
0x95: {  	[tilespmem:s31], [sflag:$0x3] =	stream.indirect.gather [hbm4b:s4+s11], $0x80, s13, s11, $0xb8;
	[tilespmem:$0x1E800] =	vst v63  }
0x96: {  	s8 =	simm.s32 $0x128;
	s13 =	simm.s32 $0x6800  }
0x97: {  	[tilespmem:s13], [sflag:$0x3] =	stream.indirect.gather [hbm4b:s4+s11], $0x80, s8, s11, $0xb8;
	[tilespmem:$0x1E800] =	vst v63  }
0x98: {  	_ =	swait.ge [sflag:s15], $0x1400  }
0x99: {  	[sflag:s15] =	ssyncset.done $0x0  }
0x9a: {  	[sflag:s15] =	ssyncadd.s32 $0xFFFFEC00  }
0x9b: {  	_ =	swait.ge [sflag:s15], $0x1400  }
0x9c: {  	[sflag:s15] =	ssyncset.done $0x0  }
0x9d: {  	[sflag:s15] =	ssyncadd.s32 $0xFFFFEC00  }
0x9e: {  	_ =	swait.ge [sflag:s16], $0x50  }
0x9f: {  	[sflag:s16] =	ssyncset.done $0x0  }
0xa0: {  	[sflag:s16] =	ssyncadd.s32 $0xFFFFFFB0  }
0xa1: {  	[spmem:s1] =	stream.indirect.scatter.add.f32 [tilespmem:s12], [sflag:$0x4], $0x80, s28, s17, $0xb8;
	[tilespmem:$0x1E800] =	vst v63  }
0xa2: {  	_ =	swait.ge [sflag:s10], $0x50  }
0xa3: {  	[sflag:s10] =	ssyncset.done $0x0  }
0xa4: {  	[sflag:s10] =	ssyncadd.s32 $0xFFFFFFB0  }
0xa5: {  	[tilespmem:s29], [sflag:$0x3] =	stream.indirect.gather [hbm4b:s4+s11], $0x80, s14, s11, $0xb8;
	[tilespmem:$0x1E800] =	vst v63  }
0xa6: {  	s20 =	simm.s32 $0x1A8;
	s24 =	simm.s32 $0x9000  }
0xa7: {  	[tilespmem:s24], [sflag:$0x3] =	stream.indirect.gather [hbm4b:s4+s11], $0x80, s20, s11, $0xb8;
	[tilespmem:$0x1E800] =	vst v63  }
0xa8: {  	s3 =	simm.s32 $0x0;
	s31 =	rddreg [dreg:$0xb]  }
0xa9: {  	[tilespmem:s0], [sflag:$0x1] =	stream.linear.gather [hbm4b:s31+s0], $0x50, $0x38;
	[tilespmem:$0x1E800] =	vst v63  }
.LBB2_4:
0xaa: {  	_ =	swait.ge [sflag:s15], $0x1400  }
0xab: {  	[sflag:s15] =	ssyncset.done $0x0  }
0xac: {  	[sflag:s15] =	ssyncadd.s32 $0xFFFFEC00  }
0xad: {  	_ =	swait.ge [sflag:s15], $0x1400  }
0xae: {  	[sflag:s15] =	ssyncset.done $0x0  }
0xaf: {  	[sflag:s15] =	ssyncadd.s32 $0xFFFFEC00  }
0xb0: {  	_ =	swait.ge [sflag:s16], $0x50  }
0xb1: {  	[sflag:s16] =	ssyncset.done $0x0  }
0xb2: {  	s8 =	simm.s32 $0x280;
	s13 =	simm.s32 $0x2C00;
	[sflag:s16] =	ssyncadd.s32 $0xFFFFFFB0  }
0xb3: {  	[spmem:s1] =	stream.indirect.scatter.add.f32 [tilespmem:s13], [sflag:$0x4], $0x80, s8, s17, $0xb8;
	[tilespmem:$0x1E800] =	vst v63  }
0xb4: {  	s20 =	sadd.s32 s0, s23;
	_ =	swait.ge [sflag:s30], $0x2800  }
0xb5: {  	s13 =	sshrl.u32 s20, $0x3;
	[sflag:s30] =	ssyncset.done $0x0  }
0xb6: {  	s13 =	sadd.s32 s5, s13;
	[sflag:s30] =	ssyncadd.s32 $0xFFFFD800  }
0xb7: {  	[tilespmem:s28], [sflag:$0x2] =	stream.linear.gather [hbm4b:s13+s2], $0x50, $0x38;
	[tilespmem:$0x1E800] =	vst v63  }
0xb8: {  	_ =	swait.ge [sflag:s10], $0x50  }
0xb9: {  	[sflag:s10] =	ssyncset.done $0x0  }
0xba: {  	[sflag:s10] =	ssyncadd.s32 $0xFFFFFFB0  }
0xbb: {  	[tilespmem:s12], [sflag:$0x3] =	stream.indirect.gather [hbm4b:s4+s11], $0x80, s2, s11, $0xb8;
	[tilespmem:$0x1E800] =	vst v63  }
0xbc: {  	s24 =	simm.s32 $0x1800;
	p0 =	seq.s32 s3, $0x4B0  }
0xbd: {  	[tilespmem:s24], [sflag:$0x3] =	stream.indirect.gather [hbm4b:s4+s11], $0x80, s11, s11, $0xb8;
	[tilespmem:$0x1E800] =	vst v63  }
0xbe: {  	s8 =	simm.s32 @!p0 $0x0;
	s13 =	sadd.s32 @!p0 s3, s21;
	s24 =	simm.s32 @!p0 $0x80  }
0xbf: {  	[tilespmem:s24], [sflag:$0x1] =	stream.linear.gather @!p0 [hbm4b:s13+s8], $0x50, $0x38;
	[tilespmem:$0x1E800] =	vst v63  }
0xc0: {  	_ =	swait.ge [sflag:s15], $0x1400  }
0xc1: {  	[sflag:s15] =	ssyncset.done $0x0  }
0xc2: {  	[sflag:s15] =	ssyncadd.s32 $0xFFFFEC00  }
0xc3: {  	_ =	swait.ge [sflag:s15], $0x1400  }
0xc4: {  	[sflag:s15] =	ssyncset.done $0x0  }
0xc5: {  	[sflag:s15] =	ssyncadd.s32 $0xFFFFEC00  }
0xc6: {  	_ =	swait.ge [sflag:s16], $0x50  }
0xc7: {  	[sflag:s16] =	ssyncset.done $0x0  }
0xc8: {  	s31 =	simm.s32 $0x300;
	s14 =	simm.s32 $0x5400;
	[sflag:s16] =	ssyncadd.s32 $0xFFFFFFB0  }
0xc9: {  	[spmem:s1] =	stream.indirect.scatter.add.f32 [tilespmem:s14], [sflag:$0x4], $0x80, s31, s17, $0xb8;
	[tilespmem:$0x1E800] =	vst v63  }
0xca: {  	_ =	swait.ge [sflag:s30], $0x2800  }
0xcb: {  	[sflag:s30] =	ssyncset.done $0x0  }
0xcc: {  	s13 =	sadd.s32 @!p0 s3, s22;
	s31 =	simm.s32 @!p0 $0x280;
	[sflag:s30] =	ssyncadd.s32 $0xFFFFD800  }
0xcd: {  	[tilespmem:s31], [sflag:$0x2] =	stream.linear.gather @!p0 [hbm4b:s13+s8], $0x50, $0x38;
	[tilespmem:$0x1E800] =	vst v63  }
0xce: {  	s13 =	simm.s32 @!p0 $0x1  }
0xcf: {  	_ =	swait.ge @!p0 [sflag:s13], $0x50  }
0xd0: {  	[sflag:s13] =	ssyncset.done @!p0 $0x0  }
0xd1: {  	s14 =	simm.s32 @!p0 $0x2C00;
	s31 =	simm.s32 @!p0 $0x28;
	[sflag:s13] =	ssyncadd.s32 @!p0 $0xFFFFFFB0  }
0xd2: {  	[tilespmem:s14], [sflag:$0x3] =	stream.indirect.gather @!p0 [hbm4b:s4+s31], $0x80, s24, s31, $0xb8;
	[tilespmem:$0x1E800] =	vst v63  }
0xd3: {  	s14 =	simm.s32 @!p0 $0xA8;
	s24 =	simm.s32 @!p0 $0x4000  }
0xd4: {  	[tilespmem:s24], [sflag:$0x3] =	stream.indirect.gather @!p0 [hbm4b:s4+s31], $0x80, s14, s31, $0xb8;
	[tilespmem:$0x1E800] =	vst v63  }
0xd5: {  	s14 =	rddreg [dreg:$0xf]  }
0xd6: {  	s24 =	simm.s32 @!p0 $0x100;
	s14 =	sadd.s32 @!p0 s3, s14  }
0xd7: {  	[tilespmem:s24], [sflag:$0x1] =	stream.linear.gather @!p0 [hbm4b:s14+s8], $0x50, $0x38;
	[tilespmem:$0x1E800] =	vst v63  }
0xd8: {  	_ =	swait.ge [sflag:s15], $0x1400  }
0xd9: {  	[sflag:s15] =	ssyncset.done $0x0  }
0xda: {  	[sflag:s15] =	ssyncadd.s32 $0xFFFFEC00  }
0xdb: {  	_ =	swait.ge [sflag:s15], $0x1400  }
0xdc: {  	[sflag:s15] =	ssyncset.done $0x0  }
0xdd: {  	[sflag:s15] =	ssyncadd.s32 $0xFFFFEC00  }
0xde: {  	_ =	swait.ge [sflag:s16], $0x50  }
0xdf: {  	s14 =	sadd.s32 @!p0 $0x1E0, s0;
	[sflag:s16] =	ssyncset.done $0x0  }
0xe0: {  	s14 =	simm.s32 @p0 $0x2760;
	[sflag:s16] =	ssyncadd.s32 $0xFFFFFFB0  }
0xe1: {  	[spmem:s1] =	stream.indirect.scatter.add.f32 [tilespmem:s29], [sflag:$0x4], $0x80, s9, s17, $0xb8;
	[tilespmem:$0x1E800] =	vst v63  }
0xe2: {  	s14 =	sadd.s32 @!p0 s6, s14;
	_ =	swait.ge [sflag:s30], $0x2800  }
0xe3: {  	s14 =	sshrl.u32 @!p0 s14, $0x3;
	[sflag:s30] =	ssyncset.done $0x0  }
0xe4: {  	s20 =	simm.s32 @!p0 $0x300;
	s14 =	sadd.s32 @!p0 s5, s14;
	[sflag:s30] =	ssyncadd.s32 $0xFFFFD800  }
0xe5: {  	[tilespmem:s20], [sflag:$0x2] =	stream.linear.gather @!p0 [hbm4b:s14+s8], $0x50, $0x38;
	[tilespmem:$0x1E800] =	vst v63  }
0xe6: {  	_ =	swait.ge @!p0 [sflag:s13], $0x50  }
0xe7: {  	[sflag:s13] =	ssyncset.done @!p0 $0x0  }
0xe8: {  	[sflag:s13] =	ssyncadd.s32 @!p0 $0xFFFFFFB0;
	s13 =	simm.s32 @!p0 $0x5400  }
0xe9: {  	[tilespmem:s13], [sflag:$0x3] =	stream.indirect.gather @!p0 [hbm4b:s4+s31], $0x80, s24, s31, $0xb8;
	[tilespmem:$0x1E800] =	vst v63  }
0xea: {  	s14 =	simm.s32 @!p0 $0x6800;
	s13 =	simm.s32 @!p0 $0x128  }
0xeb: {  	[tilespmem:s14], [sflag:$0x3] =	stream.indirect.gather @!p0 [hbm4b:s4+s31], $0x80, s13, s31, $0xb8;
	[tilespmem:$0x1E800] =	vst v63  }
0xec: {  	s13 =	sadd.s32 @!p0 s3, s19;
	s14 =	simm.s32 @!p0 $0x180  }
0xed: {  	[tilespmem:s14], [sflag:$0x1] =	stream.linear.gather @!p0 [hbm4b:s13+s8], $0x50, $0x38;
	[tilespmem:$0x1E800] =	vst v63  }
0xee: {  	_ =	swait.ge [sflag:s15], $0x1400  }
0xef: {  	[sflag:s15] =	ssyncset.done $0x0  }
0xf0: {  	[sflag:s15] =	ssyncadd.s32 $0xFFFFEC00  }
0xf1: {  	_ =	swait.ge [sflag:s15], $0x1400  }
0xf2: {  	[sflag:s15] =	ssyncset.done $0x0  }
0xf3: {  	[sflag:s15] =	ssyncadd.s32 $0xFFFFEC00  }
0xf4: {  	_ =	swait.ge [sflag:s16], $0x50  }
0xf5: {  	[sflag:s16] =	ssyncset.done $0x0  }
.Ltmp3:
0xf6: {  	[sflag:s16] =	ssyncadd.s32 $0xFFFFFFB0;
	(pc) =	sbr.rel @p0 .LBB2_6-.Ltmp3, $4  }
0xf7: {  	[spmem:s1] =	stream.indirect.scatter.add.f32 [tilespmem:s12], [sflag:$0x4], $0x80, s28, s17, $0xb8;
	[tilespmem:$0x1E800] =	vst v63  }
0xf8: {  	_ =	swait.ge [sflag:s30], $0x2800  }
0xf9: {  	[sflag:s30] =	ssyncset.done $0x0  }
0xfa: {  	[sflag:s30] =	ssyncadd.s32 $0xFFFFD800  }
0xfb: {  	s8 =	sadd.s32 @!p0 $0x230, s0  }
0xfc: {  	s8 =	simm.s32 @p0 $0x27B0  }
0xfd: {  	s8 =	sadd.s32 s6, s8  }
0xfe: {  	s8 =	sshrl.u32 s8, $0x3  }
0xff: {  	s8 =	sadd.s32 s5, s8  }
0x100: {  	[tilespmem:s9], [sflag:$0x2] =	stream.linear.gather [hbm4b:s8+s2], $0x50, $0x38;
	[tilespmem:$0x1E800] =	vst v63  }
0x101: {  	_ =	swait.ge [sflag:s10], $0x50  }
0x102: {  	[sflag:s10] =	ssyncset.done $0x0  }
0x103: {  	[sflag:s10] =	ssyncadd.s32 $0xFFFFFFB0  }
0x104: {  	[tilespmem:s29], [sflag:$0x3] =	stream.indirect.gather [hbm4b:s4+s11], $0x80, s18, s11, $0xb8;
	[tilespmem:$0x1E800] =	vst v63  }
.Ltmp4:
0x105: {  	_ = 	snop;
	(pc) =	sbr.rel .LBB2_4-.Ltmp4, $4  }
0x106: {  	s24 =	simm.s32 $0x1A8;
	s13 =	simm.s32 $0x9000;
	s31 =	rddreg [dreg:$0xd]  }
0x107: {  	[tilespmem:s13], [sflag:$0x3] =	stream.indirect.gather [hbm4b:s4+s11], $0x80, s24, s11, $0xb8;
	[tilespmem:$0x1E800] =	vst v63  }
0x108: {  	s0 =	sadd.s32 $0x140, s0;
	s8 =	sadd.s32 s3, s31;
	s3 =	sadd.s32 $0x28, s3  }
0x109: {  	[tilespmem:s2], [sflag:$0x1] =	stream.linear.gather [hbm4b:s8+s2], $0x50, $0x38;
	[tilespmem:$0x1E800] =	vst v63  }
.LBB2_7:
0x10a: {  	_ =	sfence.sel $0x180000  }
0x10b: {  	[bflag:$0x0] =	sbarrier.arrive $0xFFFF  }
0x10c: {  	_ =	strace $0x9000004A  }
0x10d: {  	s0 =	stileid.u32;
	[bflag:$0x2] =	sbarrier.arrive $0xFFFF  }
0x10e: {  	p0 =	sne.s32 s0, $0x0;
	s0 =	rddreg [dreg:$0x2]  }
0x10f: {  	s0 =	sadd.s32 @!p0 $0x100000, s0  }
0x110: {  	[sflag:s0] =	ssyncadd.tile.s32 @!p0 $0x1;
	_ =	shalt  }
.Lfunc_end2:
_tile_overlayer_lowered:
.L_overlay_start_2:
0x111: {  	(tag) =	ssettag $0x2  }
0x112: {  	s0 =	rddreg [dreg:$0x0];
	s2 =	stileid.u32  }
0x113: {  	s1 =	rddreg [dreg:$0x1];
	p0 =	sne.s32 s2, $0x0  }
0x114: {  	s3 =	rddreg [dreg:$0x2];
	[bflag:$0x3] =	sbarrier.arrive $0xFFFF;
	s2 =	simm.s32 @!p0 $0x1C05  }
0x115: {  	[timem:s3], [sflag:s2] =	dma.local @!p0 [hbm:s0], s1  }
0x116: {  	s0 =	simm.s32 @!p0 $0x5  }
0x117: {  	_ =	swait.ge @!p0 [sflag:s0], s1  }
0x118: {  	s1 =	ssub.s32 @!p0 $0x0, s1;
	[sflag:s0] =	ssyncset.done @!p0 $0x0  }
0x119: {  	[sflag:s0] =	ssyncadd.s32 @!p0 s1  }
0x11a: {  	[bflag:$0x3] =	sbarrier.arrive $0xFFFF  }
0x11b: {  	_ =	shalt  }

// kernel: kernel.13.cloned.1.call-start
scs
__scs_entry_jumppad:
0x0: {  	(pc) =	sbr.rel $0x88, $3  }
0x1: {  	(tag) =	ssettag $0x0;
	lr =	simm.s32 $0x1  }
0x2: {  	[smem:$0x3F99] =	sst lr;
	_ =	strace $0xD0000000  }
0x3: {  	_ = 	snop  }
0x4: {  	_ = 	snop  }
0x5: {  	_ = 	snop  }
0x6: {  	_ = 	snop  }
0x7: {  	_ = 	snop  }
__scs_overlays_trampoline_lowered:
0x8: {  	[smem:$0x3FA8] =	sst s0  }
0x9: {  	[smem:$0x3FA9] =	sst s1  }
0xa: {  	[smem:$0x3FAA] =	sst s2  }
0xb: {  	[smem:$0x3FAB] =	sst s3  }
0xc: {  	[smem:$0x3FAC] =	sst s4  }
0xd: {  	[smem:$0x3FAD] =	sst s5  }
0xe: {  	[smem:$0x3FAE] =	sst s6  }
0xf: {  	[smem:$0x3FAF] =	sst s7  }
0x10: {  	[smem:$0x3FB0] =	sst s8  }
0x11: {  	[smem:$0x3FB1] =	sst s9;
	s0 =	simm.s32 @!p0 $0x0  }
0x12: {  	s1 =	sld [smem:$0x3F97];
	s0 =	simm.s32 @p0 $0x1  }
0x13: {  	[smem:$0x3FB2] =	sst s0;
	s0 =	simm.s32 @!p1 $0x0  }
0x14: {  	s2 =	sld [smem:$0x3F96];
	s0 =	simm.s32 @p1 $0x1  }
0x15: {  	[smem:$0x3FB3] =	sst s0;
	s0 =	simm.s32 @!p2 $0x0  }
0x16: {  	s3 =	sld [smem:$0x3FDB];
	s0 =	simm.s32 @p2 $0x1  }
0x17: {  	s4 =	simm.s32 $0x1BF5;
	[smem:$0x3FB5] =	sst s0  }
0x18: {  	s0 =	sld [smem:$0x3F98];
	_ =	swait.ge [sflag:s4], $0x0  }
0x19: {  	s7 =	sld [smem:$0x3F99]  }
0x1a: {  	s8 =	sadd.s32 $0xFFFFE003, lr  }
0x1b: {  	s9 =	sadd.s32 $0xFFFFFEF7, lr;
	s5 =	simm.s32 $0xFFFFFFFF;
	p2 =	slt.u32 s8, $0xFFFFF086  }
0x1c: {  	p1 =	slt.u32 s9, $0xF7A;
	s5 =	simm.s32 @!p2 $0x0  }
0x1d: {  	s5 =	simm.s32 @p1 $0x1;
	p0 =	seq.s32 s7, s2  }
0x1e: {  	s7 =	smul.u32 @!p0 $0xF7A, s2;
	p2 =	seq.s32 @!p0 s5, $0x0  }
0x1f: {  	s9 =	smul.u32 $0xF7A, s1;
	s8 =	simm.s32 @!p0 $0x1BF5;
	p2 =	por !p2, p0  }
0x20: {  	[sflag:s8] =	ssyncset.s32 @!p0 $0xFFFFF086;
	s6 =	sadd.s32 @!p0 s3, s7;
	s7 =	simm.s32 @!p0 $0x108  }
0x21: {  	s3 =	sadd.s32 s3, s9;
	s6 =	sadd.s32 @!p0 $0x88, s6;
	s7 =	simm.s32 @p2 $0x1082  }
0x22: {  	[simem:s7], [sflag:s8] =	dma.local @!p0 [hbm:s6], $0xF7A  }
0x23: {  	s9 =	sor.u32 $0xD0000000, s2;
	s6 =	simm.s32 $0x108;
	_ =	swait.ge @!p0 [sflag:s8], $0x0  }
0x24: {  	s3 =	sadd.s32 $0x88, s3;
	s6 =	simm.s32 @!p1 $0x1082;
	[sflag:s4] =	ssyncset.s32 $0xFFFFF086  }
0x25: {  	[simem:s6], [sflag:s4] =	dma.local [hbm:s3], $0xF7A  }
0x26: {  	[smem:$0x3F99] =	sst s1;
	(tag) =	ssettag s2;
	_ =	strace s9  }
0x27: {  	s1 =	sld [smem:$0x3FA9]  }
0x28: {  	s2 =	sld [smem:$0x3FAA]  }
0x29: {  	s4 =	sld [smem:$0x3FAC]  }
0x2a: {  	p0 =	seq.s32 s5, $0x0;
	s5 =	sld [smem:$0x3FAD]  }
0x2b: {  	s6 =	sld [smem:$0x3FAE]  }
0x2c: {  	s7 =	sld [smem:$0x3FAF]  }
0x2d: {  	s3 =	simm.s32 $0x108;
	s8 =	sld [smem:$0x3FB0]  }
0x2e: {  	s3 =	simm.s32 @!p0 $0x1082;
	s9 =	sld [smem:$0x3FB1]  }
0x2f: {  	lr =	sadd.s32 s0, s3;
	s0 =	sld [smem:$0x3FA8]  }
0x30: {  	s3 =	sld [smem:$0x3FAB]  }
0x31: {  	[smem:$0x3FB4] =	sst s10  }
0x32: {  	s10 =	sld [smem:$0x3FB2];
	_ =	sdelay $0x3  }
0x33: {  	p0 =	seq.s32 s10, $0x1;
	s10 =	sld [smem:$0x3FB4];
	_ =	sdelay $0x3  }
0x34: {  	[smem:$0x3FB4] =	sst s10  }
0x35: {  	s10 =	sld [smem:$0x3FB3];
	_ =	sdelay $0x3  }
0x36: {  	p1 =	seq.s32 s10, $0x1;
	s10 =	sld [smem:$0x3FB4];
	_ =	sdelay $0x3  }
0x37: {  	[smem:$0x3FB4] =	sst s10  }
0x38: {  	s10 =	sld [smem:$0x3FB5]  }
0x39: {  	_ = 	snop;
	(pc) =	sbr.ind lr, $3  }
0x3a: {  	_ = 	snop  }
0x3b: {  	_ = 	snop  }
0x3c: {  	p2 =	seq.s32 s10, $0x1;
	s10 =	sld [smem:$0x3FB4]  }
0x3d: {  	_ =	shalt  }
0x3e: {  	_ =	shalt  }
0x3f: {  	_ =	shalt  }
0x40: {  	_ =	shalt  }
0x41: {  	_ =	shalt  }
0x42: {  	_ =	shalt  }
0x43: {  	_ =	shalt  }
0x44: {  	_ =	shalt  }
0x45: {  	_ =	shalt  }
0x46: {  	_ =	shalt  }
0x47: {  	_ =	shalt  }
0x48: {  	_ =	shalt  }
0x49: {  	_ =	shalt  }
0x4a: {  	_ =	shalt  }
0x4b: {  	_ =	shalt  }
0x4c: {  	_ =	shalt  }
0x4d: {  	_ =	shalt  }
0x4e: {  	_ =	shalt  }
0x4f: {  	_ =	shalt  }
0x50: {  	_ =	shalt  }
0x51: {  	_ =	shalt  }
0x52: {  	_ =	shalt  }
0x53: {  	_ =	shalt  }
0x54: {  	_ =	shalt  }
0x55: {  	_ =	shalt  }
0x56: {  	_ =	shalt  }
0x57: {  	_ =	shalt  }
0x58: {  	_ =	shalt  }
0x59: {  	_ =	shalt  }
0x5a: {  	_ =	shalt  }
0x5b: {  	_ =	shalt  }
0x5c: {  	_ =	shalt  }
0x5d: {  	_ =	shalt  }
0x5e: {  	_ =	shalt  }
0x5f: {  	_ =	shalt  }
0x60: {  	_ =	shalt  }
0x61: {  	_ =	shalt  }
0x62: {  	_ =	shalt  }
0x63: {  	_ =	shalt  }
0x64: {  	_ =	shalt  }
0x65: {  	_ =	shalt  }
0x66: {  	_ =	shalt  }
0x67: {  	_ =	shalt  }
0x68: {  	_ =	shalt  }
0x69: {  	_ =	shalt  }
0x6a: {  	_ =	shalt  }
0x6b: {  	_ =	shalt  }
0x6c: {  	_ =	shalt  }
0x6d: {  	_ =	shalt  }
0x6e: {  	_ =	shalt  }
0x6f: {  	_ =	shalt  }
0x70: {  	_ =	shalt  }
0x71: {  	_ =	shalt  }
0x72: {  	_ =	shalt  }
0x73: {  	_ =	shalt  }
0x74: {  	_ =	shalt  }
0x75: {  	_ =	shalt  }
0x76: {  	_ =	shalt  }
0x77: {  	_ =	shalt  }
0x78: {  	_ =	shalt  }
0x79: {  	_ =	shalt  }
0x7a: {  	_ =	shalt  }
0x7b: {  	_ =	shalt  }
0x7c: {  	_ =	shalt  }
0x7d: {  	_ =	shalt  }
0x7e: {  	_ =	shalt  }
0x7f: {  	_ =	shalt  }
0x80: {  	_ =	shalt  }
0x81: {  	_ =	shalt  }
0x82: {  	_ =	shalt  }
0x83: {  	_ =	shalt  }
0x84: {  	_ =	shalt  }
0x85: {  	_ =	shalt  }
0x86: {  	_ =	shalt  }
0x87: {  	_ =	shalt  }
.Lfunc_end0:
.L_simem_size_0:
called_computation.2_lowered:
.L_overlay_start_0:
0x88: {  	s2 =	sld [smem:$0x3FD9]  }
0x89: {  	s3 =	sld [smem:$0x3FFE];
	_ =	sdelay $0x1  }
0x8a: {  	s1 =	srdreg.scid  }
0x8b: {  	s0 =	sand.u32 $0x1, s1  }
0x8c: {  	s16 =	sshll.u32 s0, $0xA;
	s2 =	sadd.s32 s3, s2  }
0x8d: {  	s2 =	sadd.s32 s2, s16  }
0x8e: {  	[smem:$0x3FC0] =	sst s2  }
0x8f: {  	_ = 	snop  }
0x90: {  	(tm) =	ssettm $0x1  }
0x91: {  	s17 =	sld [smem:$0x3FFB];
	_ =	sdelay $0x3  }
0x92: {  	_ =	strace s17  }
0x93: {  	s2 =	sld [smem:$0x3FFC];
	_ =	sdelay $0x3  }
0x94: {  	_ =	strace s2  }
0x95: {  	s2 =	sld [smem:$0x3FFD];
	_ =	sdelay $0x3  }
0x96: {  	_ =	strace s2  }
0x97: {  	_ =	strace $0x8FFFFFFF  }
0x98: {  	s18 =	sld [smem:$0x3FDB];
	_ =	sdelay $0x1  }
0x99: {  	s19 =	simm.s32 $_scs_section_size  }
0x9a: {  	s4 =	simm.s32 $_size__tile_overlayer_lowered;
	s5 =	simm.s32 $_tile_overlayer_lowered  }
0x9b: {  	s22 =	simm.s32 $0x1BFF;
	s21 =	sshll.u32 s5, $0x1;
	s2 =	sadd.s32 s19, s18  }
0x9c: {  	s6 =	simm.s32 $0x0;
	s20 =	sshll.u32 s4, $0x1;
	s4 =	sadd.s32 s21, s2  }
0x9d: {  	[timem:s6], [sflag:s22] =	dma.local [hbm:s4], s20  }
0x9e: {  	_ =	swait.ge [sflag:s22], s20  }
0x9f: {  	s3 =	ssub.s32 $0x0, s20;
	[sflag:s22] =	ssyncset.done $0x0  }
0xa0: {  	[sflag:s22] =	ssyncadd.s32 s3;
	_ =	sdelay $0x1  }
0xa1: {  	s23 =	simm.s32 $0x1B8B  }
0xa2: {  	_ =	swait.ge [sflag:s23], $0x1  }
0xa3: {  	[sflag:s23] =	ssyncset.done $0x0  }
0xa4: {  	s25 =	simm.s32 $0x1B8E;
	s24 =	sld [smem:$0x3FFE];
	[sflag:s23] =	ssyncadd.s32 $0xFFFFFFFF  }
0xa5: {  	s26 =	simm.s32 $execute0_lowered;
	[smem:$0x3FD2] =	sst s25  }
0xa6: {  	s4 =	sshll.u32 s26, $0x1;
	_ =	strace $0x8000004C;
	[dreg:$0x1] =	wrdreg $0xFFFFFFFF  }
0xa7: {  	s28 =	simm.s32 $_size_execute0_lowered;
	s2 =	sadd.s32 s2, s4;
	[dreg:$0x0] =	wrdreg $0x0  }
0xa8: {  	s4 =	sshll.u32 s28, $0x1;
	[dreg:$0x2] =	wrdreg s2  }
0xa9: {  	[dreg:$0x3] =	wrdreg s4  }
0xaa: {  	[dreg:$0x4] =	wrdreg $0xC0  }
0xab: {  	_ =	task [dreg:s6], $0x5FFFF  }
0xac: {  	[dreg:$0x1] =	wrdreg $0xFFFFFFFF  }
0xad: {  	[dreg:$0x0] =	wrdreg $0x60  }
0xae: {  	[dreg:$0x2] =	wrdreg s24  }
0xaf: {  	[dreg:$0x3] =	wrdreg $0xA8000  }
0xb0: {  	[dreg:$0x4] =	wrdreg $0x9  }
0xb1: {  	_ =	task.clear_ibuf [dreg:s6], $0x5FFFF;
	_ =	strace $0x9000004C  }
0xb2: {  	s29 =	simm.s32 $0x9;
	_ =	strace $0x8000004E  }
0xb3: {  	_ =	swait.ge [sflag:s29], $0x1  }
0xb4: {  	[sflag:s29] =	ssyncadd.s32 $0xFFFFFFFF  }
0xb5: {  	_ =	strace $0x9000004E  }
0xb6: {  	_ =	sfence  }
0xb7: {  	s30 =	sld [smem:$0x0];
	_ =	sdelay $0x2  }
0xb8: {  	s31 =	sshll.u32 s1, $0xD;
	s1 =	sshrl.u32 s1, $0x2  }
0xb9: {  	s3 =	sand.u32 $0x4000, s31;
	s1 =	sadd.s32 s1, s30  }
0xba: {  	s0 =	sor.u32 s3, s0;
	s1 =	sshll.u32 s1, $0x11  }
0xbb: {  	s0 =	sor.u32 s1, s0  }
0xbc: {  	s0 =	sadd.s32 $0x8F2B, s0  }
0xbd: {  	[sflag:s0] =	ssyncadd.remote.s32 $0x1  }
0xbe: {  	_ =	sfence.sel $0xFFFF  }
0xbf: {  	[dreg:$0x0] =	wrdreg $0xFFFFFFFF;
	(pc) =	sbr.abs _section_cstart, $3  }
0xc0: {  	[dreg:$0x1] =	wrdreg $0xFFFFFFFF  }
0xc1: {  	_ =	task.clear_ibuf [dreg:s6], $0x2FFFF;
	_ =	strace $0x9FFFFFFF  }
0xc2: {  	(tm) =	ssettm $0x7FFFFFFF  }
0xc3: {  	_ =	shalt  }
tec
execute0_lowered:
.L_overlay_start_1:
0x0: {  	(tag) =	ssettag $0x1  }
0x1: {  	s0 =	rddreg [dreg:$0x0]  }
0x2: {  	s1 =	rddreg [dreg:$0x1];
	s2 =	simm.s32 $0x0  }
0x3: {  	s3 =	srdreg.scid;
	s13 =	stileid.u32;
	s28 =	simm.s32 $0x200  }
0x4: {  	s29 =	simm.s32 $0x7C00;
	s30 =	simm.s32 $0x4;
	s9 =	smul.u32 $0x50000, s13  }
0x5: {  	[smem:$0x7FF] =	sst s2;
	s3 =	sand.u32 $0x1, s3;
	s26 =	smul.u32 $0x4E20, s13  }
0x6: {  	s4 =	sadd.s32 $0x16800, s0;
	s5 =	sshll.u32 s13, $0x1;
	s18 =	smul.u32 $0x2800, s13  }
0x7: {  	s8 =	sadd.s32 $0x2C00, s0;
	_ =	strace $0x8000004D;
	s7 =	smul.u32 $0x28000, s3  }
0x8: {  	s6 =	sor.u32 s3, s5;
	s10 =	ssub.s32 $0x2, s3;
	s3 =	smul.u32 $0x2710, s3  }
0x9: {  	s5 =	sadd.s32 $0xCA00, s0;
	s6 =	smul.u32 $0x2710, s6;
	s23 =	sshrl.u32 s10, $0x1  }
0xa: {  	s9 =	sshrl.u32 s9, $0x2;
	s0 =	sadd.s32 s7, s0;
	s10 =	ssub.s32 s10, s23  }
0xb: {  	s7 =	sadd.s32 s9, s1;
	s3 =	sadd.s32 s3, s26;
	s24 =	sshrl.u32 s6, $0x3  }
0xc: {  	s0 =	sadd.s32 $0x3E800, s0;
	s10 =	smax.u32 s10, $0x1;
	s22 =	sadd.s32 $0x1E0, s3  }
0xd: {  	s23 =	sadd.s32 $0x230, s3;
	s11 =	sadd.s32 s5, s24;
	[dreg:$0xc] =	wrdreg s10  }
0xe: {  	s14 =	sadd.s32 s8, s24;
	s25 =	sadd.s32 $0xA, s24;
	[dreg:$0x4] =	wrdreg s11  }
0xf: {  	s31 =	sadd.s32 $0x14, s24;
	s0 =	sadd.s32 s18, s0;
	[dreg:$0x3] =	wrdreg s14  }
0x10: {  	s9 =	sadd.s32 $0x1E, s24;
	s12 =	sadd.s32 s8, s25;
	[dreg:$0xe] =	wrdreg s0  }
0x11: {  	s24 =	sadd.s32 $0x280, s3;
	s11 =	sadd.s32 s5, s25;
	[dreg:$0x5] =	wrdreg s12  }
0x12: {  	s10 =	simm.s32 $0x1;
	s15 =	sadd.s32 s8, s31;
	[dreg:$0x6] =	wrdreg s11  }
0x13: {  	s18 =	simm.s32 $0x180;
	s16 =	sadd.s32 s8, s9;
	[dreg:$0x7] =	wrdreg s15  }
0x14: {  	s9 =	sadd.s32 s5, s9;
	s17 =	sadd.s32 $0x28, s14;
	[dreg:$0x9] =	wrdreg s16  }
0x15: {  	s25 =	sshrl.u32 s23, $0x3;
	s26 =	sshrl.u32 s24, $0x3;
	[dreg:$0xa] =	wrdreg s9  }
0x16: {  	s23 =	sadd.s32 $0x140, s3;
	s12 =	sadd.s32 s5, s31;
	[dreg:$0xb] =	wrdreg s17  }
0x17: {  	s11 =	sadd.s32 $0x190, s3;
	s19 =	sadd.s32 s25, s8;
	s31 =	sadd.s32 s26, s8  }
0x18: {  	s25 =	simm.s32 $0xA400;
	s26 =	simm.s32 $0x5;
	s9 =	simm.s32 $0x380  }
.Ltmp0:
0x19: {  	s15 =	simm.s32 $0x3;
	s16 =	simm.s32 $0x2;
	(pc) =	sbr.rel .LBB2_1-.Ltmp0, $4  }
0x1a: {  	s17 =	simm.s32 $0x50;
	s3 =	simm.s32 $0x0;
	[dreg:$0x8] =	wrdreg s12  }
0x1b: {  	s20 =	sshrl.u32 s11, $0x3;
	s11 =	sshrl.u32 s22, $0x3;
	[dreg:$0xd] =	wrdreg s31  }
0x1c: {  	s12 =	simm.s32 $0x400;
	s11 =	sadd.s32 s11, s8;
	s21 =	sadd.s32 s20, s8  }
0x1d: {  	v0 =	vimm.f32 $0.0e+00;
	s22 =	sadd.s32 s20, s5;
	[dreg:$0xf] =	wrdreg s11;
	s11 =	simm.s32 $0x28  }
.LBB2_6:
0x1e: {  	_ =	swait.ge [sflag:s30], $0x2800  }
0x1f: {  	[sflag:s30] =	ssyncset.done $0x0  }
0x20: {  	s0 =	stileid.u32;
	[sflag:s30] =	ssyncadd.s32 $0xFFFFD800  }
0x21: {  	s0 =	sshll.u32 s0, $0x6;
	[bflag:$0x0] =	sbarrier.arrive $0xFFFF  }
0x22: {  	s3 =	sshrl.u32 s7, $0x3;
	s0 =	sor.u32 $0x1C05, s0;
	s8 =	rddreg [dreg:$0xe]  }
0x23: {  	[hbm:s8], [sflag:s0] =	dma.local [spmem:s3], $0x2800  }
0x24: {  	_ =	swait.ge [sflag:s26], $0x2800  }
0x25: {  	s24 =	rddreg [dreg:$0x10]  }
0x26: {  	s31 =	rddreg [dreg:$0xc];
	s3 =	sadd.s32 $0x1, s24  }
0x27: {  	p0 =	sne.s32 s3, s31  }
.Ltmp1:
0x28: {  	_ = 	snop;
	(pc) =	sbr.rel @!p0 .LBB2_7-.Ltmp1, $3  }
0x29: {  	_ =	sdelay $0x1  }
0x2a: {  	[sflag:s26] =	ssyncset.done $0x0  }
0x2b: {  	[sflag:s26] =	ssyncadd.s32 $0xFFFFD800  }
.LBB2_1:
0x2c: {  	[tilespmem:$0xA400] =	vst v0  }
0x2d: {  	[tilespmem:$0xA410] =	vst v0  }
0x2e: {  	[tilespmem:$0xA420] =	vst v0  }
0x2f: {  	[tilespmem:$0xA430] =	vst v0  }
0x30: {  	[tilespmem:$0xA440] =	vst v0  }
0x31: {  	[tilespmem:$0xA450] =	vst v0  }
0x32: {  	[tilespmem:$0xA460] =	vst v0  }
0x33: {  	[tilespmem:$0xA470] =	vst v0  }
0x34: {  	[tilespmem:$0xA480] =	vst v0  }
0x35: {  	[tilespmem:$0xA490] =	vst v0  }
0x36: {  	[tilespmem:$0xA4A0] =	vst v0  }
0x37: {  	[tilespmem:$0xA4B0] =	vst v0  }
0x38: {  	[tilespmem:$0xA4C0] =	vst v0  }
0x39: {  	[tilespmem:$0xA4D0] =	vst v0  }
0x3a: {  	[tilespmem:$0xA4E0] =	vst v0  }
0x3b: {  	[tilespmem:$0xA4F0] =	vst v0  }
0x3c: {  	[tilespmem:$0xA500] =	vst v0  }
0x3d: {  	[tilespmem:$0xA510] =	vst v0  }
0x3e: {  	[tilespmem:$0xA520] =	vst v0  }
0x3f: {  	[tilespmem:$0xA530] =	vst v0  }
0x40: {  	[tilespmem:$0xA540] =	vst v0  }
0x41: {  	[tilespmem:$0xA550] =	vst v0  }
0x42: {  	[tilespmem:$0xA560] =	vst v0  }
0x43: {  	[tilespmem:$0xA570] =	vst v0  }
0x44: {  	[tilespmem:$0xA580] =	vst v0  }
0x45: {  	[tilespmem:$0xA590] =	vst v0  }
0x46: {  	[tilespmem:$0xA5A0] =	vst v0  }
0x47: {  	[tilespmem:$0xA5B0] =	vst v0  }
0x48: {  	[tilespmem:$0xA5C0] =	vst v0  }
0x49: {  	[tilespmem:$0xA5D0] =	vst v0  }
0x4a: {  	[tilespmem:$0xA5E0] =	vst v0  }
0x4b: {  	[tilespmem:$0xA5F0] =	vst v0  }
0x4c: {  	[tilespmem:$0xA600] =	vst v0  }
0x4d: {  	[tilespmem:$0xA610] =	vst v0  }
0x4e: {  	[tilespmem:$0xA620] =	vst v0  }
0x4f: {  	[tilespmem:$0xA630] =	vst v0  }
0x50: {  	[tilespmem:$0xA640] =	vst v0  }
0x51: {  	[tilespmem:$0xA650] =	vst v0  }
0x52: {  	[tilespmem:$0xA660] =	vst v0  }
0x53: {  	[tilespmem:$0xA670] =	vst v0  }
0x54: {  	[tilespmem:$0xA680] =	vst v0  }
0x55: {  	[tilespmem:$0xA690] =	vst v0  }
0x56: {  	[tilespmem:$0xA6A0] =	vst v0  }
0x57: {  	[tilespmem:$0xA6B0] =	vst v0  }
0x58: {  	[tilespmem:$0xA6C0] =	vst v0  }
0x59: {  	[tilespmem:$0xA6D0] =	vst v0  }
0x5a: {  	[tilespmem:$0xA6E0] =	vst v0  }
0x5b: {  	[tilespmem:$0xA6F0] =	vst v0  }
0x5c: {  	[tilespmem:$0xA700] =	vst v0  }
0x5d: {  	[tilespmem:$0xA710] =	vst v0  }
0x5e: {  	[tilespmem:$0xA720] =	vst v0  }
0x5f: {  	[tilespmem:$0xA730] =	vst v0  }
0x60: {  	[tilespmem:$0xA740] =	vst v0  }
0x61: {  	[tilespmem:$0xA750] =	vst v0  }
0x62: {  	[tilespmem:$0xA760] =	vst v0  }
0x63: {  	[tilespmem:$0xA770] =	vst v0  }
0x64: {  	[tilespmem:$0xA780] =	vst v0  }
0x65: {  	[tilespmem:$0xA790] =	vst v0  }
0x66: {  	[tilespmem:$0xA7A0] =	vst v0  }
0x67: {  	[tilespmem:$0xA7B0] =	vst v0  }
0x68: {  	[tilespmem:$0xA7C0] =	vst v0  }
0x69: {  	[tilespmem:$0xA7D0] =	vst v0  }
0x6a: {  	[tilespmem:$0xA7E0] =	vst v0  }
0x6b: {  	[dreg:$0x10] =	wrdreg s3;
	[tilespmem:$0xA7F0] =	vst v0;
	s0 =	sadd.s32 $0x0, s7  }
0x6c: {  	[spmem:s0] =	stream.linear.scatter [tilespmem:s25], [sflag:$0x5], $0x400, $0x38;
	[tilespmem:$0x1E800] =	vst v63  }
0x6d: {  	s0 =	simm.s32 $0x1000;
	_ =	swait.ge [sflag:s26], $0x400  }
.LBB2_2:
0x6e: {  	s3 =	sshra.s32 s0, $0x2;
	[sflag:s26] =	ssyncset.done $0x0;
	p0 =	sne.s32 s0, $0x4F000  }
.Ltmp2:
0x6f: {  	s3 =	sadd.s32 s3, s7;
	[sflag:s26] =	ssyncadd.s32 $0xFFFFFC00;
	(pc) =	sbr.rel @p0 .LBB2_2-.Ltmp2, $3  }
0x70: {  	[spmem:s3] =	stream.linear.scatter [tilespmem:s25], [sflag:$0x5], $0x400, $0x38;
	[tilespmem:$0x1E800] =	vst v63  }
0x71: {  	s0 =	sadd.s32 $0x1000, s0;
	_ =	sdelay $0x1  }
0x72: {  	_ =	swait.ge [sflag:s26], $0x400  }
0x73: {  	[sflag:s26] =	ssyncset.done $0x0  }
0x74: {  	[sflag:s26] =	ssyncadd.s32 $0xFFFFFC00  }
0x75: {  	[bflag:$0x0] =	sbarrier.arrive $0xFFFF  }
0x76: {  	s0 =	simm.s32 $0x0;
	s3 =	rddreg [dreg:$0x3]  }
0x77: {  	[tilespmem:s0], [sflag:$0x1] =	stream.linear.gather [hbm4b:s3+s0], $0x50, $0x38;
	[tilespmem:$0x1E800] =	vst v63  }
0x78: {  	s8 =	rddreg [dreg:$0x4]  }
0x79: {  	[tilespmem:s28], [sflag:$0x2] =	stream.linear.gather [hbm4b:s8+s0], $0x50, $0x38;
	[tilespmem:$0x1E800] =	vst v63  }
0x7a: {  	s13 =	rddreg [dreg:$0x5];
	s8 =	simm.s32 $0x80  }
0x7b: {  	[tilespmem:s8], [sflag:$0x1] =	stream.linear.gather [hbm4b:s13+s0], $0x50, $0x38;
	[tilespmem:$0x1E800] =	vst v63  }
0x7c: {  	s14 =	rddreg [dreg:$0x6];
	s13 =	simm.s32 $0x280  }
0x7d: {  	[tilespmem:s13], [sflag:$0x2] =	stream.linear.gather [hbm4b:s14+s0], $0x50, $0x38;
	[tilespmem:$0x1E800] =	vst v63  }
0x7e: {  	s20 =	rddreg [dreg:$0x7];
	s13 =	simm.s32 $0x100  }
0x7f: {  	[tilespmem:s13], [sflag:$0x1] =	stream.linear.gather [hbm4b:s20+s0], $0x50, $0x38;
	[tilespmem:$0x1E800] =	vst v63  }
0x80: {  	s24 =	rddreg [dreg:$0x8];
	s14 =	simm.s32 $0x300  }
0x81: {  	[tilespmem:s14], [sflag:$0x2] =	stream.linear.gather [hbm4b:s24+s0], $0x50, $0x38;
	[tilespmem:$0x1E800] =	vst v63  }
0x82: {  	s31 =	rddreg [dreg:$0x9];
	s14 =	simm.s32 $0x180  }
0x83: {  	[tilespmem:s14], [sflag:$0x1] =	stream.linear.gather [hbm4b:s31+s0], $0x50, $0x38;
	[tilespmem:$0x1E800] =	vst v63  }
0x84: {  	s20 =	rddreg [dreg:$0xa]  }
0x85: {  	[tilespmem:s9], [sflag:$0x2] =	stream.linear.gather [hbm4b:s20+s0], $0x50, $0x38;
	[tilespmem:$0x1E800] =	vst v63  }
0x86: {  	_ =	swait.ge [sflag:s10], $0x50  }
0x87: {  	[sflag:s10] =	ssyncset.done $0x0  }
0x88: {  	[sflag:s10] =	ssyncadd.s32 $0xFFFFFFB0  }
0x89: {  	[tilespmem:s12], [sflag:$0x3] =	stream.indirect.gather [hbm4b:s4+s11], $0x80, s0, s11, $0xb8;
	[tilespmem:$0x1E800] =	vst v63  }
0x8a: {  	s24 =	simm.s32 $0x1800  }
0x8b: {  	[tilespmem:s24], [sflag:$0x3] =	stream.indirect.gather [hbm4b:s4+s11], $0x80, s11, s11, $0xb8;
	[tilespmem:$0x1E800] =	vst v63  }
0x8c: {  	_ =	swait.ge [sflag:s10], $0x50  }
0x8d: {  	[sflag:s10] =	ssyncset.done $0x0  }
0x8e: {  	s31 =	simm.s32 $0x2C00;
	[sflag:s10] =	ssyncadd.s32 $0xFFFFFFB0  }
0x8f: {  	[tilespmem:s31], [sflag:$0x3] =	stream.indirect.gather [hbm4b:s4+s11], $0x80, s8, s11, $0xb8;
	[tilespmem:$0x1E800] =	vst v63  }
0x90: {  	s20 =	simm.s32 $0xA8;
	s24 =	simm.s32 $0x4000  }
0x91: {  	[tilespmem:s24], [sflag:$0x3] =	stream.indirect.gather [hbm4b:s4+s11], $0x80, s20, s11, $0xb8;
	[tilespmem:$0x1E800] =	vst v63  }
0x92: {  	_ =	swait.ge [sflag:s10], $0x50  }
0x93: {  	[sflag:s10] =	ssyncset.done $0x0  }
0x94: {  	s31 =	simm.s32 $0x5400;
	[sflag:s10] =	ssyncadd.s32 $0xFFFFFFB0  }
0x95: {  	[tilespmem:s31], [sflag:$0x3] =	stream.indirect.gather [hbm4b:s4+s11], $0x80, s13, s11, $0xb8;
	[tilespmem:$0x1E800] =	vst v63  }
0x96: {  	s8 =	simm.s32 $0x128;
	s13 =	simm.s32 $0x6800  }
0x97: {  	[tilespmem:s13], [sflag:$0x3] =	stream.indirect.gather [hbm4b:s4+s11], $0x80, s8, s11, $0xb8;
	[tilespmem:$0x1E800] =	vst v63  }
0x98: {  	_ =	swait.ge [sflag:s15], $0x1400  }
0x99: {  	[sflag:s15] =	ssyncset.done $0x0  }
0x9a: {  	[sflag:s15] =	ssyncadd.s32 $0xFFFFEC00  }
0x9b: {  	_ =	swait.ge [sflag:s15], $0x1400  }
0x9c: {  	[sflag:s15] =	ssyncset.done $0x0  }
0x9d: {  	[sflag:s15] =	ssyncadd.s32 $0xFFFFEC00  }
0x9e: {  	_ =	swait.ge [sflag:s16], $0x50  }
0x9f: {  	[sflag:s16] =	ssyncset.done $0x0  }
0xa0: {  	[sflag:s16] =	ssyncadd.s32 $0xFFFFFFB0  }
0xa1: {  	[spmem:s1] =	stream.indirect.scatter.add.f32 [tilespmem:s12], [sflag:$0x4], $0x80, s28, s17, $0xb8;
	[tilespmem:$0x1E800] =	vst v63  }
0xa2: {  	_ =	swait.ge [sflag:s10], $0x50  }
0xa3: {  	[sflag:s10] =	ssyncset.done $0x0  }
0xa4: {  	[sflag:s10] =	ssyncadd.s32 $0xFFFFFFB0  }
0xa5: {  	[tilespmem:s29], [sflag:$0x3] =	stream.indirect.gather [hbm4b:s4+s11], $0x80, s14, s11, $0xb8;
	[tilespmem:$0x1E800] =	vst v63  }
0xa6: {  	s20 =	simm.s32 $0x1A8;
	s24 =	simm.s32 $0x9000  }
0xa7: {  	[tilespmem:s24], [sflag:$0x3] =	stream.indirect.gather [hbm4b:s4+s11], $0x80, s20, s11, $0xb8;
	[tilespmem:$0x1E800] =	vst v63  }
0xa8: {  	s3 =	simm.s32 $0x0;
	s31 =	rddreg [dreg:$0xb]  }
0xa9: {  	[tilespmem:s0], [sflag:$0x1] =	stream.linear.gather [hbm4b:s31+s0], $0x50, $0x38;
	[tilespmem:$0x1E800] =	vst v63  }
.LBB2_4:
0xaa: {  	_ =	swait.ge [sflag:s15], $0x1400  }
0xab: {  	[sflag:s15] =	ssyncset.done $0x0  }
0xac: {  	[sflag:s15] =	ssyncadd.s32 $0xFFFFEC00  }
0xad: {  	_ =	swait.ge [sflag:s15], $0x1400  }
0xae: {  	[sflag:s15] =	ssyncset.done $0x0  }
0xaf: {  	[sflag:s15] =	ssyncadd.s32 $0xFFFFEC00  }
0xb0: {  	_ =	swait.ge [sflag:s16], $0x50  }
0xb1: {  	[sflag:s16] =	ssyncset.done $0x0  }
0xb2: {  	s8 =	simm.s32 $0x280;
	s13 =	simm.s32 $0x2C00;
	[sflag:s16] =	ssyncadd.s32 $0xFFFFFFB0  }
0xb3: {  	[spmem:s1] =	stream.indirect.scatter.add.f32 [tilespmem:s13], [sflag:$0x4], $0x80, s8, s17, $0xb8;
	[tilespmem:$0x1E800] =	vst v63  }
0xb4: {  	s20 =	sadd.s32 s0, s23;
	_ =	swait.ge [sflag:s30], $0x2800  }
0xb5: {  	s13 =	sshrl.u32 s20, $0x3;
	[sflag:s30] =	ssyncset.done $0x0  }
0xb6: {  	s13 =	sadd.s32 s5, s13;
	[sflag:s30] =	ssyncadd.s32 $0xFFFFD800  }
0xb7: {  	[tilespmem:s28], [sflag:$0x2] =	stream.linear.gather [hbm4b:s13+s2], $0x50, $0x38;
	[tilespmem:$0x1E800] =	vst v63  }
0xb8: {  	_ =	swait.ge [sflag:s10], $0x50  }
0xb9: {  	[sflag:s10] =	ssyncset.done $0x0  }
0xba: {  	[sflag:s10] =	ssyncadd.s32 $0xFFFFFFB0  }
0xbb: {  	[tilespmem:s12], [sflag:$0x3] =	stream.indirect.gather [hbm4b:s4+s11], $0x80, s2, s11, $0xb8;
	[tilespmem:$0x1E800] =	vst v63  }
0xbc: {  	s24 =	simm.s32 $0x1800;
	p0 =	seq.s32 s3, $0x4B0  }
0xbd: {  	[tilespmem:s24], [sflag:$0x3] =	stream.indirect.gather [hbm4b:s4+s11], $0x80, s11, s11, $0xb8;
	[tilespmem:$0x1E800] =	vst v63  }
0xbe: {  	s8 =	simm.s32 @!p0 $0x0;
	s13 =	sadd.s32 @!p0 s3, s21;
	s24 =	simm.s32 @!p0 $0x80  }
0xbf: {  	[tilespmem:s24], [sflag:$0x1] =	stream.linear.gather @!p0 [hbm4b:s13+s8], $0x50, $0x38;
	[tilespmem:$0x1E800] =	vst v63  }
0xc0: {  	_ =	swait.ge [sflag:s15], $0x1400  }
0xc1: {  	[sflag:s15] =	ssyncset.done $0x0  }
0xc2: {  	[sflag:s15] =	ssyncadd.s32 $0xFFFFEC00  }
0xc3: {  	_ =	swait.ge [sflag:s15], $0x1400  }
0xc4: {  	[sflag:s15] =	ssyncset.done $0x0  }
0xc5: {  	[sflag:s15] =	ssyncadd.s32 $0xFFFFEC00  }
0xc6: {  	_ =	swait.ge [sflag:s16], $0x50  }
0xc7: {  	[sflag:s16] =	ssyncset.done $0x0  }
0xc8: {  	s31 =	simm.s32 $0x300;
	s14 =	simm.s32 $0x5400;
	[sflag:s16] =	ssyncadd.s32 $0xFFFFFFB0  }
0xc9: {  	[spmem:s1] =	stream.indirect.scatter.add.f32 [tilespmem:s14], [sflag:$0x4], $0x80, s31, s17, $0xb8;
	[tilespmem:$0x1E800] =	vst v63  }
0xca: {  	_ =	swait.ge [sflag:s30], $0x2800  }
0xcb: {  	[sflag:s30] =	ssyncset.done $0x0  }
0xcc: {  	s13 =	sadd.s32 @!p0 s3, s22;
	s31 =	simm.s32 @!p0 $0x280;
	[sflag:s30] =	ssyncadd.s32 $0xFFFFD800  }
0xcd: {  	[tilespmem:s31], [sflag:$0x2] =	stream.linear.gather @!p0 [hbm4b:s13+s8], $0x50, $0x38;
	[tilespmem:$0x1E800] =	vst v63  }
0xce: {  	s13 =	simm.s32 @!p0 $0x1  }
0xcf: {  	_ =	swait.ge @!p0 [sflag:s13], $0x50  }
0xd0: {  	[sflag:s13] =	ssyncset.done @!p0 $0x0  }
0xd1: {  	s14 =	simm.s32 @!p0 $0x2C00;
	s31 =	simm.s32 @!p0 $0x28;
	[sflag:s13] =	ssyncadd.s32 @!p0 $0xFFFFFFB0  }
0xd2: {  	[tilespmem:s14], [sflag:$0x3] =	stream.indirect.gather @!p0 [hbm4b:s4+s31], $0x80, s24, s31, $0xb8;
	[tilespmem:$0x1E800] =	vst v63  }
0xd3: {  	s14 =	simm.s32 @!p0 $0xA8;
	s24 =	simm.s32 @!p0 $0x4000  }
0xd4: {  	[tilespmem:s24], [sflag:$0x3] =	stream.indirect.gather @!p0 [hbm4b:s4+s31], $0x80, s14, s31, $0xb8;
	[tilespmem:$0x1E800] =	vst v63  }
0xd5: {  	s14 =	rddreg [dreg:$0xf]  }
0xd6: {  	s24 =	simm.s32 @!p0 $0x100;
	s14 =	sadd.s32 @!p0 s3, s14  }
0xd7: {  	[tilespmem:s24], [sflag:$0x1] =	stream.linear.gather @!p0 [hbm4b:s14+s8], $0x50, $0x38;
	[tilespmem:$0x1E800] =	vst v63  }
0xd8: {  	_ =	swait.ge [sflag:s15], $0x1400  }
0xd9: {  	[sflag:s15] =	ssyncset.done $0x0  }
0xda: {  	[sflag:s15] =	ssyncadd.s32 $0xFFFFEC00  }
0xdb: {  	_ =	swait.ge [sflag:s15], $0x1400  }
0xdc: {  	[sflag:s15] =	ssyncset.done $0x0  }
0xdd: {  	[sflag:s15] =	ssyncadd.s32 $0xFFFFEC00  }
0xde: {  	_ =	swait.ge [sflag:s16], $0x50  }
0xdf: {  	s14 =	sadd.s32 @!p0 $0x1E0, s0;
	[sflag:s16] =	ssyncset.done $0x0  }
0xe0: {  	s14 =	simm.s32 @p0 $0x2760;
	[sflag:s16] =	ssyncadd.s32 $0xFFFFFFB0  }
0xe1: {  	[spmem:s1] =	stream.indirect.scatter.add.f32 [tilespmem:s29], [sflag:$0x4], $0x80, s9, s17, $0xb8;
	[tilespmem:$0x1E800] =	vst v63  }
0xe2: {  	s14 =	sadd.s32 @!p0 s6, s14;
	_ =	swait.ge [sflag:s30], $0x2800  }
0xe3: {  	s14 =	sshrl.u32 @!p0 s14, $0x3;
	[sflag:s30] =	ssyncset.done $0x0  }
0xe4: {  	s20 =	simm.s32 @!p0 $0x300;
	s14 =	sadd.s32 @!p0 s5, s14;
	[sflag:s30] =	ssyncadd.s32 $0xFFFFD800  }
0xe5: {  	[tilespmem:s20], [sflag:$0x2] =	stream.linear.gather @!p0 [hbm4b:s14+s8], $0x50, $0x38;
	[tilespmem:$0x1E800] =	vst v63  }
0xe6: {  	_ =	swait.ge @!p0 [sflag:s13], $0x50  }
0xe7: {  	[sflag:s13] =	ssyncset.done @!p0 $0x0  }
0xe8: {  	[sflag:s13] =	ssyncadd.s32 @!p0 $0xFFFFFFB0;
	s13 =	simm.s32 @!p0 $0x5400  }
0xe9: {  	[tilespmem:s13], [sflag:$0x3] =	stream.indirect.gather @!p0 [hbm4b:s4+s31], $0x80, s24, s31, $0xb8;
	[tilespmem:$0x1E800] =	vst v63  }
0xea: {  	s14 =	simm.s32 @!p0 $0x6800;
	s13 =	simm.s32 @!p0 $0x128  }
0xeb: {  	[tilespmem:s14], [sflag:$0x3] =	stream.indirect.gather @!p0 [hbm4b:s4+s31], $0x80, s13, s31, $0xb8;
	[tilespmem:$0x1E800] =	vst v63  }
0xec: {  	s13 =	sadd.s32 @!p0 s3, s19;
	s14 =	simm.s32 @!p0 $0x180  }
0xed: {  	[tilespmem:s14], [sflag:$0x1] =	stream.linear.gather @!p0 [hbm4b:s13+s8], $0x50, $0x38;
	[tilespmem:$0x1E800] =	vst v63  }
0xee: {  	_ =	swait.ge [sflag:s15], $0x1400  }
0xef: {  	[sflag:s15] =	ssyncset.done $0x0  }
0xf0: {  	[sflag:s15] =	ssyncadd.s32 $0xFFFFEC00  }
0xf1: {  	_ =	swait.ge [sflag:s15], $0x1400  }
0xf2: {  	[sflag:s15] =	ssyncset.done $0x0  }
0xf3: {  	[sflag:s15] =	ssyncadd.s32 $0xFFFFEC00  }
0xf4: {  	_ =	swait.ge [sflag:s16], $0x50  }
0xf5: {  	[sflag:s16] =	ssyncset.done $0x0  }
.Ltmp3:
0xf6: {  	[sflag:s16] =	ssyncadd.s32 $0xFFFFFFB0;
	(pc) =	sbr.rel @p0 .LBB2_6-.Ltmp3, $4  }
0xf7: {  	[spmem:s1] =	stream.indirect.scatter.add.f32 [tilespmem:s12], [sflag:$0x4], $0x80, s28, s17, $0xb8;
	[tilespmem:$0x1E800] =	vst v63  }
0xf8: {  	_ =	swait.ge [sflag:s30], $0x2800  }
0xf9: {  	[sflag:s30] =	ssyncset.done $0x0  }
0xfa: {  	[sflag:s30] =	ssyncadd.s32 $0xFFFFD800  }
0xfb: {  	s8 =	sadd.s32 @!p0 $0x230, s0  }
0xfc: {  	s8 =	simm.s32 @p0 $0x27B0  }
0xfd: {  	s8 =	sadd.s32 s6, s8  }
0xfe: {  	s8 =	sshrl.u32 s8, $0x3  }
0xff: {  	s8 =	sadd.s32 s5, s8  }
0x100: {  	[tilespmem:s9], [sflag:$0x2] =	stream.linear.gather [hbm4b:s8+s2], $0x50, $0x38;
	[tilespmem:$0x1E800] =	vst v63  }
0x101: {  	_ =	swait.ge [sflag:s10], $0x50  }
0x102: {  	[sflag:s10] =	ssyncset.done $0x0  }
0x103: {  	[sflag:s10] =	ssyncadd.s32 $0xFFFFFFB0  }
0x104: {  	[tilespmem:s29], [sflag:$0x3] =	stream.indirect.gather [hbm4b:s4+s11], $0x80, s18, s11, $0xb8;
	[tilespmem:$0x1E800] =	vst v63  }
.Ltmp4:
0x105: {  	_ = 	snop;
	(pc) =	sbr.rel .LBB2_4-.Ltmp4, $4  }
0x106: {  	s24 =	simm.s32 $0x1A8;
	s13 =	simm.s32 $0x9000;
	s31 =	rddreg [dreg:$0xd]  }
0x107: {  	[tilespmem:s13], [sflag:$0x3] =	stream.indirect.gather [hbm4b:s4+s11], $0x80, s24, s11, $0xb8;
	[tilespmem:$0x1E800] =	vst v63  }
0x108: {  	s0 =	sadd.s32 $0x140, s0;
	s8 =	sadd.s32 s3, s31;
	s3 =	sadd.s32 $0x28, s3  }
0x109: {  	[tilespmem:s2], [sflag:$0x1] =	stream.linear.gather [hbm4b:s8+s2], $0x50, $0x38;
	[tilespmem:$0x1E800] =	vst v63  }
.LBB2_7:
0x10a: {  	_ =	sfence.sel $0x180000  }
0x10b: {  	[bflag:$0x0] =	sbarrier.arrive $0xFFFF  }
0x10c: {  	_ =	strace $0x9000004D  }
0x10d: {  	s0 =	stileid.u32;
	[bflag:$0x2] =	sbarrier.arrive $0xFFFF  }
0x10e: {  	p0 =	sne.s32 s0, $0x0;
	s0 =	rddreg [dreg:$0x2]  }
0x10f: {  	s0 =	sadd.s32 @!p0 $0x100000, s0  }
0x110: {  	[sflag:s0] =	ssyncadd.tile.s32 @!p0 $0x1;
	_ =	shalt  }
.Lfunc_end2:
_tile_overlayer_lowered:
.L_overlay_start_2:
0x111: {  	(tag) =	ssettag $0x2  }
0x112: {  	s0 =	rddreg [dreg:$0x0];
	s2 =	stileid.u32  }
0x113: {  	s1 =	rddreg [dreg:$0x1];
	p0 =	sne.s32 s2, $0x0  }
0x114: {  	s3 =	rddreg [dreg:$0x2];
	[bflag:$0x3] =	sbarrier.arrive $0xFFFF;
	s2 =	simm.s32 @!p0 $0x1C05  }
0x115: {  	[timem:s3], [sflag:s2] =	dma.local @!p0 [hbm:s0], s1  }
0x116: {  	s0 =	simm.s32 @!p0 $0x5  }
0x117: {  	_ =	swait.ge @!p0 [sflag:s0], s1  }
0x118: {  	s1 =	ssub.s32 @!p0 $0x0, s1;
	[sflag:s0] =	ssyncset.done @!p0 $0x0  }
0x119: {  	[sflag:s0] =	ssyncadd.s32 @!p0 s1  }
0x11a: {  	[bflag:$0x3] =	sbarrier.arrive $0xFFFF  }
0x11b: {  	_ =	shalt  }

// kernel: kernel.7.cloned.1.call-start
scs
__scs_entry_jumppad:
0x0: {  	(pc) =	sbr.rel $0x88, $3  }
0x1: {  	(tag) =	ssettag $0x0;
	lr =	simm.s32 $0x1  }
0x2: {  	[smem:$0x3F99] =	sst lr;
	_ =	strace $0xD0000000  }
0x3: {  	_ = 	snop  }
0x4: {  	_ = 	snop  }
0x5: {  	_ = 	snop  }
0x6: {  	_ = 	snop  }
0x7: {  	_ = 	snop  }
__scs_overlays_trampoline_lowered:
0x8: {  	[smem:$0x3FA8] =	sst s0  }
0x9: {  	[smem:$0x3FA9] =	sst s1  }
0xa: {  	[smem:$0x3FAA] =	sst s2  }
0xb: {  	[smem:$0x3FAB] =	sst s3  }
0xc: {  	[smem:$0x3FAC] =	sst s4  }
0xd: {  	[smem:$0x3FAD] =	sst s5  }
0xe: {  	[smem:$0x3FAE] =	sst s6  }
0xf: {  	[smem:$0x3FAF] =	sst s7  }
0x10: {  	[smem:$0x3FB0] =	sst s8  }
0x11: {  	[smem:$0x3FB1] =	sst s9;
	s0 =	simm.s32 @!p0 $0x0  }
0x12: {  	s1 =	sld [smem:$0x3F97];
	s0 =	simm.s32 @p0 $0x1  }
0x13: {  	[smem:$0x3FB2] =	sst s0;
	s0 =	simm.s32 @!p1 $0x0  }
0x14: {  	s2 =	sld [smem:$0x3F96];
	s0 =	simm.s32 @p1 $0x1  }
0x15: {  	[smem:$0x3FB3] =	sst s0;
	s0 =	simm.s32 @!p2 $0x0  }
0x16: {  	s3 =	sld [smem:$0x3FDB];
	s0 =	simm.s32 @p2 $0x1  }
0x17: {  	s4 =	simm.s32 $0x1BF5;
	[smem:$0x3FB5] =	sst s0  }
0x18: {  	s0 =	sld [smem:$0x3F98];
	_ =	swait.ge [sflag:s4], $0x0  }
0x19: {  	s7 =	sld [smem:$0x3F99]  }
0x1a: {  	s8 =	sadd.s32 $0xFFFFE003, lr  }
0x1b: {  	s9 =	sadd.s32 $0xFFFFFEF7, lr;
	s5 =	simm.s32 $0xFFFFFFFF;
	p2 =	slt.u32 s8, $0xFFFFF086  }
0x1c: {  	p1 =	slt.u32 s9, $0xF7A;
	s5 =	simm.s32 @!p2 $0x0  }
0x1d: {  	s5 =	simm.s32 @p1 $0x1;
	p0 =	seq.s32 s7, s2  }
0x1e: {  	s7 =	smul.u32 @!p0 $0xF7A, s2;
	p2 =	seq.s32 @!p0 s5, $0x0  }
0x1f: {  	s9 =	smul.u32 $0xF7A, s1;
	s8 =	simm.s32 @!p0 $0x1BF5;
	p2 =	por !p2, p0  }
0x20: {  	[sflag:s8] =	ssyncset.s32 @!p0 $0xFFFFF086;
	s6 =	sadd.s32 @!p0 s3, s7;
	s7 =	simm.s32 @!p0 $0x108  }
0x21: {  	s3 =	sadd.s32 s3, s9;
	s6 =	sadd.s32 @!p0 $0x88, s6;
	s7 =	simm.s32 @p2 $0x1082  }
0x22: {  	[simem:s7], [sflag:s8] =	dma.local @!p0 [hbm:s6], $0xF7A  }
0x23: {  	s9 =	sor.u32 $0xD0000000, s2;
	s6 =	simm.s32 $0x108;
	_ =	swait.ge @!p0 [sflag:s8], $0x0  }
0x24: {  	s3 =	sadd.s32 $0x88, s3;
	s6 =	simm.s32 @!p1 $0x1082;
	[sflag:s4] =	ssyncset.s32 $0xFFFFF086  }
0x25: {  	[simem:s6], [sflag:s4] =	dma.local [hbm:s3], $0xF7A  }
0x26: {  	[smem:$0x3F99] =	sst s1;
	(tag) =	ssettag s2;
	_ =	strace s9  }
0x27: {  	s1 =	sld [smem:$0x3FA9]  }
0x28: {  	s2 =	sld [smem:$0x3FAA]  }
0x29: {  	s4 =	sld [smem:$0x3FAC]  }
0x2a: {  	p0 =	seq.s32 s5, $0x0;
	s5 =	sld [smem:$0x3FAD]  }
0x2b: {  	s6 =	sld [smem:$0x3FAE]  }
0x2c: {  	s7 =	sld [smem:$0x3FAF]  }
0x2d: {  	s3 =	simm.s32 $0x108;
	s8 =	sld [smem:$0x3FB0]  }
0x2e: {  	s3 =	simm.s32 @!p0 $0x1082;
	s9 =	sld [smem:$0x3FB1]  }
0x2f: {  	lr =	sadd.s32 s0, s3;
	s0 =	sld [smem:$0x3FA8]  }
0x30: {  	s3 =	sld [smem:$0x3FAB]  }
0x31: {  	[smem:$0x3FB4] =	sst s10  }
0x32: {  	s10 =	sld [smem:$0x3FB2];
	_ =	sdelay $0x3  }
0x33: {  	p0 =	seq.s32 s10, $0x1;
	s10 =	sld [smem:$0x3FB4];
	_ =	sdelay $0x3  }
0x34: {  	[smem:$0x3FB4] =	sst s10  }
0x35: {  	s10 =	sld [smem:$0x3FB3];
	_ =	sdelay $0x3  }
0x36: {  	p1 =	seq.s32 s10, $0x1;
	s10 =	sld [smem:$0x3FB4];
	_ =	sdelay $0x3  }
0x37: {  	[smem:$0x3FB4] =	sst s10  }
0x38: {  	s10 =	sld [smem:$0x3FB5]  }
0x39: {  	_ = 	snop;
	(pc) =	sbr.ind lr, $3  }
0x3a: {  	_ = 	snop  }
0x3b: {  	_ = 	snop  }
0x3c: {  	p2 =	seq.s32 s10, $0x1;
	s10 =	sld [smem:$0x3FB4]  }
0x3d: {  	_ =	shalt  }
0x3e: {  	_ =	shalt  }
0x3f: {  	_ =	shalt  }
0x40: {  	_ =	shalt  }
0x41: {  	_ =	shalt  }
0x42: {  	_ =	shalt  }
0x43: {  	_ =	shalt  }
0x44: {  	_ =	shalt  }
0x45: {  	_ =	shalt  }
0x46: {  	_ =	shalt  }
0x47: {  	_ =	shalt  }
0x48: {  	_ =	shalt  }
0x49: {  	_ =	shalt  }
0x4a: {  	_ =	shalt  }
0x4b: {  	_ =	shalt  }
0x4c: {  	_ =	shalt  }
0x4d: {  	_ =	shalt  }
0x4e: {  	_ =	shalt  }
0x4f: {  	_ =	shalt  }
0x50: {  	_ =	shalt  }
0x51: {  	_ =	shalt  }
0x52: {  	_ =	shalt  }
0x53: {  	_ =	shalt  }
0x54: {  	_ =	shalt  }
0x55: {  	_ =	shalt  }
0x56: {  	_ =	shalt  }
0x57: {  	_ =	shalt  }
0x58: {  	_ =	shalt  }
0x59: {  	_ =	shalt  }
0x5a: {  	_ =	shalt  }
0x5b: {  	_ =	shalt  }
0x5c: {  	_ =	shalt  }
0x5d: {  	_ =	shalt  }
0x5e: {  	_ =	shalt  }
0x5f: {  	_ =	shalt  }
0x60: {  	_ =	shalt  }
0x61: {  	_ =	shalt  }
0x62: {  	_ =	shalt  }
0x63: {  	_ =	shalt  }
0x64: {  	_ =	shalt  }
0x65: {  	_ =	shalt  }
0x66: {  	_ =	shalt  }
0x67: {  	_ =	shalt  }
0x68: {  	_ =	shalt  }
0x69: {  	_ =	shalt  }
0x6a: {  	_ =	shalt  }
0x6b: {  	_ =	shalt  }
0x6c: {  	_ =	shalt  }
0x6d: {  	_ =	shalt  }
0x6e: {  	_ =	shalt  }
0x6f: {  	_ =	shalt  }
0x70: {  	_ =	shalt  }
0x71: {  	_ =	shalt  }
0x72: {  	_ =	shalt  }
0x73: {  	_ =	shalt  }
0x74: {  	_ =	shalt  }
0x75: {  	_ =	shalt  }
0x76: {  	_ =	shalt  }
0x77: {  	_ =	shalt  }
0x78: {  	_ =	shalt  }
0x79: {  	_ =	shalt  }
0x7a: {  	_ =	shalt  }
0x7b: {  	_ =	shalt  }
0x7c: {  	_ =	shalt  }
0x7d: {  	_ =	shalt  }
0x7e: {  	_ =	shalt  }
0x7f: {  	_ =	shalt  }
0x80: {  	_ =	shalt  }
0x81: {  	_ =	shalt  }
0x82: {  	_ =	shalt  }
0x83: {  	_ =	shalt  }
0x84: {  	_ =	shalt  }
0x85: {  	_ =	shalt  }
0x86: {  	_ =	shalt  }
0x87: {  	_ =	shalt  }
.Lfunc_end0:
.L_simem_size_0:
called_computation_lowered:
.L_overlay_start_0:
0x88: {  	s2 =	sld [smem:$0x3FD9]  }
0x89: {  	s3 =	sld [smem:$0x3FFE];
	_ =	sdelay $0x1  }
0x8a: {  	s1 =	srdreg.scid  }
0x8b: {  	s0 =	sand.u32 $0x1, s1  }
0x8c: {  	s17 =	sshll.u32 s0, $0xA;
	s2 =	sadd.s32 s3, s2  }
0x8d: {  	s2 =	sadd.s32 s2, s17  }
0x8e: {  	[smem:$0x3FC0] =	sst s2  }
0x8f: {  	_ = 	snop  }
0x90: {  	s2 =	sld [smem:$0x3FD0];
	(tm) =	ssettm $0x1  }
0x91: {  	s18 =	sld [smem:$0x3FFB];
	_ =	sdelay $0x3  }
0x92: {  	_ =	strace s18  }
0x93: {  	s3 =	sld [smem:$0x3FFC];
	_ =	sdelay $0x3  }
0x94: {  	_ =	strace s3  }
0x95: {  	s3 =	sld [smem:$0x3FFD];
	_ =	sdelay $0x3  }
0x96: {  	_ =	strace s3  }
0x97: {  	_ =	strace $0x8FFFFFFF  }
0x98: {  	s19 =	sld [smem:$0x3FDB];
	_ =	sdelay $0x1  }
0x99: {  	s4 =	simm.s32 $_scs_section_size  }
0x9a: {  	s5 =	simm.s32 $_size__tile_overlayer_lowered;
	s6 =	simm.s32 $_tile_overlayer_lowered  }
0x9b: {  	s22 =	simm.s32 $0x1BFF;
	s21 =	sshll.u32 s6, $0x1;
	s3 =	sadd.s32 s4, s19  }
0x9c: {  	s7 =	simm.s32 $0x0;
	s20 =	sshll.u32 s5, $0x1;
	s5 =	sadd.s32 s21, s3  }
0x9d: {  	[timem:s7], [sflag:s22] =	dma.local [hbm:s5], s20  }
0x9e: {  	_ =	swait.ge [sflag:s22], s20  }
0x9f: {  	s4 =	ssub.s32 $0x0, s20;
	[sflag:s22] =	ssyncset.done $0x0  }
0xa0: {  	[sflag:s22] =	ssyncadd.s32 s4;
	_ =	sdelay $0x1  }
0xa1: {  	s23 =	simm.s32 $0x1B8B  }
0xa2: {  	_ =	swait.ge [sflag:s23], $0x1  }
0xa3: {  	[sflag:s23] =	ssyncset.done $0x0  }
0xa4: {  	s25 =	simm.s32 $0x1B8E;
	s24 =	sld [smem:$0x3FFE];
	[sflag:s23] =	ssyncadd.s32 $0xFFFFFFFF  }
0xa5: {  	s26 =	simm.s32 $execute0_lowered;
	[smem:$0x3FD2] =	sst s25  }
0xa6: {  	s5 =	sshll.u32 s26, $0x1;
	_ =	strace $0x80000046;
	[dreg:$0x1] =	wrdreg $0xFFFFFFFF  }
0xa7: {  	s28 =	simm.s32 $_size_execute0_lowered;
	s3 =	sadd.s32 s3, s5;
	[dreg:$0x0] =	wrdreg $0x0  }
0xa8: {  	s5 =	sshll.u32 s28, $0x1;
	[dreg:$0x2] =	wrdreg s3  }
0xa9: {  	[dreg:$0x3] =	wrdreg s5  }
0xaa: {  	[dreg:$0x4] =	wrdreg $0xC0  }
0xab: {  	_ =	task [dreg:s7], $0x5FFFF  }
0xac: {  	[dreg:$0x1] =	wrdreg $0xFFFFFFFF  }
0xad: {  	[dreg:$0x0] =	wrdreg $0x60  }
0xae: {  	[dreg:$0x2] =	wrdreg s24  }
0xaf: {  	[dreg:$0x3] =	wrdreg s2  }
0xb0: {  	[dreg:$0x4] =	wrdreg $0x9  }
0xb1: {  	_ =	task.clear_ibuf [dreg:s7], $0x5FFFF;
	_ =	strace $0x90000046  }
0xb2: {  	s29 =	simm.s32 $0x9;
	_ =	strace $0x80000048  }
0xb3: {  	_ =	swait.ge [sflag:s29], $0x1  }
0xb4: {  	[sflag:s29] =	ssyncadd.s32 $0xFFFFFFFF  }
0xb5: {  	_ =	strace $0x90000048  }
0xb6: {  	_ =	sfence  }
0xb7: {  	s30 =	sld [smem:$0x0];
	_ =	sdelay $0x2  }
0xb8: {  	s31 =	sshll.u32 s1, $0xD;
	s1 =	sshrl.u32 s1, $0x2  }
0xb9: {  	s3 =	sand.u32 $0x4000, s31;
	s1 =	sadd.s32 s1, s30  }
0xba: {  	s0 =	sor.u32 s3, s0;
	s1 =	sshll.u32 s1, $0x11  }
0xbb: {  	s0 =	sor.u32 s1, s0  }
0xbc: {  	s0 =	sadd.s32 $0x8F2B, s0  }
0xbd: {  	[sflag:s0] =	ssyncadd.remote.s32 $0x1  }
0xbe: {  	_ =	sfence.sel $0xFFFF  }
0xbf: {  	[dreg:$0x0] =	wrdreg $0xFFFFFFFF;
	(pc) =	sbr.abs _section_cstart, $3  }
0xc0: {  	[dreg:$0x1] =	wrdreg $0xFFFFFFFF  }
0xc1: {  	_ =	task.clear_ibuf [dreg:s7], $0x2FFFF;
	_ =	strace $0x9FFFFFFF  }
0xc2: {  	(tm) =	ssettm $0x7FFFFFFF  }
0xc3: {  	_ =	shalt  }
tec
execute0_lowered:
.L_overlay_start_1:
0x0: {  	(tag) =	ssettag $0x1  }
0x1: {  	s3 =	rddreg [dreg:$0x0]  }
0x2: {  	s4 =	rddreg [dreg:$0x1]  }
0x3: {  	s1 =	srdreg.scid;
	s0 =	stileid.u32  }
0x4: {  	s2 =	simm.s32 $0x0;
	s5 =	sand.u32 $0x1, s1;
	s1 =	rddreg [dreg:$0x2]  }
0x5: {  	s6 =	sshrl.u32 s0, $0x2;
	s30 =	sshll.u32 s0, $0x8;
	[smem:$0x7FF] =	sst s2  }
0x6: {  	s7 =	sshll.u32 s5, $0x7;
	s8 =	sand.u32 $0x300, s30;
	s9 =	smul.u32 $0x13C00, s6  }
0x7: {  	s6 =	smul.u32 $0x14000, s6;
	s5 =	ssub.s32 $0x2, s5;
	s7 =	sor.u32 s7, s8  }
0x8: {  	_ =	strace $0x80000047;
	s31 =	sshrl.u32 s5, $0x1;
	s8 =	sor.u32 s9, s7  }
0x9: {  	s6 =	sor.u32 s6, s7;
	s5 =	ssub.s32 s5, s31;
	s7 =	simm.s32 $0x400  }
0xa: {  	s9 =	simm.s32 $0x2780;
	s8 =	sshrl.u32 s8, $0x3;
	s6 =	sshrl.u32 s6, $0x3  }
0xb: {  	s5 =	smax.u32 s5, $0x1;
	s3 =	sadd.s32 s8, s3;
	s4 =	sadd.s32 s4, s6  }
0xc: {  	v0 =	vimm.f32 $0.0e+00;
	v1 =	vimm.f32 $1.000000000e+00;
	s6 =	simm.s32 $0x80;
	s8 =	simm.s32 $0x1;
	s3 =	sadd.s32 $0x16800, s3  }
.LBB2_1:
0xd: {  	s10 =	simm.s32 $0x40;
	s11 =	simm.s32 $0x0  }
.LBB2_2:
0xe: {  	p0 =	sne.s32 s10, $0x9FC0;
	[tilespmem:s11+$0x2780] =	vst v0;
	s11 =	smov.u32 s10;
	s10 =	sadd.s32 $0x40, s10  }
.Ltmp0:
0xf: {  	(pc) =	sbr.rel @p0 .LBB2_2-.Ltmp0, $2  }
0x10: {  	_ =	sdelay $0x2  }
0x11: {  	s11 =	sshra.s32 s11, $0x2  }
0x12: {  	[tilespmem:s11+$0x2780] =	vst v0;
	s10 =	simm.s32 $0x0  }
0x13: {  	[tilespmem:s10], [sflag:$0x1] =	stream.strided.gather [hbm4b:s3+s6], $0x2780, s7, s6, $0x38;
	[tilespmem:$0x4F80] =	vst v63  }
0x14: {  	_ =	swait.ge [sflag:s8], $0x2780  }
0x15: {  	[sflag:s8] =	ssyncset.done $0x0  }
0x16: {  	s11 =	simm.s32 $0x0;
	s10 =	simm.s32 $0x40;
	[sflag:s8] =	ssyncadd.s32 $0xFFFFD880  }
.LBB2_4:
0x17: {  	p0 =	sne.s32 s10, $0x9C00;
	v2 =	vld [tilespmem:s11+$0x0];
	_ =	sdelay $0x3  }
.Ltmp1:
0x18: {  	(pc) =	sbr.rel @p0 .LBB2_4-.Ltmp1, $2  }
0x19: {  	_ =	sdelay $0x2  }
0x1a: {  	s11 =	sshra.s32 s10, $0x2;
	s10 =	sadd.s32 $0x40, s10;
	[tilespmem:v2+s9+$0x0] =	vst.idx.add.f32.msk $0xffff, v1  }
0x1b: {  	v2 =	vld [tilespmem:s11+$0x0];
	_ =	sdelay $0x5  }
0x1c: {  	s2 =	sadd.s32 $0x1, s2  }
0x1d: {  	p0 =	sne.s32 s2, s5  }
.Ltmp2:
0x1e: {  	[tilespmem:v2+s9+$0x0] =	vst.idx.add.f32.msk $0xffff, v1;
	(pc) =	sbr.rel @p0 .LBB2_1-.Ltmp2, $4  }
0x1f: {  	[hbm4b:s4+s6] =	stream.strided.scatter [tilespmem:s9], [sflag:$0x1], $0x2800, s7, s6, $0x38;
	[tilespmem:$0x4F80] =	vst v63  }
0x20: {  	_ =	swait.ge [sflag:s8], $0x2800  }
0x21: {  	[sflag:s8] =	ssyncset.done $0x0  }
0x22: {  	[sflag:s8] =	ssyncadd.s32 $0xFFFFD800  }
0x23: {  	_ =	sfence.sel $0x180000  }
0x24: {  	[bflag:$0x0] =	sbarrier.arrive $0xFFFF  }
0x25: {  	p0 =	sne.s32 s0, $0x0;
	_ =	strace $0x90000047  }
0x26: {  	s0 =	sadd.s32 @!p0 $0x100000, s1;
	[bflag:$0x2] =	sbarrier.arrive $0xFFFF  }
0x27: {  	[sflag:s0] =	ssyncadd.tile.s32 @!p0 $0x1;
	_ =	shalt  }
.Lfunc_end2:
_tile_overlayer_lowered:
.L_overlay_start_2:
0x28: {  	(tag) =	ssettag $0x2  }
0x29: {  	s0 =	rddreg [dreg:$0x0];
	s2 =	stileid.u32  }
0x2a: {  	s1 =	rddreg [dreg:$0x1];
	p0 =	sne.s32 s2, $0x0  }
0x2b: {  	s3 =	rddreg [dreg:$0x2];
	[bflag:$0x3] =	sbarrier.arrive $0xFFFF;
	s2 =	simm.s32 @!p0 $0x1C01  }
0x2c: {  	[timem:s3], [sflag:s2] =	dma.local @!p0 [hbm:s0], s1  }
0x2d: {  	s0 =	simm.s32 @!p0 $0x1  }
0x2e: {  	_ =	swait.ge @!p0 [sflag:s0], s1  }
0x2f: {  	s1 =	ssub.s32 @!p0 $0x0, s1;
	[sflag:s0] =	ssyncset.done @!p0 $0x0  }
0x30: {  	[sflag:s0] =	ssyncadd.s32 @!p0 s1  }
0x31: {  	[bflag:$0x3] =	sbarrier.arrive $0xFFFF  }
0x32: {  	_ =	shalt  }

</sc_bundles>
